<compile_context>
chip_gen: v7x
topology: tpu7x:2x2x1
jax: 0.10.2.dev20260603
libtpu: 0.0.44.dev20260713+nightly
codegen_flags: <defaults>
</compile_context>

<pallas_src>
import jax
import jax.numpy as jnp
from jax import lax
from jax.experimental import pallas as pl
from jax.experimental.pallas import tpu as pltpu
from jax.experimental.pallas import tpu_sc as plsc

N = 10000
E = 320000
F = 128
G = 64
C = 4
NB = 400
NBLK = N // NB
NSC = 2
NTEC = 16
ECH = 128
NCH = 160
EPAD = NTEC * NCH * ECH
NPAD = 10240



def _sc_mesh():
    return plsc.VectorSubcoreMesh(core_axis_name="c", subcore_axis_name="s",
                                  num_cores=NSC, num_subcores=NTEC)


def _writeout_split(copy_fn):
    sid = lax.axis_index("s")

    @pl.when(sid < NTEC - 1)
    def _():
        copy_fn(sid * 640, 640)

    @pl.when(sid == NTEC - 1)
    def _():
        copy_fn((NTEC - 1) * 640, N - (NTEC - 1) * 640)


def _root_kernel(first, x, roots, idxv, rows, sem):
    cid = lax.axis_index("c")
    sid = lax.axis_index("s")

    @pl.when(jnp.logical_and(cid == 0, sid == 0))
    def _():
        pltpu.sync_copy(first, idxv)
        pltpu.async_copy(x.at[idxv], rows, sem).wait()
        pltpu.sync_copy(rows, roots)


def _sc_root_gather(first, x):
    k = pl.kernel(
        _root_kernel,
        out_type=jax.ShapeDtypeStruct((G, F), jnp.float32),
        mesh=_sc_mesh(),
        scratch_types=[
            pltpu.VMEM((G,), jnp.int32),
            pltpu.VMEM((G, F), jnp.float32),
            pltpu.SemaphoreType.DMA,
        ],
    )
    return k(first, x)


def _agg_kernel(p, e0, e1, sp, dp, zrows,
                out, acc, rows_a, rows_b,
                sidx_0, sidx_1, sidx_2, sidx_3,
                didx_0, didx_1, didx_2, didx_3,
                gsem_a, gsem_b,
                isem_0, isem_1, isem_2, isem_3):
    cid = lax.axis_index("c")
    sid = lax.axis_index("s")
    pltpu.sync_copy(zrows, acc.at[pl.ds(sid * 640, 640)])
    plsc.subcore_barrier()

    for d in (0, 1):
        s_in = e0 if d == 0 else e1
        d_in = e1 if d == 0 else e0

        @pl.when(cid == d)
        def _():
            pd = p.at[d]
            rows = (rows_a, rows_b)
            gsem = (gsem_a, gsem_b)
            sidx = (sidx_0, sidx_1, sidx_2, sidx_3)
            didx = (didx_0, didx_1, didx_2, didx_3)
            isem = (isem_0, isem_1, isem_2, isem_3)

            def fire_idx(j, ib):
                off = (sid * NCH + j) * ECH

                @pl.when(off < E)
                def _():
                    pltpu.async_copy(s_in.at[pl.ds(off, ECH)],
                                     sidx[ib], isem[ib])
                    pltpu.async_copy(d_in.at[pl.ds(off, ECH)],
                                     didx[ib], isem[ib])

                @pl.when(off >= E)
                def _():
                    poff = off - E
                    pltpu.async_copy(sp.at[pl.ds(poff, ECH)],
                                     sidx[ib], isem[ib])
                    pltpu.async_copy(dp.at[pl.ds(poff, ECH)],
                                     didx[ib], isem[ib])

            def wait_idx(ib):
                pltpu.make_async_copy(s_in.at[pl.ds(0, ECH)], sidx[ib],
                                      isem[ib]).wait()
                pltpu.make_async_copy(d_in.at[pl.ds(0, ECH)], didx[ib],
                                      isem[ib]).wait()

            def fire_gather(rb, ib):
                pltpu.async_copy(pd.at[sidx[ib]], rows[rb], gsem[rb])

            def wait_gather(rb, ib):
                pltpu.make_async_copy(pd.at[sidx[ib]], rows[rb],
                                      gsem[rb]).wait()

            def scatter(rb, ib):
                pltpu.sync_copy(rows[rb], acc.at[didx[ib]], add=True)

            fire_idx(0, 0)
            fire_idx(1, 1)
            wait_idx(0)
            fire_gather(0, 0)
            fire_idx(2, 2)

            @pl.loop(0, (NCH - 4) // 4)
            def _(j):
                for k in range(4):
                    c = 4 * j + k + 1
                    rb = 1 - k % 2
                    ib = (k + 1) % 4
                    wait_idx(ib)
                    fire_gather(rb, ib)
                    fire_idx(c + 2, (k + 3) % 4)
                    wait_gather(1 - rb, k % 4)
                    scatter(1 - rb, k % 4)

            wait_idx(1)
            fire_gather(1, 1)
            fire_idx(159, 3)
            wait_gather(0, 0)
            scatter(0, 0)
            wait_idx(2)
            fire_gather(0, 2)
            wait_gather(1, 1)
            scatter(1, 1)
            wait_idx(3)
            fire_gather(1, 3)
            wait_gather(0, 2)
            scatter(0, 2)
            wait_gather(1, 3)
            scatter(1, 3)

    plsc.subcore_barrier()

    for d in (0, 1):
        @pl.when(cid == d)
        def _():
            _writeout_split(
                lambda r0, n: pltpu.sync_copy(acc.at[pl.ds(r0, n)],
                                              out.at[d].at[pl.ds(r0, n)]))


def _sc_edge_agg(p, e0, e1, sp, dp, zrows):
    k = pl.kernel(
        _agg_kernel,
        out_type=jax.ShapeDtypeStruct((2, N, F), jnp.float32),
        mesh=_sc_mesh(),
        scratch_types=(
            [pltpu.VMEM_SHARED((NPAD, F), jnp.float32)]
            + [pltpu.VMEM((ECH, F), jnp.float32)] * 2
            + [pltpu.VMEM((ECH,), jnp.int32)] * 8
            + [pltpu.SemaphoreType.DMA] * 6
        ),
    )
    return k(p, e0, e1, sp, dp, zrows)



EB = 3200
EBLK = E // EB
DD = 100


def _hist_kernel(ei, dh):
    i = pl.program_id(0)

    @pl.when(i == 0)
    def _():
        dh[...] = jnp.zeros_like(dh)

    ia = lax.broadcasted_iota(jnp.int32, (DD, EB), 0)
    for d in (0, 1):
        dst = ei[1 - d:2 - d, :]
        a = dst // DD
        b = dst - a * DD
        oha = (a == ia).astype(jnp.bfloat16)
        ohb = (b == ia).astype(jnp.bfloat16)
        dh[d] += lax.dot_general(ohb, oha, (((1,), (1,)), ((), ())),
                                 preferred_element_type=jnp.float32)


def _tc_deghist(ei):
    return pl.pallas_call(
        _hist_kernel,
        grid=(EBLK,),
        in_specs=[pl.BlockSpec((2, EB), lambda i: (0, i))],
        out_specs=pl.BlockSpec((2, DD, DD), lambda i: (0, 0, 0)),
        out_shape=jax.ShapeDtypeStruct((2, DD, DD), jnp.float32),
    )(ei)


def _prep_kernel(ei, e0lin, e1lin):
    e0lin[...] = ei[0:1, :].reshape(E)
    e1lin[...] = ei[1:2, :].reshape(E)


def _tc_edgeprep(ei):
    return pl.pallas_call(
        _prep_kernel,
        out_shape=[jax.ShapeDtypeStruct((E,), jnp.int32)] * 2,
    )(ei)


def _extract_deg(dmat, i):
    lane = lax.broadcasted_iota(jnp.int32, (DD, DD), 1)
    cols = []
    for k in range(NB // DD):
        sel = (lane == (NB // DD) * i + k).astype(jnp.float32)
        cols.append(jnp.sum(dmat * sel, axis=1, keepdims=True))
    return jnp.concatenate(cols, axis=0)


def _hscale_kernel(x, wcat, dh, bc, p, dis, first, cnt, cacc):
    i = pl.program_id(0)
    hb = jnp.dot(x[...], wcat[...], preferred_element_type=jnp.float32)
    for d in (0, 1):
        deg = _extract_deg(dh[d], i)
        dv = jax.lax.rsqrt(deg + 1.0)
        p[d] = hb[:, d * F:(d + 1) * F] * dv
        dis[d] = dv

    @pl.when(i == 0)
    def _():
        cacc[...] = jnp.zeros_like(cacc)

    gidx = lax.broadcasted_iota(jnp.int32, (NB, G), 1)
    oh = (bc[...] == gidx).astype(jnp.float32)
    cacc[...] += jnp.sum(oh, axis=0, keepdims=True)

    @pl.when(i == NBLK - 1)
    def _():
        c = cacc[...]
        gj = lax.broadcasted_iota(jnp.int32, (G, G), 0)
        gg = lax.broadcasted_iota(jnp.int32, (G, G), 1)
        lt = (gj < gg).astype(jnp.float32)
        f = jnp.dot(c, lt, preferred_element_type=jnp.float32)
        first[...] = jnp.clip(f.astype(jnp.int32), 0, N - 1)
        cnt[...] = c


def _tc_hscale(x, wcat, dh, batch_c):
    return pl.pallas_call(
        _hscale_kernel,
        grid=(NBLK,),
        in_specs=[
            pl.BlockSpec((NB, F), lambda i: (i, 0)),
            pl.BlockSpec((F, 2 * F), lambda i: (0, 0)),
            pl.BlockSpec((2, DD, DD), lambda i: (0, 0, 0)),
            pl.BlockSpec((NB, 1), lambda i: (i, 0)),
        ],
        out_specs=[
            pl.BlockSpec((2, NB, F), lambda i: (0, i, 0)),
            pl.BlockSpec((2, NB, 1), lambda i: (0, i, 0)),
            pl.BlockSpec((1, G), lambda i: (0, 0)),
            pl.BlockSpec((1, G), lambda i: (0, 0)),
        ],
        out_shape=[
            jax.ShapeDtypeStruct((2, N, F), jnp.float32),
            jax.ShapeDtypeStruct((2, N, 1), jnp.float32),
            jax.ShapeDtypeStruct((1, G), jnp.int32),
            jax.ShapeDtypeStruct((1, G), jnp.float32),
        ],
        scratch_shapes=[pltpu.VMEM((1, G), jnp.float32)],
    )(x, wcat, dh, batch_c)


def _layer2_kernel(pp, agg, dis, bc, roots, wbot, wtop, b1, b2, p2, basev):
    q = jnp.dot(jax.nn.relu(roots[...]), wbot[...],
                preferred_element_type=jnp.float32)
    b = bc[...]
    gidx = lax.broadcasted_iota(jnp.int32, (NB, G), 1)
    oh = (b == gidx).astype(jnp.float32)
    for d in (0, 1):
        dd = dis[d]
        conv1 = dd * (agg[d] + pp[d]) + b1[d]
        t = jax.nn.relu(conv1)
        h2 = (jnp.dot(t, wtop[d], preferred_element_type=jnp.float32)
              + jnp.dot(oh, q[:, d * F:(d + 1) * F],
                        preferred_element_type=jnp.float32))
        p2d = dd * h2
        p2[d] = p2d
        basev[d] = dd * p2d + b2[d]


def _tc_layer2(p, agg, dis, batch_c, roots, wbot_cat, wtop, b1, b2):
    return pl.pallas_call(
        _layer2_kernel,
        grid=(NBLK,),
        in_specs=[
            pl.BlockSpec((2, NB, F), lambda i: (0, i, 0)),
            pl.BlockSpec((2, NB, F), lambda i: (0, i, 0)),
            pl.BlockSpec((2, NB, 1), lambda i: (0, i, 0)),
            pl.BlockSpec((NB, 1), lambda i: (i, 0)),
            pl.BlockSpec((G, F), lambda i: (0, 0)),
            pl.BlockSpec((F, 2 * F), lambda i: (0, 0)),
            pl.BlockSpec((2, F, F), lambda i: (0, 0, 0)),
            pl.BlockSpec((2, F), lambda i: (0, 0)),
            pl.BlockSpec((2, F), lambda i: (0, 0)),
        ],
        out_specs=[
            pl.BlockSpec((2, NB, F), lambda i: (0, i, 0)),
            pl.BlockSpec((2, NB, F), lambda i: (0, i, 0)),
        ],
        out_shape=[
            jax.ShapeDtypeStruct((2, N, F), jnp.float32),
            jax.ShapeDtypeStruct((2, N, F), jnp.float32),
        ],
    )(p, agg, dis, batch_c, roots, wbot_cat, wtop, b1, b2)


def _final_kernel(agg2, basev, dis, bc, cnt, lw, lb, out, acc):
    i = pl.program_id(0)

    @pl.when(i == 0)
    def _():
        acc[...] = jnp.zeros_like(acc)

    b = bc[...]
    gidx = lax.broadcasted_iota(jnp.int32, (NB, G), 1)
    oh = (b == gidx).astype(jnp.float32)
    for d in (0, 1):
        h = jax.nn.relu(dis[d] * agg2[d] + basev[d])
        contrib = lax.dot_general(oh, h, (((0,), (0,)), ((), ())),
                                  preferred_element_type=jnp.float32)
        acc[:, d * F:(d + 1) * F] += contrib

    @pl.when(i == NBLK - 1)
    def _():
        gr = lax.broadcasted_iota(jnp.int32, (G, G), 0)
        gc = lax.broadcasted_iota(jnp.int32, (G, G), 1)
        dm = (gr == gc).astype(jnp.float32) / jnp.maximum(cnt[...], 1.0)
        mean = jnp.dot(dm, acc[...], preferred_element_type=jnp.float32)
        logits = jnp.dot(mean, lw[...],
                         preferred_element_type=jnp.float32) + lb[...]
        m = jnp.max(logits, axis=-1, keepdims=True)
        z = logits - m
        out[...] = z - jnp.log(jnp.sum(jnp.exp(z), axis=-1, keepdims=True))


def _tc_final(agg2, basev, dis, batch_c, cnt, lw, lb):
    return pl.pallas_call(
        _final_kernel,
        grid=(NBLK,),
        in_specs=[
            pl.BlockSpec((2, NB, F), lambda i: (0, i, 0)),
            pl.BlockSpec((2, NB, F), lambda i: (0, i, 0)),
            pl.BlockSpec((2, NB, 1), lambda i: (0, i, 0)),
            pl.BlockSpec((NB, 1), lambda i: (i, 0)),
            pl.BlockSpec((1, G), lambda i: (0, 0)),
            pl.BlockSpec((2 * F, C), lambda i: (0, 0)),
            pl.BlockSpec((1, C), lambda i: (0, 0)),
        ],
        out_specs=pl.BlockSpec((G, C), lambda i: (0, 0)),
        out_shape=jax.ShapeDtypeStruct((G, C), jnp.float32),
        scratch_shapes=[pltpu.VMEM((G, 2 * F), jnp.float32)],
    )(agg2, basev, dis, batch_c, cnt, lw, lb)



def kernel(x, edge_index, batch, bu1_W, bu1_b, td1_W, td1_b, root_W, root_b,
           bu2_W, bu2_b, td2_W, td2_b, lin_W, lin_b):
    ei = edge_index.astype(jnp.int32)
    batch_c = batch.astype(jnp.int32).reshape(N, 1)
    zrows = jnp.zeros((640, F), jnp.float32)

    wcat = jnp.concatenate([bu1_W, td1_W], axis=1)
    wtop = jnp.stack([bu2_W[:F], td2_W[:F]])
    wbot_cat = jnp.concatenate([bu2_W[F:], td2_W[F:]], axis=1)
    b1 = jnp.stack([bu1_b, td1_b])
    b2 = jnp.stack([bu2_b, td2_b])

    dh = _tc_deghist(ei)
    e0lin, e1lin = _tc_edgeprep(ei)
    p, dis, first, cnt = _tc_hscale(x, wcat, dh, batch_c)

    roots = _sc_root_gather(first.reshape(G), x)

    it = jnp.arange(EPAD - E, dtype=jnp.int32)
    sp = it % 128
    dp = N + it % (NPAD - N)

    agg = _sc_edge_agg(p, e0lin, e1lin, sp, dp, zrows)
    p2, basev = _tc_layer2(p, agg, dis, batch_c, roots, wbot_cat, wtop, b1, b2)
    agg2 = _sc_edge_agg(p2, e0lin, e1lin, sp, dp, zrows)
    return _tc_final(agg2, basev, dis, batch_c, cnt,
                     lin_W, lin_b.reshape(1, C))

# --- scband reference (transcript-rebuilt; emitter-appended) ---
"""Pipeline reference for scband-news-net-52716428591486 (READ-ONLY COPY).

The authoritative reference and input builder live on the scoring server;
editing this copy changes nothing except your own understanding.
"""

import jax, jax.numpy as jnp
import numpy as np

N_NODES = 10000
N_EDGES = 320000
NUM_FEATURES = 128
NUM_HIDDEN = 128
NUM_CLASSES = 4
N_GRAPHS = 64


def _gcn_conv(x, edge_index, W, b):
    # Faithful PyG GCNConv: add self loops, symmetric normalization, aggregate at dst (edge_index[1]).
    n = x.shape[0]
    row, col = edge_index[0], edge_index[1]
    sl = jnp.arange(n, dtype=row.dtype)
    row = jnp.concatenate([row, sl])
    col = jnp.concatenate([col, sl])
    ones = jnp.ones(row.shape[0], dtype=x.dtype)
    deg = jax.ops.segment_sum(ones, col, num_segments=n)
    deg_inv_sqrt = jnp.where(deg > 0, deg ** -0.5, 0.0)
    norm = deg_inv_sqrt[row] * deg_inv_sqrt[col]
    h = x @ W
    msg = h[row] * norm[:, None]
    out = jax.ops.segment_sum(msg, col, num_segments=n)
    return out + b


def setup_inputs(seed: int = 0):
    key = jax.random.key(seed)
    ks = jax.random.split(key, 20)
    x = jax.random.normal(ks[0], (N_NODES, NUM_FEATURES), dtype=jnp.float32)
    edge_index = jax.random.randint(ks[1], (2, N_EDGES), 0, N_NODES, dtype=jnp.int32)
    batch = jnp.sort(jax.random.randint(ks[2], (N_NODES,), 0, N_GRAPHS, dtype=jnp.int32))
    s = 0.02
    return {
        'x': x,
        'edge_index': edge_index,
        'batch': batch,
        'bu1_W': jax.random.normal(ks[3], (NUM_FEATURES, NUM_HIDDEN), jnp.float32) * s,
        'bu1_b': jnp.zeros((NUM_HIDDEN,), jnp.float32),
        'td1_W': jax.random.normal(ks[4], (NUM_FEATURES, NUM_HIDDEN), jnp.float32) * s,
        'td1_b': jnp.zeros((NUM_HIDDEN,), jnp.float32),
        'root_W': jax.random.normal(ks[5], (NUM_FEATURES, NUM_HIDDEN), jnp.float32) * s,
        'root_b': jnp.zeros((NUM_HIDDEN,), jnp.float32),
        'bu2_W': jax.random.normal(ks[6], (NUM_HIDDEN + NUM_FEATURES, NUM_HIDDEN), jnp.float32) * s,
        'bu2_b': jnp.zeros((NUM_HIDDEN,), jnp.float32),
        'td2_W': jax.random.normal(ks[7], (NUM_HIDDEN + NUM_FEATURES, NUM_HIDDEN), jnp.float32) * s,
        'td2_b': jnp.zeros((NUM_HIDDEN,), jnp.float32),
        'lin_W': jax.random.normal(ks[8], (2 * NUM_HIDDEN, NUM_CLASSES), jnp.float32) * s,
        'lin_b': jnp.zeros((NUM_CLASSES,), jnp.float32),
    }


def reference(x, edge_index, batch, bu1_W, bu1_b, td1_W, td1_b, root_W, root_b,
              bu2_W, bu2_b, td2_W, td2_b, lin_W, lin_b):
    td_ei = edge_index
    bu_ei = jnp.stack([edge_index[1], edge_index[0]])
    # root extraction: first node index of each graph in the (sorted) batch vector
    node_idx = jnp.arange(x.shape[0], dtype=batch.dtype)
    first = jax.ops.segment_min(node_idx, batch, num_segments=N_GRAPHS)
    root_feature_full = x[first[batch]]
    td1 = _gcn_conv(x, td_ei, bu1_W, bu1_b)
    bu1 = _gcn_conv(x, bu_ei, td1_W, td1_b)
    root_1 = root_feature_full @ root_W + root_b  # computed but unused, as in the original module
    # F.dropout treated as identity for a deterministic reference
    td_in = jax.nn.relu(jnp.concatenate([td1, root_feature_full], axis=-1))
    bu_in = jax.nn.relu(jnp.concatenate([bu1, root_feature_full], axis=-1))
    td2 = jax.nn.relu(_gcn_conv(td_in, td_ei, bu2_W, bu2_b))
    bu2 = jax.nn.relu(_gcn_conv(bu_in, bu_ei, td2_W, td2_b))
    num_graphs = N_GRAPHS

    def mean_pool(h):
        s = jax.ops.segment_sum(h, batch, num_segments=num_graphs)
        cnt = jax.ops.segment_sum(jnp.ones((h.shape[0],), h.dtype), batch, num_segments=num_graphs)
        return s / jnp.maximum(cnt, 1.0)[:, None]

    total = jnp.concatenate([mean_pool(td2), mean_pool(bu2)], axis=-1)
    out = total @ lin_W + lin_b
    return jax.nn.log_softmax(out, axis=-1)

if __name__ == "__main__":
    import jax
    _d = setup_inputs()
    print(jax.jit(kernel)(*tuple(_d.values())))

</pallas_src>

<mosaic_0001>
#map = affine_map<(d0, d1) -> (0, 0, 0)>
#map1 = affine_map<(d0, d1) -> (0)>
#map2 = affine_map<(d0, d1) -> (0, 0)>
module attributes {stable_mosaic.version = 14 : i64} {
  func.func @_agg_kernel(%arg0: i32, %arg1: i32, %arg2: memref<2x10000x128xf32, #tpu.memory_space<hbm>>, %arg3: memref<320000xi32, #tpu.memory_space<hbm>>, %arg4: memref<320000xi32, #tpu.memory_space<hbm>>, %arg5: memref<7680xi32, #tpu.memory_space<hbm>>, %arg6: memref<7680xi32, #tpu.memory_space<hbm>>, %arg7: memref<640x128xf32, #tpu.memory_space<hbm>>, %arg8: memref<2x10000x128xf32, #tpu.memory_space<hbm>>, %arg9: memref<10240x128xf32, #tpu.memory_space<vmem_shared>>, %arg10: memref<128x128xf32, #tpu.memory_space<vmem>>, %arg11: memref<128x128xf32, #tpu.memory_space<vmem>>, %arg12: memref<128xi32, #tpu.memory_space<vmem>>, %arg13: memref<128xi32, #tpu.memory_space<vmem>>, %arg14: memref<128xi32, #tpu.memory_space<vmem>>, %arg15: memref<128xi32, #tpu.memory_space<vmem>>, %arg16: memref<128xi32, #tpu.memory_space<vmem>>, %arg17: memref<128xi32, #tpu.memory_space<vmem>>, %arg18: memref<128xi32, #tpu.memory_space<vmem>>, %arg19: memref<128xi32, #tpu.memory_space<vmem>>, %arg20: memref<!tpu.dma_semaphore, #tpu.memory_space<semaphore_mem>>, %arg21: memref<!tpu.dma_semaphore, #tpu.memory_space<semaphore_mem>>, %arg22: memref<!tpu.dma_semaphore, #tpu.memory_space<semaphore_mem>>, %arg23: memref<!tpu.dma_semaphore, #tpu.memory_space<semaphore_mem>>, %arg24: memref<!tpu.dma_semaphore, #tpu.memory_space<semaphore_mem>>, %arg25: memref<!tpu.dma_semaphore, #tpu.memory_space<semaphore_mem>>) attributes {dimension_semantics = [#tpu.dimension_semantics<core_parallel>, #tpu.dimension_semantics<subcore_parallel>], iteration_bounds = array<i64: 2, 16>, scalar_prefetch = 0 : i64, scratch_operands = 17 : i64, tpu.core_type = #tpu.core_type<sc_vector_subcore>, window_params = [{transform_indices = #map}, {transform_indices = #map1}, {transform_indices = #map1}, {transform_indices = #map1}, {transform_indices = #map1}, {transform_indices = #map2}, {transform_indices = #map}]} {
    %mul3A = arith.constant 640 : i32
    %mul3A_0 = arith.muli %arg1, %mul3A : i32
    "tpu.region"() ({
      %run_scoped3A = tpu.sem_alloc : memref<!tpu.dma_semaphore, #tpu.memory_space<semaphore_mem>>
      %dma_start3A = arith.constant 0 : i32
      %dma_start3A_19 = tpu.memref_slice %arg9[%mul3A_0, %dma_start3A] : memref<10240x128xf32, #tpu.memory_space<vmem_shared>> -> memref<640x128xf32, #tpu.memory_space<vmem_shared>>
      tpu.enqueue_dma source(%arg7 : memref<640x128xf32, #tpu.memory_space<hbm>>) target(%dma_start3A_19 : memref<640x128xf32, #tpu.memory_space<vmem_shared>>) target_semaphore(%run_scoped3A : memref<!tpu.dma_semaphore, #tpu.memory_space<semaphore_mem>>)
      %dma_wait3A = arith.constant 0 : i32
      %dma_wait3A_20 = tpu.memref_slice %arg9[%mul3A_0, %dma_wait3A] : memref<10240x128xf32, #tpu.memory_space<vmem_shared>> -> memref<640x128xf32, #tpu.memory_space<vmem_shared>>
      tpu.wait_dma2 semaphore(%run_scoped3A : memref<!tpu.dma_semaphore, #tpu.memory_space<semaphore_mem>>) src(%arg7 : memref<640x128xf32, #tpu.memory_space<hbm>>) dst(%dma_wait3A_20 : memref<640x128xf32, #tpu.memory_space<vmem_shared>>)
      tpu.yield
    }) : () -> ()
    %barrier3A = arith.constant 0 : index
    tpu.barrier barrier_id(%barrier3A)
    %eq3A = arith.constant 0 : i32
    %eq3A_1 = arith.cmpi eq, %arg0, %eq3A : i32
    %convert_element_type3A = arith.extui %eq3A_1 : i1 to i32
    %cond3A = arith.constant 0 : i32
    %cond3A_2 = arith.cmpi ne, %convert_element_type3A, %cond3A : i32
    scf.if %cond3A_2 {
      %mul3A_19 = arith.constant 160 : i32
      %mul3A_20 = arith.muli %arg1, %mul3A_19 : i32
      %add3A = arith.constant 0 : i32
      %add3A_21 = arith.addi %mul3A_20, %add3A : i32
      %mul3A_22 = arith.constant 128 : i32
      %mul3A_23 = arith.muli %add3A_21, %mul3A_22 : i32
      %lt3A = arith.constant 320000 : i32
      %lt3A_24 = arith.cmpi slt, %mul3A_23, %lt3A : i32
      %convert_element_type3A_25 = arith.extui %lt3A_24 : i1 to i32
      %cond3A_26 = arith.constant 0 : i32
      %cond3A_27 = arith.cmpi ne, %convert_element_type3A_25, %cond3A_26 : i32
      scf.if %cond3A_27 {
        %dma_start3A_179 = tpu.memref_slice %arg3[%mul3A_23] : memref<320000xi32, #tpu.memory_space<hbm>> -> memref<128xi32, #tpu.memory_space<hbm>>
        %dma_start3A_180 = tpu.memref_slice %arg3[%mul3A_23] : memref<320000xi32, #tpu.memory_space<hbm>> -> memref<128xi32, #tpu.memory_space<hbm>>
        tpu.enqueue_dma source(%dma_start3A_180 : memref<128xi32, #tpu.memory_space<hbm>>) target(%arg12 : memref<128xi32, #tpu.memory_space<vmem>>) target_semaphore(%arg22 : memref<!tpu.dma_semaphore, #tpu.memory_space<semaphore_mem>>)
        %dma_start3A_181 = tpu.memref_slice %arg4[%mul3A_23] : memref<320000xi32, #tpu.memory_space<hbm>> -> memref<128xi32, #tpu.memory_space<hbm>>
        %dma_start3A_182 = tpu.memref_slice %arg4[%mul3A_23] : memref<320000xi32, #tpu.memory_space<hbm>> -> memref<128xi32, #tpu.memory_space<hbm>>
        tpu.enqueue_dma source(%dma_start3A_182 : memref<128xi32, #tpu.memory_space<hbm>>) target(%arg16 : memref<128xi32, #tpu.memory_space<vmem>>) target_semaphore(%arg22 : memref<!tpu.dma_semaphore, #tpu.memory_space<semaphore_mem>>)
      } else {
      }
      %ge3A = arith.constant 320000 : i32
      %ge3A_28 = arith.cmpi sge, %mul3A_23, %ge3A : i32
      %convert_element_type3A_29 = arith.extui %ge3A_28 : i1 to i32
      %cond3A_30 = arith.constant 0 : i32
      %cond3A_31 = arith.cmpi ne, %convert_element_type3A_29, %cond3A_30 : i32
      scf.if %cond3A_31 {
        %sub3A = arith.constant 320000 : i32
        %sub3A_179 = arith.subi %mul3A_23, %sub3A : i32
        %dma_start3A_180 = tpu.memref_slice %arg5[%sub3A_179] : memref<7680xi32, #tpu.memory_space<hbm>> -> memref<128xi32, #tpu.memory_space<hbm>>
        %dma_start3A_181 = tpu.memref_slice %arg5[%sub3A_179] : memref<7680xi32, #tpu.memory_space<hbm>> -> memref<128xi32, #tpu.memory_space<hbm>>
        tpu.enqueue_dma source(%dma_start3A_181 : memref<128xi32, #tpu.memory_space<hbm>>) target(%arg12 : memref<128xi32, #tpu.memory_space<vmem>>) target_semaphore(%arg22 : memref<!tpu.dma_semaphore, #tpu.memory_space<semaphore_mem>>)
        %dma_start3A_182 = tpu.memref_slice %arg6[%sub3A_179] : memref<7680xi32, #tpu.memory_space<hbm>> -> memref<128xi32, #tpu.memory_space<hbm>>
        %dma_start3A_183 = tpu.memref_slice %arg6[%sub3A_179] : memref<7680xi32, #tpu.memory_space<hbm>> -> memref<128xi32, #tpu.memory_space<hbm>>
        tpu.enqueue_dma source(%dma_start3A_183 : memref<128xi32, #tpu.memory_space<hbm>>) target(%arg16 : memref<128xi32, #tpu.memory_space<vmem>>) target_semaphore(%arg22 : memref<!tpu.dma_semaphore, #tpu.memory_space<semaphore_mem>>)
      } else {
      }
      %mul3A_32 = arith.constant 160 : i32
      %mul3A_33 = arith.muli %arg1, %mul3A_32 : i32
      %add3A_34 = arith.constant 1 : i32
      %add3A_35 = arith.addi %mul3A_33, %add3A_34 : i32
      %mul3A_36 = arith.constant 128 : i32
      %mul3A_37 = arith.muli %add3A_35, %mul3A_36 : i32
      %lt3A_38 = arith.constant 320000 : i32
      %lt3A_39 = arith.cmpi slt, %mul3A_37, %lt3A_38 : i32
      %convert_element_type3A_40 = arith.extui %lt3A_39 : i1 to i32
      %cond3A_41 = arith.constant 0 : i32
      %cond3A_42 = arith.cmpi ne, %convert_element_type3A_40, %cond3A_41 : i32
      scf.if %cond3A_42 {
        %dma_start3A_179 = tpu.memref_slice %arg3[%mul3A_37] : memref<320000xi32, #tpu.memory_space<hbm>> -> memref<128xi32, #tpu.memory_space<hbm>>
        %dma_start3A_180 = tpu.memref_slice %arg3[%mul3A_37] : memref<320000xi32, #tpu.memory_space<hbm>> -> memref<128xi32, #tpu.memory_space<hbm>>
        tpu.enqueue_dma source(%dma_start3A_180 : memref<128xi32, #tpu.memory_space<hbm>>) target(%arg13 : memref<128xi32, #tpu.memory_space<vmem>>) target_semaphore(%arg23 : memref<!tpu.dma_semaphore, #tpu.memory_space<semaphore_mem>>)
        %dma_start3A_181 = tpu.memref_slice %arg4[%mul3A_37] : memref<320000xi32, #tpu.memory_space<hbm>> -> memref<128xi32, #tpu.memory_space<hbm>>
        %dma_start3A_182 = tpu.memref_slice %arg4[%mul3A_37] : memref<320000xi32, #tpu.memory_space<hbm>> -> memref<128xi32, #tpu.memory_space<hbm>>
        tpu.enqueue_dma source(%dma_start3A_182 : memref<128xi32, #tpu.memory_space<hbm>>) target(%arg17 : memref<128xi32, #tpu.memory_space<vmem>>) target_semaphore(%arg23 : memref<!tpu.dma_semaphore, #tpu.memory_space<semaphore_mem>>)
      } else {
      }
      %ge3A_43 = arith.constant 320000 : i32
      %ge3A_44 = arith.cmpi sge, %mul3A_37, %ge3A_43 : i32
      %convert_element_type3A_45 = arith.extui %ge3A_44 : i1 to i32
      %cond3A_46 = arith.constant 0 : i32
      %cond3A_47 = arith.cmpi ne, %convert_element_type3A_45, %cond3A_46 : i32
      scf.if %cond3A_47 {
        %sub3A = arith.constant 320000 : i32
        %sub3A_179 = arith.subi %mul3A_37, %sub3A : i32
        %dma_start3A_180 = tpu.memref_slice %arg5[%sub3A_179] : memref<7680xi32, #tpu.memory_space<hbm>> -> memref<128xi32, #tpu.memory_space<hbm>>
        %dma_start3A_181 = tpu.memref_slice %arg5[%sub3A_179] : memref<7680xi32, #tpu.memory_space<hbm>> -> memref<128xi32, #tpu.memory_space<hbm>>
        tpu.enqueue_dma source(%dma_start3A_181 : memref<128xi32, #tpu.memory_space<hbm>>) target(%arg13 : memref<128xi32, #tpu.memory_space<vmem>>) target_semaphore(%arg23 : memref<!tpu.dma_semaphore, #tpu.memory_space<semaphore_mem>>)
        %dma_start3A_182 = tpu.memref_slice %arg6[%sub3A_179] : memref<7680xi32, #tpu.memory_space<hbm>> -> memref<128xi32, #tpu.memory_space<hbm>>
        %dma_start3A_183 = tpu.memref_slice %arg6[%sub3A_179] : memref<7680xi32, #tpu.memory_space<hbm>> -> memref<128xi32, #tpu.memory_space<hbm>>
        tpu.enqueue_dma source(%dma_start3A_183 : memref<128xi32, #tpu.memory_space<hbm>>) target(%arg17 : memref<128xi32, #tpu.memory_space<vmem>>) target_semaphore(%arg23 : memref<!tpu.dma_semaphore, #tpu.memory_space<semaphore_mem>>)
      } else {
      }
      %dma_wait3A = arith.constant 0 : i32
      %dma_wait3A_48 = tpu.memref_slice %arg3[%dma_wait3A] : memref<320000xi32, #tpu.memory_space<hbm>> -> memref<128xi32, #tpu.memory_space<hbm>>
      %dma_wait3A_49 = arith.constant 0 : i32
      %dma_wait3A_50 = tpu.memref_slice %arg3[%dma_wait3A_49] : memref<320000xi32, #tpu.memory_space<hbm>> -> memref<128xi32, #tpu.memory_space<hbm>>
      tpu.wait_dma2 semaphore(%arg22 : memref<!tpu.dma_semaphore, #tpu.memory_space<semaphore_mem>>) src(%dma_wait3A_50 : memref<128xi32, #tpu.memory_space<hbm>>) dst(%arg12 : memref<128xi32, #tpu.memory_space<vmem>>)
      %dma_wait3A_51 = arith.constant 0 : i32
      %dma_wait3A_52 = tpu.memref_slice %arg4[%dma_wait3A_51] : memref<320000xi32, #tpu.memory_space<hbm>> -> memref<128xi32, #tpu.memory_space<hbm>>
      %dma_wait3A_53 = arith.constant 0 : i32
      %dma_wait3A_54 = tpu.memref_slice %arg4[%dma_wait3A_53] : memref<320000xi32, #tpu.memory_space<hbm>> -> memref<128xi32, #tpu.memory_space<hbm>>
      tpu.wait_dma2 semaphore(%arg22 : memref<!tpu.dma_semaphore, #tpu.memory_space<semaphore_mem>>) src(%dma_wait3A_54 : memref<128xi32, #tpu.memory_space<hbm>>) dst(%arg16 : memref<128xi32, #tpu.memory_space<vmem>>)
      %dma_start3A = arith.constant 0 : i32
      %dma_start3A_55 = arith.constant 0 : i32
      %dma_start3A_56 = arith.constant 0 : i32
      %dma_start3A_57 = tpu.memref_slice %arg2[%dma_start3A, %dma_start3A_55, %dma_start3A_56] : memref<2x10000x128xf32, #tpu.memory_space<hbm>> -> memref<1x10000x128xf32, #tpu.memory_space<hbm>>
      %dma_start3A_58 = tpu.memref_squeeze %dma_start3A_57 : memref<1x10000x128xf32, #tpu.memory_space<hbm>> -> memref<10000x128xf32, #tpu.memory_space<hbm>>
      %dma_start3A_59 = arith.constant 0 : i32
      %dma_start3A_60 = arith.constant 0 : i32
      %dma_start3A_61 = tpu.memref_slice %dma_start3A_58[%dma_start3A_59, %dma_start3A_60] : memref<10000x128xf32, #tpu.memory_space<hbm>> -> memref<10000x128xf32, #tpu.memory_space<hbm>>
      tpu.enqueue_indirect_dma source(%dma_start3A_61 : memref<10000x128xf32, #tpu.memory_space<hbm>>) target(%arg10 : memref<128x128xf32, #tpu.memory_space<vmem>>) offsets(%arg12 : memref<128xi32, #tpu.memory_space<vmem>>) semaphore(%arg20 : memref<!tpu.dma_semaphore, #tpu.memory_space<semaphore_mem>>)
      %mul3A_62 = arith.constant 160 : i32
      %mul3A_63 = arith.muli %arg1, %mul3A_62 : i32
      %add3A_64 = arith.constant 2 : i32
      %add3A_65 = arith.addi %mul3A_63, %add3A_64 : i32
      %mul3A_66 = arith.constant 128 : i32
      %mul3A_67 = arith.muli %add3A_65, %mul3A_66 : i32
      %lt3A_68 = arith.constant 320000 : i32
      %lt3A_69 = arith.cmpi slt, %mul3A_67, %lt3A_68 : i32
      %convert_element_type3A_70 = arith.extui %lt3A_69 : i1 to i32
      %cond3A_71 = arith.constant 0 : i32
      %cond3A_72 = arith.cmpi ne, %convert_element_type3A_70, %cond3A_71 : i32
      scf.if %cond3A_72 {
        %dma_start3A_179 = tpu.memref_slice %arg3[%mul3A_67] : memref<320000xi32, #tpu.memory_space<hbm>> -> memref<128xi32, #tpu.memory_space<hbm>>
        %dma_start3A_180 = tpu.memref_slice %arg3[%mul3A_67] : memref<320000xi32, #tpu.memory_space<hbm>> -> memref<128xi32, #tpu.memory_space<hbm>>
        tpu.enqueue_dma source(%dma_start3A_180 : memref<128xi32, #tpu.memory_space<hbm>>) target(%arg14 : memref<128xi32, #tpu.memory_space<vmem>>) target_semaphore(%arg24 : memref<!tpu.dma_semaphore, #tpu.memory_space<semaphore_mem>>)
        %dma_start3A_181 = tpu.memref_slice %arg4[%mul3A_67] : memref<320000xi32, #tpu.memory_space<hbm>> -> memref<128xi32, #tpu.memory_space<hbm>>
        %dma_start3A_182 = tpu.memref_slice %arg4[%mul3A_67] : memref<320000xi32, #tpu.memory_space<hbm>> -> memref<128xi32, #tpu.memory_space<hbm>>
        tpu.enqueue_dma source(%dma_start3A_182 : memref<128xi32, #tpu.memory_space<hbm>>) target(%arg18 : memref<128xi32, #tpu.memory_space<vmem>>) target_semaphore(%arg24 : memref<!tpu.dma_semaphore, #tpu.memory_space<semaphore_mem>>)
      } else {
      }
      %ge3A_73 = arith.constant 320000 : i32
      %ge3A_74 = arith.cmpi sge, %mul3A_67, %ge3A_73 : i32
      %convert_element_type3A_75 = arith.extui %ge3A_74 : i1 to i32
      %cond3A_76 = arith.constant 0 : i32
      %cond3A_77 = arith.cmpi ne, %convert_element_type3A_75, %cond3A_76 : i32
      scf.if %cond3A_77 {
        %sub3A = arith.constant 320000 : i32
        %sub3A_179 = arith.subi %mul3A_67, %sub3A : i32
        %dma_start3A_180 = tpu.memref_slice %arg5[%sub3A_179] : memref<7680xi32, #tpu.memory_space<hbm>> -> memref<128xi32, #tpu.memory_space<hbm>>
        %dma_start3A_181 = tpu.memref_slice %arg5[%sub3A_179] : memref<7680xi32, #tpu.memory_space<hbm>> -> memref<128xi32, #tpu.memory_space<hbm>>
        tpu.enqueue_dma source(%dma_start3A_181 : memref<128xi32, #tpu.memory_space<hbm>>) target(%arg14 : memref<128xi32, #tpu.memory_space<vmem>>) target_semaphore(%arg24 : memref<!tpu.dma_semaphore, #tpu.memory_space<semaphore_mem>>)
        %dma_start3A_182 = tpu.memref_slice %arg6[%sub3A_179] : memref<7680xi32, #tpu.memory_space<hbm>> -> memref<128xi32, #tpu.memory_space<hbm>>
        %dma_start3A_183 = tpu.memref_slice %arg6[%sub3A_179] : memref<7680xi32, #tpu.memory_space<hbm>> -> memref<128xi32, #tpu.memory_space<hbm>>
        tpu.enqueue_dma source(%dma_start3A_183 : memref<128xi32, #tpu.memory_space<hbm>>) target(%arg18 : memref<128xi32, #tpu.memory_space<vmem>>) target_semaphore(%arg24 : memref<!tpu.dma_semaphore, #tpu.memory_space<semaphore_mem>>)
      } else {
      }
      %scan3A = arith.constant 0 : i32
      %scan3A_78 = arith.constant 0 : i32
      %scan3A_79 = arith.constant 39 : i32
      %scan3A_80 = arith.addi %scan3A_78, %scan3A_79 : i32
      %scan3A_81 = arith.constant 1 : i32
      scf.for %scan3A_179 = %scan3A_78 to %scan3A_80 step %scan3A_81  : i32 {
        %mul3A_180 = arith.constant 1 : i32
        %mul3A_181 = arith.muli %scan3A_179, %mul3A_180 : i32
        %add3A_182 = arith.constant 0 : i32
        %add3A_183 = arith.addi %add3A_182, %mul3A_181 : i32
        %mul3A_184 = arith.constant 4 : i32
        %mul3A_185 = arith.muli %mul3A_184, %add3A_183 : i32
        %add3A_186 = arith.constant 0 : i32
        %add3A_187 = arith.addi %mul3A_185, %add3A_186 : i32
        %add3A_188 = arith.constant 1 : i32
        %add3A_189 = arith.addi %add3A_187, %add3A_188 : i32
        %dma_wait3A_190 = arith.constant 0 : i32
        %dma_wait3A_191 = tpu.memref_slice %arg3[%dma_wait3A_190] : memref<320000xi32, #tpu.memory_space<hbm>> -> memref<128xi32, #tpu.memory_space<hbm>>
        %dma_wait3A_192 = arith.constant 0 : i32
        %dma_wait3A_193 = tpu.memref_slice %arg3[%dma_wait3A_192] : memref<320000xi32, #tpu.memory_space<hbm>> -> memref<128xi32, #tpu.memory_space<hbm>>
        tpu.wait_dma2 semaphore(%arg23 : memref<!tpu.dma_semaphore, #tpu.memory_space<semaphore_mem>>) src(%dma_wait3A_193 : memref<128xi32, #tpu.memory_space<hbm>>) dst(%arg13 : memref<128xi32, #tpu.memory_space<vmem>>)
        %dma_wait3A_194 = arith.constant 0 : i32
        %dma_wait3A_195 = tpu.memref_slice %arg4[%dma_wait3A_194] : memref<320000xi32, #tpu.memory_space<hbm>> -> memref<128xi32, #tpu.memory_space<hbm>>
        %dma_wait3A_196 = arith.constant 0 : i32
        %dma_wait3A_197 = tpu.memref_slice %arg4[%dma_wait3A_196] : memref<320000xi32, #tpu.memory_space<hbm>> -> memref<128xi32, #tpu.memory_space<hbm>>
        tpu.wait_dma2 semaphore(%arg23 : memref<!tpu.dma_semaphore, #tpu.memory_space<semaphore_mem>>) src(%dma_wait3A_197 : memref<128xi32, #tpu.memory_space<hbm>>) dst(%arg17 : memref<128xi32, #tpu.memory_space<vmem>>)
        %dma_start3A_198 = arith.constant 0 : i32
        %dma_start3A_199 = arith.constant 0 : i32
        %dma_start3A_200 = tpu.memref_slice %arg2[%scan3A, %dma_start3A_198, %dma_start3A_199] : memref<2x10000x128xf32, #tpu.memory_space<hbm>> -> memref<1x10000x128xf32, #tpu.memory_space<hbm>>
        %dma_start3A_201 = tpu.memref_squeeze %dma_start3A_200 : memref<1x10000x128xf32, #tpu.memory_space<hbm>> -> memref<10000x128xf32, #tpu.memory_space<hbm>>
        %dma_start3A_202 = arith.constant 0 : i32
        %dma_start3A_203 = arith.constant 0 : i32
        %dma_start3A_204 = tpu.memref_slice %dma_start3A_201[%dma_start3A_202, %dma_start3A_203] : memref<10000x128xf32, #tpu.memory_space<hbm>> -> memref<10000x128xf32, #tpu.memory_space<hbm>>
        tpu.enqueue_indirect_dma source(%dma_start3A_204 : memref<10000x128xf32, #tpu.memory_space<hbm>>) target(%arg11 : memref<128x128xf32, #tpu.memory_space<vmem>>) offsets(%arg13 : memref<128xi32, #tpu.memory_space<vmem>>) semaphore(%arg21 : memref<!tpu.dma_semaphore, #tpu.memory_space<semaphore_mem>>)
        %add3A_205 = arith.constant 2 : i32
        %add3A_206 = arith.addi %add3A_189, %add3A_205 : i32
        %mul3A_207 = arith.constant 160 : i32
        %mul3A_208 = arith.muli %arg1, %mul3A_207 : i32
        %add3A_209 = arith.addi %mul3A_208, %add3A_206 : i32
        %mul3A_210 = arith.constant 128 : i32
        %mul3A_211 = arith.muli %add3A_209, %mul3A_210 : i32
        %lt3A_212 = arith.constant 320000 : i32
        %lt3A_213 = arith.cmpi slt, %mul3A_211, %lt3A_212 : i32
        %convert_element_type3A_214 = arith.extui %lt3A_213 : i1 to i32
        %cond3A_215 = arith.constant 0 : i32
        %cond3A_216 = arith.cmpi ne, %convert_element_type3A_214, %cond3A_215 : i32
        scf.if %cond3A_216 {
          %dma_start3A_364 = tpu.memref_slice %arg3[%mul3A_211] : memref<320000xi32, #tpu.memory_space<hbm>> -> memref<128xi32, #tpu.memory_space<hbm>>
          %dma_start3A_365 = tpu.memref_slice %arg3[%mul3A_211] : memref<320000xi32, #tpu.memory_space<hbm>> -> memref<128xi32, #tpu.memory_space<hbm>>
          tpu.enqueue_dma source(%dma_start3A_365 : memref<128xi32, #tpu.memory_space<hbm>>) target(%arg15 : memref<128xi32, #tpu.memory_space<vmem>>) target_semaphore(%arg25 : memref<!tpu.dma_semaphore, #tpu.memory_space<semaphore_mem>>)
          %dma_start3A_366 = tpu.memref_slice %arg4[%mul3A_211] : memref<320000xi32, #tpu.memory_space<hbm>> -> memref<128xi32, #tpu.memory_space<hbm>>
          %dma_start3A_367 = tpu.memref_slice %arg4[%mul3A_211] : memref<320000xi32, #tpu.memory_space<hbm>> -> memref<128xi32, #tpu.memory_space<hbm>>
          tpu.enqueue_dma source(%dma_start3A_367 : memref<128xi32, #tpu.memory_space<hbm>>) target(%arg19 : memref<128xi32, #tpu.memory_space<vmem>>) target_semaphore(%arg25 : memref<!tpu.dma_semaphore, #tpu.memory_space<semaphore_mem>>)
        } else {
        }
        %ge3A_217 = arith.constant 320000 : i32
        %ge3A_218 = arith.cmpi sge, %mul3A_211, %ge3A_217 : i32
        %convert_element_type3A_219 = arith.extui %ge3A_218 : i1 to i32
        %cond3A_220 = arith.constant 0 : i32
        %cond3A_221 = arith.cmpi ne, %convert_element_type3A_219, %cond3A_220 : i32
        scf.if %cond3A_221 {
          %sub3A = arith.constant 320000 : i32
          %sub3A_364 = arith.subi %mul3A_211, %sub3A : i32
          %dma_start3A_365 = tpu.memref_slice %arg5[%sub3A_364] : memref<7680xi32, #tpu.memory_space<hbm>> -> memref<128xi32, #tpu.memory_space<hbm>>
          %dma_start3A_366 = tpu.memref_slice %arg5[%sub3A_364] : memref<7680xi32, #tpu.memory_space<hbm>> -> memref<128xi32, #tpu.memory_space<hbm>>
          tpu.enqueue_dma source(%dma_start3A_366 : memref<128xi32, #tpu.memory_space<hbm>>) target(%arg15 : memref<128xi32, #tpu.memory_space<vmem>>) target_semaphore(%arg25 : memref<!tpu.dma_semaphore, #tpu.memory_space<semaphore_mem>>)
          %dma_start3A_367 = tpu.memref_slice %arg6[%sub3A_364] : memref<7680xi32, #tpu.memory_space<hbm>> -> memref<128xi32, #tpu.memory_space<hbm>>
          %dma_start3A_368 = tpu.memref_slice %arg6[%sub3A_364] : memref<7680xi32, #tpu.memory_space<hbm>> -> memref<128xi32, #tpu.memory_space<hbm>>
          tpu.enqueue_dma source(%dma_start3A_368 : memref<128xi32, #tpu.memory_space<hbm>>) target(%arg19 : memref<128xi32, #tpu.memory_space<vmem>>) target_semaphore(%arg25 : memref<!tpu.dma_semaphore, #tpu.memory_space<semaphore_mem>>)
        } else {
        }
        %dma_wait3A_222 = arith.constant 0 : i32
        %dma_wait3A_223 = arith.constant 0 : i32
        %dma_wait3A_224 = tpu.memref_slice %arg2[%scan3A, %dma_wait3A_222, %dma_wait3A_223] : memref<2x10000x128xf32, #tpu.memory_space<hbm>> -> memref<1x10000x128xf32, #tpu.memory_space<hbm>>
        %dma_wait3A_225 = tpu.memref_squeeze %dma_wait3A_224 : memref<1x10000x128xf32, #tpu.memory_space<hbm>> -> memref<10000x128xf32, #tpu.memory_space<hbm>>
        %dma_wait3A_226 = arith.constant 0 : i32
        %dma_wait3A_227 = arith.constant 0 : i32
        %dma_wait3A_228 = tpu.memref_slice %dma_wait3A_225[%dma_wait3A_226, %dma_wait3A_227] : memref<10000x128xf32, #tpu.memory_space<hbm>> -> memref<10000x128xf32, #tpu.memory_space<hbm>>
        tpu.wait_indirect_dma semaphore(%arg20 : memref<!tpu.dma_semaphore, #tpu.memory_space<semaphore_mem>>) src(%dma_wait3A_228 : memref<10000x128xf32, #tpu.memory_space<hbm>>) dst(%arg10 : memref<128x128xf32, #tpu.memory_space<vmem>>)
        "tpu.region"() ({
          %run_scoped3A = tpu.sem_alloc : memref<!tpu.dma_semaphore, #tpu.memory_space<semaphore_mem>>
          %dma_start3A_364 = arith.constant 0 : i32
          %dma_start3A_365 = arith.constant 0 : i32
          %dma_start3A_366 = tpu.memref_slice %arg9[%dma_start3A_364, %dma_start3A_365] : memref<10240x128xf32, #tpu.memory_space<vmem_shared>> -> memref<10240x128xf32, #tpu.memory_space<vmem_shared>>
          tpu.enqueue_indirect_dma source(%arg10 : memref<128x128xf32, #tpu.memory_space<vmem>>) target(%dma_start3A_366 : memref<10240x128xf32, #tpu.memory_space<vmem_shared>>) offsets(%arg16 : memref<128xi32, #tpu.memory_space<vmem>>) semaphore(%run_scoped3A : memref<!tpu.dma_semaphore, #tpu.memory_space<semaphore_mem>>) {add = true}
          %dma_wait3A_367 = arith.constant 0 : i32
          %dma_wait3A_368 = arith.constant 0 : i32
          %dma_wait3A_369 = tpu.memref_slice %arg9[%dma_wait3A_367, %dma_wait3A_368] : memref<10240x128xf32, #tpu.memory_space<vmem_shared>> -> memref<10240x128xf32, #tpu.memory_space<vmem_shared>>
          tpu.wait_indirect_dma semaphore(%run_scoped3A : memref<!tpu.dma_semaphore, #tpu.memory_space<semaphore_mem>>) src(%arg10 : memref<128x128xf32, #tpu.memory_space<vmem>>) dst(%dma_wait3A_369 : memref<10240x128xf32, #tpu.memory_space<vmem_shared>>)
          tpu.yield
        }) : () -> ()
        %mul3A_229 = arith.constant 4 : i32
        %mul3A_230 = arith.muli %mul3A_229, %add3A_183 : i32
        %add3A_231 = arith.constant 1 : i32
        %add3A_232 = arith.addi %mul3A_230, %add3A_231 : i32
        %add3A_233 = arith.constant 1 : i32
        %add3A_234 = arith.addi %add3A_232, %add3A_233 : i32
        %dma_wait3A_235 = arith.constant 0 : i32
        %dma_wait3A_236 = tpu.memref_slice %arg3[%dma_wait3A_235] : memref<320000xi32, #tpu.memory_space<hbm>> -> memref<128xi32, #tpu.memory_space<hbm>>
        %dma_wait3A_237 = arith.constant 0 : i32
        %dma_wait3A_238 = tpu.memref_slice %arg3[%dma_wait3A_237] : memref<320000xi32, #tpu.memory_space<hbm>> -> memref<128xi32, #tpu.memory_space<hbm>>
        tpu.wait_dma2 semaphore(%arg24 : memref<!tpu.dma_semaphore, #tpu.memory_space<semaphore_mem>>) src(%dma_wait3A_238 : memref<128xi32, #tpu.memory_space<hbm>>) dst(%arg14 : memref<128xi32, #tpu.memory_space<vmem>>)
        %dma_wait3A_239 = arith.constant 0 : i32
        %dma_wait3A_240 = tpu.memref_slice %arg4[%dma_wait3A_239] : memref<320000xi32, #tpu.memory_space<hbm>> -> memref<128xi32, #tpu.memory_space<hbm>>
        %dma_wait3A_241 = arith.constant 0 : i32
        %dma_wait3A_242 = tpu.memref_slice %arg4[%dma_wait3A_241] : memref<320000xi32, #tpu.memory_space<hbm>> -> memref<128xi32, #tpu.memory_space<hbm>>
        tpu.wait_dma2 semaphore(%arg24 : memref<!tpu.dma_semaphore, #tpu.memory_space<semaphore_mem>>) src(%dma_wait3A_242 : memref<128xi32, #tpu.memory_space<hbm>>) dst(%arg18 : memref<128xi32, #tpu.memory_space<vmem>>)
        %dma_start3A_243 = arith.constant 0 : i32
        %dma_start3A_244 = arith.constant 0 : i32
        %dma_start3A_245 = tpu.memref_slice %arg2[%scan3A, %dma_start3A_243, %dma_start3A_244] : memref<2x10000x128xf32, #tpu.memory_space<hbm>> -> memref<1x10000x128xf32, #tpu.memory_space<hbm>>
        %dma_start3A_246 = tpu.memref_squeeze %dma_start3A_245 : memref<1x10000x128xf32, #tpu.memory_space<hbm>> -> memref<10000x128xf32, #tpu.memory_space<hbm>>
        %dma_start3A_247 = arith.constant 0 : i32
        %dma_start3A_248 = arith.constant 0 : i32
        %dma_start3A_249 = tpu.memref_slice %dma_start3A_246[%dma_start3A_247, %dma_start3A_248] : memref<10000x128xf32, #tpu.memory_space<hbm>> -> memref<10000x128xf32, #tpu.memory_space<hbm>>
        tpu.enqueue_indirect_dma source(%dma_start3A_249 : memref<10000x128xf32, #tpu.memory_space<hbm>>) target(%arg10 : memref<128x128xf32, #tpu.memory_space<vmem>>) offsets(%arg14 : memref<128xi32, #tpu.memory_space<vmem>>) semaphore(%arg20 : memref<!tpu.dma_semaphore, #tpu.memory_space<semaphore_mem>>)
        %add3A_250 = arith.constant 2 : i32
        %add3A_251 = arith.addi %add3A_234, %add3A_250 : i32
        %mul3A_252 = arith.constant 160 : i32
        %mul3A_253 = arith.muli %arg1, %mul3A_252 : i32
        %add3A_254 = arith.addi %mul3A_253, %add3A_251 : i32
        %mul3A_255 = arith.constant 128 : i32
        %mul3A_256 = arith.muli %add3A_254, %mul3A_255 : i32
        %lt3A_257 = arith.constant 320000 : i32
        %lt3A_258 = arith.cmpi slt, %mul3A_256, %lt3A_257 : i32
        %convert_element_type3A_259 = arith.extui %lt3A_258 : i1 to i32
        %cond3A_260 = arith.constant 0 : i32
        %cond3A_261 = arith.cmpi ne, %convert_element_type3A_259, %cond3A_260 : i32
        scf.if %cond3A_261 {
          %dma_start3A_364 = tpu.memref_slice %arg3[%mul3A_256] : memref<320000xi32, #tpu.memory_space<hbm>> -> memref<128xi32, #tpu.memory_space<hbm>>
          %dma_start3A_365 = tpu.memref_slice %arg3[%mul3A_256] : memref<320000xi32, #tpu.memory_space<hbm>> -> memref<128xi32, #tpu.memory_space<hbm>>
          tpu.enqueue_dma source(%dma_start3A_365 : memref<128xi32, #tpu.memory_space<hbm>>) target(%arg12 : memref<128xi32, #tpu.memory_space<vmem>>) target_semaphore(%arg22 : memref<!tpu.dma_semaphore, #tpu.memory_space<semaphore_mem>>)
          %dma_start3A_366 = tpu.memref_slice %arg4[%mul3A_256] : memref<320000xi32, #tpu.memory_space<hbm>> -> memref<128xi32, #tpu.memory_space<hbm>>
          %dma_start3A_367 = tpu.memref_slice %arg4[%mul3A_256] : memref<320000xi32, #tpu.memory_space<hbm>> -> memref<128xi32, #tpu.memory_space<hbm>>
          tpu.enqueue_dma source(%dma_start3A_367 : memref<128xi32, #tpu.memory_space<hbm>>) target(%arg16 : memref<128xi32, #tpu.memory_space<vmem>>) target_semaphore(%arg22 : memref<!tpu.dma_semaphore, #tpu.memory_space<semaphore_mem>>)
        } else {
        }
        %ge3A_262 = arith.constant 320000 : i32
        %ge3A_263 = arith.cmpi sge, %mul3A_256, %ge3A_262 : i32
        %convert_element_type3A_264 = arith.extui %ge3A_263 : i1 to i32
        %cond3A_265 = arith.constant 0 : i32
        %cond3A_266 = arith.cmpi ne, %convert_element_type3A_264, %cond3A_265 : i32
        scf.if %cond3A_266 {
          %sub3A = arith.constant 320000 : i32
          %sub3A_364 = arith.subi %mul3A_256, %sub3A : i32
          %dma_start3A_365 = tpu.memref_slice %arg5[%sub3A_364] : memref<7680xi32, #tpu.memory_space<hbm>> -> memref<128xi32, #tpu.memory_space<hbm>>
          %dma_start3A_366 = tpu.memref_slice %arg5[%sub3A_364] : memref<7680xi32, #tpu.memory_space<hbm>> -> memref<128xi32, #tpu.memory_space<hbm>>
          tpu.enqueue_dma source(%dma_start3A_366 : memref<128xi32, #tpu.memory_space<hbm>>) target(%arg12 : memref<128xi32, #tpu.memory_space<vmem>>) target_semaphore(%arg22 : memref<!tpu.dma_semaphore, #tpu.memory_space<semaphore_mem>>)
          %dma_start3A_367 = tpu.memref_slice %arg6[%sub3A_364] : memref<7680xi32, #tpu.memory_space<hbm>> -> memref<128xi32, #tpu.memory_space<hbm>>
          %dma_start3A_368 = tpu.memref_slice %arg6[%sub3A_364] : memref<7680xi32, #tpu.memory_space<hbm>> -> memref<128xi32, #tpu.memory_space<hbm>>
          tpu.enqueue_dma source(%dma_start3A_368 : memref<128xi32, #tpu.memory_space<hbm>>) target(%arg16 : memref<128xi32, #tpu.memory_space<vmem>>) target_semaphore(%arg22 : memref<!tpu.dma_semaphore, #tpu.memory_space<semaphore_mem>>)
        } else {
        }
        %dma_wait3A_267 = arith.constant 0 : i32
        %dma_wait3A_268 = arith.constant 0 : i32
        %dma_wait3A_269 = tpu.memref_slice %arg2[%scan3A, %dma_wait3A_267, %dma_wait3A_268] : memref<2x10000x128xf32, #tpu.memory_space<hbm>> -> memref<1x10000x128xf32, #tpu.memory_space<hbm>>
        %dma_wait3A_270 = tpu.memref_squeeze %dma_wait3A_269 : memref<1x10000x128xf32, #tpu.memory_space<hbm>> -> memref<10000x128xf32, #tpu.memory_space<hbm>>
        %dma_wait3A_271 = arith.constant 0 : i32
        %dma_wait3A_272 = arith.constant 0 : i32
        %dma_wait3A_273 = tpu.memref_slice %dma_wait3A_270[%dma_wait3A_271, %dma_wait3A_272] : memref<10000x128xf32, #tpu.memory_space<hbm>> -> memref<10000x128xf32, #tpu.memory_space<hbm>>
        tpu.wait_indirect_dma semaphore(%arg21 : memref<!tpu.dma_semaphore, #tpu.memory_space<semaphore_mem>>) src(%dma_wait3A_273 : memref<10000x128xf32, #tpu.memory_space<hbm>>) dst(%arg11 : memref<128x128xf32, #tpu.memory_space<vmem>>)
        "tpu.region"() ({
          %run_scoped3A = tpu.sem_alloc : memref<!tpu.dma_semaphore, #tpu.memory_space<semaphore_mem>>
          %dma_start3A_364 = arith.constant 0 : i32
          %dma_start3A_365 = arith.constant 0 : i32
          %dma_start3A_366 = tpu.memref_slice %arg9[%dma_start3A_364, %dma_start3A_365] : memref<10240x128xf32, #tpu.memory_space<vmem_shared>> -> memref<10240x128xf32, #tpu.memory_space<vmem_shared>>
          tpu.enqueue_indirect_dma source(%arg11 : memref<128x128xf32, #tpu.memory_space<vmem>>) target(%dma_start3A_366 : memref<10240x128xf32, #tpu.memory_space<vmem_shared>>) offsets(%arg17 : memref<128xi32, #tpu.memory_space<vmem>>) semaphore(%run_scoped3A : memref<!tpu.dma_semaphore, #tpu.memory_space<semaphore_mem>>) {add = true}
          %dma_wait3A_367 = arith.constant 0 : i32
          %dma_wait3A_368 = arith.constant 0 : i32
          %dma_wait3A_369 = tpu.memref_slice %arg9[%dma_wait3A_367, %dma_wait3A_368] : memref<10240x128xf32, #tpu.memory_space<vmem_shared>> -> memref<10240x128xf32, #tpu.memory_space<vmem_shared>>
          tpu.wait_indirect_dma semaphore(%run_scoped3A : memref<!tpu.dma_semaphore, #tpu.memory_space<semaphore_mem>>) src(%arg11 : memref<128x128xf32, #tpu.memory_space<vmem>>) dst(%dma_wait3A_369 : memref<10240x128xf32, #tpu.memory_space<vmem_shared>>)
          tpu.yield
        }) : () -> ()
        %mul3A_274 = arith.constant 4 : i32
        %mul3A_275 = arith.muli %mul3A_274, %add3A_183 : i32
        %add3A_276 = arith.constant 2 : i32
        %add3A_277 = arith.addi %mul3A_275, %add3A_276 : i32
        %add3A_278 = arith.constant 1 : i32
        %add3A_279 = arith.addi %add3A_277, %add3A_278 : i32
        %dma_wait3A_280 = arith.constant 0 : i32
        %dma_wait3A_281 = tpu.memref_slice %arg3[%dma_wait3A_280] : memref<320000xi32, #tpu.memory_space<hbm>> -> memref<128xi32, #tpu.memory_space<hbm>>
        %dma_wait3A_282 = arith.constant 0 : i32
        %dma_wait3A_283 = tpu.memref_slice %arg3[%dma_wait3A_282] : memref<320000xi32, #tpu.memory_space<hbm>> -> memref<128xi32, #tpu.memory_space<hbm>>
        tpu.wait_dma2 semaphore(%arg25 : memref<!tpu.dma_semaphore, #tpu.memory_space<semaphore_mem>>) src(%dma_wait3A_283 : memref<128xi32, #tpu.memory_space<hbm>>) dst(%arg15 : memref<128xi32, #tpu.memory_space<vmem>>)
        %dma_wait3A_284 = arith.constant 0 : i32
        %dma_wait3A_285 = tpu.memref_slice %arg4[%dma_wait3A_284] : memref<320000xi32, #tpu.memory_space<hbm>> -> memref<128xi32, #tpu.memory_space<hbm>>
        %dma_wait3A_286 = arith.constant 0 : i32
        %dma_wait3A_287 = tpu.memref_slice %arg4[%dma_wait3A_286] : memref<320000xi32, #tpu.memory_space<hbm>> -> memref<128xi32, #tpu.memory_space<hbm>>
        tpu.wait_dma2 semaphore(%arg25 : memref<!tpu.dma_semaphore, #tpu.memory_space<semaphore_mem>>) src(%dma_wait3A_287 : memref<128xi32, #tpu.memory_space<hbm>>) dst(%arg19 : memref<128xi32, #tpu.memory_space<vmem>>)
        %dma_start3A_288 = arith.constant 0 : i32
        %dma_start3A_289 = arith.constant 0 : i32
        %dma_start3A_290 = tpu.memref_slice %arg2[%scan3A, %dma_start3A_288, %dma_start3A_289] : memref<2x10000x128xf32, #tpu.memory_space<hbm>> -> memref<1x10000x128xf32, #tpu.memory_space<hbm>>
        %dma_start3A_291 = tpu.memref_squeeze %dma_start3A_290 : memref<1x10000x128xf32, #tpu.memory_space<hbm>> -> memref<10000x128xf32, #tpu.memory_space<hbm>>
        %dma_start3A_292 = arith.constant 0 : i32
        %dma_start3A_293 = arith.constant 0 : i32
        %dma_start3A_294 = tpu.memref_slice %dma_start3A_291[%dma_start3A_292, %dma_start3A_293] : memref<10000x128xf32, #tpu.memory_space<hbm>> -> memref<10000x128xf32, #tpu.memory_space<hbm>>
        tpu.enqueue_indirect_dma source(%dma_start3A_294 : memref<10000x128xf32, #tpu.memory_space<hbm>>) target(%arg11 : memref<128x128xf32, #tpu.memory_space<vmem>>) offsets(%arg15 : memref<128xi32, #tpu.memory_space<vmem>>) semaphore(%arg21 : memref<!tpu.dma_semaphore, #tpu.memory_space<semaphore_mem>>)
        %add3A_295 = arith.constant 2 : i32
        %add3A_296 = arith.addi %add3A_279, %add3A_295 : i32
        %mul3A_297 = arith.constant 160 : i32
        %mul3A_298 = arith.muli %arg1, %mul3A_297 : i32
        %add3A_299 = arith.addi %mul3A_298, %add3A_296 : i32
        %mul3A_300 = arith.constant 128 : i32
        %mul3A_301 = arith.muli %add3A_299, %mul3A_300 : i32
        %lt3A_302 = arith.constant 320000 : i32
        %lt3A_303 = arith.cmpi slt, %mul3A_301, %lt3A_302 : i32
        %convert_element_type3A_304 = arith.extui %lt3A_303 : i1 to i32
        %cond3A_305 = arith.constant 0 : i32
        %cond3A_306 = arith.cmpi ne, %convert_element_type3A_304, %cond3A_305 : i32
        scf.if %cond3A_306 {
          %dma_start3A_364 = tpu.memref_slice %arg3[%mul3A_301] : memref<320000xi32, #tpu.memory_space<hbm>> -> memref<128xi32, #tpu.memory_space<hbm>>
          %dma_start3A_365 = tpu.memref_slice %arg3[%mul3A_301] : memref<320000xi32, #tpu.memory_space<hbm>> -> memref<128xi32, #tpu.memory_space<hbm>>
          tpu.enqueue_dma source(%dma_start3A_365 : memref<128xi32, #tpu.memory_space<hbm>>) target(%arg13 : memref<128xi32, #tpu.memory_space<vmem>>) target_semaphore(%arg23 : memref<!tpu.dma_semaphore, #tpu.memory_space<semaphore_mem>>)
          %dma_start3A_366 = tpu.memref_slice %arg4[%mul3A_301] : memref<320000xi32, #tpu.memory_space<hbm>> -> memref<128xi32, #tpu.memory_space<hbm>>
          %dma_start3A_367 = tpu.memref_slice %arg4[%mul3A_301] : memref<320000xi32, #tpu.memory_space<hbm>> -> memref<128xi32, #tpu.memory_space<hbm>>
          tpu.enqueue_dma source(%dma_start3A_367 : memref<128xi32, #tpu.memory_space<hbm>>) target(%arg17 : memref<128xi32, #tpu.memory_space<vmem>>) target_semaphore(%arg23 : memref<!tpu.dma_semaphore, #tpu.memory_space<semaphore_mem>>)
        } else {
        }
        %ge3A_307 = arith.constant 320000 : i32
        %ge3A_308 = arith.cmpi sge, %mul3A_301, %ge3A_307 : i32
        %convert_element_type3A_309 = arith.extui %ge3A_308 : i1 to i32
        %cond3A_310 = arith.constant 0 : i32
        %cond3A_311 = arith.cmpi ne, %convert_element_type3A_309, %cond3A_310 : i32
        scf.if %cond3A_311 {
          %sub3A = arith.constant 320000 : i32
          %sub3A_364 = arith.subi %mul3A_301, %sub3A : i32
          %dma_start3A_365 = tpu.memref_slice %arg5[%sub3A_364] : memref<7680xi32, #tpu.memory_space<hbm>> -> memref<128xi32, #tpu.memory_space<hbm>>
          %dma_start3A_366 = tpu.memref_slice %arg5[%sub3A_364] : memref<7680xi32, #tpu.memory_space<hbm>> -> memref<128xi32, #tpu.memory_space<hbm>>
          tpu.enqueue_dma source(%dma_start3A_366 : memref<128xi32, #tpu.memory_space<hbm>>) target(%arg13 : memref<128xi32, #tpu.memory_space<vmem>>) target_semaphore(%arg23 : memref<!tpu.dma_semaphore, #tpu.memory_space<semaphore_mem>>)
          %dma_start3A_367 = tpu.memref_slice %arg6[%sub3A_364] : memref<7680xi32, #tpu.memory_space<hbm>> -> memref<128xi32, #tpu.memory_space<hbm>>
          %dma_start3A_368 = tpu.memref_slice %arg6[%sub3A_364] : memref<7680xi32, #tpu.memory_space<hbm>> -> memref<128xi32, #tpu.memory_space<hbm>>
          tpu.enqueue_dma source(%dma_start3A_368 : memref<128xi32, #tpu.memory_space<hbm>>) target(%arg17 : memref<128xi32, #tpu.memory_space<vmem>>) target_semaphore(%arg23 : memref<!tpu.dma_semaphore, #tpu.memory_space<semaphore_mem>>)
        } else {
        }
        %dma_wait3A_312 = arith.constant 0 : i32
        %dma_wait3A_313 = arith.constant 0 : i32
        %dma_wait3A_314 = tpu.memref_slice %arg2[%scan3A, %dma_wait3A_312, %dma_wait3A_313] : memref<2x10000x128xf32, #tpu.memory_space<hbm>> -> memref<1x10000x128xf32, #tpu.memory_space<hbm>>
        %dma_wait3A_315 = tpu.memref_squeeze %dma_wait3A_314 : memref<1x10000x128xf32, #tpu.memory_space<hbm>> -> memref<10000x128xf32, #tpu.memory_space<hbm>>
        %dma_wait3A_316 = arith.constant 0 : i32
        %dma_wait3A_317 = arith.constant 0 : i32
        %dma_wait3A_318 = tpu.memref_slice %dma_wait3A_315[%dma_wait3A_316, %dma_wait3A_317] : memref<10000x128xf32, #tpu.memory_space<hbm>> -> memref<10000x128xf32, #tpu.memory_space<hbm>>
        tpu.wait_indirect_dma semaphore(%arg20 : memref<!tpu.dma_semaphore, #tpu.memory_space<semaphore_mem>>) src(%dma_wait3A_318 : memref<10000x128xf32, #tpu.memory_space<hbm>>) dst(%arg10 : memref<128x128xf32, #tpu.memory_space<vmem>>)
        "tpu.region"() ({
          %run_scoped3A = tpu.sem_alloc : memref<!tpu.dma_semaphore, #tpu.memory_space<semaphore_mem>>
          %dma_start3A_364 = arith.constant 0 : i32
          %dma_start3A_365 = arith.constant 0 : i32
          %dma_start3A_366 = tpu.memref_slice %arg9[%dma_start3A_364, %dma_start3A_365] : memref<10240x128xf32, #tpu.memory_space<vmem_shared>> -> memref<10240x128xf32, #tpu.memory_space<vmem_shared>>
          tpu.enqueue_indirect_dma source(%arg10 : memref<128x128xf32, #tpu.memory_space<vmem>>) target(%dma_start3A_366 : memref<10240x128xf32, #tpu.memory_space<vmem_shared>>) offsets(%arg18 : memref<128xi32, #tpu.memory_space<vmem>>) semaphore(%run_scoped3A : memref<!tpu.dma_semaphore, #tpu.memory_space<semaphore_mem>>) {add = true}
          %dma_wait3A_367 = arith.constant 0 : i32
          %dma_wait3A_368 = arith.constant 0 : i32
          %dma_wait3A_369 = tpu.memref_slice %arg9[%dma_wait3A_367, %dma_wait3A_368] : memref<10240x128xf32, #tpu.memory_space<vmem_shared>> -> memref<10240x128xf32, #tpu.memory_space<vmem_shared>>
          tpu.wait_indirect_dma semaphore(%run_scoped3A : memref<!tpu.dma_semaphore, #tpu.memory_space<semaphore_mem>>) src(%arg10 : memref<128x128xf32, #tpu.memory_space<vmem>>) dst(%dma_wait3A_369 : memref<10240x128xf32, #tpu.memory_space<vmem_shared>>)
          tpu.yield
        }) : () -> ()
        %mul3A_319 = arith.constant 4 : i32
        %mul3A_320 = arith.muli %mul3A_319, %add3A_183 : i32
        %add3A_321 = arith.constant 3 : i32
        %add3A_322 = arith.addi %mul3A_320, %add3A_321 : i32
        %add3A_323 = arith.constant 1 : i32
        %add3A_324 = arith.addi %add3A_322, %add3A_323 : i32
        %dma_wait3A_325 = arith.constant 0 : i32
        %dma_wait3A_326 = tpu.memref_slice %arg3[%dma_wait3A_325] : memref<320000xi32, #tpu.memory_space<hbm>> -> memref<128xi32, #tpu.memory_space<hbm>>
        %dma_wait3A_327 = arith.constant 0 : i32
        %dma_wait3A_328 = tpu.memref_slice %arg3[%dma_wait3A_327] : memref<320000xi32, #tpu.memory_space<hbm>> -> memref<128xi32, #tpu.memory_space<hbm>>
        tpu.wait_dma2 semaphore(%arg22 : memref<!tpu.dma_semaphore, #tpu.memory_space<semaphore_mem>>) src(%dma_wait3A_328 : memref<128xi32, #tpu.memory_space<hbm>>) dst(%arg12 : memref<128xi32, #tpu.memory_space<vmem>>)
        %dma_wait3A_329 = arith.constant 0 : i32
        %dma_wait3A_330 = tpu.memref_slice %arg4[%dma_wait3A_329] : memref<320000xi32, #tpu.memory_space<hbm>> -> memref<128xi32, #tpu.memory_space<hbm>>
        %dma_wait3A_331 = arith.constant 0 : i32
        %dma_wait3A_332 = tpu.memref_slice %arg4[%dma_wait3A_331] : memref<320000xi32, #tpu.memory_space<hbm>> -> memref<128xi32, #tpu.memory_space<hbm>>
        tpu.wait_dma2 semaphore(%arg22 : memref<!tpu.dma_semaphore, #tpu.memory_space<semaphore_mem>>) src(%dma_wait3A_332 : memref<128xi32, #tpu.memory_space<hbm>>) dst(%arg16 : memref<128xi32, #tpu.memory_space<vmem>>)
        %dma_start3A_333 = arith.constant 0 : i32
        %dma_start3A_334 = arith.constant 0 : i32
        %dma_start3A_335 = tpu.memref_slice %arg2[%scan3A, %dma_start3A_333, %dma_start3A_334] : memref<2x10000x128xf32, #tpu.memory_space<hbm>> -> memref<1x10000x128xf32, #tpu.memory_space<hbm>>
        %dma_start3A_336 = tpu.memref_squeeze %dma_start3A_335 : memref<1x10000x128xf32, #tpu.memory_space<hbm>> -> memref<10000x128xf32, #tpu.memory_space<hbm>>
        %dma_start3A_337 = arith.constant 0 : i32
        %dma_start3A_338 = arith.constant 0 : i32
        %dma_start3A_339 = tpu.memref_slice %dma_start3A_336[%dma_start3A_337, %dma_start3A_338] : memref<10000x128xf32, #tpu.memory_space<hbm>> -> memref<10000x128xf32, #tpu.memory_space<hbm>>
        tpu.enqueue_indirect_dma source(%dma_start3A_339 : memref<10000x128xf32, #tpu.memory_space<hbm>>) target(%arg10 : memref<128x128xf32, #tpu.memory_space<vmem>>) offsets(%arg12 : memref<128xi32, #tpu.memory_space<vmem>>) semaphore(%arg20 : memref<!tpu.dma_semaphore, #tpu.memory_space<semaphore_mem>>)
        %add3A_340 = arith.constant 2 : i32
        %add3A_341 = arith.addi %add3A_324, %add3A_340 : i32
        %mul3A_342 = arith.constant 160 : i32
        %mul3A_343 = arith.muli %arg1, %mul3A_342 : i32
        %add3A_344 = arith.addi %mul3A_343, %add3A_341 : i32
        %mul3A_345 = arith.constant 128 : i32
        %mul3A_346 = arith.muli %add3A_344, %mul3A_345 : i32
        %lt3A_347 = arith.constant 320000 : i32
        %lt3A_348 = arith.cmpi slt, %mul3A_346, %lt3A_347 : i32
        %convert_element_type3A_349 = arith.extui %lt3A_348 : i1 to i32
        %cond3A_350 = arith.constant 0 : i32
        %cond3A_351 = arith.cmpi ne, %convert_element_type3A_349, %cond3A_350 : i32
        scf.if %cond3A_351 {
          %dma_start3A_364 = tpu.memref_slice %arg3[%mul3A_346] : memref<320000xi32, #tpu.memory_space<hbm>> -> memref<128xi32, #tpu.memory_space<hbm>>
          %dma_start3A_365 = tpu.memref_slice %arg3[%mul3A_346] : memref<320000xi32, #tpu.memory_space<hbm>> -> memref<128xi32, #tpu.memory_space<hbm>>
          tpu.enqueue_dma source(%dma_start3A_365 : memref<128xi32, #tpu.memory_space<hbm>>) target(%arg14 : memref<128xi32, #tpu.memory_space<vmem>>) target_semaphore(%arg24 : memref<!tpu.dma_semaphore, #tpu.memory_space<semaphore_mem>>)
          %dma_start3A_366 = tpu.memref_slice %arg4[%mul3A_346] : memref<320000xi32, #tpu.memory_space<hbm>> -> memref<128xi32, #tpu.memory_space<hbm>>
          %dma_start3A_367 = tpu.memref_slice %arg4[%mul3A_346] : memref<320000xi32, #tpu.memory_space<hbm>> -> memref<128xi32, #tpu.memory_space<hbm>>
          tpu.enqueue_dma source(%dma_start3A_367 : memref<128xi32, #tpu.memory_space<hbm>>) target(%arg18 : memref<128xi32, #tpu.memory_space<vmem>>) target_semaphore(%arg24 : memref<!tpu.dma_semaphore, #tpu.memory_space<semaphore_mem>>)
        } else {
        }
        %ge3A_352 = arith.constant 320000 : i32
        %ge3A_353 = arith.cmpi sge, %mul3A_346, %ge3A_352 : i32
        %convert_element_type3A_354 = arith.extui %ge3A_353 : i1 to i32
        %cond3A_355 = arith.constant 0 : i32
        %cond3A_356 = arith.cmpi ne, %convert_element_type3A_354, %cond3A_355 : i32
        scf.if %cond3A_356 {
          %sub3A = arith.constant 320000 : i32
          %sub3A_364 = arith.subi %mul3A_346, %sub3A : i32
          %dma_start3A_365 = tpu.memref_slice %arg5[%sub3A_364] : memref<7680xi32, #tpu.memory_space<hbm>> -> memref<128xi32, #tpu.memory_space<hbm>>
          %dma_start3A_366 = tpu.memref_slice %arg5[%sub3A_364] : memref<7680xi32, #tpu.memory_space<hbm>> -> memref<128xi32, #tpu.memory_space<hbm>>
          tpu.enqueue_dma source(%dma_start3A_366 : memref<128xi32, #tpu.memory_space<hbm>>) target(%arg14 : memref<128xi32, #tpu.memory_space<vmem>>) target_semaphore(%arg24 : memref<!tpu.dma_semaphore, #tpu.memory_space<semaphore_mem>>)
          %dma_start3A_367 = tpu.memref_slice %arg6[%sub3A_364] : memref<7680xi32, #tpu.memory_space<hbm>> -> memref<128xi32, #tpu.memory_space<hbm>>
          %dma_start3A_368 = tpu.memref_slice %arg6[%sub3A_364] : memref<7680xi32, #tpu.memory_space<hbm>> -> memref<128xi32, #tpu.memory_space<hbm>>
          tpu.enqueue_dma source(%dma_start3A_368 : memref<128xi32, #tpu.memory_space<hbm>>) target(%arg18 : memref<128xi32, #tpu.memory_space<vmem>>) target_semaphore(%arg24 : memref<!tpu.dma_semaphore, #tpu.memory_space<semaphore_mem>>)
        } else {
        }
        %dma_wait3A_357 = arith.constant 0 : i32
        %dma_wait3A_358 = arith.constant 0 : i32
        %dma_wait3A_359 = tpu.memref_slice %arg2[%scan3A, %dma_wait3A_357, %dma_wait3A_358] : memref<2x10000x128xf32, #tpu.memory_space<hbm>> -> memref<1x10000x128xf32, #tpu.memory_space<hbm>>
        %dma_wait3A_360 = tpu.memref_squeeze %dma_wait3A_359 : memref<1x10000x128xf32, #tpu.memory_space<hbm>> -> memref<10000x128xf32, #tpu.memory_space<hbm>>
        %dma_wait3A_361 = arith.constant 0 : i32
        %dma_wait3A_362 = arith.constant 0 : i32
        %dma_wait3A_363 = tpu.memref_slice %dma_wait3A_360[%dma_wait3A_361, %dma_wait3A_362] : memref<10000x128xf32, #tpu.memory_space<hbm>> -> memref<10000x128xf32, #tpu.memory_space<hbm>>
        tpu.wait_indirect_dma semaphore(%arg21 : memref<!tpu.dma_semaphore, #tpu.memory_space<semaphore_mem>>) src(%dma_wait3A_363 : memref<10000x128xf32, #tpu.memory_space<hbm>>) dst(%arg11 : memref<128x128xf32, #tpu.memory_space<vmem>>)
        "tpu.region"() ({
          %run_scoped3A = tpu.sem_alloc : memref<!tpu.dma_semaphore, #tpu.memory_space<semaphore_mem>>
          %dma_start3A_364 = arith.constant 0 : i32
          %dma_start3A_365 = arith.constant 0 : i32
          %dma_start3A_366 = tpu.memref_slice %arg9[%dma_start3A_364, %dma_start3A_365] : memref<10240x128xf32, #tpu.memory_space<vmem_shared>> -> memref<10240x128xf32, #tpu.memory_space<vmem_shared>>
          tpu.enqueue_indirect_dma source(%arg11 : memref<128x128xf32, #tpu.memory_space<vmem>>) target(%dma_start3A_366 : memref<10240x128xf32, #tpu.memory_space<vmem_shared>>) offsets(%arg19 : memref<128xi32, #tpu.memory_space<vmem>>) semaphore(%run_scoped3A : memref<!tpu.dma_semaphore, #tpu.memory_space<semaphore_mem>>) {add = true}
          %dma_wait3A_367 = arith.constant 0 : i32
          %dma_wait3A_368 = arith.constant 0 : i32
          %dma_wait3A_369 = tpu.memref_slice %arg9[%dma_wait3A_367, %dma_wait3A_368] : memref<10240x128xf32, #tpu.memory_space<vmem_shared>> -> memref<10240x128xf32, #tpu.memory_space<vmem_shared>>
          tpu.wait_indirect_dma semaphore(%run_scoped3A : memref<!tpu.dma_semaphore, #tpu.memory_space<semaphore_mem>>) src(%arg11 : memref<128x128xf32, #tpu.memory_space<vmem>>) dst(%dma_wait3A_369 : memref<10240x128xf32, #tpu.memory_space<vmem_shared>>)
          tpu.yield
        }) : () -> ()
      }
      %scan3A_82 = arith.constant 39 : i32
      %dma_wait3A_83 = arith.constant 0 : i32
      %dma_wait3A_84 = tpu.memref_slice %arg3[%dma_wait3A_83] : memref<320000xi32, #tpu.memory_space<hbm>> -> memref<128xi32, #tpu.memory_space<hbm>>
      %dma_wait3A_85 = arith.constant 0 : i32
      %dma_wait3A_86 = tpu.memref_slice %arg3[%dma_wait3A_85] : memref<320000xi32, #tpu.memory_space<hbm>> -> memref<128xi32, #tpu.memory_space<hbm>>
      tpu.wait_dma2 semaphore(%arg23 : memref<!tpu.dma_semaphore, #tpu.memory_space<semaphore_mem>>) src(%dma_wait3A_86 : memref<128xi32, #tpu.memory_space<hbm>>) dst(%arg13 : memref<128xi32, #tpu.memory_space<vmem>>)
      %dma_wait3A_87 = arith.constant 0 : i32
      %dma_wait3A_88 = tpu.memref_slice %arg4[%dma_wait3A_87] : memref<320000xi32, #tpu.memory_space<hbm>> -> memref<128xi32, #tpu.memory_space<hbm>>
      %dma_wait3A_89 = arith.constant 0 : i32
      %dma_wait3A_90 = tpu.memref_slice %arg4[%dma_wait3A_89] : memref<320000xi32, #tpu.memory_space<hbm>> -> memref<128xi32, #tpu.memory_space<hbm>>
      tpu.wait_dma2 semaphore(%arg23 : memref<!tpu.dma_semaphore, #tpu.memory_space<semaphore_mem>>) src(%dma_wait3A_90 : memref<128xi32, #tpu.memory_space<hbm>>) dst(%arg17 : memref<128xi32, #tpu.memory_space<vmem>>)
      %dma_start3A_91 = arith.constant 0 : i32
      %dma_start3A_92 = arith.constant 0 : i32
      %dma_start3A_93 = arith.constant 0 : i32
      %dma_start3A_94 = tpu.memref_slice %arg2[%dma_start3A_91, %dma_start3A_92, %dma_start3A_93] : memref<2x10000x128xf32, #tpu.memory_space<hbm>> -> memref<1x10000x128xf32, #tpu.memory_space<hbm>>
      %dma_start3A_95 = tpu.memref_squeeze %dma_start3A_94 : memref<1x10000x128xf32, #tpu.memory_space<hbm>> -> memref<10000x128xf32, #tpu.memory_space<hbm>>
      %dma_start3A_96 = arith.constant 0 : i32
      %dma_start3A_97 = arith.constant 0 : i32
      %dma_start3A_98 = tpu.memref_slice %dma_start3A_95[%dma_start3A_96, %dma_start3A_97] : memref<10000x128xf32, #tpu.memory_space<hbm>> -> memref<10000x128xf32, #tpu.memory_space<hbm>>
      tpu.enqueue_indirect_dma source(%dma_start3A_98 : memref<10000x128xf32, #tpu.memory_space<hbm>>) target(%arg11 : memref<128x128xf32, #tpu.memory_space<vmem>>) offsets(%arg13 : memref<128xi32, #tpu.memory_space<vmem>>) semaphore(%arg21 : memref<!tpu.dma_semaphore, #tpu.memory_space<semaphore_mem>>)
      %mul3A_99 = arith.constant 160 : i32
      %mul3A_100 = arith.muli %arg1, %mul3A_99 : i32
      %add3A_101 = arith.constant 159 : i32
      %add3A_102 = arith.addi %mul3A_100, %add3A_101 : i32
      %mul3A_103 = arith.constant 128 : i32
      %mul3A_104 = arith.muli %add3A_102, %mul3A_103 : i32
      %lt3A_105 = arith.constant 320000 : i32
      %lt3A_106 = arith.cmpi slt, %mul3A_104, %lt3A_105 : i32
      %convert_element_type3A_107 = arith.extui %lt3A_106 : i1 to i32
      %cond3A_108 = arith.constant 0 : i32
      %cond3A_109 = arith.cmpi ne, %convert_element_type3A_107, %cond3A_108 : i32
      scf.if %cond3A_109 {
        %dma_start3A_179 = tpu.memref_slice %arg3[%mul3A_104] : memref<320000xi32, #tpu.memory_space<hbm>> -> memref<128xi32, #tpu.memory_space<hbm>>
        %dma_start3A_180 = tpu.memref_slice %arg3[%mul3A_104] : memref<320000xi32, #tpu.memory_space<hbm>> -> memref<128xi32, #tpu.memory_space<hbm>>
        tpu.enqueue_dma source(%dma_start3A_180 : memref<128xi32, #tpu.memory_space<hbm>>) target(%arg15 : memref<128xi32, #tpu.memory_space<vmem>>) target_semaphore(%arg25 : memref<!tpu.dma_semaphore, #tpu.memory_space<semaphore_mem>>)
        %dma_start3A_181 = tpu.memref_slice %arg4[%mul3A_104] : memref<320000xi32, #tpu.memory_space<hbm>> -> memref<128xi32, #tpu.memory_space<hbm>>
        %dma_start3A_182 = tpu.memref_slice %arg4[%mul3A_104] : memref<320000xi32, #tpu.memory_space<hbm>> -> memref<128xi32, #tpu.memory_space<hbm>>
        tpu.enqueue_dma source(%dma_start3A_182 : memref<128xi32, #tpu.memory_space<hbm>>) target(%arg19 : memref<128xi32, #tpu.memory_space<vmem>>) target_semaphore(%arg25 : memref<!tpu.dma_semaphore, #tpu.memory_space<semaphore_mem>>)
      } else {
      }
      %ge3A_110 = arith.constant 320000 : i32
      %ge3A_111 = arith.cmpi sge, %mul3A_104, %ge3A_110 : i32
      %convert_element_type3A_112 = arith.extui %ge3A_111 : i1 to i32
      %cond3A_113 = arith.constant 0 : i32
      %cond3A_114 = arith.cmpi ne, %convert_element_type3A_112, %cond3A_113 : i32
      scf.if %cond3A_114 {
        %sub3A = arith.constant 320000 : i32
        %sub3A_179 = arith.subi %mul3A_104, %sub3A : i32
        %dma_start3A_180 = tpu.memref_slice %arg5[%sub3A_179] : memref<7680xi32, #tpu.memory_space<hbm>> -> memref<128xi32, #tpu.memory_space<hbm>>
        %dma_start3A_181 = tpu.memref_slice %arg5[%sub3A_179] : memref<7680xi32, #tpu.memory_space<hbm>> -> memref<128xi32, #tpu.memory_space<hbm>>
        tpu.enqueue_dma source(%dma_start3A_181 : memref<128xi32, #tpu.memory_space<hbm>>) target(%arg15 : memref<128xi32, #tpu.memory_space<vmem>>) target_semaphore(%arg25 : memref<!tpu.dma_semaphore, #tpu.memory_space<semaphore_mem>>)
        %dma_start3A_182 = tpu.memref_slice %arg6[%sub3A_179] : memref<7680xi32, #tpu.memory_space<hbm>> -> memref<128xi32, #tpu.memory_space<hbm>>
        %dma_start3A_183 = tpu.memref_slice %arg6[%sub3A_179] : memref<7680xi32, #tpu.memory_space<hbm>> -> memref<128xi32, #tpu.memory_space<hbm>>
        tpu.enqueue_dma source(%dma_start3A_183 : memref<128xi32, #tpu.memory_space<hbm>>) target(%arg19 : memref<128xi32, #tpu.memory_space<vmem>>) target_semaphore(%arg25 : memref<!tpu.dma_semaphore, #tpu.memory_space<semaphore_mem>>)
      } else {
      }
      %dma_wait3A_115 = arith.constant 0 : i32
      %dma_wait3A_116 = arith.constant 0 : i32
      %dma_wait3A_117 = arith.constant 0 : i32
      %dma_wait3A_118 = tpu.memref_slice %arg2[%dma_wait3A_115, %dma_wait3A_116, %dma_wait3A_117] : memref<2x10000x128xf32, #tpu.memory_space<hbm>> -> memref<1x10000x128xf32, #tpu.memory_space<hbm>>
      %dma_wait3A_119 = tpu.memref_squeeze %dma_wait3A_118 : memref<1x10000x128xf32, #tpu.memory_space<hbm>> -> memref<10000x128xf32, #tpu.memory_space<hbm>>
      %dma_wait3A_120 = arith.constant 0 : i32
      %dma_wait3A_121 = arith.constant 0 : i32
      %dma_wait3A_122 = tpu.memref_slice %dma_wait3A_119[%dma_wait3A_120, %dma_wait3A_121] : memref<10000x128xf32, #tpu.memory_space<hbm>> -> memref<10000x128xf32, #tpu.memory_space<hbm>>
      tpu.wait_indirect_dma semaphore(%arg20 : memref<!tpu.dma_semaphore, #tpu.memory_space<semaphore_mem>>) src(%dma_wait3A_122 : memref<10000x128xf32, #tpu.memory_space<hbm>>) dst(%arg10 : memref<128x128xf32, #tpu.memory_space<vmem>>)
      "tpu.region"() ({
        %run_scoped3A = tpu.sem_alloc : memref<!tpu.dma_semaphore, #tpu.memory_space<semaphore_mem>>
        %dma_start3A_179 = arith.constant 0 : i32
        %dma_start3A_180 = arith.constant 0 : i32
        %dma_start3A_181 = tpu.memref_slice %arg9[%dma_start3A_179, %dma_start3A_180] : memref<10240x128xf32, #tpu.memory_space<vmem_shared>> -> memref<10240x128xf32, #tpu.memory_space<vmem_shared>>
        tpu.enqueue_indirect_dma source(%arg10 : memref<128x128xf32, #tpu.memory_space<vmem>>) target(%dma_start3A_181 : memref<10240x128xf32, #tpu.memory_space<vmem_shared>>) offsets(%arg16 : memref<128xi32, #tpu.memory_space<vmem>>) semaphore(%run_scoped3A : memref<!tpu.dma_semaphore, #tpu.memory_space<semaphore_mem>>) {add = true}
        %dma_wait3A_182 = arith.constant 0 : i32
        %dma_wait3A_183 = arith.constant 0 : i32
        %dma_wait3A_184 = tpu.memref_slice %arg9[%dma_wait3A_182, %dma_wait3A_183] : memref<10240x128xf32, #tpu.memory_space<vmem_shared>> -> memref<10240x128xf32, #tpu.memory_space<vmem_shared>>
        tpu.wait_indirect_dma semaphore(%run_scoped3A : memref<!tpu.dma_semaphore, #tpu.memory_space<semaphore_mem>>) src(%arg10 : memref<128x128xf32, #tpu.memory_space<vmem>>) dst(%dma_wait3A_184 : memref<10240x128xf32, #tpu.memory_space<vmem_shared>>)
        tpu.yield
      }) : () -> ()
      %dma_wait3A_123 = arith.constant 0 : i32
      %dma_wait3A_124 = tpu.memref_slice %arg3[%dma_wait3A_123] : memref<320000xi32, #tpu.memory_space<hbm>> -> memref<128xi32, #tpu.memory_space<hbm>>
      %dma_wait3A_125 = arith.constant 0 : i32
      %dma_wait3A_126 = tpu.memref_slice %arg3[%dma_wait3A_125] : memref<320000xi32, #tpu.memory_space<hbm>> -> memref<128xi32, #tpu.memory_space<hbm>>
      tpu.wait_dma2 semaphore(%arg24 : memref<!tpu.dma_semaphore, #tpu.memory_space<semaphore_mem>>) src(%dma_wait3A_126 : memref<128xi32, #tpu.memory_space<hbm>>) dst(%arg14 : memref<128xi32, #tpu.memory_space<vmem>>)
      %dma_wait3A_127 = arith.constant 0 : i32
      %dma_wait3A_128 = tpu.memref_slice %arg4[%dma_wait3A_127] : memref<320000xi32, #tpu.memory_space<hbm>> -> memref<128xi32, #tpu.memory_space<hbm>>
      %dma_wait3A_129 = arith.constant 0 : i32
      %dma_wait3A_130 = tpu.memref_slice %arg4[%dma_wait3A_129] : memref<320000xi32, #tpu.memory_space<hbm>> -> memref<128xi32, #tpu.memory_space<hbm>>
      tpu.wait_dma2 semaphore(%arg24 : memref<!tpu.dma_semaphore, #tpu.memory_space<semaphore_mem>>) src(%dma_wait3A_130 : memref<128xi32, #tpu.memory_space<hbm>>) dst(%arg18 : memref<128xi32, #tpu.memory_space<vmem>>)
      %dma_start3A_131 = arith.constant 0 : i32
      %dma_start3A_132 = arith.constant 0 : i32
      %dma_start3A_133 = arith.constant 0 : i32
      %dma_start3A_134 = tpu.memref_slice %arg2[%dma_start3A_131, %dma_start3A_132, %dma_start3A_133] : memref<2x10000x128xf32, #tpu.memory_space<hbm>> -> memref<1x10000x128xf32, #tpu.memory_space<hbm>>
      %dma_start3A_135 = tpu.memref_squeeze %dma_start3A_134 : memref<1x10000x128xf32, #tpu.memory_space<hbm>> -> memref<10000x128xf32, #tpu.memory_space<hbm>>
      %dma_start3A_136 = arith.constant 0 : i32
      %dma_start3A_137 = arith.constant 0 : i32
      %dma_start3A_138 = tpu.memref_slice %dma_start3A_135[%dma_start3A_136, %dma_start3A_137] : memref<10000x128xf32, #tpu.memory_space<hbm>> -> memref<10000x128xf32, #tpu.memory_space<hbm>>
      tpu.enqueue_indirect_dma source(%dma_start3A_138 : memref<10000x128xf32, #tpu.memory_space<hbm>>) target(%arg10 : memref<128x128xf32, #tpu.memory_space<vmem>>) offsets(%arg14 : memref<128xi32, #tpu.memory_space<vmem>>) semaphore(%arg20 : memref<!tpu.dma_semaphore, #tpu.memory_space<semaphore_mem>>)
      %dma_wait3A_139 = arith.constant 0 : i32
      %dma_wait3A_140 = arith.constant 0 : i32
      %dma_wait3A_141 = arith.constant 0 : i32
      %dma_wait3A_142 = tpu.memref_slice %arg2[%dma_wait3A_139, %dma_wait3A_140, %dma_wait3A_141] : memref<2x10000x128xf32, #tpu.memory_space<hbm>> -> memref<1x10000x128xf32, #tpu.memory_space<hbm>>
      %dma_wait3A_143 = tpu.memref_squeeze %dma_wait3A_142 : memref<1x10000x128xf32, #tpu.memory_space<hbm>> -> memref<10000x128xf32, #tpu.memory_space<hbm>>
      %dma_wait3A_144 = arith.constant 0 : i32
      %dma_wait3A_145 = arith.constant 0 : i32
      %dma_wait3A_146 = tpu.memref_slice %dma_wait3A_143[%dma_wait3A_144, %dma_wait3A_145] : memref<10000x128xf32, #tpu.memory_space<hbm>> -> memref<10000x128xf32, #tpu.memory_space<hbm>>
      tpu.wait_indirect_dma semaphore(%arg21 : memref<!tpu.dma_semaphore, #tpu.memory_space<semaphore_mem>>) src(%dma_wait3A_146 : memref<10000x128xf32, #tpu.memory_space<hbm>>) dst(%arg11 : memref<128x128xf32, #tpu.memory_space<vmem>>)
      "tpu.region"() ({
        %run_scoped3A = tpu.sem_alloc : memref<!tpu.dma_semaphore, #tpu.memory_space<semaphore_mem>>
        %dma_start3A_179 = arith.constant 0 : i32
        %dma_start3A_180 = arith.constant 0 : i32
        %dma_start3A_181 = tpu.memref_slice %arg9[%dma_start3A_179, %dma_start3A_180] : memref<10240x128xf32, #tpu.memory_space<vmem_shared>> -> memref<10240x128xf32, #tpu.memory_space<vmem_shared>>
        tpu.enqueue_indirect_dma source(%arg11 : memref<128x128xf32, #tpu.memory_space<vmem>>) target(%dma_start3A_181 : memref<10240x128xf32, #tpu.memory_space<vmem_shared>>) offsets(%arg17 : memref<128xi32, #tpu.memory_space<vmem>>) semaphore(%run_scoped3A : memref<!tpu.dma_semaphore, #tpu.memory_space<semaphore_mem>>) {add = true}
        %dma_wait3A_182 = arith.constant 0 : i32
        %dma_wait3A_183 = arith.constant 0 : i32
        %dma_wait3A_184 = tpu.memref_slice %arg9[%dma_wait3A_182, %dma_wait3A_183] : memref<10240x128xf32, #tpu.memory_space<vmem_shared>> -> memref<10240x128xf32, #tpu.memory_space<vmem_shared>>
        tpu.wait_indirect_dma semaphore(%run_scoped3A : memref<!tpu.dma_semaphore, #tpu.memory_space<semaphore_mem>>) src(%arg11 : memref<128x128xf32, #tpu.memory_space<vmem>>) dst(%dma_wait3A_184 : memref<10240x128xf32, #tpu.memory_space<vmem_shared>>)
        tpu.yield
      }) : () -> ()
      %dma_wait3A_147 = arith.constant 0 : i32
      %dma_wait3A_148 = tpu.memref_slice %arg3[%dma_wait3A_147] : memref<320000xi32, #tpu.memory_space<hbm>> -> memref<128xi32, #tpu.memory_space<hbm>>
      %dma_wait3A_149 = arith.constant 0 : i32
      %dma_wait3A_150 = tpu.memref_slice %arg3[%dma_wait3A_149] : memref<320000xi32, #tpu.memory_space<hbm>> -> memref<128xi32, #tpu.memory_space<hbm>>
      tpu.wait_dma2 semaphore(%arg25 : memref<!tpu.dma_semaphore, #tpu.memory_space<semaphore_mem>>) src(%dma_wait3A_150 : memref<128xi32, #tpu.memory_space<hbm>>) dst(%arg15 : memref<128xi32, #tpu.memory_space<vmem>>)
      %dma_wait3A_151 = arith.constant 0 : i32
      %dma_wait3A_152 = tpu.memref_slice %arg4[%dma_wait3A_151] : memref<320000xi32, #tpu.memory_space<hbm>> -> memref<128xi32, #tpu.memory_space<hbm>>
      %dma_wait3A_153 = arith.constant 0 : i32
      %dma_wait3A_154 = tpu.memref_slice %arg4[%dma_wait3A_153] : memref<320000xi32, #tpu.memory_space<hbm>> -> memref<128xi32, #tpu.memory_space<hbm>>
      tpu.wait_dma2 semaphore(%arg25 : memref<!tpu.dma_semaphore, #tpu.memory_space<semaphore_mem>>) src(%dma_wait3A_154 : memref<128xi32, #tpu.memory_space<hbm>>) dst(%arg19 : memref<128xi32, #tpu.memory_space<vmem>>)
      %dma_start3A_155 = arith.constant 0 : i32
      %dma_start3A_156 = arith.constant 0 : i32
      %dma_start3A_157 = arith.constant 0 : i32
      %dma_start3A_158 = tpu.memref_slice %arg2[%dma_start3A_155, %dma_start3A_156, %dma_start3A_157] : memref<2x10000x128xf32, #tpu.memory_space<hbm>> -> memref<1x10000x128xf32, #tpu.memory_space<hbm>>
      %dma_start3A_159 = tpu.memref_squeeze %dma_start3A_158 : memref<1x10000x128xf32, #tpu.memory_space<hbm>> -> memref<10000x128xf32, #tpu.memory_space<hbm>>
      %dma_start3A_160 = arith.constant 0 : i32
      %dma_start3A_161 = arith.constant 0 : i32
      %dma_start3A_162 = tpu.memref_slice %dma_start3A_159[%dma_start3A_160, %dma_start3A_161] : memref<10000x128xf32, #tpu.memory_space<hbm>> -> memref<10000x128xf32, #tpu.memory_space<hbm>>
      tpu.enqueue_indirect_dma source(%dma_start3A_162 : memref<10000x128xf32, #tpu.memory_space<hbm>>) target(%arg11 : memref<128x128xf32, #tpu.memory_space<vmem>>) offsets(%arg15 : memref<128xi32, #tpu.memory_space<vmem>>) semaphore(%arg21 : memref<!tpu.dma_semaphore, #tpu.memory_space<semaphore_mem>>)
      %dma_wait3A_163 = arith.constant 0 : i32
      %dma_wait3A_164 = arith.constant 0 : i32
      %dma_wait3A_165 = arith.constant 0 : i32
      %dma_wait3A_166 = tpu.memref_slice %arg2[%dma_wait3A_163, %dma_wait3A_164, %dma_wait3A_165] : memref<2x10000x128xf32, #tpu.memory_space<hbm>> -> memref<1x10000x128xf32, #tpu.memory_space<hbm>>
      %dma_wait3A_167 = tpu.memref_squeeze %dma_wait3A_166 : memref<1x10000x128xf32, #tpu.memory_space<hbm>> -> memref<10000x128xf32, #tpu.memory_space<hbm>>
      %dma_wait3A_168 = arith.constant 0 : i32
      %dma_wait3A_169 = arith.constant 0 : i32
      %dma_wait3A_170 = tpu.memref_slice %dma_wait3A_167[%dma_wait3A_168, %dma_wait3A_169] : memref<10000x128xf32, #tpu.memory_space<hbm>> -> memref<10000x128xf32, #tpu.memory_space<hbm>>
      tpu.wait_indirect_dma semaphore(%arg20 : memref<!tpu.dma_semaphore, #tpu.memory_space<semaphore_mem>>) src(%dma_wait3A_170 : memref<10000x128xf32, #tpu.memory_space<hbm>>) dst(%arg10 : memref<128x128xf32, #tpu.memory_space<vmem>>)
      "tpu.region"() ({
        %run_scoped3A = tpu.sem_alloc : memref<!tpu.dma_semaphore, #tpu.memory_space<semaphore_mem>>
        %dma_start3A_179 = arith.constant 0 : i32
        %dma_start3A_180 = arith.constant 0 : i32
        %dma_start3A_181 = tpu.memref_slice %arg9[%dma_start3A_179, %dma_start3A_180] : memref<10240x128xf32, #tpu.memory_space<vmem_shared>> -> memref<10240x128xf32, #tpu.memory_space<vmem_shared>>
        tpu.enqueue_indirect_dma source(%arg10 : memref<128x128xf32, #tpu.memory_space<vmem>>) target(%dma_start3A_181 : memref<10240x128xf32, #tpu.memory_space<vmem_shared>>) offsets(%arg18 : memref<128xi32, #tpu.memory_space<vmem>>) semaphore(%run_scoped3A : memref<!tpu.dma_semaphore, #tpu.memory_space<semaphore_mem>>) {add = true}
        %dma_wait3A_182 = arith.constant 0 : i32
        %dma_wait3A_183 = arith.constant 0 : i32
        %dma_wait3A_184 = tpu.memref_slice %arg9[%dma_wait3A_182, %dma_wait3A_183] : memref<10240x128xf32, #tpu.memory_space<vmem_shared>> -> memref<10240x128xf32, #tpu.memory_space<vmem_shared>>
        tpu.wait_indirect_dma semaphore(%run_scoped3A : memref<!tpu.dma_semaphore, #tpu.memory_space<semaphore_mem>>) src(%arg10 : memref<128x128xf32, #tpu.memory_space<vmem>>) dst(%dma_wait3A_184 : memref<10240x128xf32, #tpu.memory_space<vmem_shared>>)
        tpu.yield
      }) : () -> ()
      %dma_wait3A_171 = arith.constant 0 : i32
      %dma_wait3A_172 = arith.constant 0 : i32
      %dma_wait3A_173 = arith.constant 0 : i32
      %dma_wait3A_174 = tpu.memref_slice %arg2[%dma_wait3A_171, %dma_wait3A_172, %dma_wait3A_173] : memref<2x10000x128xf32, #tpu.memory_space<hbm>> -> memref<1x10000x128xf32, #tpu.memory_space<hbm>>
      %dma_wait3A_175 = tpu.memref_squeeze %dma_wait3A_174 : memref<1x10000x128xf32, #tpu.memory_space<hbm>> -> memref<10000x128xf32, #tpu.memory_space<hbm>>
      %dma_wait3A_176 = arith.constant 0 : i32
      %dma_wait3A_177 = arith.constant 0 : i32
      %dma_wait3A_178 = tpu.memref_slice %dma_wait3A_175[%dma_wait3A_176, %dma_wait3A_177] : memref<10000x128xf32, #tpu.memory_space<hbm>> -> memref<10000x128xf32, #tpu.memory_space<hbm>>
      tpu.wait_indirect_dma semaphore(%arg21 : memref<!tpu.dma_semaphore, #tpu.memory_space<semaphore_mem>>) src(%dma_wait3A_178 : memref<10000x128xf32, #tpu.memory_space<hbm>>) dst(%arg11 : memref<128x128xf32, #tpu.memory_space<vmem>>)
      "tpu.region"() ({
        %run_scoped3A = tpu.sem_alloc : memref<!tpu.dma_semaphore, #tpu.memory_space<semaphore_mem>>
        %dma_start3A_179 = arith.constant 0 : i32
        %dma_start3A_180 = arith.constant 0 : i32
        %dma_start3A_181 = tpu.memref_slice %arg9[%dma_start3A_179, %dma_start3A_180] : memref<10240x128xf32, #tpu.memory_space<vmem_shared>> -> memref<10240x128xf32, #tpu.memory_space<vmem_shared>>
        tpu.enqueue_indirect_dma source(%arg11 : memref<128x128xf32, #tpu.memory_space<vmem>>) target(%dma_start3A_181 : memref<10240x128xf32, #tpu.memory_space<vmem_shared>>) offsets(%arg19 : memref<128xi32, #tpu.memory_space<vmem>>) semaphore(%run_scoped3A : memref<!tpu.dma_semaphore, #tpu.memory_space<semaphore_mem>>) {add = true}
        %dma_wait3A_182 = arith.constant 0 : i32
        %dma_wait3A_183 = arith.constant 0 : i32
        %dma_wait3A_184 = tpu.memref_slice %arg9[%dma_wait3A_182, %dma_wait3A_183] : memref<10240x128xf32, #tpu.memory_space<vmem_shared>> -> memref<10240x128xf32, #tpu.memory_space<vmem_shared>>
        tpu.wait_indirect_dma semaphore(%run_scoped3A : memref<!tpu.dma_semaphore, #tpu.memory_space<semaphore_mem>>) src(%arg11 : memref<128x128xf32, #tpu.memory_space<vmem>>) dst(%dma_wait3A_184 : memref<10240x128xf32, #tpu.memory_space<vmem_shared>>)
        tpu.yield
      }) : () -> ()
    } else {
    }
    %eq3A_3 = arith.constant 1 : i32
    %eq3A_4 = arith.cmpi eq, %arg0, %eq3A_3 : i32
    %convert_element_type3A_5 = arith.extui %eq3A_4 : i1 to i32
    %cond3A_6 = arith.constant 0 : i32
    %cond3A_7 = arith.cmpi ne, %convert_element_type3A_5, %cond3A_6 : i32
    scf.if %cond3A_7 {
      %mul3A_19 = arith.constant 160 : i32
      %mul3A_20 = arith.muli %arg1, %mul3A_19 : i32
      %add3A = arith.constant 0 : i32
      %add3A_21 = arith.addi %mul3A_20, %add3A : i32
      %mul3A_22 = arith.constant 128 : i32
      %mul3A_23 = arith.muli %add3A_21, %mul3A_22 : i32
      %lt3A = arith.constant 320000 : i32
      %lt3A_24 = arith.cmpi slt, %mul3A_23, %lt3A : i32
      %convert_element_type3A_25 = arith.extui %lt3A_24 : i1 to i32
      %cond3A_26 = arith.constant 0 : i32
      %cond3A_27 = arith.cmpi ne, %convert_element_type3A_25, %cond3A_26 : i32
      scf.if %cond3A_27 {
        %dma_start3A_179 = tpu.memref_slice %arg4[%mul3A_23] : memref<320000xi32, #tpu.memory_space<hbm>> -> memref<128xi32, #tpu.memory_space<hbm>>
        %dma_start3A_180 = tpu.memref_slice %arg4[%mul3A_23] : memref<320000xi32, #tpu.memory_space<hbm>> -> memref<128xi32, #tpu.memory_space<hbm>>
        tpu.enqueue_dma source(%dma_start3A_180 : memref<128xi32, #tpu.memory_space<hbm>>) target(%arg12 : memref<128xi32, #tpu.memory_space<vmem>>) target_semaphore(%arg22 : memref<!tpu.dma_semaphore, #tpu.memory_space<semaphore_mem>>)
        %dma_start3A_181 = tpu.memref_slice %arg3[%mul3A_23] : memref<320000xi32, #tpu.memory_space<hbm>> -> memref<128xi32, #tpu.memory_space<hbm>>
        %dma_start3A_182 = tpu.memref_slice %arg3[%mul3A_23] : memref<320000xi32, #tpu.memory_space<hbm>> -> memref<128xi32, #tpu.memory_space<hbm>>
        tpu.enqueue_dma source(%dma_start3A_182 : memref<128xi32, #tpu.memory_space<hbm>>) target(%arg16 : memref<128xi32, #tpu.memory_space<vmem>>) target_semaphore(%arg22 : memref<!tpu.dma_semaphore, #tpu.memory_space<semaphore_mem>>)
      } else {
      }
      %ge3A = arith.constant 320000 : i32
      %ge3A_28 = arith.cmpi sge, %mul3A_23, %ge3A : i32
      %convert_element_type3A_29 = arith.extui %ge3A_28 : i1 to i32
      %cond3A_30 = arith.constant 0 : i32
      %cond3A_31 = arith.cmpi ne, %convert_element_type3A_29, %cond3A_30 : i32
      scf.if %cond3A_31 {
        %sub3A = arith.constant 320000 : i32
        %sub3A_179 = arith.subi %mul3A_23, %sub3A : i32
        %dma_start3A_180 = tpu.memref_slice %arg5[%sub3A_179] : memref<7680xi32, #tpu.memory_space<hbm>> -> memref<128xi32, #tpu.memory_space<hbm>>
        %dma_start3A_181 = tpu.memref_slice %arg5[%sub3A_179] : memref<7680xi32, #tpu.memory_space<hbm>> -> memref<128xi32, #tpu.memory_space<hbm>>
        tpu.enqueue_dma source(%dma_start3A_181 : memref<128xi32, #tpu.memory_space<hbm>>) target(%arg12 : memref<128xi32, #tpu.memory_space<vmem>>) target_semaphore(%arg22 : memref<!tpu.dma_semaphore, #tpu.memory_space<semaphore_mem>>)
        %dma_start3A_182 = tpu.memref_slice %arg6[%sub3A_179] : memref<7680xi32, #tpu.memory_space<hbm>> -> memref<128xi32, #tpu.memory_space<hbm>>
        %dma_start3A_183 = tpu.memref_slice %arg6[%sub3A_179] : memref<7680xi32, #tpu.memory_space<hbm>> -> memref<128xi32, #tpu.memory_space<hbm>>
        tpu.enqueue_dma source(%dma_start3A_183 : memref<128xi32, #tpu.memory_space<hbm>>) target(%arg16 : memref<128xi32, #tpu.memory_space<vmem>>) target_semaphore(%arg22 : memref<!tpu.dma_semaphore, #tpu.memory_space<semaphore_mem>>)
      } else {
      }
      %mul3A_32 = arith.constant 160 : i32
      %mul3A_33 = arith.muli %arg1, %mul3A_32 : i32
      %add3A_34 = arith.constant 1 : i32
      %add3A_35 = arith.addi %mul3A_33, %add3A_34 : i32
      %mul3A_36 = arith.constant 128 : i32
      %mul3A_37 = arith.muli %add3A_35, %mul3A_36 : i32
      %lt3A_38 = arith.constant 320000 : i32
      %lt3A_39 = arith.cmpi slt, %mul3A_37, %lt3A_38 : i32
      %convert_element_type3A_40 = arith.extui %lt3A_39 : i1 to i32
      %cond3A_41 = arith.constant 0 : i32
      %cond3A_42 = arith.cmpi ne, %convert_element_type3A_40, %cond3A_41 : i32
      scf.if %cond3A_42 {
        %dma_start3A_179 = tpu.memref_slice %arg4[%mul3A_37] : memref<320000xi32, #tpu.memory_space<hbm>> -> memref<128xi32, #tpu.memory_space<hbm>>
        %dma_start3A_180 = tpu.memref_slice %arg4[%mul3A_37] : memref<320000xi32, #tpu.memory_space<hbm>> -> memref<128xi32, #tpu.memory_space<hbm>>
        tpu.enqueue_dma source(%dma_start3A_180 : memref<128xi32, #tpu.memory_space<hbm>>) target(%arg13 : memref<128xi32, #tpu.memory_space<vmem>>) target_semaphore(%arg23 : memref<!tpu.dma_semaphore, #tpu.memory_space<semaphore_mem>>)
        %dma_start3A_181 = tpu.memref_slice %arg3[%mul3A_37] : memref<320000xi32, #tpu.memory_space<hbm>> -> memref<128xi32, #tpu.memory_space<hbm>>
        %dma_start3A_182 = tpu.memref_slice %arg3[%mul3A_37] : memref<320000xi32, #tpu.memory_space<hbm>> -> memref<128xi32, #tpu.memory_space<hbm>>
        tpu.enqueue_dma source(%dma_start3A_182 : memref<128xi32, #tpu.memory_space<hbm>>) target(%arg17 : memref<128xi32, #tpu.memory_space<vmem>>) target_semaphore(%arg23 : memref<!tpu.dma_semaphore, #tpu.memory_space<semaphore_mem>>)
      } else {
      }
      %ge3A_43 = arith.constant 320000 : i32
      %ge3A_44 = arith.cmpi sge, %mul3A_37, %ge3A_43 : i32
      %convert_element_type3A_45 = arith.extui %ge3A_44 : i1 to i32
      %cond3A_46 = arith.constant 0 : i32
      %cond3A_47 = arith.cmpi ne, %convert_element_type3A_45, %cond3A_46 : i32
      scf.if %cond3A_47 {
        %sub3A = arith.constant 320000 : i32
        %sub3A_179 = arith.subi %mul3A_37, %sub3A : i32
        %dma_start3A_180 = tpu.memref_slice %arg5[%sub3A_179] : memref<7680xi32, #tpu.memory_space<hbm>> -> memref<128xi32, #tpu.memory_space<hbm>>
        %dma_start3A_181 = tpu.memref_slice %arg5[%sub3A_179] : memref<7680xi32, #tpu.memory_space<hbm>> -> memref<128xi32, #tpu.memory_space<hbm>>
        tpu.enqueue_dma source(%dma_start3A_181 : memref<128xi32, #tpu.memory_space<hbm>>) target(%arg13 : memref<128xi32, #tpu.memory_space<vmem>>) target_semaphore(%arg23 : memref<!tpu.dma_semaphore, #tpu.memory_space<semaphore_mem>>)
        %dma_start3A_182 = tpu.memref_slice %arg6[%sub3A_179] : memref<7680xi32, #tpu.memory_space<hbm>> -> memref<128xi32, #tpu.memory_space<hbm>>
        %dma_start3A_183 = tpu.memref_slice %arg6[%sub3A_179] : memref<7680xi32, #tpu.memory_space<hbm>> -> memref<128xi32, #tpu.memory_space<hbm>>
        tpu.enqueue_dma source(%dma_start3A_183 : memref<128xi32, #tpu.memory_space<hbm>>) target(%arg17 : memref<128xi32, #tpu.memory_space<vmem>>) target_semaphore(%arg23 : memref<!tpu.dma_semaphore, #tpu.memory_space<semaphore_mem>>)
      } else {
      }
      %dma_wait3A = arith.constant 0 : i32
      %dma_wait3A_48 = tpu.memref_slice %arg4[%dma_wait3A] : memref<320000xi32, #tpu.memory_space<hbm>> -> memref<128xi32, #tpu.memory_space<hbm>>
      %dma_wait3A_49 = arith.constant 0 : i32
      %dma_wait3A_50 = tpu.memref_slice %arg4[%dma_wait3A_49] : memref<320000xi32, #tpu.memory_space<hbm>> -> memref<128xi32, #tpu.memory_space<hbm>>
      tpu.wait_dma2 semaphore(%arg22 : memref<!tpu.dma_semaphore, #tpu.memory_space<semaphore_mem>>) src(%dma_wait3A_50 : memref<128xi32, #tpu.memory_space<hbm>>) dst(%arg12 : memref<128xi32, #tpu.memory_space<vmem>>)
      %dma_wait3A_51 = arith.constant 0 : i32
      %dma_wait3A_52 = tpu.memref_slice %arg3[%dma_wait3A_51] : memref<320000xi32, #tpu.memory_space<hbm>> -> memref<128xi32, #tpu.memory_space<hbm>>
      %dma_wait3A_53 = arith.constant 0 : i32
      %dma_wait3A_54 = tpu.memref_slice %arg3[%dma_wait3A_53] : memref<320000xi32, #tpu.memory_space<hbm>> -> memref<128xi32, #tpu.memory_space<hbm>>
      tpu.wait_dma2 semaphore(%arg22 : memref<!tpu.dma_semaphore, #tpu.memory_space<semaphore_mem>>) src(%dma_wait3A_54 : memref<128xi32, #tpu.memory_space<hbm>>) dst(%arg16 : memref<128xi32, #tpu.memory_space<vmem>>)
      %dma_start3A = arith.constant 1 : i32
      %dma_start3A_55 = arith.constant 0 : i32
      %dma_start3A_56 = arith.constant 0 : i32
      %dma_start3A_57 = tpu.memref_slice %arg2[%dma_start3A, %dma_start3A_55, %dma_start3A_56] : memref<2x10000x128xf32, #tpu.memory_space<hbm>> -> memref<1x10000x128xf32, #tpu.memory_space<hbm>>
      %dma_start3A_58 = tpu.memref_squeeze %dma_start3A_57 : memref<1x10000x128xf32, #tpu.memory_space<hbm>> -> memref<10000x128xf32, #tpu.memory_space<hbm>>
      %dma_start3A_59 = arith.constant 0 : i32
      %dma_start3A_60 = arith.constant 0 : i32
      %dma_start3A_61 = tpu.memref_slice %dma_start3A_58[%dma_start3A_59, %dma_start3A_60] : memref<10000x128xf32, #tpu.memory_space<hbm>> -> memref<10000x128xf32, #tpu.memory_space<hbm>>
      tpu.enqueue_indirect_dma source(%dma_start3A_61 : memref<10000x128xf32, #tpu.memory_space<hbm>>) target(%arg10 : memref<128x128xf32, #tpu.memory_space<vmem>>) offsets(%arg12 : memref<128xi32, #tpu.memory_space<vmem>>) semaphore(%arg20 : memref<!tpu.dma_semaphore, #tpu.memory_space<semaphore_mem>>)
      %mul3A_62 = arith.constant 160 : i32
      %mul3A_63 = arith.muli %arg1, %mul3A_62 : i32
      %add3A_64 = arith.constant 2 : i32
      %add3A_65 = arith.addi %mul3A_63, %add3A_64 : i32
      %mul3A_66 = arith.constant 128 : i32
      %mul3A_67 = arith.muli %add3A_65, %mul3A_66 : i32
      %lt3A_68 = arith.constant 320000 : i32
      %lt3A_69 = arith.cmpi slt, %mul3A_67, %lt3A_68 : i32
      %convert_element_type3A_70 = arith.extui %lt3A_69 : i1 to i32
      %cond3A_71 = arith.constant 0 : i32
      %cond3A_72 = arith.cmpi ne, %convert_element_type3A_70, %cond3A_71 : i32
      scf.if %cond3A_72 {
        %dma_start3A_179 = tpu.memref_slice %arg4[%mul3A_67] : memref<320000xi32, #tpu.memory_space<hbm>> -> memref<128xi32, #tpu.memory_space<hbm>>
        %dma_start3A_180 = tpu.memref_slice %arg4[%mul3A_67] : memref<320000xi32, #tpu.memory_space<hbm>> -> memref<128xi32, #tpu.memory_space<hbm>>
        tpu.enqueue_dma source(%dma_start3A_180 : memref<128xi32, #tpu.memory_space<hbm>>) target(%arg14 : memref<128xi32, #tpu.memory_space<vmem>>) target_semaphore(%arg24 : memref<!tpu.dma_semaphore, #tpu.memory_space<semaphore_mem>>)
        %dma_start3A_181 = tpu.memref_slice %arg3[%mul3A_67] : memref<320000xi32, #tpu.memory_space<hbm>> -> memref<128xi32, #tpu.memory_space<hbm>>
        %dma_start3A_182 = tpu.memref_slice %arg3[%mul3A_67] : memref<320000xi32, #tpu.memory_space<hbm>> -> memref<128xi32, #tpu.memory_space<hbm>>
        tpu.enqueue_dma source(%dma_start3A_182 : memref<128xi32, #tpu.memory_space<hbm>>) target(%arg18 : memref<128xi32, #tpu.memory_space<vmem>>) target_semaphore(%arg24 : memref<!tpu.dma_semaphore, #tpu.memory_space<semaphore_mem>>)
      } else {
      }
      %ge3A_73 = arith.constant 320000 : i32
      %ge3A_74 = arith.cmpi sge, %mul3A_67, %ge3A_73 : i32
      %convert_element_type3A_75 = arith.extui %ge3A_74 : i1 to i32
      %cond3A_76 = arith.constant 0 : i32
      %cond3A_77 = arith.cmpi ne, %convert_element_type3A_75, %cond3A_76 : i32
      scf.if %cond3A_77 {
        %sub3A = arith.constant 320000 : i32
        %sub3A_179 = arith.subi %mul3A_67, %sub3A : i32
        %dma_start3A_180 = tpu.memref_slice %arg5[%sub3A_179] : memref<7680xi32, #tpu.memory_space<hbm>> -> memref<128xi32, #tpu.memory_space<hbm>>
        %dma_start3A_181 = tpu.memref_slice %arg5[%sub3A_179] : memref<7680xi32, #tpu.memory_space<hbm>> -> memref<128xi32, #tpu.memory_space<hbm>>
        tpu.enqueue_dma source(%dma_start3A_181 : memref<128xi32, #tpu.memory_space<hbm>>) target(%arg14 : memref<128xi32, #tpu.memory_space<vmem>>) target_semaphore(%arg24 : memref<!tpu.dma_semaphore, #tpu.memory_space<semaphore_mem>>)
        %dma_start3A_182 = tpu.memref_slice %arg6[%sub3A_179] : memref<7680xi32, #tpu.memory_space<hbm>> -> memref<128xi32, #tpu.memory_space<hbm>>
        %dma_start3A_183 = tpu.memref_slice %arg6[%sub3A_179] : memref<7680xi32, #tpu.memory_space<hbm>> -> memref<128xi32, #tpu.memory_space<hbm>>
        tpu.enqueue_dma source(%dma_start3A_183 : memref<128xi32, #tpu.memory_space<hbm>>) target(%arg18 : memref<128xi32, #tpu.memory_space<vmem>>) target_semaphore(%arg24 : memref<!tpu.dma_semaphore, #tpu.memory_space<semaphore_mem>>)
      } else {
      }
      %scan3A = arith.constant 1 : i32
      %scan3A_78 = arith.constant 0 : i32
      %scan3A_79 = arith.constant 39 : i32
      %scan3A_80 = arith.addi %scan3A_78, %scan3A_79 : i32
      %scan3A_81 = arith.constant 1 : i32
      scf.for %scan3A_179 = %scan3A_78 to %scan3A_80 step %scan3A_81  : i32 {
        %mul3A_180 = arith.constant 1 : i32
        %mul3A_181 = arith.muli %scan3A_179, %mul3A_180 : i32
        %add3A_182 = arith.constant 0 : i32
        %add3A_183 = arith.addi %add3A_182, %mul3A_181 : i32
        %mul3A_184 = arith.constant 4 : i32
        %mul3A_185 = arith.muli %mul3A_184, %add3A_183 : i32
        %add3A_186 = arith.constant 0 : i32
        %add3A_187 = arith.addi %mul3A_185, %add3A_186 : i32
        %add3A_188 = arith.constant 1 : i32
        %add3A_189 = arith.addi %add3A_187, %add3A_188 : i32
        %dma_wait3A_190 = arith.constant 0 : i32
        %dma_wait3A_191 = tpu.memref_slice %arg4[%dma_wait3A_190] : memref<320000xi32, #tpu.memory_space<hbm>> -> memref<128xi32, #tpu.memory_space<hbm>>
        %dma_wait3A_192 = arith.constant 0 : i32
        %dma_wait3A_193 = tpu.memref_slice %arg4[%dma_wait3A_192] : memref<320000xi32, #tpu.memory_space<hbm>> -> memref<128xi32, #tpu.memory_space<hbm>>
        tpu.wait_dma2 semaphore(%arg23 : memref<!tpu.dma_semaphore, #tpu.memory_space<semaphore_mem>>) src(%dma_wait3A_193 : memref<128xi32, #tpu.memory_space<hbm>>) dst(%arg13 : memref<128xi32, #tpu.memory_space<vmem>>)
        %dma_wait3A_194 = arith.constant 0 : i32
        %dma_wait3A_195 = tpu.memref_slice %arg3[%dma_wait3A_194] : memref<320000xi32, #tpu.memory_space<hbm>> -> memref<128xi32, #tpu.memory_space<hbm>>
        %dma_wait3A_196 = arith.constant 0 : i32
        %dma_wait3A_197 = tpu.memref_slice %arg3[%dma_wait3A_196] : memref<320000xi32, #tpu.memory_space<hbm>> -> memref<128xi32, #tpu.memory_space<hbm>>
        tpu.wait_dma2 semaphore(%arg23 : memref<!tpu.dma_semaphore, #tpu.memory_space<semaphore_mem>>) src(%dma_wait3A_197 : memref<128xi32, #tpu.memory_space<hbm>>) dst(%arg17 : memref<128xi32, #tpu.memory_space<vmem>>)
        %dma_start3A_198 = arith.constant 0 : i32
        %dma_start3A_199 = arith.constant 0 : i32
        %dma_start3A_200 = tpu.memref_slice %arg2[%scan3A, %dma_start3A_198, %dma_start3A_199] : memref<2x10000x128xf32, #tpu.memory_space<hbm>> -> memref<1x10000x128xf32, #tpu.memory_space<hbm>>
        %dma_start3A_201 = tpu.memref_squeeze %dma_start3A_200 : memref<1x10000x128xf32, #tpu.memory_space<hbm>> -> memref<10000x128xf32, #tpu.memory_space<hbm>>
        %dma_start3A_202 = arith.constant 0 : i32
        %dma_start3A_203 = arith.constant 0 : i32
        %dma_start3A_204 = tpu.memref_slice %dma_start3A_201[%dma_start3A_202, %dma_start3A_203] : memref<10000x128xf32, #tpu.memory_space<hbm>> -> memref<10000x128xf32, #tpu.memory_space<hbm>>
        tpu.enqueue_indirect_dma source(%dma_start3A_204 : memref<10000x128xf32, #tpu.memory_space<hbm>>) target(%arg11 : memref<128x128xf32, #tpu.memory_space<vmem>>) offsets(%arg13 : memref<128xi32, #tpu.memory_space<vmem>>) semaphore(%arg21 : memref<!tpu.dma_semaphore, #tpu.memory_space<semaphore_mem>>)
        %add3A_205 = arith.constant 2 : i32
        %add3A_206 = arith.addi %add3A_189, %add3A_205 : i32
        %mul3A_207 = arith.constant 160 : i32
        %mul3A_208 = arith.muli %arg1, %mul3A_207 : i32
        %add3A_209 = arith.addi %mul3A_208, %add3A_206 : i32
        %mul3A_210 = arith.constant 128 : i32
        %mul3A_211 = arith.muli %add3A_209, %mul3A_210 : i32
        %lt3A_212 = arith.constant 320000 : i32
        %lt3A_213 = arith.cmpi slt, %mul3A_211, %lt3A_212 : i32
        %convert_element_type3A_214 = arith.extui %lt3A_213 : i1 to i32
        %cond3A_215 = arith.constant 0 : i32
        %cond3A_216 = arith.cmpi ne, %convert_element_type3A_214, %cond3A_215 : i32
        scf.if %cond3A_216 {
          %dma_start3A_364 = tpu.memref_slice %arg4[%mul3A_211] : memref<320000xi32, #tpu.memory_space<hbm>> -> memref<128xi32, #tpu.memory_space<hbm>>
          %dma_start3A_365 = tpu.memref_slice %arg4[%mul3A_211] : memref<320000xi32, #tpu.memory_space<hbm>> -> memref<128xi32, #tpu.memory_space<hbm>>
          tpu.enqueue_dma source(%dma_start3A_365 : memref<128xi32, #tpu.memory_space<hbm>>) target(%arg15 : memref<128xi32, #tpu.memory_space<vmem>>) target_semaphore(%arg25 : memref<!tpu.dma_semaphore, #tpu.memory_space<semaphore_mem>>)
          %dma_start3A_366 = tpu.memref_slice %arg3[%mul3A_211] : memref<320000xi32, #tpu.memory_space<hbm>> -> memref<128xi32, #tpu.memory_space<hbm>>
          %dma_start3A_367 = tpu.memref_slice %arg3[%mul3A_211] : memref<320000xi32, #tpu.memory_space<hbm>> -> memref<128xi32, #tpu.memory_space<hbm>>
          tpu.enqueue_dma source(%dma_start3A_367 : memref<128xi32, #tpu.memory_space<hbm>>) target(%arg19 : memref<128xi32, #tpu.memory_space<vmem>>) target_semaphore(%arg25 : memref<!tpu.dma_semaphore, #tpu.memory_space<semaphore_mem>>)
        } else {
        }
        %ge3A_217 = arith.constant 320000 : i32
        %ge3A_218 = arith.cmpi sge, %mul3A_211, %ge3A_217 : i32
        %convert_element_type3A_219 = arith.extui %ge3A_218 : i1 to i32
        %cond3A_220 = arith.constant 0 : i32
        %cond3A_221 = arith.cmpi ne, %convert_element_type3A_219, %cond3A_220 : i32
        scf.if %cond3A_221 {
          %sub3A = arith.constant 320000 : i32
          %sub3A_364 = arith.subi %mul3A_211, %sub3A : i32
          %dma_start3A_365 = tpu.memref_slice %arg5[%sub3A_364] : memref<7680xi32, #tpu.memory_space<hbm>> -> memref<128xi32, #tpu.memory_space<hbm>>
          %dma_start3A_366 = tpu.memref_slice %arg5[%sub3A_364] : memref<7680xi32, #tpu.memory_space<hbm>> -> memref<128xi32, #tpu.memory_space<hbm>>
          tpu.enqueue_dma source(%dma_start3A_366 : memref<128xi32, #tpu.memory_space<hbm>>) target(%arg15 : memref<128xi32, #tpu.memory_space<vmem>>) target_semaphore(%arg25 : memref<!tpu.dma_semaphore, #tpu.memory_space<semaphore_mem>>)
          %dma_start3A_367 = tpu.memref_slice %arg6[%sub3A_364] : memref<7680xi32, #tpu.memory_space<hbm>> -> memref<128xi32, #tpu.memory_space<hbm>>
          %dma_start3A_368 = tpu.memref_slice %arg6[%sub3A_364] : memref<7680xi32, #tpu.memory_space<hbm>> -> memref<128xi32, #tpu.memory_space<hbm>>
          tpu.enqueue_dma source(%dma_start3A_368 : memref<128xi32, #tpu.memory_space<hbm>>) target(%arg19 : memref<128xi32, #tpu.memory_space<vmem>>) target_semaphore(%arg25 : memref<!tpu.dma_semaphore, #tpu.memory_space<semaphore_mem>>)
        } else {
        }
        %dma_wait3A_222 = arith.constant 0 : i32
        %dma_wait3A_223 = arith.constant 0 : i32
        %dma_wait3A_224 = tpu.memref_slice %arg2[%scan3A, %dma_wait3A_222, %dma_wait3A_223] : memref<2x10000x128xf32, #tpu.memory_space<hbm>> -> memref<1x10000x128xf32, #tpu.memory_space<hbm>>
        %dma_wait3A_225 = tpu.memref_squeeze %dma_wait3A_224 : memref<1x10000x128xf32, #tpu.memory_space<hbm>> -> memref<10000x128xf32, #tpu.memory_space<hbm>>
        %dma_wait3A_226 = arith.constant 0 : i32
        %dma_wait3A_227 = arith.constant 0 : i32
        %dma_wait3A_228 = tpu.memref_slice %dma_wait3A_225[%dma_wait3A_226, %dma_wait3A_227] : memref<10000x128xf32, #tpu.memory_space<hbm>> -> memref<10000x128xf32, #tpu.memory_space<hbm>>
        tpu.wait_indirect_dma semaphore(%arg20 : memref<!tpu.dma_semaphore, #tpu.memory_space<semaphore_mem>>) src(%dma_wait3A_228 : memref<10000x128xf32, #tpu.memory_space<hbm>>) dst(%arg10 : memref<128x128xf32, #tpu.memory_space<vmem>>)
        "tpu.region"() ({
          %run_scoped3A = tpu.sem_alloc : memref<!tpu.dma_semaphore, #tpu.memory_space<semaphore_mem>>
          %dma_start3A_364 = arith.constant 0 : i32
          %dma_start3A_365 = arith.constant 0 : i32
          %dma_start3A_366 = tpu.memref_slice %arg9[%dma_start3A_364, %dma_start3A_365] : memref<10240x128xf32, #tpu.memory_space<vmem_shared>> -> memref<10240x128xf32, #tpu.memory_space<vmem_shared>>
          tpu.enqueue_indirect_dma source(%arg10 : memref<128x128xf32, #tpu.memory_space<vmem>>) target(%dma_start3A_366 : memref<10240x128xf32, #tpu.memory_space<vmem_shared>>) offsets(%arg16 : memref<128xi32, #tpu.memory_space<vmem>>) semaphore(%run_scoped3A : memref<!tpu.dma_semaphore, #tpu.memory_space<semaphore_mem>>) {add = true}
          %dma_wait3A_367 = arith.constant 0 : i32
          %dma_wait3A_368 = arith.constant 0 : i32
          %dma_wait3A_369 = tpu.memref_slice %arg9[%dma_wait3A_367, %dma_wait3A_368] : memref<10240x128xf32, #tpu.memory_space<vmem_shared>> -> memref<10240x128xf32, #tpu.memory_space<vmem_shared>>
          tpu.wait_indirect_dma semaphore(%run_scoped3A : memref<!tpu.dma_semaphore, #tpu.memory_space<semaphore_mem>>) src(%arg10 : memref<128x128xf32, #tpu.memory_space<vmem>>) dst(%dma_wait3A_369 : memref<10240x128xf32, #tpu.memory_space<vmem_shared>>)
          tpu.yield
        }) : () -> ()
        %mul3A_229 = arith.constant 4 : i32
        %mul3A_230 = arith.muli %mul3A_229, %add3A_183 : i32
        %add3A_231 = arith.constant 1 : i32
        %add3A_232 = arith.addi %mul3A_230, %add3A_231 : i32
        %add3A_233 = arith.constant 1 : i32
        %add3A_234 = arith.addi %add3A_232, %add3A_233 : i32
        %dma_wait3A_235 = arith.constant 0 : i32
        %dma_wait3A_236 = tpu.memref_slice %arg4[%dma_wait3A_235] : memref<320000xi32, #tpu.memory_space<hbm>> -> memref<128xi32, #tpu.memory_space<hbm>>
        %dma_wait3A_237 = arith.constant 0 : i32
        %dma_wait3A_238 = tpu.memref_slice %arg4[%dma_wait3A_237] : memref<320000xi32, #tpu.memory_space<hbm>> -> memref<128xi32, #tpu.memory_space<hbm>>
        tpu.wait_dma2 semaphore(%arg24 : memref<!tpu.dma_semaphore, #tpu.memory_space<semaphore_mem>>) src(%dma_wait3A_238 : memref<128xi32, #tpu.memory_space<hbm>>) dst(%arg14 : memref<128xi32, #tpu.memory_space<vmem>>)
        %dma_wait3A_239 = arith.constant 0 : i32
        %dma_wait3A_240 = tpu.memref_slice %arg3[%dma_wait3A_239] : memref<320000xi32, #tpu.memory_space<hbm>> -> memref<128xi32, #tpu.memory_space<hbm>>
        %dma_wait3A_241 = arith.constant 0 : i32
        %dma_wait3A_242 = tpu.memref_slice %arg3[%dma_wait3A_241] : memref<320000xi32, #tpu.memory_space<hbm>> -> memref<128xi32, #tpu.memory_space<hbm>>
        tpu.wait_dma2 semaphore(%arg24 : memref<!tpu.dma_semaphore, #tpu.memory_space<semaphore_mem>>) src(%dma_wait3A_242 : memref<128xi32, #tpu.memory_space<hbm>>) dst(%arg18 : memref<128xi32, #tpu.memory_space<vmem>>)
        %dma_start3A_243 = arith.constant 0 : i32
        %dma_start3A_244 = arith.constant 0 : i32
        %dma_start3A_245 = tpu.memref_slice %arg2[%scan3A, %dma_start3A_243, %dma_start3A_244] : memref<2x10000x128xf32, #tpu.memory_space<hbm>> -> memref<1x10000x128xf32, #tpu.memory_space<hbm>>
        %dma_start3A_246 = tpu.memref_squeeze %dma_start3A_245 : memref<1x10000x128xf32, #tpu.memory_space<hbm>> -> memref<10000x128xf32, #tpu.memory_space<hbm>>
        %dma_start3A_247 = arith.constant 0 : i32
        %dma_start3A_248 = arith.constant 0 : i32
        %dma_start3A_249 = tpu.memref_slice %dma_start3A_246[%dma_start3A_247, %dma_start3A_248] : memref<10000x128xf32, #tpu.memory_space<hbm>> -> memref<10000x128xf32, #tpu.memory_space<hbm>>
        tpu.enqueue_indirect_dma source(%dma_start3A_249 : memref<10000x128xf32, #tpu.memory_space<hbm>>) target(%arg10 : memref<128x128xf32, #tpu.memory_space<vmem>>) offsets(%arg14 : memref<128xi32, #tpu.memory_space<vmem>>) semaphore(%arg20 : memref<!tpu.dma_semaphore, #tpu.memory_space<semaphore_mem>>)
        %add3A_250 = arith.constant 2 : i32
        %add3A_251 = arith.addi %add3A_234, %add3A_250 : i32
        %mul3A_252 = arith.constant 160 : i32
        %mul3A_253 = arith.muli %arg1, %mul3A_252 : i32
        %add3A_254 = arith.addi %mul3A_253, %add3A_251 : i32
        %mul3A_255 = arith.constant 128 : i32
        %mul3A_256 = arith.muli %add3A_254, %mul3A_255 : i32
        %lt3A_257 = arith.constant 320000 : i32
        %lt3A_258 = arith.cmpi slt, %mul3A_256, %lt3A_257 : i32
        %convert_element_type3A_259 = arith.extui %lt3A_258 : i1 to i32
        %cond3A_260 = arith.constant 0 : i32
        %cond3A_261 = arith.cmpi ne, %convert_element_type3A_259, %cond3A_260 : i32
        scf.if %cond3A_261 {
          %dma_start3A_364 = tpu.memref_slice %arg4[%mul3A_256] : memref<320000xi32, #tpu.memory_space<hbm>> -> memref<128xi32, #tpu.memory_space<hbm>>
          %dma_start3A_365 = tpu.memref_slice %arg4[%mul3A_256] : memref<320000xi32, #tpu.memory_space<hbm>> -> memref<128xi32, #tpu.memory_space<hbm>>
          tpu.enqueue_dma source(%dma_start3A_365 : memref<128xi32, #tpu.memory_space<hbm>>) target(%arg12 : memref<128xi32, #tpu.memory_space<vmem>>) target_semaphore(%arg22 : memref<!tpu.dma_semaphore, #tpu.memory_space<semaphore_mem>>)
          %dma_start3A_366 = tpu.memref_slice %arg3[%mul3A_256] : memref<320000xi32, #tpu.memory_space<hbm>> -> memref<128xi32, #tpu.memory_space<hbm>>
          %dma_start3A_367 = tpu.memref_slice %arg3[%mul3A_256] : memref<320000xi32, #tpu.memory_space<hbm>> -> memref<128xi32, #tpu.memory_space<hbm>>
          tpu.enqueue_dma source(%dma_start3A_367 : memref<128xi32, #tpu.memory_space<hbm>>) target(%arg16 : memref<128xi32, #tpu.memory_space<vmem>>) target_semaphore(%arg22 : memref<!tpu.dma_semaphore, #tpu.memory_space<semaphore_mem>>)
        } else {
        }
        %ge3A_262 = arith.constant 320000 : i32
        %ge3A_263 = arith.cmpi sge, %mul3A_256, %ge3A_262 : i32
        %convert_element_type3A_264 = arith.extui %ge3A_263 : i1 to i32
        %cond3A_265 = arith.constant 0 : i32
        %cond3A_266 = arith.cmpi ne, %convert_element_type3A_264, %cond3A_265 : i32
        scf.if %cond3A_266 {
          %sub3A = arith.constant 320000 : i32
          %sub3A_364 = arith.subi %mul3A_256, %sub3A : i32
          %dma_start3A_365 = tpu.memref_slice %arg5[%sub3A_364] : memref<7680xi32, #tpu.memory_space<hbm>> -> memref<128xi32, #tpu.memory_space<hbm>>
          %dma_start3A_366 = tpu.memref_slice %arg5[%sub3A_364] : memref<7680xi32, #tpu.memory_space<hbm>> -> memref<128xi32, #tpu.memory_space<hbm>>
          tpu.enqueue_dma source(%dma_start3A_366 : memref<128xi32, #tpu.memory_space<hbm>>) target(%arg12 : memref<128xi32, #tpu.memory_space<vmem>>) target_semaphore(%arg22 : memref<!tpu.dma_semaphore, #tpu.memory_space<semaphore_mem>>)
          %dma_start3A_367 = tpu.memref_slice %arg6[%sub3A_364] : memref<7680xi32, #tpu.memory_space<hbm>> -> memref<128xi32, #tpu.memory_space<hbm>>
          %dma_start3A_368 = tpu.memref_slice %arg6[%sub3A_364] : memref<7680xi32, #tpu.memory_space<hbm>> -> memref<128xi32, #tpu.memory_space<hbm>>
          tpu.enqueue_dma source(%dma_start3A_368 : memref<128xi32, #tpu.memory_space<hbm>>) target(%arg16 : memref<128xi32, #tpu.memory_space<vmem>>) target_semaphore(%arg22 : memref<!tpu.dma_semaphore, #tpu.memory_space<semaphore_mem>>)
        } else {
        }
        %dma_wait3A_267 = arith.constant 0 : i32
        %dma_wait3A_268 = arith.constant 0 : i32
        %dma_wait3A_269 = tpu.memref_slice %arg2[%scan3A, %dma_wait3A_267, %dma_wait3A_268] : memref<2x10000x128xf32, #tpu.memory_space<hbm>> -> memref<1x10000x128xf32, #tpu.memory_space<hbm>>
        %dma_wait3A_270 = tpu.memref_squeeze %dma_wait3A_269 : memref<1x10000x128xf32, #tpu.memory_space<hbm>> -> memref<10000x128xf32, #tpu.memory_space<hbm>>
        %dma_wait3A_271 = arith.constant 0 : i32
        %dma_wait3A_272 = arith.constant 0 : i32
        %dma_wait3A_273 = tpu.memref_slice %dma_wait3A_270[%dma_wait3A_271, %dma_wait3A_272] : memref<10000x128xf32, #tpu.memory_space<hbm>> -> memref<10000x128xf32, #tpu.memory_space<hbm>>
        tpu.wait_indirect_dma semaphore(%arg21 : memref<!tpu.dma_semaphore, #tpu.memory_space<semaphore_mem>>) src(%dma_wait3A_273 : memref<10000x128xf32, #tpu.memory_space<hbm>>) dst(%arg11 : memref<128x128xf32, #tpu.memory_space<vmem>>)
        "tpu.region"() ({
          %run_scoped3A = tpu.sem_alloc : memref<!tpu.dma_semaphore, #tpu.memory_space<semaphore_mem>>
          %dma_start3A_364 = arith.constant 0 : i32
          %dma_start3A_365 = arith.constant 0 : i32
          %dma_start3A_366 = tpu.memref_slice %arg9[%dma_start3A_364, %dma_start3A_365] : memref<10240x128xf32, #tpu.memory_space<vmem_shared>> -> memref<10240x128xf32, #tpu.memory_space<vmem_shared>>
          tpu.enqueue_indirect_dma source(%arg11 : memref<128x128xf32, #tpu.memory_space<vmem>>) target(%dma_start3A_366 : memref<10240x128xf32, #tpu.memory_space<vmem_shared>>) offsets(%arg17 : memref<128xi32, #tpu.memory_space<vmem>>) semaphore(%run_scoped3A : memref<!tpu.dma_semaphore, #tpu.memory_space<semaphore_mem>>) {add = true}
          %dma_wait3A_367 = arith.constant 0 : i32
          %dma_wait3A_368 = arith.constant 0 : i32
          %dma_wait3A_369 = tpu.memref_slice %arg9[%dma_wait3A_367, %dma_wait3A_368] : memref<10240x128xf32, #tpu.memory_space<vmem_shared>> -> memref<10240x128xf32, #tpu.memory_space<vmem_shared>>
          tpu.wait_indirect_dma semaphore(%run_scoped3A : memref<!tpu.dma_semaphore, #tpu.memory_space<semaphore_mem>>) src(%arg11 : memref<128x128xf32, #tpu.memory_space<vmem>>) dst(%dma_wait3A_369 : memref<10240x128xf32, #tpu.memory_space<vmem_shared>>)
          tpu.yield
        }) : () -> ()
        %mul3A_274 = arith.constant 4 : i32
        %mul3A_275 = arith.muli %mul3A_274, %add3A_183 : i32
        %add3A_276 = arith.constant 2 : i32
        %add3A_277 = arith.addi %mul3A_275, %add3A_276 : i32
        %add3A_278 = arith.constant 1 : i32
        %add3A_279 = arith.addi %add3A_277, %add3A_278 : i32
        %dma_wait3A_280 = arith.constant 0 : i32
        %dma_wait3A_281 = tpu.memref_slice %arg4[%dma_wait3A_280] : memref<320000xi32, #tpu.memory_space<hbm>> -> memref<128xi32, #tpu.memory_space<hbm>>
        %dma_wait3A_282 = arith.constant 0 : i32
        %dma_wait3A_283 = tpu.memref_slice %arg4[%dma_wait3A_282] : memref<320000xi32, #tpu.memory_space<hbm>> -> memref<128xi32, #tpu.memory_space<hbm>>
        tpu.wait_dma2 semaphore(%arg25 : memref<!tpu.dma_semaphore, #tpu.memory_space<semaphore_mem>>) src(%dma_wait3A_283 : memref<128xi32, #tpu.memory_space<hbm>>) dst(%arg15 : memref<128xi32, #tpu.memory_space<vmem>>)
        %dma_wait3A_284 = arith.constant 0 : i32
        %dma_wait3A_285 = tpu.memref_slice %arg3[%dma_wait3A_284] : memref<320000xi32, #tpu.memory_space<hbm>> -> memref<128xi32, #tpu.memory_space<hbm>>
        %dma_wait3A_286 = arith.constant 0 : i32
        %dma_wait3A_287 = tpu.memref_slice %arg3[%dma_wait3A_286] : memref<320000xi32, #tpu.memory_space<hbm>> -> memref<128xi32, #tpu.memory_space<hbm>>
        tpu.wait_dma2 semaphore(%arg25 : memref<!tpu.dma_semaphore, #tpu.memory_space<semaphore_mem>>) src(%dma_wait3A_287 : memref<128xi32, #tpu.memory_space<hbm>>) dst(%arg19 : memref<128xi32, #tpu.memory_space<vmem>>)
        %dma_start3A_288 = arith.constant 0 : i32
        %dma_start3A_289 = arith.constant 0 : i32
        %dma_start3A_290 = tpu.memref_slice %arg2[%scan3A, %dma_start3A_288, %dma_start3A_289] : memref<2x10000x128xf32, #tpu.memory_space<hbm>> -> memref<1x10000x128xf32, #tpu.memory_space<hbm>>
        %dma_start3A_291 = tpu.memref_squeeze %dma_start3A_290 : memref<1x10000x128xf32, #tpu.memory_space<hbm>> -> memref<10000x128xf32, #tpu.memory_space<hbm>>
        %dma_start3A_292 = arith.constant 0 : i32
        %dma_start3A_293 = arith.constant 0 : i32
        %dma_start3A_294 = tpu.memref_slice %dma_start3A_291[%dma_start3A_292, %dma_start3A_293] : memref<10000x128xf32, #tpu.memory_space<hbm>> -> memref<10000x128xf32, #tpu.memory_space<hbm>>
        tpu.enqueue_indirect_dma source(%dma_start3A_294 : memref<10000x128xf32, #tpu.memory_space<hbm>>) target(%arg11 : memref<128x128xf32, #tpu.memory_space<vmem>>) offsets(%arg15 : memref<128xi32, #tpu.memory_space<vmem>>) semaphore(%arg21 : memref<!tpu.dma_semaphore, #tpu.memory_space<semaphore_mem>>)
        %add3A_295 = arith.constant 2 : i32
        %add3A_296 = arith.addi %add3A_279, %add3A_295 : i32
        %mul3A_297 = arith.constant 160 : i32
        %mul3A_298 = arith.muli %arg1, %mul3A_297 : i32
        %add3A_299 = arith.addi %mul3A_298, %add3A_296 : i32
        %mul3A_300 = arith.constant 128 : i32
        %mul3A_301 = arith.muli %add3A_299, %mul3A_300 : i32
        %lt3A_302 = arith.constant 320000 : i32
        %lt3A_303 = arith.cmpi slt, %mul3A_301, %lt3A_302 : i32
        %convert_element_type3A_304 = arith.extui %lt3A_303 : i1 to i32
        %cond3A_305 = arith.constant 0 : i32
        %cond3A_306 = arith.cmpi ne, %convert_element_type3A_304, %cond3A_305 : i32
        scf.if %cond3A_306 {
          %dma_start3A_364 = tpu.memref_slice %arg4[%mul3A_301] : memref<320000xi32, #tpu.memory_space<hbm>> -> memref<128xi32, #tpu.memory_space<hbm>>
          %dma_start3A_365 = tpu.memref_slice %arg4[%mul3A_301] : memref<320000xi32, #tpu.memory_space<hbm>> -> memref<128xi32, #tpu.memory_space<hbm>>
          tpu.enqueue_dma source(%dma_start3A_365 : memref<128xi32, #tpu.memory_space<hbm>>) target(%arg13 : memref<128xi32, #tpu.memory_space<vmem>>) target_semaphore(%arg23 : memref<!tpu.dma_semaphore, #tpu.memory_space<semaphore_mem>>)
          %dma_start3A_366 = tpu.memref_slice %arg3[%mul3A_301] : memref<320000xi32, #tpu.memory_space<hbm>> -> memref<128xi32, #tpu.memory_space<hbm>>
          %dma_start3A_367 = tpu.memref_slice %arg3[%mul3A_301] : memref<320000xi32, #tpu.memory_space<hbm>> -> memref<128xi32, #tpu.memory_space<hbm>>
          tpu.enqueue_dma source(%dma_start3A_367 : memref<128xi32, #tpu.memory_space<hbm>>) target(%arg17 : memref<128xi32, #tpu.memory_space<vmem>>) target_semaphore(%arg23 : memref<!tpu.dma_semaphore, #tpu.memory_space<semaphore_mem>>)
        } else {
        }
        %ge3A_307 = arith.constant 320000 : i32
        %ge3A_308 = arith.cmpi sge, %mul3A_301, %ge3A_307 : i32
        %convert_element_type3A_309 = arith.extui %ge3A_308 : i1 to i32
        %cond3A_310 = arith.constant 0 : i32
        %cond3A_311 = arith.cmpi ne, %convert_element_type3A_309, %cond3A_310 : i32
        scf.if %cond3A_311 {
          %sub3A = arith.constant 320000 : i32
          %sub3A_364 = arith.subi %mul3A_301, %sub3A : i32
          %dma_start3A_365 = tpu.memref_slice %arg5[%sub3A_364] : memref<7680xi32, #tpu.memory_space<hbm>> -> memref<128xi32, #tpu.memory_space<hbm>>
          %dma_start3A_366 = tpu.memref_slice %arg5[%sub3A_364] : memref<7680xi32, #tpu.memory_space<hbm>> -> memref<128xi32, #tpu.memory_space<hbm>>
          tpu.enqueue_dma source(%dma_start3A_366 : memref<128xi32, #tpu.memory_space<hbm>>) target(%arg13 : memref<128xi32, #tpu.memory_space<vmem>>) target_semaphore(%arg23 : memref<!tpu.dma_semaphore, #tpu.memory_space<semaphore_mem>>)
          %dma_start3A_367 = tpu.memref_slice %arg6[%sub3A_364] : memref<7680xi32, #tpu.memory_space<hbm>> -> memref<128xi32, #tpu.memory_space<hbm>>
          %dma_start3A_368 = tpu.memref_slice %arg6[%sub3A_364] : memref<7680xi32, #tpu.memory_space<hbm>> -> memref<128xi32, #tpu.memory_space<hbm>>
          tpu.enqueue_dma source(%dma_start3A_368 : memref<128xi32, #tpu.memory_space<hbm>>) target(%arg17 : memref<128xi32, #tpu.memory_space<vmem>>) target_semaphore(%arg23 : memref<!tpu.dma_semaphore, #tpu.memory_space<semaphore_mem>>)
        } else {
        }
        %dma_wait3A_312 = arith.constant 0 : i32
        %dma_wait3A_313 = arith.constant 0 : i32
        %dma_wait3A_314 = tpu.memref_slice %arg2[%scan3A, %dma_wait3A_312, %dma_wait3A_313] : memref<2x10000x128xf32, #tpu.memory_space<hbm>> -> memref<1x10000x128xf32, #tpu.memory_space<hbm>>
        %dma_wait3A_315 = tpu.memref_squeeze %dma_wait3A_314 : memref<1x10000x128xf32, #tpu.memory_space<hbm>> -> memref<10000x128xf32, #tpu.memory_space<hbm>>
        %dma_wait3A_316 = arith.constant 0 : i32
        %dma_wait3A_317 = arith.constant 0 : i32
        %dma_wait3A_318 = tpu.memref_slice %dma_wait3A_315[%dma_wait3A_316, %dma_wait3A_317] : memref<10000x128xf32, #tpu.memory_space<hbm>> -> memref<10000x128xf32, #tpu.memory_space<hbm>>
        tpu.wait_indirect_dma semaphore(%arg20 : memref<!tpu.dma_semaphore, #tpu.memory_space<semaphore_mem>>) src(%dma_wait3A_318 : memref<10000x128xf32, #tpu.memory_space<hbm>>) dst(%arg10 : memref<128x128xf32, #tpu.memory_space<vmem>>)
        "tpu.region"() ({
          %run_scoped3A = tpu.sem_alloc : memref<!tpu.dma_semaphore, #tpu.memory_space<semaphore_mem>>
          %dma_start3A_364 = arith.constant 0 : i32
          %dma_start3A_365 = arith.constant 0 : i32
          %dma_start3A_366 = tpu.memref_slice %arg9[%dma_start3A_364, %dma_start3A_365] : memref<10240x128xf32, #tpu.memory_space<vmem_shared>> -> memref<10240x128xf32, #tpu.memory_space<vmem_shared>>
          tpu.enqueue_indirect_dma source(%arg10 : memref<128x128xf32, #tpu.memory_space<vmem>>) target(%dma_start3A_366 : memref<10240x128xf32, #tpu.memory_space<vmem_shared>>) offsets(%arg18 : memref<128xi32, #tpu.memory_space<vmem>>) semaphore(%run_scoped3A : memref<!tpu.dma_semaphore, #tpu.memory_space<semaphore_mem>>) {add = true}
          %dma_wait3A_367 = arith.constant 0 : i32
          %dma_wait3A_368 = arith.constant 0 : i32
          %dma_wait3A_369 = tpu.memref_slice %arg9[%dma_wait3A_367, %dma_wait3A_368] : memref<10240x128xf32, #tpu.memory_space<vmem_shared>> -> memref<10240x128xf32, #tpu.memory_space<vmem_shared>>
          tpu.wait_indirect_dma semaphore(%run_scoped3A : memref<!tpu.dma_semaphore, #tpu.memory_space<semaphore_mem>>) src(%arg10 : memref<128x128xf32, #tpu.memory_space<vmem>>) dst(%dma_wait3A_369 : memref<10240x128xf32, #tpu.memory_space<vmem_shared>>)
          tpu.yield
        }) : () -> ()
        %mul3A_319 = arith.constant 4 : i32
        %mul3A_320 = arith.muli %mul3A_319, %add3A_183 : i32
        %add3A_321 = arith.constant 3 : i32
        %add3A_322 = arith.addi %mul3A_320, %add3A_321 : i32
        %add3A_323 = arith.constant 1 : i32
        %add3A_324 = arith.addi %add3A_322, %add3A_323 : i32
        %dma_wait3A_325 = arith.constant 0 : i32
        %dma_wait3A_326 = tpu.memref_slice %arg4[%dma_wait3A_325] : memref<320000xi32, #tpu.memory_space<hbm>> -> memref<128xi32, #tpu.memory_space<hbm>>
        %dma_wait3A_327 = arith.constant 0 : i32
        %dma_wait3A_328 = tpu.memref_slice %arg4[%dma_wait3A_327] : memref<320000xi32, #tpu.memory_space<hbm>> -> memref<128xi32, #tpu.memory_space<hbm>>
        tpu.wait_dma2 semaphore(%arg22 : memref<!tpu.dma_semaphore, #tpu.memory_space<semaphore_mem>>) src(%dma_wait3A_328 : memref<128xi32, #tpu.memory_space<hbm>>) dst(%arg12 : memref<128xi32, #tpu.memory_space<vmem>>)
        %dma_wait3A_329 = arith.constant 0 : i32
        %dma_wait3A_330 = tpu.memref_slice %arg3[%dma_wait3A_329] : memref<320000xi32, #tpu.memory_space<hbm>> -> memref<128xi32, #tpu.memory_space<hbm>>
        %dma_wait3A_331 = arith.constant 0 : i32
        %dma_wait3A_332 = tpu.memref_slice %arg3[%dma_wait3A_331] : memref<320000xi32, #tpu.memory_space<hbm>> -> memref<128xi32, #tpu.memory_space<hbm>>
        tpu.wait_dma2 semaphore(%arg22 : memref<!tpu.dma_semaphore, #tpu.memory_space<semaphore_mem>>) src(%dma_wait3A_332 : memref<128xi32, #tpu.memory_space<hbm>>) dst(%arg16 : memref<128xi32, #tpu.memory_space<vmem>>)
        %dma_start3A_333 = arith.constant 0 : i32
        %dma_start3A_334 = arith.constant 0 : i32
        %dma_start3A_335 = tpu.memref_slice %arg2[%scan3A, %dma_start3A_333, %dma_start3A_334] : memref<2x10000x128xf32, #tpu.memory_space<hbm>> -> memref<1x10000x128xf32, #tpu.memory_space<hbm>>
        %dma_start3A_336 = tpu.memref_squeeze %dma_start3A_335 : memref<1x10000x128xf32, #tpu.memory_space<hbm>> -> memref<10000x128xf32, #tpu.memory_space<hbm>>
        %dma_start3A_337 = arith.constant 0 : i32
        %dma_start3A_338 = arith.constant 0 : i32
        %dma_start3A_339 = tpu.memref_slice %dma_start3A_336[%dma_start3A_337, %dma_start3A_338] : memref<10000x128xf32, #tpu.memory_space<hbm>> -> memref<10000x128xf32, #tpu.memory_space<hbm>>
        tpu.enqueue_indirect_dma source(%dma_start3A_339 : memref<10000x128xf32, #tpu.memory_space<hbm>>) target(%arg10 : memref<128x128xf32, #tpu.memory_space<vmem>>) offsets(%arg12 : memref<128xi32, #tpu.memory_space<vmem>>) semaphore(%arg20 : memref<!tpu.dma_semaphore, #tpu.memory_space<semaphore_mem>>)
        %add3A_340 = arith.constant 2 : i32
        %add3A_341 = arith.addi %add3A_324, %add3A_340 : i32
        %mul3A_342 = arith.constant 160 : i32
        %mul3A_343 = arith.muli %arg1, %mul3A_342 : i32
        %add3A_344 = arith.addi %mul3A_343, %add3A_341 : i32
        %mul3A_345 = arith.constant 128 : i32
        %mul3A_346 = arith.muli %add3A_344, %mul3A_345 : i32
        %lt3A_347 = arith.constant 320000 : i32
        %lt3A_348 = arith.cmpi slt, %mul3A_346, %lt3A_347 : i32
        %convert_element_type3A_349 = arith.extui %lt3A_348 : i1 to i32
        %cond3A_350 = arith.constant 0 : i32
        %cond3A_351 = arith.cmpi ne, %convert_element_type3A_349, %cond3A_350 : i32
        scf.if %cond3A_351 {
          %dma_start3A_364 = tpu.memref_slice %arg4[%mul3A_346] : memref<320000xi32, #tpu.memory_space<hbm>> -> memref<128xi32, #tpu.memory_space<hbm>>
          %dma_start3A_365 = tpu.memref_slice %arg4[%mul3A_346] : memref<320000xi32, #tpu.memory_space<hbm>> -> memref<128xi32, #tpu.memory_space<hbm>>
          tpu.enqueue_dma source(%dma_start3A_365 : memref<128xi32, #tpu.memory_space<hbm>>) target(%arg14 : memref<128xi32, #tpu.memory_space<vmem>>) target_semaphore(%arg24 : memref<!tpu.dma_semaphore, #tpu.memory_space<semaphore_mem>>)
          %dma_start3A_366 = tpu.memref_slice %arg3[%mul3A_346] : memref<320000xi32, #tpu.memory_space<hbm>> -> memref<128xi32, #tpu.memory_space<hbm>>
          %dma_start3A_367 = tpu.memref_slice %arg3[%mul3A_346] : memref<320000xi32, #tpu.memory_space<hbm>> -> memref<128xi32, #tpu.memory_space<hbm>>
          tpu.enqueue_dma source(%dma_start3A_367 : memref<128xi32, #tpu.memory_space<hbm>>) target(%arg18 : memref<128xi32, #tpu.memory_space<vmem>>) target_semaphore(%arg24 : memref<!tpu.dma_semaphore, #tpu.memory_space<semaphore_mem>>)
        } else {
        }
        %ge3A_352 = arith.constant 320000 : i32
        %ge3A_353 = arith.cmpi sge, %mul3A_346, %ge3A_352 : i32
        %convert_element_type3A_354 = arith.extui %ge3A_353 : i1 to i32
        %cond3A_355 = arith.constant 0 : i32
        %cond3A_356 = arith.cmpi ne, %convert_element_type3A_354, %cond3A_355 : i32
        scf.if %cond3A_356 {
          %sub3A = arith.constant 320000 : i32
          %sub3A_364 = arith.subi %mul3A_346, %sub3A : i32
          %dma_start3A_365 = tpu.memref_slice %arg5[%sub3A_364] : memref<7680xi32, #tpu.memory_space<hbm>> -> memref<128xi32, #tpu.memory_space<hbm>>
          %dma_start3A_366 = tpu.memref_slice %arg5[%sub3A_364] : memref<7680xi32, #tpu.memory_space<hbm>> -> memref<128xi32, #tpu.memory_space<hbm>>
          tpu.enqueue_dma source(%dma_start3A_366 : memref<128xi32, #tpu.memory_space<hbm>>) target(%arg14 : memref<128xi32, #tpu.memory_space<vmem>>) target_semaphore(%arg24 : memref<!tpu.dma_semaphore, #tpu.memory_space<semaphore_mem>>)
          %dma_start3A_367 = tpu.memref_slice %arg6[%sub3A_364] : memref<7680xi32, #tpu.memory_space<hbm>> -> memref<128xi32, #tpu.memory_space<hbm>>
          %dma_start3A_368 = tpu.memref_slice %arg6[%sub3A_364] : memref<7680xi32, #tpu.memory_space<hbm>> -> memref<128xi32, #tpu.memory_space<hbm>>
          tpu.enqueue_dma source(%dma_start3A_368 : memref<128xi32, #tpu.memory_space<hbm>>) target(%arg18 : memref<128xi32, #tpu.memory_space<vmem>>) target_semaphore(%arg24 : memref<!tpu.dma_semaphore, #tpu.memory_space<semaphore_mem>>)
        } else {
        }
        %dma_wait3A_357 = arith.constant 0 : i32
        %dma_wait3A_358 = arith.constant 0 : i32
        %dma_wait3A_359 = tpu.memref_slice %arg2[%scan3A, %dma_wait3A_357, %dma_wait3A_358] : memref<2x10000x128xf32, #tpu.memory_space<hbm>> -> memref<1x10000x128xf32, #tpu.memory_space<hbm>>
        %dma_wait3A_360 = tpu.memref_squeeze %dma_wait3A_359 : memref<1x10000x128xf32, #tpu.memory_space<hbm>> -> memref<10000x128xf32, #tpu.memory_space<hbm>>
        %dma_wait3A_361 = arith.constant 0 : i32
        %dma_wait3A_362 = arith.constant 0 : i32
        %dma_wait3A_363 = tpu.memref_slice %dma_wait3A_360[%dma_wait3A_361, %dma_wait3A_362] : memref<10000x128xf32, #tpu.memory_space<hbm>> -> memref<10000x128xf32, #tpu.memory_space<hbm>>
        tpu.wait_indirect_dma semaphore(%arg21 : memref<!tpu.dma_semaphore, #tpu.memory_space<semaphore_mem>>) src(%dma_wait3A_363 : memref<10000x128xf32, #tpu.memory_space<hbm>>) dst(%arg11 : memref<128x128xf32, #tpu.memory_space<vmem>>)
        "tpu.region"() ({
          %run_scoped3A = tpu.sem_alloc : memref<!tpu.dma_semaphore, #tpu.memory_space<semaphore_mem>>
          %dma_start3A_364 = arith.constant 0 : i32
          %dma_start3A_365 = arith.constant 0 : i32
          %dma_start3A_366 = tpu.memref_slice %arg9[%dma_start3A_364, %dma_start3A_365] : memref<10240x128xf32, #tpu.memory_space<vmem_shared>> -> memref<10240x128xf32, #tpu.memory_space<vmem_shared>>
          tpu.enqueue_indirect_dma source(%arg11 : memref<128x128xf32, #tpu.memory_space<vmem>>) target(%dma_start3A_366 : memref<10240x128xf32, #tpu.memory_space<vmem_shared>>) offsets(%arg19 : memref<128xi32, #tpu.memory_space<vmem>>) semaphore(%run_scoped3A : memref<!tpu.dma_semaphore, #tpu.memory_space<semaphore_mem>>) {add = true}
          %dma_wait3A_367 = arith.constant 0 : i32
          %dma_wait3A_368 = arith.constant 0 : i32
          %dma_wait3A_369 = tpu.memref_slice %arg9[%dma_wait3A_367, %dma_wait3A_368] : memref<10240x128xf32, #tpu.memory_space<vmem_shared>> -> memref<10240x128xf32, #tpu.memory_space<vmem_shared>>
          tpu.wait_indirect_dma semaphore(%run_scoped3A : memref<!tpu.dma_semaphore, #tpu.memory_space<semaphore_mem>>) src(%arg11 : memref<128x128xf32, #tpu.memory_space<vmem>>) dst(%dma_wait3A_369 : memref<10240x128xf32, #tpu.memory_space<vmem_shared>>)
          tpu.yield
        }) : () -> ()
      }
      %scan3A_82 = arith.constant 39 : i32
      %dma_wait3A_83 = arith.constant 0 : i32
      %dma_wait3A_84 = tpu.memref_slice %arg4[%dma_wait3A_83] : memref<320000xi32, #tpu.memory_space<hbm>> -> memref<128xi32, #tpu.memory_space<hbm>>
      %dma_wait3A_85 = arith.constant 0 : i32
      %dma_wait3A_86 = tpu.memref_slice %arg4[%dma_wait3A_85] : memref<320000xi32, #tpu.memory_space<hbm>> -> memref<128xi32, #tpu.memory_space<hbm>>
      tpu.wait_dma2 semaphore(%arg23 : memref<!tpu.dma_semaphore, #tpu.memory_space<semaphore_mem>>) src(%dma_wait3A_86 : memref<128xi32, #tpu.memory_space<hbm>>) dst(%arg13 : memref<128xi32, #tpu.memory_space<vmem>>)
      %dma_wait3A_87 = arith.constant 0 : i32
      %dma_wait3A_88 = tpu.memref_slice %arg3[%dma_wait3A_87] : memref<320000xi32, #tpu.memory_space<hbm>> -> memref<128xi32, #tpu.memory_space<hbm>>
      %dma_wait3A_89 = arith.constant 0 : i32
      %dma_wait3A_90 = tpu.memref_slice %arg3[%dma_wait3A_89] : memref<320000xi32, #tpu.memory_space<hbm>> -> memref<128xi32, #tpu.memory_space<hbm>>
      tpu.wait_dma2 semaphore(%arg23 : memref<!tpu.dma_semaphore, #tpu.memory_space<semaphore_mem>>) src(%dma_wait3A_90 : memref<128xi32, #tpu.memory_space<hbm>>) dst(%arg17 : memref<128xi32, #tpu.memory_space<vmem>>)
      %dma_start3A_91 = arith.constant 1 : i32
      %dma_start3A_92 = arith.constant 0 : i32
      %dma_start3A_93 = arith.constant 0 : i32
      %dma_start3A_94 = tpu.memref_slice %arg2[%dma_start3A_91, %dma_start3A_92, %dma_start3A_93] : memref<2x10000x128xf32, #tpu.memory_space<hbm>> -> memref<1x10000x128xf32, #tpu.memory_space<hbm>>
      %dma_start3A_95 = tpu.memref_squeeze %dma_start3A_94 : memref<1x10000x128xf32, #tpu.memory_space<hbm>> -> memref<10000x128xf32, #tpu.memory_space<hbm>>
      %dma_start3A_96 = arith.constant 0 : i32
      %dma_start3A_97 = arith.constant 0 : i32
      %dma_start3A_98 = tpu.memref_slice %dma_start3A_95[%dma_start3A_96, %dma_start3A_97] : memref<10000x128xf32, #tpu.memory_space<hbm>> -> memref<10000x128xf32, #tpu.memory_space<hbm>>
      tpu.enqueue_indirect_dma source(%dma_start3A_98 : memref<10000x128xf32, #tpu.memory_space<hbm>>) target(%arg11 : memref<128x128xf32, #tpu.memory_space<vmem>>) offsets(%arg13 : memref<128xi32, #tpu.memory_space<vmem>>) semaphore(%arg21 : memref<!tpu.dma_semaphore, #tpu.memory_space<semaphore_mem>>)
      %mul3A_99 = arith.constant 160 : i32
      %mul3A_100 = arith.muli %arg1, %mul3A_99 : i32
      %add3A_101 = arith.constant 159 : i32
      %add3A_102 = arith.addi %mul3A_100, %add3A_101 : i32
      %mul3A_103 = arith.constant 128 : i32
      %mul3A_104 = arith.muli %add3A_102, %mul3A_103 : i32
      %lt3A_105 = arith.constant 320000 : i32
      %lt3A_106 = arith.cmpi slt, %mul3A_104, %lt3A_105 : i32
      %convert_element_type3A_107 = arith.extui %lt3A_106 : i1 to i32
      %cond3A_108 = arith.constant 0 : i32
      %cond3A_109 = arith.cmpi ne, %convert_element_type3A_107, %cond3A_108 : i32
      scf.if %cond3A_109 {
        %dma_start3A_179 = tpu.memref_slice %arg4[%mul3A_104] : memref<320000xi32, #tpu.memory_space<hbm>> -> memref<128xi32, #tpu.memory_space<hbm>>
        %dma_start3A_180 = tpu.memref_slice %arg4[%mul3A_104] : memref<320000xi32, #tpu.memory_space<hbm>> -> memref<128xi32, #tpu.memory_space<hbm>>
        tpu.enqueue_dma source(%dma_start3A_180 : memref<128xi32, #tpu.memory_space<hbm>>) target(%arg15 : memref<128xi32, #tpu.memory_space<vmem>>) target_semaphore(%arg25 : memref<!tpu.dma_semaphore, #tpu.memory_space<semaphore_mem>>)
        %dma_start3A_181 = tpu.memref_slice %arg3[%mul3A_104] : memref<320000xi32, #tpu.memory_space<hbm>> -> memref<128xi32, #tpu.memory_space<hbm>>
        %dma_start3A_182 = tpu.memref_slice %arg3[%mul3A_104] : memref<320000xi32, #tpu.memory_space<hbm>> -> memref<128xi32, #tpu.memory_space<hbm>>
        tpu.enqueue_dma source(%dma_start3A_182 : memref<128xi32, #tpu.memory_space<hbm>>) target(%arg19 : memref<128xi32, #tpu.memory_space<vmem>>) target_semaphore(%arg25 : memref<!tpu.dma_semaphore, #tpu.memory_space<semaphore_mem>>)
      } else {
      }
      %ge3A_110 = arith.constant 320000 : i32
      %ge3A_111 = arith.cmpi sge, %mul3A_104, %ge3A_110 : i32
      %convert_element_type3A_112 = arith.extui %ge3A_111 : i1 to i32
      %cond3A_113 = arith.constant 0 : i32
      %cond3A_114 = arith.cmpi ne, %convert_element_type3A_112, %cond3A_113 : i32
      scf.if %cond3A_114 {
        %sub3A = arith.constant 320000 : i32
        %sub3A_179 = arith.subi %mul3A_104, %sub3A : i32
        %dma_start3A_180 = tpu.memref_slice %arg5[%sub3A_179] : memref<7680xi32, #tpu.memory_space<hbm>> -> memref<128xi32, #tpu.memory_space<hbm>>
        %dma_start3A_181 = tpu.memref_slice %arg5[%sub3A_179] : memref<7680xi32, #tpu.memory_space<hbm>> -> memref<128xi32, #tpu.memory_space<hbm>>
        tpu.enqueue_dma source(%dma_start3A_181 : memref<128xi32, #tpu.memory_space<hbm>>) target(%arg15 : memref<128xi32, #tpu.memory_space<vmem>>) target_semaphore(%arg25 : memref<!tpu.dma_semaphore, #tpu.memory_space<semaphore_mem>>)
        %dma_start3A_182 = tpu.memref_slice %arg6[%sub3A_179] : memref<7680xi32, #tpu.memory_space<hbm>> -> memref<128xi32, #tpu.memory_space<hbm>>
        %dma_start3A_183 = tpu.memref_slice %arg6[%sub3A_179] : memref<7680xi32, #tpu.memory_space<hbm>> -> memref<128xi32, #tpu.memory_space<hbm>>
        tpu.enqueue_dma source(%dma_start3A_183 : memref<128xi32, #tpu.memory_space<hbm>>) target(%arg19 : memref<128xi32, #tpu.memory_space<vmem>>) target_semaphore(%arg25 : memref<!tpu.dma_semaphore, #tpu.memory_space<semaphore_mem>>)
      } else {
      }
      %dma_wait3A_115 = arith.constant 1 : i32
      %dma_wait3A_116 = arith.constant 0 : i32
      %dma_wait3A_117 = arith.constant 0 : i32
      %dma_wait3A_118 = tpu.memref_slice %arg2[%dma_wait3A_115, %dma_wait3A_116, %dma_wait3A_117] : memref<2x10000x128xf32, #tpu.memory_space<hbm>> -> memref<1x10000x128xf32, #tpu.memory_space<hbm>>
      %dma_wait3A_119 = tpu.memref_squeeze %dma_wait3A_118 : memref<1x10000x128xf32, #tpu.memory_space<hbm>> -> memref<10000x128xf32, #tpu.memory_space<hbm>>
      %dma_wait3A_120 = arith.constant 0 : i32
      %dma_wait3A_121 = arith.constant 0 : i32
      %dma_wait3A_122 = tpu.memref_slice %dma_wait3A_119[%dma_wait3A_120, %dma_wait3A_121] : memref<10000x128xf32, #tpu.memory_space<hbm>> -> memref<10000x128xf32, #tpu.memory_space<hbm>>
      tpu.wait_indirect_dma semaphore(%arg20 : memref<!tpu.dma_semaphore, #tpu.memory_space<semaphore_mem>>) src(%dma_wait3A_122 : memref<10000x128xf32, #tpu.memory_space<hbm>>) dst(%arg10 : memref<128x128xf32, #tpu.memory_space<vmem>>)
      "tpu.region"() ({
        %run_scoped3A = tpu.sem_alloc : memref<!tpu.dma_semaphore, #tpu.memory_space<semaphore_mem>>
        %dma_start3A_179 = arith.constant 0 : i32
        %dma_start3A_180 = arith.constant 0 : i32
        %dma_start3A_181 = tpu.memref_slice %arg9[%dma_start3A_179, %dma_start3A_180] : memref<10240x128xf32, #tpu.memory_space<vmem_shared>> -> memref<10240x128xf32, #tpu.memory_space<vmem_shared>>
        tpu.enqueue_indirect_dma source(%arg10 : memref<128x128xf32, #tpu.memory_space<vmem>>) target(%dma_start3A_181 : memref<10240x128xf32, #tpu.memory_space<vmem_shared>>) offsets(%arg16 : memref<128xi32, #tpu.memory_space<vmem>>) semaphore(%run_scoped3A : memref<!tpu.dma_semaphore, #tpu.memory_space<semaphore_mem>>) {add = true}
        %dma_wait3A_182 = arith.constant 0 : i32
        %dma_wait3A_183 = arith.constant 0 : i32
        %dma_wait3A_184 = tpu.memref_slice %arg9[%dma_wait3A_182, %dma_wait3A_183] : memref<10240x128xf32, #tpu.memory_space<vmem_shared>> -> memref<10240x128xf32, #tpu.memory_space<vmem_shared>>
        tpu.wait_indirect_dma semaphore(%run_scoped3A : memref<!tpu.dma_semaphore, #tpu.memory_space<semaphore_mem>>) src(%arg10 : memref<128x128xf32, #tpu.memory_space<vmem>>) dst(%dma_wait3A_184 : memref<10240x128xf32, #tpu.memory_space<vmem_shared>>)
        tpu.yield
      }) : () -> ()
      %dma_wait3A_123 = arith.constant 0 : i32
      %dma_wait3A_124 = tpu.memref_slice %arg4[%dma_wait3A_123] : memref<320000xi32, #tpu.memory_space<hbm>> -> memref<128xi32, #tpu.memory_space<hbm>>
      %dma_wait3A_125 = arith.constant 0 : i32
      %dma_wait3A_126 = tpu.memref_slice %arg4[%dma_wait3A_125] : memref<320000xi32, #tpu.memory_space<hbm>> -> memref<128xi32, #tpu.memory_space<hbm>>
      tpu.wait_dma2 semaphore(%arg24 : memref<!tpu.dma_semaphore, #tpu.memory_space<semaphore_mem>>) src(%dma_wait3A_126 : memref<128xi32, #tpu.memory_space<hbm>>) dst(%arg14 : memref<128xi32, #tpu.memory_space<vmem>>)
      %dma_wait3A_127 = arith.constant 0 : i32
      %dma_wait3A_128 = tpu.memref_slice %arg3[%dma_wait3A_127] : memref<320000xi32, #tpu.memory_space<hbm>> -> memref<128xi32, #tpu.memory_space<hbm>>
      %dma_wait3A_129 = arith.constant 0 : i32
      %dma_wait3A_130 = tpu.memref_slice %arg3[%dma_wait3A_129] : memref<320000xi32, #tpu.memory_space<hbm>> -> memref<128xi32, #tpu.memory_space<hbm>>
      tpu.wait_dma2 semaphore(%arg24 : memref<!tpu.dma_semaphore, #tpu.memory_space<semaphore_mem>>) src(%dma_wait3A_130 : memref<128xi32, #tpu.memory_space<hbm>>) dst(%arg18 : memref<128xi32, #tpu.memory_space<vmem>>)
      %dma_start3A_131 = arith.constant 1 : i32
      %dma_start3A_132 = arith.constant 0 : i32
      %dma_start3A_133 = arith.constant 0 : i32
      %dma_start3A_134 = tpu.memref_slice %arg2[%dma_start3A_131, %dma_start3A_132, %dma_start3A_133] : memref<2x10000x128xf32, #tpu.memory_space<hbm>> -> memref<1x10000x128xf32, #tpu.memory_space<hbm>>
      %dma_start3A_135 = tpu.memref_squeeze %dma_start3A_134 : memref<1x10000x128xf32, #tpu.memory_space<hbm>> -> memref<10000x128xf32, #tpu.memory_space<hbm>>
      %dma_start3A_136 = arith.constant 0 : i32
      %dma_start3A_137 = arith.constant 0 : i32
      %dma_start3A_138 = tpu.memref_slice %dma_start3A_135[%dma_start3A_136, %dma_start3A_137] : memref<10000x128xf32, #tpu.memory_space<hbm>> -> memref<10000x128xf32, #tpu.memory_space<hbm>>
      tpu.enqueue_indirect_dma source(%dma_start3A_138 : memref<10000x128xf32, #tpu.memory_space<hbm>>) target(%arg10 : memref<128x128xf32, #tpu.memory_space<vmem>>) offsets(%arg14 : memref<128xi32, #tpu.memory_space<vmem>>) semaphore(%arg20 : memref<!tpu.dma_semaphore, #tpu.memory_space<semaphore_mem>>)
      %dma_wait3A_139 = arith.constant 1 : i32
      %dma_wait3A_140 = arith.constant 0 : i32
      %dma_wait3A_141 = arith.constant 0 : i32
      %dma_wait3A_142 = tpu.memref_slice %arg2[%dma_wait3A_139, %dma_wait3A_140, %dma_wait3A_141] : memref<2x10000x128xf32, #tpu.memory_space<hbm>> -> memref<1x10000x128xf32, #tpu.memory_space<hbm>>
      %dma_wait3A_143 = tpu.memref_squeeze %dma_wait3A_142 : memref<1x10000x128xf32, #tpu.memory_space<hbm>> -> memref<10000x128xf32, #tpu.memory_space<hbm>>
      %dma_wait3A_144 = arith.constant 0 : i32
      %dma_wait3A_145 = arith.constant 0 : i32
      %dma_wait3A_146 = tpu.memref_slice %dma_wait3A_143[%dma_wait3A_144, %dma_wait3A_145] : memref<10000x128xf32, #tpu.memory_space<hbm>> -> memref<10000x128xf32, #tpu.memory_space<hbm>>
      tpu.wait_indirect_dma semaphore(%arg21 : memref<!tpu.dma_semaphore, #tpu.memory_space<semaphore_mem>>) src(%dma_wait3A_146 : memref<10000x128xf32, #tpu.memory_space<hbm>>) dst(%arg11 : memref<128x128xf32, #tpu.memory_space<vmem>>)
      "tpu.region"() ({
        %run_scoped3A = tpu.sem_alloc : memref<!tpu.dma_semaphore, #tpu.memory_space<semaphore_mem>>
        %dma_start3A_179 = arith.constant 0 : i32
        %dma_start3A_180 = arith.constant 0 : i32
        %dma_start3A_181 = tpu.memref_slice %arg9[%dma_start3A_179, %dma_start3A_180] : memref<10240x128xf32, #tpu.memory_space<vmem_shared>> -> memref<10240x128xf32, #tpu.memory_space<vmem_shared>>
        tpu.enqueue_indirect_dma source(%arg11 : memref<128x128xf32, #tpu.memory_space<vmem>>) target(%dma_start3A_181 : memref<10240x128xf32, #tpu.memory_space<vmem_shared>>) offsets(%arg17 : memref<128xi32, #tpu.memory_space<vmem>>) semaphore(%run_scoped3A : memref<!tpu.dma_semaphore, #tpu.memory_space<semaphore_mem>>) {add = true}
        %dma_wait3A_182 = arith.constant 0 : i32
        %dma_wait3A_183 = arith.constant 0 : i32
        %dma_wait3A_184 = tpu.memref_slice %arg9[%dma_wait3A_182, %dma_wait3A_183] : memref<10240x128xf32, #tpu.memory_space<vmem_shared>> -> memref<10240x128xf32, #tpu.memory_space<vmem_shared>>
        tpu.wait_indirect_dma semaphore(%run_scoped3A : memref<!tpu.dma_semaphore, #tpu.memory_space<semaphore_mem>>) src(%arg11 : memref<128x128xf32, #tpu.memory_space<vmem>>) dst(%dma_wait3A_184 : memref<10240x128xf32, #tpu.memory_space<vmem_shared>>)
        tpu.yield
      }) : () -> ()
      %dma_wait3A_147 = arith.constant 0 : i32
      %dma_wait3A_148 = tpu.memref_slice %arg4[%dma_wait3A_147] : memref<320000xi32, #tpu.memory_space<hbm>> -> memref<128xi32, #tpu.memory_space<hbm>>
      %dma_wait3A_149 = arith.constant 0 : i32
      %dma_wait3A_150 = tpu.memref_slice %arg4[%dma_wait3A_149] : memref<320000xi32, #tpu.memory_space<hbm>> -> memref<128xi32, #tpu.memory_space<hbm>>
      tpu.wait_dma2 semaphore(%arg25 : memref<!tpu.dma_semaphore, #tpu.memory_space<semaphore_mem>>) src(%dma_wait3A_150 : memref<128xi32, #tpu.memory_space<hbm>>) dst(%arg15 : memref<128xi32, #tpu.memory_space<vmem>>)
      %dma_wait3A_151 = arith.constant 0 : i32
      %dma_wait3A_152 = tpu.memref_slice %arg3[%dma_wait3A_151] : memref<320000xi32, #tpu.memory_space<hbm>> -> memref<128xi32, #tpu.memory_space<hbm>>
      %dma_wait3A_153 = arith.constant 0 : i32
      %dma_wait3A_154 = tpu.memref_slice %arg3[%dma_wait3A_153] : memref<320000xi32, #tpu.memory_space<hbm>> -> memref<128xi32, #tpu.memory_space<hbm>>
      tpu.wait_dma2 semaphore(%arg25 : memref<!tpu.dma_semaphore, #tpu.memory_space<semaphore_mem>>) src(%dma_wait3A_154 : memref<128xi32, #tpu.memory_space<hbm>>) dst(%arg19 : memref<128xi32, #tpu.memory_space<vmem>>)
      %dma_start3A_155 = arith.constant 1 : i32
      %dma_start3A_156 = arith.constant 0 : i32
      %dma_start3A_157 = arith.constant 0 : i32
      %dma_start3A_158 = tpu.memref_slice %arg2[%dma_start3A_155, %dma_start3A_156, %dma_start3A_157] : memref<2x10000x128xf32, #tpu.memory_space<hbm>> -> memref<1x10000x128xf32, #tpu.memory_space<hbm>>
      %dma_start3A_159 = tpu.memref_squeeze %dma_start3A_158 : memref<1x10000x128xf32, #tpu.memory_space<hbm>> -> memref<10000x128xf32, #tpu.memory_space<hbm>>
      %dma_start3A_160 = arith.constant 0 : i32
      %dma_start3A_161 = arith.constant 0 : i32
      %dma_start3A_162 = tpu.memref_slice %dma_start3A_159[%dma_start3A_160, %dma_start3A_161] : memref<10000x128xf32, #tpu.memory_space<hbm>> -> memref<10000x128xf32, #tpu.memory_space<hbm>>
      tpu.enqueue_indirect_dma source(%dma_start3A_162 : memref<10000x128xf32, #tpu.memory_space<hbm>>) target(%arg11 : memref<128x128xf32, #tpu.memory_space<vmem>>) offsets(%arg15 : memref<128xi32, #tpu.memory_space<vmem>>) semaphore(%arg21 : memref<!tpu.dma_semaphore, #tpu.memory_space<semaphore_mem>>)
      %dma_wait3A_163 = arith.constant 1 : i32
      %dma_wait3A_164 = arith.constant 0 : i32
      %dma_wait3A_165 = arith.constant 0 : i32
      %dma_wait3A_166 = tpu.memref_slice %arg2[%dma_wait3A_163, %dma_wait3A_164, %dma_wait3A_165] : memref<2x10000x128xf32, #tpu.memory_space<hbm>> -> memref<1x10000x128xf32, #tpu.memory_space<hbm>>
      %dma_wait3A_167 = tpu.memref_squeeze %dma_wait3A_166 : memref<1x10000x128xf32, #tpu.memory_space<hbm>> -> memref<10000x128xf32, #tpu.memory_space<hbm>>
      %dma_wait3A_168 = arith.constant 0 : i32
      %dma_wait3A_169 = arith.constant 0 : i32
      %dma_wait3A_170 = tpu.memref_slice %dma_wait3A_167[%dma_wait3A_168, %dma_wait3A_169] : memref<10000x128xf32, #tpu.memory_space<hbm>> -> memref<10000x128xf32, #tpu.memory_space<hbm>>
      tpu.wait_indirect_dma semaphore(%arg20 : memref<!tpu.dma_semaphore, #tpu.memory_space<semaphore_mem>>) src(%dma_wait3A_170 : memref<10000x128xf32, #tpu.memory_space<hbm>>) dst(%arg10 : memref<128x128xf32, #tpu.memory_space<vmem>>)
      "tpu.region"() ({
        %run_scoped3A = tpu.sem_alloc : memref<!tpu.dma_semaphore, #tpu.memory_space<semaphore_mem>>
        %dma_start3A_179 = arith.constant 0 : i32
        %dma_start3A_180 = arith.constant 0 : i32
        %dma_start3A_181 = tpu.memref_slice %arg9[%dma_start3A_179, %dma_start3A_180] : memref<10240x128xf32, #tpu.memory_space<vmem_shared>> -> memref<10240x128xf32, #tpu.memory_space<vmem_shared>>
        tpu.enqueue_indirect_dma source(%arg10 : memref<128x128xf32, #tpu.memory_space<vmem>>) target(%dma_start3A_181 : memref<10240x128xf32, #tpu.memory_space<vmem_shared>>) offsets(%arg18 : memref<128xi32, #tpu.memory_space<vmem>>) semaphore(%run_scoped3A : memref<!tpu.dma_semaphore, #tpu.memory_space<semaphore_mem>>) {add = true}
        %dma_wait3A_182 = arith.constant 0 : i32
        %dma_wait3A_183 = arith.constant 0 : i32
        %dma_wait3A_184 = tpu.memref_slice %arg9[%dma_wait3A_182, %dma_wait3A_183] : memref<10240x128xf32, #tpu.memory_space<vmem_shared>> -> memref<10240x128xf32, #tpu.memory_space<vmem_shared>>
        tpu.wait_indirect_dma semaphore(%run_scoped3A : memref<!tpu.dma_semaphore, #tpu.memory_space<semaphore_mem>>) src(%arg10 : memref<128x128xf32, #tpu.memory_space<vmem>>) dst(%dma_wait3A_184 : memref<10240x128xf32, #tpu.memory_space<vmem_shared>>)
        tpu.yield
      }) : () -> ()
      %dma_wait3A_171 = arith.constant 1 : i32
      %dma_wait3A_172 = arith.constant 0 : i32
      %dma_wait3A_173 = arith.constant 0 : i32
      %dma_wait3A_174 = tpu.memref_slice %arg2[%dma_wait3A_171, %dma_wait3A_172, %dma_wait3A_173] : memref<2x10000x128xf32, #tpu.memory_space<hbm>> -> memref<1x10000x128xf32, #tpu.memory_space<hbm>>
      %dma_wait3A_175 = tpu.memref_squeeze %dma_wait3A_174 : memref<1x10000x128xf32, #tpu.memory_space<hbm>> -> memref<10000x128xf32, #tpu.memory_space<hbm>>
      %dma_wait3A_176 = arith.constant 0 : i32
      %dma_wait3A_177 = arith.constant 0 : i32
      %dma_wait3A_178 = tpu.memref_slice %dma_wait3A_175[%dma_wait3A_176, %dma_wait3A_177] : memref<10000x128xf32, #tpu.memory_space<hbm>> -> memref<10000x128xf32, #tpu.memory_space<hbm>>
      tpu.wait_indirect_dma semaphore(%arg21 : memref<!tpu.dma_semaphore, #tpu.memory_space<semaphore_mem>>) src(%dma_wait3A_178 : memref<10000x128xf32, #tpu.memory_space<hbm>>) dst(%arg11 : memref<128x128xf32, #tpu.memory_space<vmem>>)
      "tpu.region"() ({
        %run_scoped3A = tpu.sem_alloc : memref<!tpu.dma_semaphore, #tpu.memory_space<semaphore_mem>>
        %dma_start3A_179 = arith.constant 0 : i32
        %dma_start3A_180 = arith.constant 0 : i32
        %dma_start3A_181 = tpu.memref_slice %arg9[%dma_start3A_179, %dma_start3A_180] : memref<10240x128xf32, #tpu.memory_space<vmem_shared>> -> memref<10240x128xf32, #tpu.memory_space<vmem_shared>>
        tpu.enqueue_indirect_dma source(%arg11 : memref<128x128xf32, #tpu.memory_space<vmem>>) target(%dma_start3A_181 : memref<10240x128xf32, #tpu.memory_space<vmem_shared>>) offsets(%arg19 : memref<128xi32, #tpu.memory_space<vmem>>) semaphore(%run_scoped3A : memref<!tpu.dma_semaphore, #tpu.memory_space<semaphore_mem>>) {add = true}
        %dma_wait3A_182 = arith.constant 0 : i32
        %dma_wait3A_183 = arith.constant 0 : i32
        %dma_wait3A_184 = tpu.memref_slice %arg9[%dma_wait3A_182, %dma_wait3A_183] : memref<10240x128xf32, #tpu.memory_space<vmem_shared>> -> memref<10240x128xf32, #tpu.memory_space<vmem_shared>>
        tpu.wait_indirect_dma semaphore(%run_scoped3A : memref<!tpu.dma_semaphore, #tpu.memory_space<semaphore_mem>>) src(%arg11 : memref<128x128xf32, #tpu.memory_space<vmem>>) dst(%dma_wait3A_184 : memref<10240x128xf32, #tpu.memory_space<vmem_shared>>)
        tpu.yield
      }) : () -> ()
    } else {
    }
    %barrier3A_8 = arith.constant 0 : index
    tpu.barrier barrier_id(%barrier3A_8)
    %eq3A_9 = arith.constant 0 : i32
    %eq3A_10 = arith.cmpi eq, %arg0, %eq3A_9 : i32
    %convert_element_type3A_11 = arith.extui %eq3A_10 : i1 to i32
    %cond3A_12 = arith.constant 0 : i32
    %cond3A_13 = arith.cmpi ne, %convert_element_type3A_11, %cond3A_12 : i32
    scf.if %cond3A_13 {
      %lt3A = arith.constant 15 : i32
      %lt3A_19 = arith.cmpi slt, %arg1, %lt3A : i32
      %convert_element_type3A_20 = arith.extui %lt3A_19 : i1 to i32
      %cond3A_21 = arith.constant 0 : i32
      %cond3A_22 = arith.cmpi ne, %convert_element_type3A_20, %cond3A_21 : i32
      scf.if %cond3A_22 {
        %mul3A_28 = arith.constant 640 : i32
        %mul3A_29 = arith.muli %arg1, %mul3A_28 : i32
        %run_scoped3A = arith.constant 0 : i32
        "tpu.region"() ({
          %run_scoped3A_30 = tpu.sem_alloc : memref<!tpu.dma_semaphore, #tpu.memory_space<semaphore_mem>>
          %dma_start3A = arith.constant 0 : i32
          %dma_start3A_31 = arith.constant 0 : i32
          %dma_start3A_32 = tpu.memref_slice %arg8[%run_scoped3A, %dma_start3A, %dma_start3A_31] : memref<2x10000x128xf32, #tpu.memory_space<hbm>> -> memref<1x10000x128xf32, #tpu.memory_space<hbm>>
          %dma_start3A_33 = tpu.memref_squeeze %dma_start3A_32 : memref<1x10000x128xf32, #tpu.memory_space<hbm>> -> memref<10000x128xf32, #tpu.memory_space<hbm>>
          %dma_start3A_34 = arith.constant 0 : i32
          %dma_start3A_35 = tpu.memref_slice %dma_start3A_33[%mul3A_29, %dma_start3A_34] : memref<10000x128xf32, #tpu.memory_space<hbm>> -> memref<640x128xf32, #tpu.memory_space<hbm>>
          %dma_start3A_36 = arith.constant 0 : i32
          %dma_start3A_37 = tpu.memref_slice %arg9[%mul3A_29, %dma_start3A_36] : memref<10240x128xf32, #tpu.memory_space<vmem_shared>> -> memref<640x128xf32, #tpu.memory_space<vmem_shared>>
          tpu.enqueue_dma source(%dma_start3A_37 : memref<640x128xf32, #tpu.memory_space<vmem_shared>>) target(%dma_start3A_35 : memref<640x128xf32, #tpu.memory_space<hbm>>) target_semaphore(%run_scoped3A_30 : memref<!tpu.dma_semaphore, #tpu.memory_space<semaphore_mem>>)
          %dma_wait3A = arith.constant 0 : i32
          %dma_wait3A_38 = arith.constant 0 : i32
          %dma_wait3A_39 = tpu.memref_slice %arg8[%run_scoped3A, %dma_wait3A, %dma_wait3A_38] : memref<2x10000x128xf32, #tpu.memory_space<hbm>> -> memref<1x10000x128xf32, #tpu.memory_space<hbm>>
          %dma_wait3A_40 = tpu.memref_squeeze %dma_wait3A_39 : memref<1x10000x128xf32, #tpu.memory_space<hbm>> -> memref<10000x128xf32, #tpu.memory_space<hbm>>
          %dma_wait3A_41 = arith.constant 0 : i32
          %dma_wait3A_42 = tpu.memref_slice %dma_wait3A_40[%mul3A_29, %dma_wait3A_41] : memref<10000x128xf32, #tpu.memory_space<hbm>> -> memref<640x128xf32, #tpu.memory_space<hbm>>
          %dma_wait3A_43 = arith.constant 0 : i32
          %dma_wait3A_44 = tpu.memref_slice %arg9[%mul3A_29, %dma_wait3A_43] : memref<10240x128xf32, #tpu.memory_space<vmem_shared>> -> memref<640x128xf32, #tpu.memory_space<vmem_shared>>
          tpu.wait_dma2 semaphore(%run_scoped3A_30 : memref<!tpu.dma_semaphore, #tpu.memory_space<semaphore_mem>>) src(%dma_wait3A_44 : memref<640x128xf32, #tpu.memory_space<vmem_shared>>) dst(%dma_wait3A_42 : memref<640x128xf32, #tpu.memory_space<hbm>>)
          tpu.yield
        }) : () -> ()
      } else {
      }
      %eq3A_23 = arith.constant 15 : i32
      %eq3A_24 = arith.cmpi eq, %arg1, %eq3A_23 : i32
      %convert_element_type3A_25 = arith.extui %eq3A_24 : i1 to i32
      %cond3A_26 = arith.constant 0 : i32
      %cond3A_27 = arith.cmpi ne, %convert_element_type3A_25, %cond3A_26 : i32
      scf.if %cond3A_27 {
        %run_scoped3A = arith.constant 0 : i32
        "tpu.region"() ({
          %run_scoped3A_28 = tpu.sem_alloc : memref<!tpu.dma_semaphore, #tpu.memory_space<semaphore_mem>>
          %dma_start3A = arith.constant 0 : i32
          %dma_start3A_29 = arith.constant 0 : i32
          %dma_start3A_30 = tpu.memref_slice %arg8[%run_scoped3A, %dma_start3A, %dma_start3A_29] : memref<2x10000x128xf32, #tpu.memory_space<hbm>> -> memref<1x10000x128xf32, #tpu.memory_space<hbm>>
          %dma_start3A_31 = tpu.memref_squeeze %dma_start3A_30 : memref<1x10000x128xf32, #tpu.memory_space<hbm>> -> memref<10000x128xf32, #tpu.memory_space<hbm>>
          %dma_start3A_32 = arith.constant 9600 : i32
          %dma_start3A_33 = arith.constant 0 : i32
          %dma_start3A_34 = tpu.memref_slice %dma_start3A_31[%dma_start3A_32, %dma_start3A_33] : memref<10000x128xf32, #tpu.memory_space<hbm>> -> memref<400x128xf32, #tpu.memory_space<hbm>>
          %dma_start3A_35 = arith.constant 9600 : i32
          %dma_start3A_36 = arith.constant 0 : i32
          %dma_start3A_37 = tpu.memref_slice %arg9[%dma_start3A_35, %dma_start3A_36] : memref<10240x128xf32, #tpu.memory_space<vmem_shared>> -> memref<400x128xf32, #tpu.memory_space<vmem_shared>>
          tpu.enqueue_dma source(%dma_start3A_37 : memref<400x128xf32, #tpu.memory_space<vmem_shared>>) target(%dma_start3A_34 : memref<400x128xf32, #tpu.memory_space<hbm>>) target_semaphore(%run_scoped3A_28 : memref<!tpu.dma_semaphore, #tpu.memory_space<semaphore_mem>>)
          %dma_wait3A = arith.constant 0 : i32
          %dma_wait3A_38 = arith.constant 0 : i32
          %dma_wait3A_39 = tpu.memref_slice %arg8[%run_scoped3A, %dma_wait3A, %dma_wait3A_38] : memref<2x10000x128xf32, #tpu.memory_space<hbm>> -> memref<1x10000x128xf32, #tpu.memory_space<hbm>>
          %dma_wait3A_40 = tpu.memref_squeeze %dma_wait3A_39 : memref<1x10000x128xf32, #tpu.memory_space<hbm>> -> memref<10000x128xf32, #tpu.memory_space<hbm>>
          %dma_wait3A_41 = arith.constant 9600 : i32
          %dma_wait3A_42 = arith.constant 0 : i32
          %dma_wait3A_43 = tpu.memref_slice %dma_wait3A_40[%dma_wait3A_41, %dma_wait3A_42] : memref<10000x128xf32, #tpu.memory_space<hbm>> -> memref<400x128xf32, #tpu.memory_space<hbm>>
          %dma_wait3A_44 = arith.constant 9600 : i32
          %dma_wait3A_45 = arith.constant 0 : i32
          %dma_wait3A_46 = tpu.memref_slice %arg9[%dma_wait3A_44, %dma_wait3A_45] : memref<10240x128xf32, #tpu.memory_space<vmem_shared>> -> memref<400x128xf32, #tpu.memory_space<vmem_shared>>
          tpu.wait_dma2 semaphore(%run_scoped3A_28 : memref<!tpu.dma_semaphore, #tpu.memory_space<semaphore_mem>>) src(%dma_wait3A_46 : memref<400x128xf32, #tpu.memory_space<vmem_shared>>) dst(%dma_wait3A_43 : memref<400x128xf32, #tpu.memory_space<hbm>>)
          tpu.yield
        }) : () -> ()
      } else {
      }
    } else {
    }
    %eq3A_14 = arith.constant 1 : i32
    %eq3A_15 = arith.cmpi eq, %arg0, %eq3A_14 : i32
    %convert_element_type3A_16 = arith.extui %eq3A_15 : i1 to i32
    %cond3A_17 = arith.constant 0 : i32
    %cond3A_18 = arith.cmpi ne, %convert_element_type3A_16, %cond3A_17 : i32
    scf.if %cond3A_18 {
      %lt3A = arith.constant 15 : i32
      %lt3A_19 = arith.cmpi slt, %arg1, %lt3A : i32
      %convert_element_type3A_20 = arith.extui %lt3A_19 : i1 to i32
      %cond3A_21 = arith.constant 0 : i32
      %cond3A_22 = arith.cmpi ne, %convert_element_type3A_20, %cond3A_21 : i32
      scf.if %cond3A_22 {
        %mul3A_28 = arith.constant 640 : i32
        %mul3A_29 = arith.muli %arg1, %mul3A_28 : i32
        %run_scoped3A = arith.constant 1 : i32
        "tpu.region"() ({
          %run_scoped3A_30 = tpu.sem_alloc : memref<!tpu.dma_semaphore, #tpu.memory_space<semaphore_mem>>
          %dma_start3A = arith.constant 0 : i32
          %dma_start3A_31 = arith.constant 0 : i32
          %dma_start3A_32 = tpu.memref_slice %arg8[%run_scoped3A, %dma_start3A, %dma_start3A_31] : memref<2x10000x128xf32, #tpu.memory_space<hbm>> -> memref<1x10000x128xf32, #tpu.memory_space<hbm>>
          %dma_start3A_33 = tpu.memref_squeeze %dma_start3A_32 : memref<1x10000x128xf32, #tpu.memory_space<hbm>> -> memref<10000x128xf32, #tpu.memory_space<hbm>>
          %dma_start3A_34 = arith.constant 0 : i32
          %dma_start3A_35 = tpu.memref_slice %dma_start3A_33[%mul3A_29, %dma_start3A_34] : memref<10000x128xf32, #tpu.memory_space<hbm>> -> memref<640x128xf32, #tpu.memory_space<hbm>>
          %dma_start3A_36 = arith.constant 0 : i32
          %dma_start3A_37 = tpu.memref_slice %arg9[%mul3A_29, %dma_start3A_36] : memref<10240x128xf32, #tpu.memory_space<vmem_shared>> -> memref<640x128xf32, #tpu.memory_space<vmem_shared>>
          tpu.enqueue_dma source(%dma_start3A_37 : memref<640x128xf32, #tpu.memory_space<vmem_shared>>) target(%dma_start3A_35 : memref<640x128xf32, #tpu.memory_space<hbm>>) target_semaphore(%run_scoped3A_30 : memref<!tpu.dma_semaphore, #tpu.memory_space<semaphore_mem>>)
          %dma_wait3A = arith.constant 0 : i32
          %dma_wait3A_38 = arith.constant 0 : i32
          %dma_wait3A_39 = tpu.memref_slice %arg8[%run_scoped3A, %dma_wait3A, %dma_wait3A_38] : memref<2x10000x128xf32, #tpu.memory_space<hbm>> -> memref<1x10000x128xf32, #tpu.memory_space<hbm>>
          %dma_wait3A_40 = tpu.memref_squeeze %dma_wait3A_39 : memref<1x10000x128xf32, #tpu.memory_space<hbm>> -> memref<10000x128xf32, #tpu.memory_space<hbm>>
          %dma_wait3A_41 = arith.constant 0 : i32
          %dma_wait3A_42 = tpu.memref_slice %dma_wait3A_40[%mul3A_29, %dma_wait3A_41] : memref<10000x128xf32, #tpu.memory_space<hbm>> -> memref<640x128xf32, #tpu.memory_space<hbm>>
          %dma_wait3A_43 = arith.constant 0 : i32
          %dma_wait3A_44 = tpu.memref_slice %arg9[%mul3A_29, %dma_wait3A_43] : memref<10240x128xf32, #tpu.memory_space<vmem_shared>> -> memref<640x128xf32, #tpu.memory_space<vmem_shared>>
          tpu.wait_dma2 semaphore(%run_scoped3A_30 : memref<!tpu.dma_semaphore, #tpu.memory_space<semaphore_mem>>) src(%dma_wait3A_44 : memref<640x128xf32, #tpu.memory_space<vmem_shared>>) dst(%dma_wait3A_42 : memref<640x128xf32, #tpu.memory_space<hbm>>)
          tpu.yield
        }) : () -> ()
      } else {
      }
      %eq3A_23 = arith.constant 15 : i32
      %eq3A_24 = arith.cmpi eq, %arg1, %eq3A_23 : i32
      %convert_element_type3A_25 = arith.extui %eq3A_24 : i1 to i32
      %cond3A_26 = arith.constant 0 : i32
      %cond3A_27 = arith.cmpi ne, %convert_element_type3A_25, %cond3A_26 : i32
      scf.if %cond3A_27 {
        %run_scoped3A = arith.constant 1 : i32
        "tpu.region"() ({
          %run_scoped3A_28 = tpu.sem_alloc : memref<!tpu.dma_semaphore, #tpu.memory_space<semaphore_mem>>
          %dma_start3A = arith.constant 0 : i32
          %dma_start3A_29 = arith.constant 0 : i32
          %dma_start3A_30 = tpu.memref_slice %arg8[%run_scoped3A, %dma_start3A, %dma_start3A_29] : memref<2x10000x128xf32, #tpu.memory_space<hbm>> -> memref<1x10000x128xf32, #tpu.memory_space<hbm>>
          %dma_start3A_31 = tpu.memref_squeeze %dma_start3A_30 : memref<1x10000x128xf32, #tpu.memory_space<hbm>> -> memref<10000x128xf32, #tpu.memory_space<hbm>>
          %dma_start3A_32 = arith.constant 9600 : i32
          %dma_start3A_33 = arith.constant 0 : i32
          %dma_start3A_34 = tpu.memref_slice %dma_start3A_31[%dma_start3A_32, %dma_start3A_33] : memref<10000x128xf32, #tpu.memory_space<hbm>> -> memref<400x128xf32, #tpu.memory_space<hbm>>
          %dma_start3A_35 = arith.constant 9600 : i32
          %dma_start3A_36 = arith.constant 0 : i32
          %dma_start3A_37 = tpu.memref_slice %arg9[%dma_start3A_35, %dma_start3A_36] : memref<10240x128xf32, #tpu.memory_space<vmem_shared>> -> memref<400x128xf32, #tpu.memory_space<vmem_shared>>
          tpu.enqueue_dma source(%dma_start3A_37 : memref<400x128xf32, #tpu.memory_space<vmem_shared>>) target(%dma_start3A_34 : memref<400x128xf32, #tpu.memory_space<hbm>>) target_semaphore(%run_scoped3A_28 : memref<!tpu.dma_semaphore, #tpu.memory_space<semaphore_mem>>)
          %dma_wait3A = arith.constant 0 : i32
          %dma_wait3A_38 = arith.constant 0 : i32
          %dma_wait3A_39 = tpu.memref_slice %arg8[%run_scoped3A, %dma_wait3A, %dma_wait3A_38] : memref<2x10000x128xf32, #tpu.memory_space<hbm>> -> memref<1x10000x128xf32, #tpu.memory_space<hbm>>
          %dma_wait3A_40 = tpu.memref_squeeze %dma_wait3A_39 : memref<1x10000x128xf32, #tpu.memory_space<hbm>> -> memref<10000x128xf32, #tpu.memory_space<hbm>>
          %dma_wait3A_41 = arith.constant 9600 : i32
          %dma_wait3A_42 = arith.constant 0 : i32
          %dma_wait3A_43 = tpu.memref_slice %dma_wait3A_40[%dma_wait3A_41, %dma_wait3A_42] : memref<10000x128xf32, #tpu.memory_space<hbm>> -> memref<400x128xf32, #tpu.memory_space<hbm>>
          %dma_wait3A_44 = arith.constant 9600 : i32
          %dma_wait3A_45 = arith.constant 0 : i32
          %dma_wait3A_46 = tpu.memref_slice %arg9[%dma_wait3A_44, %dma_wait3A_45] : memref<10240x128xf32, #tpu.memory_space<vmem_shared>> -> memref<400x128xf32, #tpu.memory_space<vmem_shared>>
          tpu.wait_dma2 semaphore(%run_scoped3A_28 : memref<!tpu.dma_semaphore, #tpu.memory_space<semaphore_mem>>) src(%dma_wait3A_46 : memref<400x128xf32, #tpu.memory_space<vmem_shared>>) dst(%dma_wait3A_43 : memref<400x128xf32, #tpu.memory_space<hbm>>)
          tpu.yield
        }) : () -> ()
      } else {
      }
    } else {
    }
    return
  }
}

#map = affine_map<(d0, d1) -> (0, 0, 0)>
#map1 = affine_map<(d0, d1) -> (0)>
#map2 = affine_map<(d0, d1) -> (0, 0)>
module attributes {stable_mosaic.version = 14 : i64} {
  func.func @_agg_kernel(%arg0: i32, %arg1: i32, %arg2: memref<2x10000x128xf32, #tpu.memory_space<hbm>>, %arg3: memref<320000xi32, #tpu.memory_space<hbm>>, %arg4: memref<320000xi32, #tpu.memory_space<hbm>>, %arg5: memref<7680xi32, #tpu.memory_space<hbm>>, %arg6: memref<7680xi32, #tpu.memory_space<hbm>>, %arg7: memref<640x128xf32, #tpu.memory_space<hbm>>, %arg8: memref<2x10000x128xf32, #tpu.memory_space<hbm>>, %arg9: memref<10240x128xf32, #tpu.memory_space<vmem_shared>>, %arg10: memref<128x128xf32, #tpu.memory_space<vmem>>, %arg11: memref<128x128xf32, #tpu.memory_space<vmem>>, %arg12: memref<128xi32, #tpu.memory_space<vmem>>, %arg13: memref<128xi32, #tpu.memory_space<vmem>>, %arg14: memref<128xi32, #tpu.memory_space<vmem>>, %arg15: memref<128xi32, #tpu.memory_space<vmem>>, %arg16: memref<128xi32, #tpu.memory_space<vmem>>, %arg17: memref<128xi32, #tpu.memory_space<vmem>>, %arg18: memref<128xi32, #tpu.memory_space<vmem>>, %arg19: memref<128xi32, #tpu.memory_space<vmem>>, %arg20: memref<!tpu.dma_semaphore, #tpu.memory_space<semaphore_mem>>, %arg21: memref<!tpu.dma_semaphore, #tpu.memory_space<semaphore_mem>>, %arg22: memref<!tpu.dma_semaphore, #tpu.memory_space<semaphore_mem>>, %arg23: memref<!tpu.dma_semaphore, #tpu.memory_space<semaphore_mem>>, %arg24: memref<!tpu.dma_semaphore, #tpu.memory_space<semaphore_mem>>, %arg25: memref<!tpu.dma_semaphore, #tpu.memory_space<semaphore_mem>>) attributes {dimension_semantics = [#tpu.dimension_semantics<core_parallel>, #tpu.dimension_semantics<subcore_parallel>], iteration_bounds = array<i64: 2, 16>, scalar_prefetch = 0 : i64, scratch_operands = 17 : i64, tpu.core_type = #tpu.core_type<sc_vector_subcore>, window_params = [{transform_indices = #map}, {transform_indices = #map1}, {transform_indices = #map1}, {transform_indices = #map1}, {transform_indices = #map1}, {transform_indices = #map2}, {transform_indices = #map}]} {
    %mul3A = arith.constant 640 : i32
    %mul3A_0 = arith.muli %arg1, %mul3A : i32
    "tpu.region"() ({
      %run_scoped3A = tpu.sem_alloc : memref<!tpu.dma_semaphore, #tpu.memory_space<semaphore_mem>>
      %dma_start3A = arith.constant 0 : i32
      %dma_start3A_19 = tpu.memref_slice %arg9[%mul3A_0, %dma_start3A] : memref<10240x128xf32, #tpu.memory_space<vmem_shared>> -> memref<640x128xf32, #tpu.memory_space<vmem_shared>>
      tpu.enqueue_dma source(%arg7 : memref<640x128xf32, #tpu.memory_space<hbm>>) target(%dma_start3A_19 : memref<640x128xf32, #tpu.memory_space<vmem_shared>>) target_semaphore(%run_scoped3A : memref<!tpu.dma_semaphore, #tpu.memory_space<semaphore_mem>>)
      %dma_wait3A = arith.constant 0 : i32
      %dma_wait3A_20 = tpu.memref_slice %arg9[%mul3A_0, %dma_wait3A] : memref<10240x128xf32, #tpu.memory_space<vmem_shared>> -> memref<640x128xf32, #tpu.memory_space<vmem_shared>>
      tpu.wait_dma2 semaphore(%run_scoped3A : memref<!tpu.dma_semaphore, #tpu.memory_space<semaphore_mem>>) src(%arg7 : memref<640x128xf32, #tpu.memory_space<hbm>>) dst(%dma_wait3A_20 : memref<640x128xf32, #tpu.memory_space<vmem_shared>>)
      tpu.yield
    }) : () -> ()
    %barrier3A = arith.constant 0 : index
    tpu.barrier barrier_id(%barrier3A)
    %eq3A = arith.constant 0 : i32
    %eq3A_1 = arith.cmpi eq, %arg0, %eq3A : i32
    %convert_element_type3A = arith.extui %eq3A_1 : i1 to i32
    %cond3A = arith.constant 0 : i32
    %cond3A_2 = arith.cmpi ne, %convert_element_type3A, %cond3A : i32
    scf.if %cond3A_2 {
      %mul3A_19 = arith.constant 160 : i32
      %mul3A_20 = arith.muli %arg1, %mul3A_19 : i32
      %add3A = arith.constant 0 : i32
      %add3A_21 = arith.addi %mul3A_20, %add3A : i32
      %mul3A_22 = arith.constant 128 : i32
      %mul3A_23 = arith.muli %add3A_21, %mul3A_22 : i32
      %lt3A = arith.constant 320000 : i32
      %lt3A_24 = arith.cmpi slt, %mul3A_23, %lt3A : i32
      %convert_element_type3A_25 = arith.extui %lt3A_24 : i1 to i32
      %cond3A_26 = arith.constant 0 : i32
      %cond3A_27 = arith.cmpi ne, %convert_element_type3A_25, %cond3A_26 : i32
      scf.if %cond3A_27 {
        %dma_start3A_179 = tpu.memref_slice %arg3[%mul3A_23] : memref<320000xi32, #tpu.memory_space<hbm>> -> memref<128xi32, #tpu.memory_space<hbm>>
        %dma_start3A_180 = tpu.memref_slice %arg3[%mul3A_23] : memref<320000xi32, #tpu.memory_space<hbm>> -> memref<128xi32, #tpu.memory_space<hbm>>
        tpu.enqueue_dma source(%dma_start3A_180 : memref<128xi32, #tpu.memory_space<hbm>>) target(%arg12 : memref<128xi32, #tpu.memory_space<vmem>>) target_semaphore(%arg22 : memref<!tpu.dma_semaphore, #tpu.memory_space<semaphore_mem>>)
        %dma_start3A_181 = tpu.memref_slice %arg4[%mul3A_23] : memref<320000xi32, #tpu.memory_space<hbm>> -> memref<128xi32, #tpu.memory_space<hbm>>
        %dma_start3A_182 = tpu.memref_slice %arg4[%mul3A_23] : memref<320000xi32, #tpu.memory_space<hbm>> -> memref<128xi32, #tpu.memory_space<hbm>>
        tpu.enqueue_dma source(%dma_start3A_182 : memref<128xi32, #tpu.memory_space<hbm>>) target(%arg16 : memref<128xi32, #tpu.memory_space<vmem>>) target_semaphore(%arg22 : memref<!tpu.dma_semaphore, #tpu.memory_space<semaphore_mem>>)
      } else {
      }
      %ge3A = arith.constant 320000 : i32
      %ge3A_28 = arith.cmpi sge, %mul3A_23, %ge3A : i32
      %convert_element_type3A_29 = arith.extui %ge3A_28 : i1 to i32
      %cond3A_30 = arith.constant 0 : i32
      %cond3A_31 = arith.cmpi ne, %convert_element_type3A_29, %cond3A_30 : i32
      scf.if %cond3A_31 {
        %sub3A = arith.constant 320000 : i32
        %sub3A_179 = arith.subi %mul3A_23, %sub3A : i32
        %dma_start3A_180 = tpu.memref_slice %arg5[%sub3A_179] : memref<7680xi32, #tpu.memory_space<hbm>> -> memref<128xi32, #tpu.memory_space<hbm>>
        %dma_start3A_181 = tpu.memref_slice %arg5[%sub3A_179] : memref<7680xi32, #tpu.memory_space<hbm>> -> memref<128xi32, #tpu.memory_space<hbm>>
        tpu.enqueue_dma source(%dma_start3A_181 : memref<128xi32, #tpu.memory_space<hbm>>) target(%arg12 : memref<128xi32, #tpu.memory_space<vmem>>) target_semaphore(%arg22 : memref<!tpu.dma_semaphore, #tpu.memory_space<semaphore_mem>>)
        %dma_start3A_182 = tpu.memref_slice %arg6[%sub3A_179] : memref<7680xi32, #tpu.memory_space<hbm>> -> memref<128xi32, #tpu.memory_space<hbm>>
        %dma_start3A_183 = tpu.memref_slice %arg6[%sub3A_179] : memref<7680xi32, #tpu.memory_space<hbm>> -> memref<128xi32, #tpu.memory_space<hbm>>
        tpu.enqueue_dma source(%dma_start3A_183 : memref<128xi32, #tpu.memory_space<hbm>>) target(%arg16 : memref<128xi32, #tpu.memory_space<vmem>>) target_semaphore(%arg22 : memref<!tpu.dma_semaphore, #tpu.memory_space<semaphore_mem>>)
      } else {
      }
      %mul3A_32 = arith.constant 160 : i32
      %mul3A_33 = arith.muli %arg1, %mul3A_32 : i32
      %add3A_34 = arith.constant 1 : i32
      %add3A_35 = arith.addi %mul3A_33, %add3A_34 : i32
      %mul3A_36 = arith.constant 128 : i32
      %mul3A_37 = arith.muli %add3A_35, %mul3A_36 : i32
      %lt3A_38 = arith.constant 320000 : i32
      %lt3A_39 = arith.cmpi slt, %mul3A_37, %lt3A_38 : i32
      %convert_element_type3A_40 = arith.extui %lt3A_39 : i1 to i32
      %cond3A_41 = arith.constant 0 : i32
      %cond3A_42 = arith.cmpi ne, %convert_element_type3A_40, %cond3A_41 : i32
      scf.if %cond3A_42 {
        %dma_start3A_179 = tpu.memref_slice %arg3[%mul3A_37] : memref<320000xi32, #tpu.memory_space<hbm>> -> memref<128xi32, #tpu.memory_space<hbm>>
        %dma_start3A_180 = tpu.memref_slice %arg3[%mul3A_37] : memref<320000xi32, #tpu.memory_space<hbm>> -> memref<128xi32, #tpu.memory_space<hbm>>
        tpu.enqueue_dma source(%dma_start3A_180 : memref<128xi32, #tpu.memory_space<hbm>>) target(%arg13 : memref<128xi32, #tpu.memory_space<vmem>>) target_semaphore(%arg23 : memref<!tpu.dma_semaphore, #tpu.memory_space<semaphore_mem>>)
        %dma_start3A_181 = tpu.memref_slice %arg4[%mul3A_37] : memref<320000xi32, #tpu.memory_space<hbm>> -> memref<128xi32, #tpu.memory_space<hbm>>
        %dma_start3A_182 = tpu.memref_slice %arg4[%mul3A_37] : memref<320000xi32, #tpu.memory_space<hbm>> -> memref<128xi32, #tpu.memory_space<hbm>>
        tpu.enqueue_dma source(%dma_start3A_182 : memref<128xi32, #tpu.memory_space<hbm>>) target(%arg17 : memref<128xi32, #tpu.memory_space<vmem>>) target_semaphore(%arg23 : memref<!tpu.dma_semaphore, #tpu.memory_space<semaphore_mem>>)
      } else {
      }
      %ge3A_43 = arith.constant 320000 : i32
      %ge3A_44 = arith.cmpi sge, %mul3A_37, %ge3A_43 : i32
      %convert_element_type3A_45 = arith.extui %ge3A_44 : i1 to i32
      %cond3A_46 = arith.constant 0 : i32
      %cond3A_47 = arith.cmpi ne, %convert_element_type3A_45, %cond3A_46 : i32
      scf.if %cond3A_47 {
        %sub3A = arith.constant 320000 : i32
        %sub3A_179 = arith.subi %mul3A_37, %sub3A : i32
        %dma_start3A_180 = tpu.memref_slice %arg5[%sub3A_179] : memref<7680xi32, #tpu.memory_space<hbm>> -> memref<128xi32, #tpu.memory_space<hbm>>
        %dma_start3A_181 = tpu.memref_slice %arg5[%sub3A_179] : memref<7680xi32, #tpu.memory_space<hbm>> -> memref<128xi32, #tpu.memory_space<hbm>>
        tpu.enqueue_dma source(%dma_start3A_181 : memref<128xi32, #tpu.memory_space<hbm>>) target(%arg13 : memref<128xi32, #tpu.memory_space<vmem>>) target_semaphore(%arg23 : memref<!tpu.dma_semaphore, #tpu.memory_space<semaphore_mem>>)
        %dma_start3A_182 = tpu.memref_slice %arg6[%sub3A_179] : memref<7680xi32, #tpu.memory_space<hbm>> -> memref<128xi32, #tpu.memory_space<hbm>>
        %dma_start3A_183 = tpu.memref_slice %arg6[%sub3A_179] : memref<7680xi32, #tpu.memory_space<hbm>> -> memref<128xi32, #tpu.memory_space<hbm>>
        tpu.enqueue_dma source(%dma_start3A_183 : memref<128xi32, #tpu.memory_space<hbm>>) target(%arg17 : memref<128xi32, #tpu.memory_space<vmem>>) target_semaphore(%arg23 : memref<!tpu.dma_semaphore, #tpu.memory_space<semaphore_mem>>)
      } else {
      }
      %dma_wait3A = arith.constant 0 : i32
      %dma_wait3A_48 = tpu.memref_slice %arg3[%dma_wait3A] : memref<320000xi32, #tpu.memory_space<hbm>> -> memref<128xi32, #tpu.memory_space<hbm>>
      %dma_wait3A_49 = arith.constant 0 : i32
      %dma_wait3A_50 = tpu.memref_slice %arg3[%dma_wait3A_49] : memref<320000xi32, #tpu.memory_space<hbm>> -> memref<128xi32, #tpu.memory_space<hbm>>
      tpu.wait_dma2 semaphore(%arg22 : memref<!tpu.dma_semaphore, #tpu.memory_space<semaphore_mem>>) src(%dma_wait3A_50 : memref<128xi32, #tpu.memory_space<hbm>>) dst(%arg12 : memref<128xi32, #tpu.memory_space<vmem>>)
      %dma_wait3A_51 = arith.constant 0 : i32
      %dma_wait3A_52 = tpu.memref_slice %arg4[%dma_wait3A_51] : memref<320000xi32, #tpu.memory_space<hbm>> -> memref<128xi32, #tpu.memory_space<hbm>>
      %dma_wait3A_53 = arith.constant 0 : i32
      %dma_wait3A_54 = tpu.memref_slice %arg4[%dma_wait3A_53] : memref<320000xi32, #tpu.memory_space<hbm>> -> memref<128xi32, #tpu.memory_space<hbm>>
      tpu.wait_dma2 semaphore(%arg22 : memref<!tpu.dma_semaphore, #tpu.memory_space<semaphore_mem>>) src(%dma_wait3A_54 : memref<128xi32, #tpu.memory_space<hbm>>) dst(%arg16 : memref<128xi32, #tpu.memory_space<vmem>>)
      %dma_start3A = arith.constant 0 : i32
      %dma_start3A_55 = arith.constant 0 : i32
      %dma_start3A_56 = arith.constant 0 : i32
      %dma_start3A_57 = tpu.memref_slice %arg2[%dma_start3A, %dma_start3A_55, %dma_start3A_56] : memref<2x10000x128xf32, #tpu.memory_space<hbm>> -> memref<1x10000x128xf32, #tpu.memory_space<hbm>>
      %dma_start3A_58 = tpu.memref_squeeze %dma_start3A_57 : memref<1x10000x128xf32, #tpu.memory_space<hbm>> -> memref<10000x128xf32, #tpu.memory_space<hbm>>
      %dma_start3A_59 = arith.constant 0 : i32
      %dma_start3A_60 = arith.constant 0 : i32
      %dma_start3A_61 = tpu.memref_slice %dma_start3A_58[%dma_start3A_59, %dma_start3A_60] : memref<10000x128xf32, #tpu.memory_space<hbm>> -> memref<10000x128xf32, #tpu.memory_space<hbm>>
      tpu.enqueue_indirect_dma source(%dma_start3A_61 : memref<10000x128xf32, #tpu.memory_space<hbm>>) target(%arg10 : memref<128x128xf32, #tpu.memory_space<vmem>>) offsets(%arg12 : memref<128xi32, #tpu.memory_space<vmem>>) semaphore(%arg20 : memref<!tpu.dma_semaphore, #tpu.memory_space<semaphore_mem>>)
      %mul3A_62 = arith.constant 160 : i32
      %mul3A_63 = arith.muli %arg1, %mul3A_62 : i32
      %add3A_64 = arith.constant 2 : i32
      %add3A_65 = arith.addi %mul3A_63, %add3A_64 : i32
      %mul3A_66 = arith.constant 128 : i32
      %mul3A_67 = arith.muli %add3A_65, %mul3A_66 : i32
      %lt3A_68 = arith.constant 320000 : i32
      %lt3A_69 = arith.cmpi slt, %mul3A_67, %lt3A_68 : i32
      %convert_element_type3A_70 = arith.extui %lt3A_69 : i1 to i32
      %cond3A_71 = arith.constant 0 : i32
      %cond3A_72 = arith.cmpi ne, %convert_element_type3A_70, %cond3A_71 : i32
      scf.if %cond3A_72 {
        %dma_start3A_179 = tpu.memref_slice %arg3[%mul3A_67] : memref<320000xi32, #tpu.memory_space<hbm>> -> memref<128xi32, #tpu.memory_space<hbm>>
        %dma_start3A_180 = tpu.memref_slice %arg3[%mul3A_67] : memref<320000xi32, #tpu.memory_space<hbm>> -> memref<128xi32, #tpu.memory_space<hbm>>
        tpu.enqueue_dma source(%dma_start3A_180 : memref<128xi32, #tpu.memory_space<hbm>>) target(%arg14 : memref<128xi32, #tpu.memory_space<vmem>>) target_semaphore(%arg24 : memref<!tpu.dma_semaphore, #tpu.memory_space<semaphore_mem>>)
        %dma_start3A_181 = tpu.memref_slice %arg4[%mul3A_67] : memref<320000xi32, #tpu.memory_space<hbm>> -> memref<128xi32, #tpu.memory_space<hbm>>
        %dma_start3A_182 = tpu.memref_slice %arg4[%mul3A_67] : memref<320000xi32, #tpu.memory_space<hbm>> -> memref<128xi32, #tpu.memory_space<hbm>>
        tpu.enqueue_dma source(%dma_start3A_182 : memref<128xi32, #tpu.memory_space<hbm>>) target(%arg18 : memref<128xi32, #tpu.memory_space<vmem>>) target_semaphore(%arg24 : memref<!tpu.dma_semaphore, #tpu.memory_space<semaphore_mem>>)
      } else {
      }
      %ge3A_73 = arith.constant 320000 : i32
      %ge3A_74 = arith.cmpi sge, %mul3A_67, %ge3A_73 : i32
      %convert_element_type3A_75 = arith.extui %ge3A_74 : i1 to i32
      %cond3A_76 = arith.constant 0 : i32
      %cond3A_77 = arith.cmpi ne, %convert_element_type3A_75, %cond3A_76 : i32
      scf.if %cond3A_77 {
        %sub3A = arith.constant 320000 : i32
        %sub3A_179 = arith.subi %mul3A_67, %sub3A : i32
        %dma_start3A_180 = tpu.memref_slice %arg5[%sub3A_179] : memref<7680xi32, #tpu.memory_space<hbm>> -> memref<128xi32, #tpu.memory_space<hbm>>
        %dma_start3A_181 = tpu.memref_slice %arg5[%sub3A_179] : memref<7680xi32, #tpu.memory_space<hbm>> -> memref<128xi32, #tpu.memory_space<hbm>>
        tpu.enqueue_dma source(%dma_start3A_181 : memref<128xi32, #tpu.memory_space<hbm>>) target(%arg14 : memref<128xi32, #tpu.memory_space<vmem>>) target_semaphore(%arg24 : memref<!tpu.dma_semaphore, #tpu.memory_space<semaphore_mem>>)
        %dma_start3A_182 = tpu.memref_slice %arg6[%sub3A_179] : memref<7680xi32, #tpu.memory_space<hbm>> -> memref<128xi32, #tpu.memory_space<hbm>>
        %dma_start3A_183 = tpu.memref_slice %arg6[%sub3A_179] : memref<7680xi32, #tpu.memory_space<hbm>> -> memref<128xi32, #tpu.memory_space<hbm>>
        tpu.enqueue_dma source(%dma_start3A_183 : memref<128xi32, #tpu.memory_space<hbm>>) target(%arg18 : memref<128xi32, #tpu.memory_space<vmem>>) target_semaphore(%arg24 : memref<!tpu.dma_semaphore, #tpu.memory_space<semaphore_mem>>)
      } else {
      }
      %scan3A = arith.constant 0 : i32
      %scan3A_78 = arith.constant 0 : i32
      %scan3A_79 = arith.constant 39 : i32
      %scan3A_80 = arith.addi %scan3A_78, %scan3A_79 : i32
      %scan3A_81 = arith.constant 1 : i32
      scf.for %scan3A_179 = %scan3A_78 to %scan3A_80 step %scan3A_81  : i32 {
        %mul3A_180 = arith.constant 1 : i32
        %mul3A_181 = arith.muli %scan3A_179, %mul3A_180 : i32
        %add3A_182 = arith.constant 0 : i32
        %add3A_183 = arith.addi %add3A_182, %mul3A_181 : i32
        %mul3A_184 = arith.constant 4 : i32
        %mul3A_185 = arith.muli %mul3A_184, %add3A_183 : i32
        %add3A_186 = arith.constant 0 : i32
        %add3A_187 = arith.addi %mul3A_185, %add3A_186 : i32
        %add3A_188 = arith.constant 1 : i32
        %add3A_189 = arith.addi %add3A_187, %add3A_188 : i32
        %dma_wait3A_190 = arith.constant 0 : i32
        %dma_wait3A_191 = tpu.memref_slice %arg3[%dma_wait3A_190] : memref<320000xi32, #tpu.memory_space<hbm>> -> memref<128xi32, #tpu.memory_space<hbm>>
        %dma_wait3A_192 = arith.constant 0 : i32
        %dma_wait3A_193 = tpu.memref_slice %arg3[%dma_wait3A_192] : memref<320000xi32, #tpu.memory_space<hbm>> -> memref<128xi32, #tpu.memory_space<hbm>>
        tpu.wait_dma2 semaphore(%arg23 : memref<!tpu.dma_semaphore, #tpu.memory_space<semaphore_mem>>) src(%dma_wait3A_193 : memref<128xi32, #tpu.memory_space<hbm>>) dst(%arg13 : memref<128xi32, #tpu.memory_space<vmem>>)
        %dma_wait3A_194 = arith.constant 0 : i32
        %dma_wait3A_195 = tpu.memref_slice %arg4[%dma_wait3A_194] : memref<320000xi32, #tpu.memory_space<hbm>> -> memref<128xi32, #tpu.memory_space<hbm>>
        %dma_wait3A_196 = arith.constant 0 : i32
        %dma_wait3A_197 = tpu.memref_slice %arg4[%dma_wait3A_196] : memref<320000xi32, #tpu.memory_space<hbm>> -> memref<128xi32, #tpu.memory_space<hbm>>
        tpu.wait_dma2 semaphore(%arg23 : memref<!tpu.dma_semaphore, #tpu.memory_space<semaphore_mem>>) src(%dma_wait3A_197 : memref<128xi32, #tpu.memory_space<hbm>>) dst(%arg17 : memref<128xi32, #tpu.memory_space<vmem>>)
        %dma_start3A_198 = arith.constant 0 : i32
        %dma_start3A_199 = arith.constant 0 : i32
        %dma_start3A_200 = tpu.memref_slice %arg2[%scan3A, %dma_start3A_198, %dma_start3A_199] : memref<2x10000x128xf32, #tpu.memory_space<hbm>> -> memref<1x10000x128xf32, #tpu.memory_space<hbm>>
        %dma_start3A_201 = tpu.memref_squeeze %dma_start3A_200 : memref<1x10000x128xf32, #tpu.memory_space<hbm>> -> memref<10000x128xf32, #tpu.memory_space<hbm>>
        %dma_start3A_202 = arith.constant 0 : i32
        %dma_start3A_203 = arith.constant 0 : i32
        %dma_start3A_204 = tpu.memref_slice %dma_start3A_201[%dma_start3A_202, %dma_start3A_203] : memref<10000x128xf32, #tpu.memory_space<hbm>> -> memref<10000x128xf32, #tpu.memory_space<hbm>>
        tpu.enqueue_indirect_dma source(%dma_start3A_204 : memref<10000x128xf32, #tpu.memory_space<hbm>>) target(%arg11 : memref<128x128xf32, #tpu.memory_space<vmem>>) offsets(%arg13 : memref<128xi32, #tpu.memory_space<vmem>>) semaphore(%arg21 : memref<!tpu.dma_semaphore, #tpu.memory_space<semaphore_mem>>)
        %add3A_205 = arith.constant 2 : i32
        %add3A_206 = arith.addi %add3A_189, %add3A_205 : i32
        %mul3A_207 = arith.constant 160 : i32
        %mul3A_208 = arith.muli %arg1, %mul3A_207 : i32
        %add3A_209 = arith.addi %mul3A_208, %add3A_206 : i32
        %mul3A_210 = arith.constant 128 : i32
        %mul3A_211 = arith.muli %add3A_209, %mul3A_210 : i32
        %lt3A_212 = arith.constant 320000 : i32
        %lt3A_213 = arith.cmpi slt, %mul3A_211, %lt3A_212 : i32
        %convert_element_type3A_214 = arith.extui %lt3A_213 : i1 to i32
        %cond3A_215 = arith.constant 0 : i32
        %cond3A_216 = arith.cmpi ne, %convert_element_type3A_214, %cond3A_215 : i32
        scf.if %cond3A_216 {
          %dma_start3A_364 = tpu.memref_slice %arg3[%mul3A_211] : memref<320000xi32, #tpu.memory_space<hbm>> -> memref<128xi32, #tpu.memory_space<hbm>>
          %dma_start3A_365 = tpu.memref_slice %arg3[%mul3A_211] : memref<320000xi32, #tpu.memory_space<hbm>> -> memref<128xi32, #tpu.memory_space<hbm>>
          tpu.enqueue_dma source(%dma_start3A_365 : memref<128xi32, #tpu.memory_space<hbm>>) target(%arg15 : memref<128xi32, #tpu.memory_space<vmem>>) target_semaphore(%arg25 : memref<!tpu.dma_semaphore, #tpu.memory_space<semaphore_mem>>)
          %dma_start3A_366 = tpu.memref_slice %arg4[%mul3A_211] : memref<320000xi32, #tpu.memory_space<hbm>> -> memref<128xi32, #tpu.memory_space<hbm>>
          %dma_start3A_367 = tpu.memref_slice %arg4[%mul3A_211] : memref<320000xi32, #tpu.memory_space<hbm>> -> memref<128xi32, #tpu.memory_space<hbm>>
          tpu.enqueue_dma source(%dma_start3A_367 : memref<128xi32, #tpu.memory_space<hbm>>) target(%arg19 : memref<128xi32, #tpu.memory_space<vmem>>) target_semaphore(%arg25 : memref<!tpu.dma_semaphore, #tpu.memory_space<semaphore_mem>>)
        } else {
        }
        %ge3A_217 = arith.constant 320000 : i32
        %ge3A_218 = arith.cmpi sge, %mul3A_211, %ge3A_217 : i32
        %convert_element_type3A_219 = arith.extui %ge3A_218 : i1 to i32
        %cond3A_220 = arith.constant 0 : i32
        %cond3A_221 = arith.cmpi ne, %convert_element_type3A_219, %cond3A_220 : i32
        scf.if %cond3A_221 {
          %sub3A = arith.constant 320000 : i32
          %sub3A_364 = arith.subi %mul3A_211, %sub3A : i32
          %dma_start3A_365 = tpu.memref_slice %arg5[%sub3A_364] : memref<7680xi32, #tpu.memory_space<hbm>> -> memref<128xi32, #tpu.memory_space<hbm>>
          %dma_start3A_366 = tpu.memref_slice %arg5[%sub3A_364] : memref<7680xi32, #tpu.memory_space<hbm>> -> memref<128xi32, #tpu.memory_space<hbm>>
          tpu.enqueue_dma source(%dma_start3A_366 : memref<128xi32, #tpu.memory_space<hbm>>) target(%arg15 : memref<128xi32, #tpu.memory_space<vmem>>) target_semaphore(%arg25 : memref<!tpu.dma_semaphore, #tpu.memory_space<semaphore_mem>>)
          %dma_start3A_367 = tpu.memref_slice %arg6[%sub3A_364] : memref<7680xi32, #tpu.memory_space<hbm>> -> memref<128xi32, #tpu.memory_space<hbm>>
          %dma_start3A_368 = tpu.memref_slice %arg6[%sub3A_364] : memref<7680xi32, #tpu.memory_space<hbm>> -> memref<128xi32, #tpu.memory_space<hbm>>
          tpu.enqueue_dma source(%dma_start3A_368 : memref<128xi32, #tpu.memory_space<hbm>>) target(%arg19 : memref<128xi32, #tpu.memory_space<vmem>>) target_semaphore(%arg25 : memref<!tpu.dma_semaphore, #tpu.memory_space<semaphore_mem>>)
        } else {
        }
        %dma_wait3A_222 = arith.constant 0 : i32
        %dma_wait3A_223 = arith.constant 0 : i32
        %dma_wait3A_224 = tpu.memref_slice %arg2[%scan3A, %dma_wait3A_222, %dma_wait3A_223] : memref<2x10000x128xf32, #tpu.memory_space<hbm>> -> memref<1x10000x128xf32, #tpu.memory_space<hbm>>
        %dma_wait3A_225 = tpu.memref_squeeze %dma_wait3A_224 : memref<1x10000x128xf32, #tpu.memory_space<hbm>> -> memref<10000x128xf32, #tpu.memory_space<hbm>>
        %dma_wait3A_226 = arith.constant 0 : i32
        %dma_wait3A_227 = arith.constant 0 : i32
        %dma_wait3A_228 = tpu.memref_slice %dma_wait3A_225[%dma_wait3A_226, %dma_wait3A_227] : memref<10000x128xf32, #tpu.memory_space<hbm>> -> memref<10000x128xf32, #tpu.memory_space<hbm>>
        tpu.wait_indirect_dma semaphore(%arg20 : memref<!tpu.dma_semaphore, #tpu.memory_space<semaphore_mem>>) src(%dma_wait3A_228 : memref<10000x128xf32, #tpu.memory_space<hbm>>) dst(%arg10 : memref<128x128xf32, #tpu.memory_space<vmem>>)
        "tpu.region"() ({
          %run_scoped3A = tpu.sem_alloc : memref<!tpu.dma_semaphore, #tpu.memory_space<semaphore_mem>>
          %dma_start3A_364 = arith.constant 0 : i32
          %dma_start3A_365 = arith.constant 0 : i32
          %dma_start3A_366 = tpu.memref_slice %arg9[%dma_start3A_364, %dma_start3A_365] : memref<10240x128xf32, #tpu.memory_space<vmem_shared>> -> memref<10240x128xf32, #tpu.memory_space<vmem_shared>>
          tpu.enqueue_indirect_dma source(%arg10 : memref<128x128xf32, #tpu.memory_space<vmem>>) target(%dma_start3A_366 : memref<10240x128xf32, #tpu.memory_space<vmem_shared>>) offsets(%arg16 : memref<128xi32, #tpu.memory_space<vmem>>) semaphore(%run_scoped3A : memref<!tpu.dma_semaphore, #tpu.memory_space<semaphore_mem>>) {add = true}
          %dma_wait3A_367 = arith.constant 0 : i32
          %dma_wait3A_368 = arith.constant 0 : i32
          %dma_wait3A_369 = tpu.memref_slice %arg9[%dma_wait3A_367, %dma_wait3A_368] : memref<10240x128xf32, #tpu.memory_space<vmem_shared>> -> memref<10240x128xf32, #tpu.memory_space<vmem_shared>>
          tpu.wait_indirect_dma semaphore(%run_scoped3A : memref<!tpu.dma_semaphore, #tpu.memory_space<semaphore_mem>>) src(%arg10 : memref<128x128xf32, #tpu.memory_space<vmem>>) dst(%dma_wait3A_369 : memref<10240x128xf32, #tpu.memory_space<vmem_shared>>)
          tpu.yield
        }) : () -> ()
        %mul3A_229 = arith.constant 4 : i32
        %mul3A_230 = arith.muli %mul3A_229, %add3A_183 : i32
        %add3A_231 = arith.constant 1 : i32
        %add3A_232 = arith.addi %mul3A_230, %add3A_231 : i32
        %add3A_233 = arith.constant 1 : i32
        %add3A_234 = arith.addi %add3A_232, %add3A_233 : i32
        %dma_wait3A_235 = arith.constant 0 : i32
        %dma_wait3A_236 = tpu.memref_slice %arg3[%dma_wait3A_235] : memref<320000xi32, #tpu.memory_space<hbm>> -> memref<128xi32, #tpu.memory_space<hbm>>
        %dma_wait3A_237 = arith.constant 0 : i32
        %dma_wait3A_238 = tpu.memref_slice %arg3[%dma_wait3A_237] : memref<320000xi32, #tpu.memory_space<hbm>> -> memref<128xi32, #tpu.memory_space<hbm>>
        tpu.wait_dma2 semaphore(%arg24 : memref<!tpu.dma_semaphore, #tpu.memory_space<semaphore_mem>>) src(%dma_wait3A_238 : memref<128xi32, #tpu.memory_space<hbm>>) dst(%arg14 : memref<128xi32, #tpu.memory_space<vmem>>)
        %dma_wait3A_239 = arith.constant 0 : i32
        %dma_wait3A_240 = tpu.memref_slice %arg4[%dma_wait3A_239] : memref<320000xi32, #tpu.memory_space<hbm>> -> memref<128xi32, #tpu.memory_space<hbm>>
        %dma_wait3A_241 = arith.constant 0 : i32
        %dma_wait3A_242 = tpu.memref_slice %arg4[%dma_wait3A_241] : memref<320000xi32, #tpu.memory_space<hbm>> -> memref<128xi32, #tpu.memory_space<hbm>>
        tpu.wait_dma2 semaphore(%arg24 : memref<!tpu.dma_semaphore, #tpu.memory_space<semaphore_mem>>) src(%dma_wait3A_242 : memref<128xi32, #tpu.memory_space<hbm>>) dst(%arg18 : memref<128xi32, #tpu.memory_space<vmem>>)
        %dma_start3A_243 = arith.constant 0 : i32
        %dma_start3A_244 = arith.constant 0 : i32
        %dma_start3A_245 = tpu.memref_slice %arg2[%scan3A, %dma_start3A_243, %dma_start3A_244] : memref<2x10000x128xf32, #tpu.memory_space<hbm>> -> memref<1x10000x128xf32, #tpu.memory_space<hbm>>
        %dma_start3A_246 = tpu.memref_squeeze %dma_start3A_245 : memref<1x10000x128xf32, #tpu.memory_space<hbm>> -> memref<10000x128xf32, #tpu.memory_space<hbm>>
        %dma_start3A_247 = arith.constant 0 : i32
        %dma_start3A_248 = arith.constant 0 : i32
        %dma_start3A_249 = tpu.memref_slice %dma_start3A_246[%dma_start3A_247, %dma_start3A_248] : memref<10000x128xf32, #tpu.memory_space<hbm>> -> memref<10000x128xf32, #tpu.memory_space<hbm>>
        tpu.enqueue_indirect_dma source(%dma_start3A_249 : memref<10000x128xf32, #tpu.memory_space<hbm>>) target(%arg10 : memref<128x128xf32, #tpu.memory_space<vmem>>) offsets(%arg14 : memref<128xi32, #tpu.memory_space<vmem>>) semaphore(%arg20 : memref<!tpu.dma_semaphore, #tpu.memory_space<semaphore_mem>>)
        %add3A_250 = arith.constant 2 : i32
        %add3A_251 = arith.addi %add3A_234, %add3A_250 : i32
        %mul3A_252 = arith.constant 160 : i32
        %mul3A_253 = arith.muli %arg1, %mul3A_252 : i32
        %add3A_254 = arith.addi %mul3A_253, %add3A_251 : i32
        %mul3A_255 = arith.constant 128 : i32
        %mul3A_256 = arith.muli %add3A_254, %mul3A_255 : i32
        %lt3A_257 = arith.constant 320000 : i32
        %lt3A_258 = arith.cmpi slt, %mul3A_256, %lt3A_257 : i32
        %convert_element_type3A_259 = arith.extui %lt3A_258 : i1 to i32
        %cond3A_260 = arith.constant 0 : i32
        %cond3A_261 = arith.cmpi ne, %convert_element_type3A_259, %cond3A_260 : i32
        scf.if %cond3A_261 {
          %dma_start3A_364 = tpu.memref_slice %arg3[%mul3A_256] : memref<320000xi32, #tpu.memory_space<hbm>> -> memref<128xi32, #tpu.memory_space<hbm>>
          %dma_start3A_365 = tpu.memref_slice %arg3[%mul3A_256] : memref<320000xi32, #tpu.memory_space<hbm>> -> memref<128xi32, #tpu.memory_space<hbm>>
          tpu.enqueue_dma source(%dma_start3A_365 : memref<128xi32, #tpu.memory_space<hbm>>) target(%arg12 : memref<128xi32, #tpu.memory_space<vmem>>) target_semaphore(%arg22 : memref<!tpu.dma_semaphore, #tpu.memory_space<semaphore_mem>>)
          %dma_start3A_366 = tpu.memref_slice %arg4[%mul3A_256] : memref<320000xi32, #tpu.memory_space<hbm>> -> memref<128xi32, #tpu.memory_space<hbm>>
          %dma_start3A_367 = tpu.memref_slice %arg4[%mul3A_256] : memref<320000xi32, #tpu.memory_space<hbm>> -> memref<128xi32, #tpu.memory_space<hbm>>
          tpu.enqueue_dma source(%dma_start3A_367 : memref<128xi32, #tpu.memory_space<hbm>>) target(%arg16 : memref<128xi32, #tpu.memory_space<vmem>>) target_semaphore(%arg22 : memref<!tpu.dma_semaphore, #tpu.memory_space<semaphore_mem>>)
        } else {
        }
        %ge3A_262 = arith.constant 320000 : i32
        %ge3A_263 = arith.cmpi sge, %mul3A_256, %ge3A_262 : i32
        %convert_element_type3A_264 = arith.extui %ge3A_263 : i1 to i32
        %cond3A_265 = arith.constant 0 : i32
        %cond3A_266 = arith.cmpi ne, %convert_element_type3A_264, %cond3A_265 : i32
        scf.if %cond3A_266 {
          %sub3A = arith.constant 320000 : i32
          %sub3A_364 = arith.subi %mul3A_256, %sub3A : i32
          %dma_start3A_365 = tpu.memref_slice %arg5[%sub3A_364] : memref<7680xi32, #tpu.memory_space<hbm>> -> memref<128xi32, #tpu.memory_space<hbm>>
          %dma_start3A_366 = tpu.memref_slice %arg5[%sub3A_364] : memref<7680xi32, #tpu.memory_space<hbm>> -> memref<128xi32, #tpu.memory_space<hbm>>
          tpu.enqueue_dma source(%dma_start3A_366 : memref<128xi32, #tpu.memory_space<hbm>>) target(%arg12 : memref<128xi32, #tpu.memory_space<vmem>>) target_semaphore(%arg22 : memref<!tpu.dma_semaphore, #tpu.memory_space<semaphore_mem>>)
          %dma_start3A_367 = tpu.memref_slice %arg6[%sub3A_364] : memref<7680xi32, #tpu.memory_space<hbm>> -> memref<128xi32, #tpu.memory_space<hbm>>
          %dma_start3A_368 = tpu.memref_slice %arg6[%sub3A_364] : memref<7680xi32, #tpu.memory_space<hbm>> -> memref<128xi32, #tpu.memory_space<hbm>>
          tpu.enqueue_dma source(%dma_start3A_368 : memref<128xi32, #tpu.memory_space<hbm>>) target(%arg16 : memref<128xi32, #tpu.memory_space<vmem>>) target_semaphore(%arg22 : memref<!tpu.dma_semaphore, #tpu.memory_space<semaphore_mem>>)
        } else {
        }
        %dma_wait3A_267 = arith.constant 0 : i32
        %dma_wait3A_268 = arith.constant 0 : i32
        %dma_wait3A_269 = tpu.memref_slice %arg2[%scan3A, %dma_wait3A_267, %dma_wait3A_268] : memref<2x10000x128xf32, #tpu.memory_space<hbm>> -> memref<1x10000x128xf32, #tpu.memory_space<hbm>>
        %dma_wait3A_270 = tpu.memref_squeeze %dma_wait3A_269 : memref<1x10000x128xf32, #tpu.memory_space<hbm>> -> memref<10000x128xf32, #tpu.memory_space<hbm>>
        %dma_wait3A_271 = arith.constant 0 : i32
        %dma_wait3A_272 = arith.constant 0 : i32
        %dma_wait3A_273 = tpu.memref_slice %dma_wait3A_270[%dma_wait3A_271, %dma_wait3A_272] : memref<10000x128xf32, #tpu.memory_space<hbm>> -> memref<10000x128xf32, #tpu.memory_space<hbm>>
        tpu.wait_indirect_dma semaphore(%arg21 : memref<!tpu.dma_semaphore, #tpu.memory_space<semaphore_mem>>) src(%dma_wait3A_273 : memref<10000x128xf32, #tpu.memory_space<hbm>>) dst(%arg11 : memref<128x128xf32, #tpu.memory_space<vmem>>)
        "tpu.region"() ({
          %run_scoped3A = tpu.sem_alloc : memref<!tpu.dma_semaphore, #tpu.memory_space<semaphore_mem>>
          %dma_start3A_364 = arith.constant 0 : i32
          %dma_start3A_365 = arith.constant 0 : i32
          %dma_start3A_366 = tpu.memref_slice %arg9[%dma_start3A_364, %dma_start3A_365] : memref<10240x128xf32, #tpu.memory_space<vmem_shared>> -> memref<10240x128xf32, #tpu.memory_space<vmem_shared>>
          tpu.enqueue_indirect_dma source(%arg11 : memref<128x128xf32, #tpu.memory_space<vmem>>) target(%dma_start3A_366 : memref<10240x128xf32, #tpu.memory_space<vmem_shared>>) offsets(%arg17 : memref<128xi32, #tpu.memory_space<vmem>>) semaphore(%run_scoped3A : memref<!tpu.dma_semaphore, #tpu.memory_space<semaphore_mem>>) {add = true}
          %dma_wait3A_367 = arith.constant 0 : i32
          %dma_wait3A_368 = arith.constant 0 : i32
          %dma_wait3A_369 = tpu.memref_slice %arg9[%dma_wait3A_367, %dma_wait3A_368] : memref<10240x128xf32, #tpu.memory_space<vmem_shared>> -> memref<10240x128xf32, #tpu.memory_space<vmem_shared>>
          tpu.wait_indirect_dma semaphore(%run_scoped3A : memref<!tpu.dma_semaphore, #tpu.memory_space<semaphore_mem>>) src(%arg11 : memref<128x128xf32, #tpu.memory_space<vmem>>) dst(%dma_wait3A_369 : memref<10240x128xf32, #tpu.memory_space<vmem_shared>>)
          tpu.yield
        }) : () -> ()
        %mul3A_274 = arith.constant 4 : i32
        %mul3A_275 = arith.muli %mul3A_274, %add3A_183 : i32
        %add3A_276 = arith.constant 2 : i32
        %add3A_277 = arith.addi %mul3A_275, %add3A_276 : i32
        %add3A_278 = arith.constant 1 : i32
        %add3A_279 = arith.addi %add3A_277, %add3A_278 : i32
        %dma_wait3A_280 = arith.constant 0 : i32
        %dma_wait3A_281 = tpu.memref_slice %arg3[%dma_wait3A_280] : memref<320000xi32, #tpu.memory_space<hbm>> -> memref<128xi32, #tpu.memory_space<hbm>>
        %dma_wait3A_282 = arith.constant 0 : i32
        %dma_wait3A_283 = tpu.memref_slice %arg3[%dma_wait3A_282] : memref<320000xi32, #tpu.memory_space<hbm>> -> memref<128xi32, #tpu.memory_space<hbm>>
        tpu.wait_dma2 semaphore(%arg25 : memref<!tpu.dma_semaphore, #tpu.memory_space<semaphore_mem>>) src(%dma_wait3A_283 : memref<128xi32, #tpu.memory_space<hbm>>) dst(%arg15 : memref<128xi32, #tpu.memory_space<vmem>>)
        %dma_wait3A_284 = arith.constant 0 : i32
        %dma_wait3A_285 = tpu.memref_slice %arg4[%dma_wait3A_284] : memref<320000xi32, #tpu.memory_space<hbm>> -> memref<128xi32, #tpu.memory_space<hbm>>
        %dma_wait3A_286 = arith.constant 0 : i32
        %dma_wait3A_287 = tpu.memref_slice %arg4[%dma_wait3A_286] : memref<320000xi32, #tpu.memory_space<hbm>> -> memref<128xi32, #tpu.memory_space<hbm>>
        tpu.wait_dma2 semaphore(%arg25 : memref<!tpu.dma_semaphore, #tpu.memory_space<semaphore_mem>>) src(%dma_wait3A_287 : memref<128xi32, #tpu.memory_space<hbm>>) dst(%arg19 : memref<128xi32, #tpu.memory_space<vmem>>)
        %dma_start3A_288 = arith.constant 0 : i32
        %dma_start3A_289 = arith.constant 0 : i32
        %dma_start3A_290 = tpu.memref_slice %arg2[%scan3A, %dma_start3A_288, %dma_start3A_289] : memref<2x10000x128xf32, #tpu.memory_space<hbm>> -> memref<1x10000x128xf32, #tpu.memory_space<hbm>>
        %dma_start3A_291 = tpu.memref_squeeze %dma_start3A_290 : memref<1x10000x128xf32, #tpu.memory_space<hbm>> -> memref<10000x128xf32, #tpu.memory_space<hbm>>
        %dma_start3A_292 = arith.constant 0 : i32
        %dma_start3A_293 = arith.constant 0 : i32
        %dma_start3A_294 = tpu.memref_slice %dma_start3A_291[%dma_start3A_292, %dma_start3A_293] : memref<10000x128xf32, #tpu.memory_space<hbm>> -> memref<10000x128xf32, #tpu.memory_space<hbm>>
        tpu.enqueue_indirect_dma source(%dma_start3A_294 : memref<10000x128xf32, #tpu.memory_space<hbm>>) target(%arg11 : memref<128x128xf32, #tpu.memory_space<vmem>>) offsets(%arg15 : memref<128xi32, #tpu.memory_space<vmem>>) semaphore(%arg21 : memref<!tpu.dma_semaphore, #tpu.memory_space<semaphore_mem>>)
        %add3A_295 = arith.constant 2 : i32
        %add3A_296 = arith.addi %add3A_279, %add3A_295 : i32
        %mul3A_297 = arith.constant 160 : i32
        %mul3A_298 = arith.muli %arg1, %mul3A_297 : i32
        %add3A_299 = arith.addi %mul3A_298, %add3A_296 : i32
        %mul3A_300 = arith.constant 128 : i32
        %mul3A_301 = arith.muli %add3A_299, %mul3A_300 : i32
        %lt3A_302 = arith.constant 320000 : i32
        %lt3A_303 = arith.cmpi slt, %mul3A_301, %lt3A_302 : i32
        %convert_element_type3A_304 = arith.extui %lt3A_303 : i1 to i32
        %cond3A_305 = arith.constant 0 : i32
        %cond3A_306 = arith.cmpi ne, %convert_element_type3A_304, %cond3A_305 : i32
        scf.if %cond3A_306 {
          %dma_start3A_364 = tpu.memref_slice %arg3[%mul3A_301] : memref<320000xi32, #tpu.memory_space<hbm>> -> memref<128xi32, #tpu.memory_space<hbm>>
          %dma_start3A_365 = tpu.memref_slice %arg3[%mul3A_301] : memref<320000xi32, #tpu.memory_space<hbm>> -> memref<128xi32, #tpu.memory_space<hbm>>
          tpu.enqueue_dma source(%dma_start3A_365 : memref<128xi32, #tpu.memory_space<hbm>>) target(%arg13 : memref<128xi32, #tpu.memory_space<vmem>>) target_semaphore(%arg23 : memref<!tpu.dma_semaphore, #tpu.memory_space<semaphore_mem>>)
          %dma_start3A_366 = tpu.memref_slice %arg4[%mul3A_301] : memref<320000xi32, #tpu.memory_space<hbm>> -> memref<128xi32, #tpu.memory_space<hbm>>
          %dma_start3A_367 = tpu.memref_slice %arg4[%mul3A_301] : memref<320000xi32, #tpu.memory_space<hbm>> -> memref<128xi32, #tpu.memory_space<hbm>>
          tpu.enqueue_dma source(%dma_start3A_367 : memref<128xi32, #tpu.memory_space<hbm>>) target(%arg17 : memref<128xi32, #tpu.memory_space<vmem>>) target_semaphore(%arg23 : memref<!tpu.dma_semaphore, #tpu.memory_space<semaphore_mem>>)
        } else {
        }
        %ge3A_307 = arith.constant 320000 : i32
        %ge3A_308 = arith.cmpi sge, %mul3A_301, %ge3A_307 : i32
        %convert_element_type3A_309 = arith.extui %ge3A_308 : i1 to i32
        %cond3A_310 = arith.constant 0 : i32
        %cond3A_311 = arith.cmpi ne, %convert_element_type3A_309, %cond3A_310 : i32
        scf.if %cond3A_311 {
          %sub3A = arith.constant 320000 : i32
          %sub3A_364 = arith.subi %mul3A_301, %sub3A : i32
          %dma_start3A_365 = tpu.memref_slice %arg5[%sub3A_364] : memref<7680xi32, #tpu.memory_space<hbm>> -> memref<128xi32, #tpu.memory_space<hbm>>
          %dma_start3A_366 = tpu.memref_slice %arg5[%sub3A_364] : memref<7680xi32, #tpu.memory_space<hbm>> -> memref<128xi32, #tpu.memory_space<hbm>>
          tpu.enqueue_dma source(%dma_start3A_366 : memref<128xi32, #tpu.memory_space<hbm>>) target(%arg13 : memref<128xi32, #tpu.memory_space<vmem>>) target_semaphore(%arg23 : memref<!tpu.dma_semaphore, #tpu.memory_space<semaphore_mem>>)
          %dma_start3A_367 = tpu.memref_slice %arg6[%sub3A_364] : memref<7680xi32, #tpu.memory_space<hbm>> -> memref<128xi32, #tpu.memory_space<hbm>>
          %dma_start3A_368 = tpu.memref_slice %arg6[%sub3A_364] : memref<7680xi32, #tpu.memory_space<hbm>> -> memref<128xi32, #tpu.memory_space<hbm>>
          tpu.enqueue_dma source(%dma_start3A_368 : memref<128xi32, #tpu.memory_space<hbm>>) target(%arg17 : memref<128xi32, #tpu.memory_space<vmem>>) target_semaphore(%arg23 : memref<!tpu.dma_semaphore, #tpu.memory_space<semaphore_mem>>)
        } else {
        }
        %dma_wait3A_312 = arith.constant 0 : i32
        %dma_wait3A_313 = arith.constant 0 : i32
        %dma_wait3A_314 = tpu.memref_slice %arg2[%scan3A, %dma_wait3A_312, %dma_wait3A_313] : memref<2x10000x128xf32, #tpu.memory_space<hbm>> -> memref<1x10000x128xf32, #tpu.memory_space<hbm>>
        %dma_wait3A_315 = tpu.memref_squeeze %dma_wait3A_314 : memref<1x10000x128xf32, #tpu.memory_space<hbm>> -> memref<10000x128xf32, #tpu.memory_space<hbm>>
        %dma_wait3A_316 = arith.constant 0 : i32
        %dma_wait3A_317 = arith.constant 0 : i32
        %dma_wait3A_318 = tpu.memref_slice %dma_wait3A_315[%dma_wait3A_316, %dma_wait3A_317] : memref<10000x128xf32, #tpu.memory_space<hbm>> -> memref<10000x128xf32, #tpu.memory_space<hbm>>
        tpu.wait_indirect_dma semaphore(%arg20 : memref<!tpu.dma_semaphore, #tpu.memory_space<semaphore_mem>>) src(%dma_wait3A_318 : memref<10000x128xf32, #tpu.memory_space<hbm>>) dst(%arg10 : memref<128x128xf32, #tpu.memory_space<vmem>>)
        "tpu.region"() ({
          %run_scoped3A = tpu.sem_alloc : memref<!tpu.dma_semaphore, #tpu.memory_space<semaphore_mem>>
          %dma_start3A_364 = arith.constant 0 : i32
          %dma_start3A_365 = arith.constant 0 : i32
          %dma_start3A_366 = tpu.memref_slice %arg9[%dma_start3A_364, %dma_start3A_365] : memref<10240x128xf32, #tpu.memory_space<vmem_shared>> -> memref<10240x128xf32, #tpu.memory_space<vmem_shared>>
          tpu.enqueue_indirect_dma source(%arg10 : memref<128x128xf32, #tpu.memory_space<vmem>>) target(%dma_start3A_366 : memref<10240x128xf32, #tpu.memory_space<vmem_shared>>) offsets(%arg18 : memref<128xi32, #tpu.memory_space<vmem>>) semaphore(%run_scoped3A : memref<!tpu.dma_semaphore, #tpu.memory_space<semaphore_mem>>) {add = true}
          %dma_wait3A_367 = arith.constant 0 : i32
          %dma_wait3A_368 = arith.constant 0 : i32
          %dma_wait3A_369 = tpu.memref_slice %arg9[%dma_wait3A_367, %dma_wait3A_368] : memref<10240x128xf32, #tpu.memory_space<vmem_shared>> -> memref<10240x128xf32, #tpu.memory_space<vmem_shared>>
          tpu.wait_indirect_dma semaphore(%run_scoped3A : memref<!tpu.dma_semaphore, #tpu.memory_space<semaphore_mem>>) src(%arg10 : memref<128x128xf32, #tpu.memory_space<vmem>>) dst(%dma_wait3A_369 : memref<10240x128xf32, #tpu.memory_space<vmem_shared>>)
          tpu.yield
        }) : () -> ()
        %mul3A_319 = arith.constant 4 : i32
        %mul3A_320 = arith.muli %mul3A_319, %add3A_183 : i32
        %add3A_321 = arith.constant 3 : i32
        %add3A_322 = arith.addi %mul3A_320, %add3A_321 : i32
        %add3A_323 = arith.constant 1 : i32
        %add3A_324 = arith.addi %add3A_322, %add3A_323 : i32
        %dma_wait3A_325 = arith.constant 0 : i32
        %dma_wait3A_326 = tpu.memref_slice %arg3[%dma_wait3A_325] : memref<320000xi32, #tpu.memory_space<hbm>> -> memref<128xi32, #tpu.memory_space<hbm>>
        %dma_wait3A_327 = arith.constant 0 : i32
        %dma_wait3A_328 = tpu.memref_slice %arg3[%dma_wait3A_327] : memref<320000xi32, #tpu.memory_space<hbm>> -> memref<128xi32, #tpu.memory_space<hbm>>
        tpu.wait_dma2 semaphore(%arg22 : memref<!tpu.dma_semaphore, #tpu.memory_space<semaphore_mem>>) src(%dma_wait3A_328 : memref<128xi32, #tpu.memory_space<hbm>>) dst(%arg12 : memref<128xi32, #tpu.memory_space<vmem>>)
        %dma_wait3A_329 = arith.constant 0 : i32
        %dma_wait3A_330 = tpu.memref_slice %arg4[%dma_wait3A_329] : memref<320000xi32, #tpu.memory_space<hbm>> -> memref<128xi32, #tpu.memory_space<hbm>>
        %dma_wait3A_331 = arith.constant 0 : i32
        %dma_wait3A_332 = tpu.memref_slice %arg4[%dma_wait3A_331] : memref<320000xi32, #tpu.memory_space<hbm>> -> memref<128xi32, #tpu.memory_space<hbm>>
        tpu.wait_dma2 semaphore(%arg22 : memref<!tpu.dma_semaphore, #tpu.memory_space<semaphore_mem>>) src(%dma_wait3A_332 : memref<128xi32, #tpu.memory_space<hbm>>) dst(%arg16 : memref<128xi32, #tpu.memory_space<vmem>>)
        %dma_start3A_333 = arith.constant 0 : i32
        %dma_start3A_334 = arith.constant 0 : i32
        %dma_start3A_335 = tpu.memref_slice %arg2[%scan3A, %dma_start3A_333, %dma_start3A_334] : memref<2x10000x128xf32, #tpu.memory_space<hbm>> -> memref<1x10000x128xf32, #tpu.memory_space<hbm>>
        %dma_start3A_336 = tpu.memref_squeeze %dma_start3A_335 : memref<1x10000x128xf32, #tpu.memory_space<hbm>> -> memref<10000x128xf32, #tpu.memory_space<hbm>>
        %dma_start3A_337 = arith.constant 0 : i32
        %dma_start3A_338 = arith.constant 0 : i32
        %dma_start3A_339 = tpu.memref_slice %dma_start3A_336[%dma_start3A_337, %dma_start3A_338] : memref<10000x128xf32, #tpu.memory_space<hbm>> -> memref<10000x128xf32, #tpu.memory_space<hbm>>
        tpu.enqueue_indirect_dma source(%dma_start3A_339 : memref<10000x128xf32, #tpu.memory_space<hbm>>) target(%arg10 : memref<128x128xf32, #tpu.memory_space<vmem>>) offsets(%arg12 : memref<128xi32, #tpu.memory_space<vmem>>) semaphore(%arg20 : memref<!tpu.dma_semaphore, #tpu.memory_space<semaphore_mem>>)
        %add3A_340 = arith.constant 2 : i32
        %add3A_341 = arith.addi %add3A_324, %add3A_340 : i32
        %mul3A_342 = arith.constant 160 : i32
        %mul3A_343 = arith.muli %arg1, %mul3A_342 : i32
        %add3A_344 = arith.addi %mul3A_343, %add3A_341 : i32
        %mul3A_345 = arith.constant 128 : i32
        %mul3A_346 = arith.muli %add3A_344, %mul3A_345 : i32
        %lt3A_347 = arith.constant 320000 : i32
        %lt3A_348 = arith.cmpi slt, %mul3A_346, %lt3A_347 : i32
        %convert_element_type3A_349 = arith.extui %lt3A_348 : i1 to i32
        %cond3A_350 = arith.constant 0 : i32
        %cond3A_351 = arith.cmpi ne, %convert_element_type3A_349, %cond3A_350 : i32
        scf.if %cond3A_351 {
          %dma_start3A_364 = tpu.memref_slice %arg3[%mul3A_346] : memref<320000xi32, #tpu.memory_space<hbm>> -> memref<128xi32, #tpu.memory_space<hbm>>
          %dma_start3A_365 = tpu.memref_slice %arg3[%mul3A_346] : memref<320000xi32, #tpu.memory_space<hbm>> -> memref<128xi32, #tpu.memory_space<hbm>>
          tpu.enqueue_dma source(%dma_start3A_365 : memref<128xi32, #tpu.memory_space<hbm>>) target(%arg14 : memref<128xi32, #tpu.memory_space<vmem>>) target_semaphore(%arg24 : memref<!tpu.dma_semaphore, #tpu.memory_space<semaphore_mem>>)
          %dma_start3A_366 = tpu.memref_slice %arg4[%mul3A_346] : memref<320000xi32, #tpu.memory_space<hbm>> -> memref<128xi32, #tpu.memory_space<hbm>>
          %dma_start3A_367 = tpu.memref_slice %arg4[%mul3A_346] : memref<320000xi32, #tpu.memory_space<hbm>> -> memref<128xi32, #tpu.memory_space<hbm>>
          tpu.enqueue_dma source(%dma_start3A_367 : memref<128xi32, #tpu.memory_space<hbm>>) target(%arg18 : memref<128xi32, #tpu.memory_space<vmem>>) target_semaphore(%arg24 : memref<!tpu.dma_semaphore, #tpu.memory_space<semaphore_mem>>)
        } else {
        }
        %ge3A_352 = arith.constant 320000 : i32
        %ge3A_353 = arith.cmpi sge, %mul3A_346, %ge3A_352 : i32
        %convert_element_type3A_354 = arith.extui %ge3A_353 : i1 to i32
        %cond3A_355 = arith.constant 0 : i32
        %cond3A_356 = arith.cmpi ne, %convert_element_type3A_354, %cond3A_355 : i32
        scf.if %cond3A_356 {
          %sub3A = arith.constant 320000 : i32
          %sub3A_364 = arith.subi %mul3A_346, %sub3A : i32
          %dma_start3A_365 = tpu.memref_slice %arg5[%sub3A_364] : memref<7680xi32, #tpu.memory_space<hbm>> -> memref<128xi32, #tpu.memory_space<hbm>>
          %dma_start3A_366 = tpu.memref_slice %arg5[%sub3A_364] : memref<7680xi32, #tpu.memory_space<hbm>> -> memref<128xi32, #tpu.memory_space<hbm>>
          tpu.enqueue_dma source(%dma_start3A_366 : memref<128xi32, #tpu.memory_space<hbm>>) target(%arg14 : memref<128xi32, #tpu.memory_space<vmem>>) target_semaphore(%arg24 : memref<!tpu.dma_semaphore, #tpu.memory_space<semaphore_mem>>)
          %dma_start3A_367 = tpu.memref_slice %arg6[%sub3A_364] : memref<7680xi32, #tpu.memory_space<hbm>> -> memref<128xi32, #tpu.memory_space<hbm>>
          %dma_start3A_368 = tpu.memref_slice %arg6[%sub3A_364] : memref<7680xi32, #tpu.memory_space<hbm>> -> memref<128xi32, #tpu.memory_space<hbm>>
          tpu.enqueue_dma source(%dma_start3A_368 : memref<128xi32, #tpu.memory_space<hbm>>) target(%arg18 : memref<128xi32, #tpu.memory_space<vmem>>) target_semaphore(%arg24 : memref<!tpu.dma_semaphore, #tpu.memory_space<semaphore_mem>>)
        } else {
        }
        %dma_wait3A_357 = arith.constant 0 : i32
        %dma_wait3A_358 = arith.constant 0 : i32
        %dma_wait3A_359 = tpu.memref_slice %arg2[%scan3A, %dma_wait3A_357, %dma_wait3A_358] : memref<2x10000x128xf32, #tpu.memory_space<hbm>> -> memref<1x10000x128xf32, #tpu.memory_space<hbm>>
        %dma_wait3A_360 = tpu.memref_squeeze %dma_wait3A_359 : memref<1x10000x128xf32, #tpu.memory_space<hbm>> -> memref<10000x128xf32, #tpu.memory_space<hbm>>
        %dma_wait3A_361 = arith.constant 0 : i32
        %dma_wait3A_362 = arith.constant 0 : i32
        %dma_wait3A_363 = tpu.memref_slice %dma_wait3A_360[%dma_wait3A_361, %dma_wait3A_362] : memref<10000x128xf32, #tpu.memory_space<hbm>> -> memref<10000x128xf32, #tpu.memory_space<hbm>>
        tpu.wait_indirect_dma semaphore(%arg21 : memref<!tpu.dma_semaphore, #tpu.memory_space<semaphore_mem>>) src(%dma_wait3A_363 : memref<10000x128xf32, #tpu.memory_space<hbm>>) dst(%arg11 : memref<128x128xf32, #tpu.memory_space<vmem>>)
        "tpu.region"() ({
          %run_scoped3A = tpu.sem_alloc : memref<!tpu.dma_semaphore, #tpu.memory_space<semaphore_mem>>
          %dma_start3A_364 = arith.constant 0 : i32
          %dma_start3A_365 = arith.constant 0 : i32
          %dma_start3A_366 = tpu.memref_slice %arg9[%dma_start3A_364, %dma_start3A_365] : memref<10240x128xf32, #tpu.memory_space<vmem_shared>> -> memref<10240x128xf32, #tpu.memory_space<vmem_shared>>
          tpu.enqueue_indirect_dma source(%arg11 : memref<128x128xf32, #tpu.memory_space<vmem>>) target(%dma_start3A_366 : memref<10240x128xf32, #tpu.memory_space<vmem_shared>>) offsets(%arg19 : memref<128xi32, #tpu.memory_space<vmem>>) semaphore(%run_scoped3A : memref<!tpu.dma_semaphore, #tpu.memory_space<semaphore_mem>>) {add = true}
          %dma_wait3A_367 = arith.constant 0 : i32
          %dma_wait3A_368 = arith.constant 0 : i32
          %dma_wait3A_369 = tpu.memref_slice %arg9[%dma_wait3A_367, %dma_wait3A_368] : memref<10240x128xf32, #tpu.memory_space<vmem_shared>> -> memref<10240x128xf32, #tpu.memory_space<vmem_shared>>
          tpu.wait_indirect_dma semaphore(%run_scoped3A : memref<!tpu.dma_semaphore, #tpu.memory_space<semaphore_mem>>) src(%arg11 : memref<128x128xf32, #tpu.memory_space<vmem>>) dst(%dma_wait3A_369 : memref<10240x128xf32, #tpu.memory_space<vmem_shared>>)
          tpu.yield
        }) : () -> ()
      }
      %scan3A_82 = arith.constant 39 : i32
      %dma_wait3A_83 = arith.constant 0 : i32
      %dma_wait3A_84 = tpu.memref_slice %arg3[%dma_wait3A_83] : memref<320000xi32, #tpu.memory_space<hbm>> -> memref<128xi32, #tpu.memory_space<hbm>>
      %dma_wait3A_85 = arith.constant 0 : i32
      %dma_wait3A_86 = tpu.memref_slice %arg3[%dma_wait3A_85] : memref<320000xi32, #tpu.memory_space<hbm>> -> memref<128xi32, #tpu.memory_space<hbm>>
      tpu.wait_dma2 semaphore(%arg23 : memref<!tpu.dma_semaphore, #tpu.memory_space<semaphore_mem>>) src(%dma_wait3A_86 : memref<128xi32, #tpu.memory_space<hbm>>) dst(%arg13 : memref<128xi32, #tpu.memory_space<vmem>>)
      %dma_wait3A_87 = arith.constant 0 : i32
      %dma_wait3A_88 = tpu.memref_slice %arg4[%dma_wait3A_87] : memref<320000xi32, #tpu.memory_space<hbm>> -> memref<128xi32, #tpu.memory_space<hbm>>
      %dma_wait3A_89 = arith.constant 0 : i32
      %dma_wait3A_90 = tpu.memref_slice %arg4[%dma_wait3A_89] : memref<320000xi32, #tpu.memory_space<hbm>> -> memref<128xi32, #tpu.memory_space<hbm>>
      tpu.wait_dma2 semaphore(%arg23 : memref<!tpu.dma_semaphore, #tpu.memory_space<semaphore_mem>>) src(%dma_wait3A_90 : memref<128xi32, #tpu.memory_space<hbm>>) dst(%arg17 : memref<128xi32, #tpu.memory_space<vmem>>)
      %dma_start3A_91 = arith.constant 0 : i32
      %dma_start3A_92 = arith.constant 0 : i32
      %dma_start3A_93 = arith.constant 0 : i32
      %dma_start3A_94 = tpu.memref_slice %arg2[%dma_start3A_91, %dma_start3A_92, %dma_start3A_93] : memref<2x10000x128xf32, #tpu.memory_space<hbm>> -> memref<1x10000x128xf32, #tpu.memory_space<hbm>>
      %dma_start3A_95 = tpu.memref_squeeze %dma_start3A_94 : memref<1x10000x128xf32, #tpu.memory_space<hbm>> -> memref<10000x128xf32, #tpu.memory_space<hbm>>
      %dma_start3A_96 = arith.constant 0 : i32
      %dma_start3A_97 = arith.constant 0 : i32
      %dma_start3A_98 = tpu.memref_slice %dma_start3A_95[%dma_start3A_96, %dma_start3A_97] : memref<10000x128xf32, #tpu.memory_space<hbm>> -> memref<10000x128xf32, #tpu.memory_space<hbm>>
      tpu.enqueue_indirect_dma source(%dma_start3A_98 : memref<10000x128xf32, #tpu.memory_space<hbm>>) target(%arg11 : memref<128x128xf32, #tpu.memory_space<vmem>>) offsets(%arg13 : memref<128xi32, #tpu.memory_space<vmem>>) semaphore(%arg21 : memref<!tpu.dma_semaphore, #tpu.memory_space<semaphore_mem>>)
      %mul3A_99 = arith.constant 160 : i32
      %mul3A_100 = arith.muli %arg1, %mul3A_99 : i32
      %add3A_101 = arith.constant 159 : i32
      %add3A_102 = arith.addi %mul3A_100, %add3A_101 : i32
      %mul3A_103 = arith.constant 128 : i32
      %mul3A_104 = arith.muli %add3A_102, %mul3A_103 : i32
      %lt3A_105 = arith.constant 320000 : i32
      %lt3A_106 = arith.cmpi slt, %mul3A_104, %lt3A_105 : i32
      %convert_element_type3A_107 = arith.extui %lt3A_106 : i1 to i32
      %cond3A_108 = arith.constant 0 : i32
      %cond3A_109 = arith.cmpi ne, %convert_element_type3A_107, %cond3A_108 : i32
      scf.if %cond3A_109 {
        %dma_start3A_179 = tpu.memref_slice %arg3[%mul3A_104] : memref<320000xi32, #tpu.memory_space<hbm>> -> memref<128xi32, #tpu.memory_space<hbm>>
        %dma_start3A_180 = tpu.memref_slice %arg3[%mul3A_104] : memref<320000xi32, #tpu.memory_space<hbm>> -> memref<128xi32, #tpu.memory_space<hbm>>
        tpu.enqueue_dma source(%dma_start3A_180 : memref<128xi32, #tpu.memory_space<hbm>>) target(%arg15 : memref<128xi32, #tpu.memory_space<vmem>>) target_semaphore(%arg25 : memref<!tpu.dma_semaphore, #tpu.memory_space<semaphore_mem>>)
        %dma_start3A_181 = tpu.memref_slice %arg4[%mul3A_104] : memref<320000xi32, #tpu.memory_space<hbm>> -> memref<128xi32, #tpu.memory_space<hbm>>
        %dma_start3A_182 = tpu.memref_slice %arg4[%mul3A_104] : memref<320000xi32, #tpu.memory_space<hbm>> -> memref<128xi32, #tpu.memory_space<hbm>>
        tpu.enqueue_dma source(%dma_start3A_182 : memref<128xi32, #tpu.memory_space<hbm>>) target(%arg19 : memref<128xi32, #tpu.memory_space<vmem>>) target_semaphore(%arg25 : memref<!tpu.dma_semaphore, #tpu.memory_space<semaphore_mem>>)
      } else {
      }
      %ge3A_110 = arith.constant 320000 : i32
      %ge3A_111 = arith.cmpi sge, %mul3A_104, %ge3A_110 : i32
      %convert_element_type3A_112 = arith.extui %ge3A_111 : i1 to i32
      %cond3A_113 = arith.constant 0 : i32
      %cond3A_114 = arith.cmpi ne, %convert_element_type3A_112, %cond3A_113 : i32
      scf.if %cond3A_114 {
        %sub3A = arith.constant 320000 : i32
        %sub3A_179 = arith.subi %mul3A_104, %sub3A : i32
        %dma_start3A_180 = tpu.memref_slice %arg5[%sub3A_179] : memref<7680xi32, #tpu.memory_space<hbm>> -> memref<128xi32, #tpu.memory_space<hbm>>
        %dma_start3A_181 = tpu.memref_slice %arg5[%sub3A_179] : memref<7680xi32, #tpu.memory_space<hbm>> -> memref<128xi32, #tpu.memory_space<hbm>>
        tpu.enqueue_dma source(%dma_start3A_181 : memref<128xi32, #tpu.memory_space<hbm>>) target(%arg15 : memref<128xi32, #tpu.memory_space<vmem>>) target_semaphore(%arg25 : memref<!tpu.dma_semaphore, #tpu.memory_space<semaphore_mem>>)
        %dma_start3A_182 = tpu.memref_slice %arg6[%sub3A_179] : memref<7680xi32, #tpu.memory_space<hbm>> -> memref<128xi32, #tpu.memory_space<hbm>>
        %dma_start3A_183 = tpu.memref_slice %arg6[%sub3A_179] : memref<7680xi32, #tpu.memory_space<hbm>> -> memref<128xi32, #tpu.memory_space<hbm>>
        tpu.enqueue_dma source(%dma_start3A_183 : memref<128xi32, #tpu.memory_space<hbm>>) target(%arg19 : memref<128xi32, #tpu.memory_space<vmem>>) target_semaphore(%arg25 : memref<!tpu.dma_semaphore, #tpu.memory_space<semaphore_mem>>)
      } else {
      }
      %dma_wait3A_115 = arith.constant 0 : i32
      %dma_wait3A_116 = arith.constant 0 : i32
      %dma_wait3A_117 = arith.constant 0 : i32
      %dma_wait3A_118 = tpu.memref_slice %arg2[%dma_wait3A_115, %dma_wait3A_116, %dma_wait3A_117] : memref<2x10000x128xf32, #tpu.memory_space<hbm>> -> memref<1x10000x128xf32, #tpu.memory_space<hbm>>
      %dma_wait3A_119 = tpu.memref_squeeze %dma_wait3A_118 : memref<1x10000x128xf32, #tpu.memory_space<hbm>> -> memref<10000x128xf32, #tpu.memory_space<hbm>>
      %dma_wait3A_120 = arith.constant 0 : i32
      %dma_wait3A_121 = arith.constant 0 : i32
      %dma_wait3A_122 = tpu.memref_slice %dma_wait3A_119[%dma_wait3A_120, %dma_wait3A_121] : memref<10000x128xf32, #tpu.memory_space<hbm>> -> memref<10000x128xf32, #tpu.memory_space<hbm>>
      tpu.wait_indirect_dma semaphore(%arg20 : memref<!tpu.dma_semaphore, #tpu.memory_space<semaphore_mem>>) src(%dma_wait3A_122 : memref<10000x128xf32, #tpu.memory_space<hbm>>) dst(%arg10 : memref<128x128xf32, #tpu.memory_space<vmem>>)
      "tpu.region"() ({
        %run_scoped3A = tpu.sem_alloc : memref<!tpu.dma_semaphore, #tpu.memory_space<semaphore_mem>>
        %dma_start3A_179 = arith.constant 0 : i32
        %dma_start3A_180 = arith.constant 0 : i32
        %dma_start3A_181 = tpu.memref_slice %arg9[%dma_start3A_179, %dma_start3A_180] : memref<10240x128xf32, #tpu.memory_space<vmem_shared>> -> memref<10240x128xf32, #tpu.memory_space<vmem_shared>>
        tpu.enqueue_indirect_dma source(%arg10 : memref<128x128xf32, #tpu.memory_space<vmem>>) target(%dma_start3A_181 : memref<10240x128xf32, #tpu.memory_space<vmem_shared>>) offsets(%arg16 : memref<128xi32, #tpu.memory_space<vmem>>) semaphore(%run_scoped3A : memref<!tpu.dma_semaphore, #tpu.memory_space<semaphore_mem>>) {add = true}
        %dma_wait3A_182 = arith.constant 0 : i32
        %dma_wait3A_183 = arith.constant 0 : i32
        %dma_wait3A_184 = tpu.memref_slice %arg9[%dma_wait3A_182, %dma_wait3A_183] : memref<10240x128xf32, #tpu.memory_space<vmem_shared>> -> memref<10240x128xf32, #tpu.memory_space<vmem_shared>>
        tpu.wait_indirect_dma semaphore(%run_scoped3A : memref<!tpu.dma_semaphore, #tpu.memory_space<semaphore_mem>>) src(%arg10 : memref<128x128xf32, #tpu.memory_space<vmem>>) dst(%dma_wait3A_184 : memref<10240x128xf32, #tpu.memory_space<vmem_shared>>)
        tpu.yield
      }) : () -> ()
      %dma_wait3A_123 = arith.constant 0 : i32
      %dma_wait3A_124 = tpu.memref_slice %arg3[%dma_wait3A_123] : memref<320000xi32, #tpu.memory_space<hbm>> -> memref<128xi32, #tpu.memory_space<hbm>>
      %dma_wait3A_125 = arith.constant 0 : i32
      %dma_wait3A_126 = tpu.memref_slice %arg3[%dma_wait3A_125] : memref<320000xi32, #tpu.memory_space<hbm>> -> memref<128xi32, #tpu.memory_space<hbm>>
      tpu.wait_dma2 semaphore(%arg24 : memref<!tpu.dma_semaphore, #tpu.memory_space<semaphore_mem>>) src(%dma_wait3A_126 : memref<128xi32, #tpu.memory_space<hbm>>) dst(%arg14 : memref<128xi32, #tpu.memory_space<vmem>>)
      %dma_wait3A_127 = arith.constant 0 : i32
      %dma_wait3A_128 = tpu.memref_slice %arg4[%dma_wait3A_127] : memref<320000xi32, #tpu.memory_space<hbm>> -> memref<128xi32, #tpu.memory_space<hbm>>
      %dma_wait3A_129 = arith.constant 0 : i32
      %dma_wait3A_130 = tpu.memref_slice %arg4[%dma_wait3A_129] : memref<320000xi32, #tpu.memory_space<hbm>> -> memref<128xi32, #tpu.memory_space<hbm>>
      tpu.wait_dma2 semaphore(%arg24 : memref<!tpu.dma_semaphore, #tpu.memory_space<semaphore_mem>>) src(%dma_wait3A_130 : memref<128xi32, #tpu.memory_space<hbm>>) dst(%arg18 : memref<128xi32, #tpu.memory_space<vmem>>)
      %dma_start3A_131 = arith.constant 0 : i32
      %dma_start3A_132 = arith.constant 0 : i32
      %dma_start3A_133 = arith.constant 0 : i32
      %dma_start3A_134 = tpu.memref_slice %arg2[%dma_start3A_131, %dma_start3A_132, %dma_start3A_133] : memref<2x10000x128xf32, #tpu.memory_space<hbm>> -> memref<1x10000x128xf32, #tpu.memory_space<hbm>>
      %dma_start3A_135 = tpu.memref_squeeze %dma_start3A_134 : memref<1x10000x128xf32, #tpu.memory_space<hbm>> -> memref<10000x128xf32, #tpu.memory_space<hbm>>
      %dma_start3A_136 = arith.constant 0 : i32
      %dma_start3A_137 = arith.constant 0 : i32
      %dma_start3A_138 = tpu.memref_slice %dma_start3A_135[%dma_start3A_136, %dma_start3A_137] : memref<10000x128xf32, #tpu.memory_space<hbm>> -> memref<10000x128xf32, #tpu.memory_space<hbm>>
      tpu.enqueue_indirect_dma source(%dma_start3A_138 : memref<10000x128xf32, #tpu.memory_space<hbm>>) target(%arg10 : memref<128x128xf32, #tpu.memory_space<vmem>>) offsets(%arg14 : memref<128xi32, #tpu.memory_space<vmem>>) semaphore(%arg20 : memref<!tpu.dma_semaphore, #tpu.memory_space<semaphore_mem>>)
      %dma_wait3A_139 = arith.constant 0 : i32
      %dma_wait3A_140 = arith.constant 0 : i32
      %dma_wait3A_141 = arith.constant 0 : i32
      %dma_wait3A_142 = tpu.memref_slice %arg2[%dma_wait3A_139, %dma_wait3A_140, %dma_wait3A_141] : memref<2x10000x128xf32, #tpu.memory_space<hbm>> -> memref<1x10000x128xf32, #tpu.memory_space<hbm>>
      %dma_wait3A_143 = tpu.memref_squeeze %dma_wait3A_142 : memref<1x10000x128xf32, #tpu.memory_space<hbm>> -> memref<10000x128xf32, #tpu.memory_space<hbm>>
      %dma_wait3A_144 = arith.constant 0 : i32
      %dma_wait3A_145 = arith.constant 0 : i32
      %dma_wait3A_146 = tpu.memref_slice %dma_wait3A_143[%dma_wait3A_144, %dma_wait3A_145] : memref<10000x128xf32, #tpu.memory_space<hbm>> -> memref<10000x128xf32, #tpu.memory_space<hbm>>
      tpu.wait_indirect_dma semaphore(%arg21 : memref<!tpu.dma_semaphore, #tpu.memory_space<semaphore_mem>>) src(%dma_wait3A_146 : memref<10000x128xf32, #tpu.memory_space<hbm>>) dst(%arg11 : memref<128x128xf32, #tpu.memory_space<vmem>>)
      "tpu.region"() ({
        %run_scoped3A = tpu.sem_alloc : memref<!tpu.dma_semaphore, #tpu.memory_space<semaphore_mem>>
        %dma_start3A_179 = arith.constant 0 : i32
        %dma_start3A_180 = arith.constant 0 : i32
        %dma_start3A_181 = tpu.memref_slice %arg9[%dma_start3A_179, %dma_start3A_180] : memref<10240x128xf32, #tpu.memory_space<vmem_shared>> -> memref<10240x128xf32, #tpu.memory_space<vmem_shared>>
        tpu.enqueue_indirect_dma source(%arg11 : memref<128x128xf32, #tpu.memory_space<vmem>>) target(%dma_start3A_181 : memref<10240x128xf32, #tpu.memory_space<vmem_shared>>) offsets(%arg17 : memref<128xi32, #tpu.memory_space<vmem>>) semaphore(%run_scoped3A : memref<!tpu.dma_semaphore, #tpu.memory_space<semaphore_mem>>) {add = true}
        %dma_wait3A_182 = arith.constant 0 : i32
        %dma_wait3A_183 = arith.constant 0 : i32
        %dma_wait3A_184 = tpu.memref_slice %arg9[%dma_wait3A_182, %dma_wait3A_183] : memref<10240x128xf32, #tpu.memory_space<vmem_shared>> -> memref<10240x128xf32, #tpu.memory_space<vmem_shared>>
        tpu.wait_indirect_dma semaphore(%run_scoped3A : memref<!tpu.dma_semaphore, #tpu.memory_space<semaphore_mem>>) src(%arg11 : memref<128x128xf32, #tpu.memory_space<vmem>>) dst(%dma_wait3A_184 : memref<10240x128xf32, #tpu.memory_space<vmem_shared>>)
        tpu.yield
      }) : () -> ()
      %dma_wait3A_147 = arith.constant 0 : i32
      %dma_wait3A_148 = tpu.memref_slice %arg3[%dma_wait3A_147] : memref<320000xi32, #tpu.memory_space<hbm>> -> memref<128xi32, #tpu.memory_space<hbm>>
      %dma_wait3A_149 = arith.constant 0 : i32
      %dma_wait3A_150 = tpu.memref_slice %arg3[%dma_wait3A_149] : memref<320000xi32, #tpu.memory_space<hbm>> -> memref<128xi32, #tpu.memory_space<hbm>>
      tpu.wait_dma2 semaphore(%arg25 : memref<!tpu.dma_semaphore, #tpu.memory_space<semaphore_mem>>) src(%dma_wait3A_150 : memref<128xi32, #tpu.memory_space<hbm>>) dst(%arg15 : memref<128xi32, #tpu.memory_space<vmem>>)
      %dma_wait3A_151 = arith.constant 0 : i32
      %dma_wait3A_152 = tpu.memref_slice %arg4[%dma_wait3A_151] : memref<320000xi32, #tpu.memory_space<hbm>> -> memref<128xi32, #tpu.memory_space<hbm>>
      %dma_wait3A_153 = arith.constant 0 : i32
      %dma_wait3A_154 = tpu.memref_slice %arg4[%dma_wait3A_153] : memref<320000xi32, #tpu.memory_space<hbm>> -> memref<128xi32, #tpu.memory_space<hbm>>
      tpu.wait_dma2 semaphore(%arg25 : memref<!tpu.dma_semaphore, #tpu.memory_space<semaphore_mem>>) src(%dma_wait3A_154 : memref<128xi32, #tpu.memory_space<hbm>>) dst(%arg19 : memref<128xi32, #tpu.memory_space<vmem>>)
      %dma_start3A_155 = arith.constant 0 : i32
      %dma_start3A_156 = arith.constant 0 : i32
      %dma_start3A_157 = arith.constant 0 : i32
      %dma_start3A_158 = tpu.memref_slice %arg2[%dma_start3A_155, %dma_start3A_156, %dma_start3A_157] : memref<2x10000x128xf32, #tpu.memory_space<hbm>> -> memref<1x10000x128xf32, #tpu.memory_space<hbm>>
      %dma_start3A_159 = tpu.memref_squeeze %dma_start3A_158 : memref<1x10000x128xf32, #tpu.memory_space<hbm>> -> memref<10000x128xf32, #tpu.memory_space<hbm>>
      %dma_start3A_160 = arith.constant 0 : i32
      %dma_start3A_161 = arith.constant 0 : i32
      %dma_start3A_162 = tpu.memref_slice %dma_start3A_159[%dma_start3A_160, %dma_start3A_161] : memref<10000x128xf32, #tpu.memory_space<hbm>> -> memref<10000x128xf32, #tpu.memory_space<hbm>>
      tpu.enqueue_indirect_dma source(%dma_start3A_162 : memref<10000x128xf32, #tpu.memory_space<hbm>>) target(%arg11 : memref<128x128xf32, #tpu.memory_space<vmem>>) offsets(%arg15 : memref<128xi32, #tpu.memory_space<vmem>>) semaphore(%arg21 : memref<!tpu.dma_semaphore, #tpu.memory_space<semaphore_mem>>)
      %dma_wait3A_163 = arith.constant 0 : i32
      %dma_wait3A_164 = arith.constant 0 : i32
      %dma_wait3A_165 = arith.constant 0 : i32
      %dma_wait3A_166 = tpu.memref_slice %arg2[%dma_wait3A_163, %dma_wait3A_164, %dma_wait3A_165] : memref<2x10000x128xf32, #tpu.memory_space<hbm>> -> memref<1x10000x128xf32, #tpu.memory_space<hbm>>
      %dma_wait3A_167 = tpu.memref_squeeze %dma_wait3A_166 : memref<1x10000x128xf32, #tpu.memory_space<hbm>> -> memref<10000x128xf32, #tpu.memory_space<hbm>>
      %dma_wait3A_168 = arith.constant 0 : i32
      %dma_wait3A_169 = arith.constant 0 : i32
      %dma_wait3A_170 = tpu.memref_slice %dma_wait3A_167[%dma_wait3A_168, %dma_wait3A_169] : memref<10000x128xf32, #tpu.memory_space<hbm>> -> memref<10000x128xf32, #tpu.memory_space<hbm>>
      tpu.wait_indirect_dma semaphore(%arg20 : memref<!tpu.dma_semaphore, #tpu.memory_space<semaphore_mem>>) src(%dma_wait3A_170 : memref<10000x128xf32, #tpu.memory_space<hbm>>) dst(%arg10 : memref<128x128xf32, #tpu.memory_space<vmem>>)
      "tpu.region"() ({
        %run_scoped3A = tpu.sem_alloc : memref<!tpu.dma_semaphore, #tpu.memory_space<semaphore_mem>>
        %dma_start3A_179 = arith.constant 0 : i32
        %dma_start3A_180 = arith.constant 0 : i32
        %dma_start3A_181 = tpu.memref_slice %arg9[%dma_start3A_179, %dma_start3A_180] : memref<10240x128xf32, #tpu.memory_space<vmem_shared>> -> memref<10240x128xf32, #tpu.memory_space<vmem_shared>>
        tpu.enqueue_indirect_dma source(%arg10 : memref<128x128xf32, #tpu.memory_space<vmem>>) target(%dma_start3A_181 : memref<10240x128xf32, #tpu.memory_space<vmem_shared>>) offsets(%arg18 : memref<128xi32, #tpu.memory_space<vmem>>) semaphore(%run_scoped3A : memref<!tpu.dma_semaphore, #tpu.memory_space<semaphore_mem>>) {add = true}
        %dma_wait3A_182 = arith.constant 0 : i32
        %dma_wait3A_183 = arith.constant 0 : i32
        %dma_wait3A_184 = tpu.memref_slice %arg9[%dma_wait3A_182, %dma_wait3A_183] : memref<10240x128xf32, #tpu.memory_space<vmem_shared>> -> memref<10240x128xf32, #tpu.memory_space<vmem_shared>>
        tpu.wait_indirect_dma semaphore(%run_scoped3A : memref<!tpu.dma_semaphore, #tpu.memory_space<semaphore_mem>>) src(%arg10 : memref<128x128xf32, #tpu.memory_space<vmem>>) dst(%dma_wait3A_184 : memref<10240x128xf32, #tpu.memory_space<vmem_shared>>)
        tpu.yield
      }) : () -> ()
      %dma_wait3A_171 = arith.constant 0 : i32
      %dma_wait3A_172 = arith.constant 0 : i32
      %dma_wait3A_173 = arith.constant 0 : i32
      %dma_wait3A_174 = tpu.memref_slice %arg2[%dma_wait3A_171, %dma_wait3A_172, %dma_wait3A_173] : memref<2x10000x128xf32, #tpu.memory_space<hbm>> -> memref<1x10000x128xf32, #tpu.memory_space<hbm>>
      %dma_wait3A_175 = tpu.memref_squeeze %dma_wait3A_174 : memref<1x10000x128xf32, #tpu.memory_space<hbm>> -> memref<10000x128xf32, #tpu.memory_space<hbm>>
      %dma_wait3A_176 = arith.constant 0 : i32
      %dma_wait3A_177 = arith.constant 0 : i32
      %dma_wait3A_178 = tpu.memref_slice %dma_wait3A_175[%dma_wait3A_176, %dma_wait3A_177] : memref<10000x128xf32, #tpu.memory_space<hbm>> -> memref<10000x128xf32, #tpu.memory_space<hbm>>
      tpu.wait_indirect_dma semaphore(%arg21 : memref<!tpu.dma_semaphore, #tpu.memory_space<semaphore_mem>>) src(%dma_wait3A_178 : memref<10000x128xf32, #tpu.memory_space<hbm>>) dst(%arg11 : memref<128x128xf32, #tpu.memory_space<vmem>>)
      "tpu.region"() ({
        %run_scoped3A = tpu.sem_alloc : memref<!tpu.dma_semaphore, #tpu.memory_space<semaphore_mem>>
        %dma_start3A_179 = arith.constant 0 : i32
        %dma_start3A_180 = arith.constant 0 : i32
        %dma_start3A_181 = tpu.memref_slice %arg9[%dma_start3A_179, %dma_start3A_180] : memref<10240x128xf32, #tpu.memory_space<vmem_shared>> -> memref<10240x128xf32, #tpu.memory_space<vmem_shared>>
        tpu.enqueue_indirect_dma source(%arg11 : memref<128x128xf32, #tpu.memory_space<vmem>>) target(%dma_start3A_181 : memref<10240x128xf32, #tpu.memory_space<vmem_shared>>) offsets(%arg19 : memref<128xi32, #tpu.memory_space<vmem>>) semaphore(%run_scoped3A : memref<!tpu.dma_semaphore, #tpu.memory_space<semaphore_mem>>) {add = true}
        %dma_wait3A_182 = arith.constant 0 : i32
        %dma_wait3A_183 = arith.constant 0 : i32
        %dma_wait3A_184 = tpu.memref_slice %arg9[%dma_wait3A_182, %dma_wait3A_183] : memref<10240x128xf32, #tpu.memory_space<vmem_shared>> -> memref<10240x128xf32, #tpu.memory_space<vmem_shared>>
        tpu.wait_indirect_dma semaphore(%run_scoped3A : memref<!tpu.dma_semaphore, #tpu.memory_space<semaphore_mem>>) src(%arg11 : memref<128x128xf32, #tpu.memory_space<vmem>>) dst(%dma_wait3A_184 : memref<10240x128xf32, #tpu.memory_space<vmem_shared>>)
        tpu.yield
      }) : () -> ()
    } else {
    }
    %eq3A_3 = arith.constant 1 : i32
    %eq3A_4 = arith.cmpi eq, %arg0, %eq3A_3 : i32
    %convert_element_type3A_5 = arith.extui %eq3A_4 : i1 to i32
    %cond3A_6 = arith.constant 0 : i32
    %cond3A_7 = arith.cmpi ne, %convert_element_type3A_5, %cond3A_6 : i32
    scf.if %cond3A_7 {
      %mul3A_19 = arith.constant 160 : i32
      %mul3A_20 = arith.muli %arg1, %mul3A_19 : i32
      %add3A = arith.constant 0 : i32
      %add3A_21 = arith.addi %mul3A_20, %add3A : i32
      %mul3A_22 = arith.constant 128 : i32
      %mul3A_23 = arith.muli %add3A_21, %mul3A_22 : i32
      %lt3A = arith.constant 320000 : i32
      %lt3A_24 = arith.cmpi slt, %mul3A_23, %lt3A : i32
      %convert_element_type3A_25 = arith.extui %lt3A_24 : i1 to i32
      %cond3A_26 = arith.constant 0 : i32
      %cond3A_27 = arith.cmpi ne, %convert_element_type3A_25, %cond3A_26 : i32
      scf.if %cond3A_27 {
        %dma_start3A_179 = tpu.memref_slice %arg4[%mul3A_23] : memref<320000xi32, #tpu.memory_space<hbm>> -> memref<128xi32, #tpu.memory_space<hbm>>
        %dma_start3A_180 = tpu.memref_slice %arg4[%mul3A_23] : memref<320000xi32, #tpu.memory_space<hbm>> -> memref<128xi32, #tpu.memory_space<hbm>>
        tpu.enqueue_dma source(%dma_start3A_180 : memref<128xi32, #tpu.memory_space<hbm>>) target(%arg12 : memref<128xi32, #tpu.memory_space<vmem>>) target_semaphore(%arg22 : memref<!tpu.dma_semaphore, #tpu.memory_space<semaphore_mem>>)
        %dma_start3A_181 = tpu.memref_slice %arg3[%mul3A_23] : memref<320000xi32, #tpu.memory_space<hbm>> -> memref<128xi32, #tpu.memory_space<hbm>>
        %dma_start3A_182 = tpu.memref_slice %arg3[%mul3A_23] : memref<320000xi32, #tpu.memory_space<hbm>> -> memref<128xi32, #tpu.memory_space<hbm>>
        tpu.enqueue_dma source(%dma_start3A_182 : memref<128xi32, #tpu.memory_space<hbm>>) target(%arg16 : memref<128xi32, #tpu.memory_space<vmem>>) target_semaphore(%arg22 : memref<!tpu.dma_semaphore, #tpu.memory_space<semaphore_mem>>)
      } else {
      }
      %ge3A = arith.constant 320000 : i32
      %ge3A_28 = arith.cmpi sge, %mul3A_23, %ge3A : i32
      %convert_element_type3A_29 = arith.extui %ge3A_28 : i1 to i32
      %cond3A_30 = arith.constant 0 : i32
      %cond3A_31 = arith.cmpi ne, %convert_element_type3A_29, %cond3A_30 : i32
      scf.if %cond3A_31 {
        %sub3A = arith.constant 320000 : i32
        %sub3A_179 = arith.subi %mul3A_23, %sub3A : i32
        %dma_start3A_180 = tpu.memref_slice %arg5[%sub3A_179] : memref<7680xi32, #tpu.memory_space<hbm>> -> memref<128xi32, #tpu.memory_space<hbm>>
        %dma_start3A_181 = tpu.memref_slice %arg5[%sub3A_179] : memref<7680xi32, #tpu.memory_space<hbm>> -> memref<128xi32, #tpu.memory_space<hbm>>
        tpu.enqueue_dma source(%dma_start3A_181 : memref<128xi32, #tpu.memory_space<hbm>>) target(%arg12 : memref<128xi32, #tpu.memory_space<vmem>>) target_semaphore(%arg22 : memref<!tpu.dma_semaphore, #tpu.memory_space<semaphore_mem>>)
        %dma_start3A_182 = tpu.memref_slice %arg6[%sub3A_179] : memref<7680xi32, #tpu.memory_space<hbm>> -> memref<128xi32, #tpu.memory_space<hbm>>
        %dma_start3A_183 = tpu.memref_slice %arg6[%sub3A_179] : memref<7680xi32, #tpu.memory_space<hbm>> -> memref<128xi32, #tpu.memory_space<hbm>>
        tpu.enqueue_dma source(%dma_start3A_183 : memref<128xi32, #tpu.memory_space<hbm>>) target(%arg16 : memref<128xi32, #tpu.memory_space<vmem>>) target_semaphore(%arg22 : memref<!tpu.dma_semaphore, #tpu.memory_space<semaphore_mem>>)
      } else {
      }
      %mul3A_32 = arith.constant 160 : i32
      %mul3A_33 = arith.muli %arg1, %mul3A_32 : i32
      %add3A_34 = arith.constant 1 : i32
      %add3A_35 = arith.addi %mul3A_33, %add3A_34 : i32
      %mul3A_36 = arith.constant 128 : i32
      %mul3A_37 = arith.muli %add3A_35, %mul3A_36 : i32
      %lt3A_38 = arith.constant 320000 : i32
      %lt3A_39 = arith.cmpi slt, %mul3A_37, %lt3A_38 : i32
      %convert_element_type3A_40 = arith.extui %lt3A_39 : i1 to i32
      %cond3A_41 = arith.constant 0 : i32
      %cond3A_42 = arith.cmpi ne, %convert_element_type3A_40, %cond3A_41 : i32
      scf.if %cond3A_42 {
        %dma_start3A_179 = tpu.memref_slice %arg4[%mul3A_37] : memref<320000xi32, #tpu.memory_space<hbm>> -> memref<128xi32, #tpu.memory_space<hbm>>
        %dma_start3A_180 = tpu.memref_slice %arg4[%mul3A_37] : memref<320000xi32, #tpu.memory_space<hbm>> -> memref<128xi32, #tpu.memory_space<hbm>>
        tpu.enqueue_dma source(%dma_start3A_180 : memref<128xi32, #tpu.memory_space<hbm>>) target(%arg13 : memref<128xi32, #tpu.memory_space<vmem>>) target_semaphore(%arg23 : memref<!tpu.dma_semaphore, #tpu.memory_space<semaphore_mem>>)
        %dma_start3A_181 = tpu.memref_slice %arg3[%mul3A_37] : memref<320000xi32, #tpu.memory_space<hbm>> -> memref<128xi32, #tpu.memory_space<hbm>>
        %dma_start3A_182 = tpu.memref_slice %arg3[%mul3A_37] : memref<320000xi32, #tpu.memory_space<hbm>> -> memref<128xi32, #tpu.memory_space<hbm>>
        tpu.enqueue_dma source(%dma_start3A_182 : memref<128xi32, #tpu.memory_space<hbm>>) target(%arg17 : memref<128xi32, #tpu.memory_space<vmem>>) target_semaphore(%arg23 : memref<!tpu.dma_semaphore, #tpu.memory_space<semaphore_mem>>)
      } else {
      }
      %ge3A_43 = arith.constant 320000 : i32
      %ge3A_44 = arith.cmpi sge, %mul3A_37, %ge3A_43 : i32
      %convert_element_type3A_45 = arith.extui %ge3A_44 : i1 to i32
      %cond3A_46 = arith.constant 0 : i32
      %cond3A_47 = arith.cmpi ne, %convert_element_type3A_45, %cond3A_46 : i32
      scf.if %cond3A_47 {
        %sub3A = arith.constant 320000 : i32
        %sub3A_179 = arith.subi %mul3A_37, %sub3A : i32
        %dma_start3A_180 = tpu.memref_slice %arg5[%sub3A_179] : memref<7680xi32, #tpu.memory_space<hbm>> -> memref<128xi32, #tpu.memory_space<hbm>>
        %dma_start3A_181 = tpu.memref_slice %arg5[%sub3A_179] : memref<7680xi32, #tpu.memory_space<hbm>> -> memref<128xi32, #tpu.memory_space<hbm>>
        tpu.enqueue_dma source(%dma_start3A_181 : memref<128xi32, #tpu.memory_space<hbm>>) target(%arg13 : memref<128xi32, #tpu.memory_space<vmem>>) target_semaphore(%arg23 : memref<!tpu.dma_semaphore, #tpu.memory_space<semaphore_mem>>)
        %dma_start3A_182 = tpu.memref_slice %arg6[%sub3A_179] : memref<7680xi32, #tpu.memory_space<hbm>> -> memref<128xi32, #tpu.memory_space<hbm>>
        %dma_start3A_183 = tpu.memref_slice %arg6[%sub3A_179] : memref<7680xi32, #tpu.memory_space<hbm>> -> memref<128xi32, #tpu.memory_space<hbm>>
        tpu.enqueue_dma source(%dma_start3A_183 : memref<128xi32, #tpu.memory_space<hbm>>) target(%arg17 : memref<128xi32, #tpu.memory_space<vmem>>) target_semaphore(%arg23 : memref<!tpu.dma_semaphore, #tpu.memory_space<semaphore_mem>>)
      } else {
      }
      %dma_wait3A = arith.constant 0 : i32
      %dma_wait3A_48 = tpu.memref_slice %arg4[%dma_wait3A] : memref<320000xi32, #tpu.memory_space<hbm>> -> memref<128xi32, #tpu.memory_space<hbm>>
      %dma_wait3A_49 = arith.constant 0 : i32
      %dma_wait3A_50 = tpu.memref_slice %arg4[%dma_wait3A_49] : memref<320000xi32, #tpu.memory_space<hbm>> -> memref<128xi32, #tpu.memory_space<hbm>>
      tpu.wait_dma2 semaphore(%arg22 : memref<!tpu.dma_semaphore, #tpu.memory_space<semaphore_mem>>) src(%dma_wait3A_50 : memref<128xi32, #tpu.memory_space<hbm>>) dst(%arg12 : memref<128xi32, #tpu.memory_space<vmem>>)
      %dma_wait3A_51 = arith.constant 0 : i32
      %dma_wait3A_52 = tpu.memref_slice %arg3[%dma_wait3A_51] : memref<320000xi32, #tpu.memory_space<hbm>> -> memref<128xi32, #tpu.memory_space<hbm>>
      %dma_wait3A_53 = arith.constant 0 : i32
      %dma_wait3A_54 = tpu.memref_slice %arg3[%dma_wait3A_53] : memref<320000xi32, #tpu.memory_space<hbm>> -> memref<128xi32, #tpu.memory_space<hbm>>
      tpu.wait_dma2 semaphore(%arg22 : memref<!tpu.dma_semaphore, #tpu.memory_space<semaphore_mem>>) src(%dma_wait3A_54 : memref<128xi32, #tpu.memory_space<hbm>>) dst(%arg16 : memref<128xi32, #tpu.memory_space<vmem>>)
      %dma_start3A = arith.constant 1 : i32
      %dma_start3A_55 = arith.constant 0 : i32
      %dma_start3A_56 = arith.constant 0 : i32
      %dma_start3A_57 = tpu.memref_slice %arg2[%dma_start3A, %dma_start3A_55, %dma_start3A_56] : memref<2x10000x128xf32, #tpu.memory_space<hbm>> -> memref<1x10000x128xf32, #tpu.memory_space<hbm>>
      %dma_start3A_58 = tpu.memref_squeeze %dma_start3A_57 : memref<1x10000x128xf32, #tpu.memory_space<hbm>> -> memref<10000x128xf32, #tpu.memory_space<hbm>>
      %dma_start3A_59 = arith.constant 0 : i32
      %dma_start3A_60 = arith.constant 0 : i32
      %dma_start3A_61 = tpu.memref_slice %dma_start3A_58[%dma_start3A_59, %dma_start3A_60] : memref<10000x128xf32, #tpu.memory_space<hbm>> -> memref<10000x128xf32, #tpu.memory_space<hbm>>
      tpu.enqueue_indirect_dma source(%dma_start3A_61 : memref<10000x128xf32, #tpu.memory_space<hbm>>) target(%arg10 : memref<128x128xf32, #tpu.memory_space<vmem>>) offsets(%arg12 : memref<128xi32, #tpu.memory_space<vmem>>) semaphore(%arg20 : memref<!tpu.dma_semaphore, #tpu.memory_space<semaphore_mem>>)
      %mul3A_62 = arith.constant 160 : i32
      %mul3A_63 = arith.muli %arg1, %mul3A_62 : i32
      %add3A_64 = arith.constant 2 : i32
      %add3A_65 = arith.addi %mul3A_63, %add3A_64 : i32
      %mul3A_66 = arith.constant 128 : i32
      %mul3A_67 = arith.muli %add3A_65, %mul3A_66 : i32
      %lt3A_68 = arith.constant 320000 : i32
      %lt3A_69 = arith.cmpi slt, %mul3A_67, %lt3A_68 : i32
      %convert_element_type3A_70 = arith.extui %lt3A_69 : i1 to i32
      %cond3A_71 = arith.constant 0 : i32
      %cond3A_72 = arith.cmpi ne, %convert_element_type3A_70, %cond3A_71 : i32
      scf.if %cond3A_72 {
        %dma_start3A_179 = tpu.memref_slice %arg4[%mul3A_67] : memref<320000xi32, #tpu.memory_space<hbm>> -> memref<128xi32, #tpu.memory_space<hbm>>
        %dma_start3A_180 = tpu.memref_slice %arg4[%mul3A_67] : memref<320000xi32, #tpu.memory_space<hbm>> -> memref<128xi32, #tpu.memory_space<hbm>>
        tpu.enqueue_dma source(%dma_start3A_180 : memref<128xi32, #tpu.memory_space<hbm>>) target(%arg14 : memref<128xi32, #tpu.memory_space<vmem>>) target_semaphore(%arg24 : memref<!tpu.dma_semaphore, #tpu.memory_space<semaphore_mem>>)
        %dma_start3A_181 = tpu.memref_slice %arg3[%mul3A_67] : memref<320000xi32, #tpu.memory_space<hbm>> -> memref<128xi32, #tpu.memory_space<hbm>>
        %dma_start3A_182 = tpu.memref_slice %arg3[%mul3A_67] : memref<320000xi32, #tpu.memory_space<hbm>> -> memref<128xi32, #tpu.memory_space<hbm>>
        tpu.enqueue_dma source(%dma_start3A_182 : memref<128xi32, #tpu.memory_space<hbm>>) target(%arg18 : memref<128xi32, #tpu.memory_space<vmem>>) target_semaphore(%arg24 : memref<!tpu.dma_semaphore, #tpu.memory_space<semaphore_mem>>)
      } else {
      }
      %ge3A_73 = arith.constant 320000 : i32
      %ge3A_74 = arith.cmpi sge, %mul3A_67, %ge3A_73 : i32
      %convert_element_type3A_75 = arith.extui %ge3A_74 : i1 to i32
      %cond3A_76 = arith.constant 0 : i32
      %cond3A_77 = arith.cmpi ne, %convert_element_type3A_75, %cond3A_76 : i32
      scf.if %cond3A_77 {
        %sub3A = arith.constant 320000 : i32
        %sub3A_179 = arith.subi %mul3A_67, %sub3A : i32
        %dma_start3A_180 = tpu.memref_slice %arg5[%sub3A_179] : memref<7680xi32, #tpu.memory_space<hbm>> -> memref<128xi32, #tpu.memory_space<hbm>>
        %dma_start3A_181 = tpu.memref_slice %arg5[%sub3A_179] : memref<7680xi32, #tpu.memory_space<hbm>> -> memref<128xi32, #tpu.memory_space<hbm>>
        tpu.enqueue_dma source(%dma_start3A_181 : memref<128xi32, #tpu.memory_space<hbm>>) target(%arg14 : memref<128xi32, #tpu.memory_space<vmem>>) target_semaphore(%arg24 : memref<!tpu.dma_semaphore, #tpu.memory_space<semaphore_mem>>)
        %dma_start3A_182 = tpu.memref_slice %arg6[%sub3A_179] : memref<7680xi32, #tpu.memory_space<hbm>> -> memref<128xi32, #tpu.memory_space<hbm>>
        %dma_start3A_183 = tpu.memref_slice %arg6[%sub3A_179] : memref<7680xi32, #tpu.memory_space<hbm>> -> memref<128xi32, #tpu.memory_space<hbm>>
        tpu.enqueue_dma source(%dma_start3A_183 : memref<128xi32, #tpu.memory_space<hbm>>) target(%arg18 : memref<128xi32, #tpu.memory_space<vmem>>) target_semaphore(%arg24 : memref<!tpu.dma_semaphore, #tpu.memory_space<semaphore_mem>>)
      } else {
      }
      %scan3A = arith.constant 1 : i32
      %scan3A_78 = arith.constant 0 : i32
      %scan3A_79 = arith.constant 39 : i32
      %scan3A_80 = arith.addi %scan3A_78, %scan3A_79 : i32
      %scan3A_81 = arith.constant 1 : i32
      scf.for %scan3A_179 = %scan3A_78 to %scan3A_80 step %scan3A_81  : i32 {
        %mul3A_180 = arith.constant 1 : i32
        %mul3A_181 = arith.muli %scan3A_179, %mul3A_180 : i32
        %add3A_182 = arith.constant 0 : i32
        %add3A_183 = arith.addi %add3A_182, %mul3A_181 : i32
        %mul3A_184 = arith.constant 4 : i32
        %mul3A_185 = arith.muli %mul3A_184, %add3A_183 : i32
        %add3A_186 = arith.constant 0 : i32
        %add3A_187 = arith.addi %mul3A_185, %add3A_186 : i32
        %add3A_188 = arith.constant 1 : i32
        %add3A_189 = arith.addi %add3A_187, %add3A_188 : i32
        %dma_wait3A_190 = arith.constant 0 : i32
        %dma_wait3A_191 = tpu.memref_slice %arg4[%dma_wait3A_190] : memref<320000xi32, #tpu.memory_space<hbm>> -> memref<128xi32, #tpu.memory_space<hbm>>
        %dma_wait3A_192 = arith.constant 0 : i32
        %dma_wait3A_193 = tpu.memref_slice %arg4[%dma_wait3A_192] : memref<320000xi32, #tpu.memory_space<hbm>> -> memref<128xi32, #tpu.memory_space<hbm>>
        tpu.wait_dma2 semaphore(%arg23 : memref<!tpu.dma_semaphore, #tpu.memory_space<semaphore_mem>>) src(%dma_wait3A_193 : memref<128xi32, #tpu.memory_space<hbm>>) dst(%arg13 : memref<128xi32, #tpu.memory_space<vmem>>)
        %dma_wait3A_194 = arith.constant 0 : i32
        %dma_wait3A_195 = tpu.memref_slice %arg3[%dma_wait3A_194] : memref<320000xi32, #tpu.memory_space<hbm>> -> memref<128xi32, #tpu.memory_space<hbm>>
        %dma_wait3A_196 = arith.constant 0 : i32
        %dma_wait3A_197 = tpu.memref_slice %arg3[%dma_wait3A_196] : memref<320000xi32, #tpu.memory_space<hbm>> -> memref<128xi32, #tpu.memory_space<hbm>>
        tpu.wait_dma2 semaphore(%arg23 : memref<!tpu.dma_semaphore, #tpu.memory_space<semaphore_mem>>) src(%dma_wait3A_197 : memref<128xi32, #tpu.memory_space<hbm>>) dst(%arg17 : memref<128xi32, #tpu.memory_space<vmem>>)
        %dma_start3A_198 = arith.constant 0 : i32
        %dma_start3A_199 = arith.constant 0 : i32
        %dma_start3A_200 = tpu.memref_slice %arg2[%scan3A, %dma_start3A_198, %dma_start3A_199] : memref<2x10000x128xf32, #tpu.memory_space<hbm>> -> memref<1x10000x128xf32, #tpu.memory_space<hbm>>
        %dma_start3A_201 = tpu.memref_squeeze %dma_start3A_200 : memref<1x10000x128xf32, #tpu.memory_space<hbm>> -> memref<10000x128xf32, #tpu.memory_space<hbm>>
        %dma_start3A_202 = arith.constant 0 : i32
        %dma_start3A_203 = arith.constant 0 : i32
        %dma_start3A_204 = tpu.memref_slice %dma_start3A_201[%dma_start3A_202, %dma_start3A_203] : memref<10000x128xf32, #tpu.memory_space<hbm>> -> memref<10000x128xf32, #tpu.memory_space<hbm>>
        tpu.enqueue_indirect_dma source(%dma_start3A_204 : memref<10000x128xf32, #tpu.memory_space<hbm>>) target(%arg11 : memref<128x128xf32, #tpu.memory_space<vmem>>) offsets(%arg13 : memref<128xi32, #tpu.memory_space<vmem>>) semaphore(%arg21 : memref<!tpu.dma_semaphore, #tpu.memory_space<semaphore_mem>>)
        %add3A_205 = arith.constant 2 : i32
        %add3A_206 = arith.addi %add3A_189, %add3A_205 : i32
        %mul3A_207 = arith.constant 160 : i32
        %mul3A_208 = arith.muli %arg1, %mul3A_207 : i32
        %add3A_209 = arith.addi %mul3A_208, %add3A_206 : i32
        %mul3A_210 = arith.constant 128 : i32
        %mul3A_211 = arith.muli %add3A_209, %mul3A_210 : i32
        %lt3A_212 = arith.constant 320000 : i32
        %lt3A_213 = arith.cmpi slt, %mul3A_211, %lt3A_212 : i32
        %convert_element_type3A_214 = arith.extui %lt3A_213 : i1 to i32
        %cond3A_215 = arith.constant 0 : i32
        %cond3A_216 = arith.cmpi ne, %convert_element_type3A_214, %cond3A_215 : i32
        scf.if %cond3A_216 {
          %dma_start3A_364 = tpu.memref_slice %arg4[%mul3A_211] : memref<320000xi32, #tpu.memory_space<hbm>> -> memref<128xi32, #tpu.memory_space<hbm>>
          %dma_start3A_365 = tpu.memref_slice %arg4[%mul3A_211] : memref<320000xi32, #tpu.memory_space<hbm>> -> memref<128xi32, #tpu.memory_space<hbm>>
          tpu.enqueue_dma source(%dma_start3A_365 : memref<128xi32, #tpu.memory_space<hbm>>) target(%arg15 : memref<128xi32, #tpu.memory_space<vmem>>) target_semaphore(%arg25 : memref<!tpu.dma_semaphore, #tpu.memory_space<semaphore_mem>>)
          %dma_start3A_366 = tpu.memref_slice %arg3[%mul3A_211] : memref<320000xi32, #tpu.memory_space<hbm>> -> memref<128xi32, #tpu.memory_space<hbm>>
          %dma_start3A_367 = tpu.memref_slice %arg3[%mul3A_211] : memref<320000xi32, #tpu.memory_space<hbm>> -> memref<128xi32, #tpu.memory_space<hbm>>
          tpu.enqueue_dma source(%dma_start3A_367 : memref<128xi32, #tpu.memory_space<hbm>>) target(%arg19 : memref<128xi32, #tpu.memory_space<vmem>>) target_semaphore(%arg25 : memref<!tpu.dma_semaphore, #tpu.memory_space<semaphore_mem>>)
        } else {
        }
        %ge3A_217 = arith.constant 320000 : i32
        %ge3A_218 = arith.cmpi sge, %mul3A_211, %ge3A_217 : i32
        %convert_element_type3A_219 = arith.extui %ge3A_218 : i1 to i32
        %cond3A_220 = arith.constant 0 : i32
        %cond3A_221 = arith.cmpi ne, %convert_element_type3A_219, %cond3A_220 : i32
        scf.if %cond3A_221 {
          %sub3A = arith.constant 320000 : i32
          %sub3A_364 = arith.subi %mul3A_211, %sub3A : i32
          %dma_start3A_365 = tpu.memref_slice %arg5[%sub3A_364] : memref<7680xi32, #tpu.memory_space<hbm>> -> memref<128xi32, #tpu.memory_space<hbm>>
          %dma_start3A_366 = tpu.memref_slice %arg5[%sub3A_364] : memref<7680xi32, #tpu.memory_space<hbm>> -> memref<128xi32, #tpu.memory_space<hbm>>
          tpu.enqueue_dma source(%dma_start3A_366 : memref<128xi32, #tpu.memory_space<hbm>>) target(%arg15 : memref<128xi32, #tpu.memory_space<vmem>>) target_semaphore(%arg25 : memref<!tpu.dma_semaphore, #tpu.memory_space<semaphore_mem>>)
          %dma_start3A_367 = tpu.memref_slice %arg6[%sub3A_364] : memref<7680xi32, #tpu.memory_space<hbm>> -> memref<128xi32, #tpu.memory_space<hbm>>
          %dma_start3A_368 = tpu.memref_slice %arg6[%sub3A_364] : memref<7680xi32, #tpu.memory_space<hbm>> -> memref<128xi32, #tpu.memory_space<hbm>>
          tpu.enqueue_dma source(%dma_start3A_368 : memref<128xi32, #tpu.memory_space<hbm>>) target(%arg19 : memref<128xi32, #tpu.memory_space<vmem>>) target_semaphore(%arg25 : memref<!tpu.dma_semaphore, #tpu.memory_space<semaphore_mem>>)
        } else {
        }
        %dma_wait3A_222 = arith.constant 0 : i32
        %dma_wait3A_223 = arith.constant 0 : i32
        %dma_wait3A_224 = tpu.memref_slice %arg2[%scan3A, %dma_wait3A_222, %dma_wait3A_223] : memref<2x10000x128xf32, #tpu.memory_space<hbm>> -> memref<1x10000x128xf32, #tpu.memory_space<hbm>>
        %dma_wait3A_225 = tpu.memref_squeeze %dma_wait3A_224 : memref<1x10000x128xf32, #tpu.memory_space<hbm>> -> memref<10000x128xf32, #tpu.memory_space<hbm>>
        %dma_wait3A_226 = arith.constant 0 : i32
        %dma_wait3A_227 = arith.constant 0 : i32
        %dma_wait3A_228 = tpu.memref_slice %dma_wait3A_225[%dma_wait3A_226, %dma_wait3A_227] : memref<10000x128xf32, #tpu.memory_space<hbm>> -> memref<10000x128xf32, #tpu.memory_space<hbm>>
        tpu.wait_indirect_dma semaphore(%arg20 : memref<!tpu.dma_semaphore, #tpu.memory_space<semaphore_mem>>) src(%dma_wait3A_228 : memref<10000x128xf32, #tpu.memory_space<hbm>>) dst(%arg10 : memref<128x128xf32, #tpu.memory_space<vmem>>)
        "tpu.region"() ({
          %run_scoped3A = tpu.sem_alloc : memref<!tpu.dma_semaphore, #tpu.memory_space<semaphore_mem>>
          %dma_start3A_364 = arith.constant 0 : i32
          %dma_start3A_365 = arith.constant 0 : i32
          %dma_start3A_366 = tpu.memref_slice %arg9[%dma_start3A_364, %dma_start3A_365] : memref<10240x128xf32, #tpu.memory_space<vmem_shared>> -> memref<10240x128xf32, #tpu.memory_space<vmem_shared>>
          tpu.enqueue_indirect_dma source(%arg10 : memref<128x128xf32, #tpu.memory_space<vmem>>) target(%dma_start3A_366 : memref<10240x128xf32, #tpu.memory_space<vmem_shared>>) offsets(%arg16 : memref<128xi32, #tpu.memory_space<vmem>>) semaphore(%run_scoped3A : memref<!tpu.dma_semaphore, #tpu.memory_space<semaphore_mem>>) {add = true}
          %dma_wait3A_367 = arith.constant 0 : i32
          %dma_wait3A_368 = arith.constant 0 : i32
          %dma_wait3A_369 = tpu.memref_slice %arg9[%dma_wait3A_367, %dma_wait3A_368] : memref<10240x128xf32, #tpu.memory_space<vmem_shared>> -> memref<10240x128xf32, #tpu.memory_space<vmem_shared>>
          tpu.wait_indirect_dma semaphore(%run_scoped3A : memref<!tpu.dma_semaphore, #tpu.memory_space<semaphore_mem>>) src(%arg10 : memref<128x128xf32, #tpu.memory_space<vmem>>) dst(%dma_wait3A_369 : memref<10240x128xf32, #tpu.memory_space<vmem_shared>>)
          tpu.yield
        }) : () -> ()
        %mul3A_229 = arith.constant 4 : i32
        %mul3A_230 = arith.muli %mul3A_229, %add3A_183 : i32
        %add3A_231 = arith.constant 1 : i32
        %add3A_232 = arith.addi %mul3A_230, %add3A_231 : i32
        %add3A_233 = arith.constant 1 : i32
        %add3A_234 = arith.addi %add3A_232, %add3A_233 : i32
        %dma_wait3A_235 = arith.constant 0 : i32
        %dma_wait3A_236 = tpu.memref_slice %arg4[%dma_wait3A_235] : memref<320000xi32, #tpu.memory_space<hbm>> -> memref<128xi32, #tpu.memory_space<hbm>>
        %dma_wait3A_237 = arith.constant 0 : i32
        %dma_wait3A_238 = tpu.memref_slice %arg4[%dma_wait3A_237] : memref<320000xi32, #tpu.memory_space<hbm>> -> memref<128xi32, #tpu.memory_space<hbm>>
        tpu.wait_dma2 semaphore(%arg24 : memref<!tpu.dma_semaphore, #tpu.memory_space<semaphore_mem>>) src(%dma_wait3A_238 : memref<128xi32, #tpu.memory_space<hbm>>) dst(%arg14 : memref<128xi32, #tpu.memory_space<vmem>>)
        %dma_wait3A_239 = arith.constant 0 : i32
        %dma_wait3A_240 = tpu.memref_slice %arg3[%dma_wait3A_239] : memref<320000xi32, #tpu.memory_space<hbm>> -> memref<128xi32, #tpu.memory_space<hbm>>
        %dma_wait3A_241 = arith.constant 0 : i32
        %dma_wait3A_242 = tpu.memref_slice %arg3[%dma_wait3A_241] : memref<320000xi32, #tpu.memory_space<hbm>> -> memref<128xi32, #tpu.memory_space<hbm>>
        tpu.wait_dma2 semaphore(%arg24 : memref<!tpu.dma_semaphore, #tpu.memory_space<semaphore_mem>>) src(%dma_wait3A_242 : memref<128xi32, #tpu.memory_space<hbm>>) dst(%arg18 : memref<128xi32, #tpu.memory_space<vmem>>)
        %dma_start3A_243 = arith.constant 0 : i32
        %dma_start3A_244 = arith.constant 0 : i32
        %dma_start3A_245 = tpu.memref_slice %arg2[%scan3A, %dma_start3A_243, %dma_start3A_244] : memref<2x10000x128xf32, #tpu.memory_space<hbm>> -> memref<1x10000x128xf32, #tpu.memory_space<hbm>>
        %dma_start3A_246 = tpu.memref_squeeze %dma_start3A_245 : memref<1x10000x128xf32, #tpu.memory_space<hbm>> -> memref<10000x128xf32, #tpu.memory_space<hbm>>
        %dma_start3A_247 = arith.constant 0 : i32
        %dma_start3A_248 = arith.constant 0 : i32
        %dma_start3A_249 = tpu.memref_slice %dma_start3A_246[%dma_start3A_247, %dma_start3A_248] : memref<10000x128xf32, #tpu.memory_space<hbm>> -> memref<10000x128xf32, #tpu.memory_space<hbm>>
        tpu.enqueue_indirect_dma source(%dma_start3A_249 : memref<10000x128xf32, #tpu.memory_space<hbm>>) target(%arg10 : memref<128x128xf32, #tpu.memory_space<vmem>>) offsets(%arg14 : memref<128xi32, #tpu.memory_space<vmem>>) semaphore(%arg20 : memref<!tpu.dma_semaphore, #tpu.memory_space<semaphore_mem>>)
        %add3A_250 = arith.constant 2 : i32
        %add3A_251 = arith.addi %add3A_234, %add3A_250 : i32
        %mul3A_252 = arith.constant 160 : i32
        %mul3A_253 = arith.muli %arg1, %mul3A_252 : i32
        %add3A_254 = arith.addi %mul3A_253, %add3A_251 : i32
        %mul3A_255 = arith.constant 128 : i32
        %mul3A_256 = arith.muli %add3A_254, %mul3A_255 : i32
        %lt3A_257 = arith.constant 320000 : i32
        %lt3A_258 = arith.cmpi slt, %mul3A_256, %lt3A_257 : i32
        %convert_element_type3A_259 = arith.extui %lt3A_258 : i1 to i32
        %cond3A_260 = arith.constant 0 : i32
        %cond3A_261 = arith.cmpi ne, %convert_element_type3A_259, %cond3A_260 : i32
        scf.if %cond3A_261 {
          %dma_start3A_364 = tpu.memref_slice %arg4[%mul3A_256] : memref<320000xi32, #tpu.memory_space<hbm>> -> memref<128xi32, #tpu.memory_space<hbm>>
          %dma_start3A_365 = tpu.memref_slice %arg4[%mul3A_256] : memref<320000xi32, #tpu.memory_space<hbm>> -> memref<128xi32, #tpu.memory_space<hbm>>
          tpu.enqueue_dma source(%dma_start3A_365 : memref<128xi32, #tpu.memory_space<hbm>>) target(%arg12 : memref<128xi32, #tpu.memory_space<vmem>>) target_semaphore(%arg22 : memref<!tpu.dma_semaphore, #tpu.memory_space<semaphore_mem>>)
          %dma_start3A_366 = tpu.memref_slice %arg3[%mul3A_256] : memref<320000xi32, #tpu.memory_space<hbm>> -> memref<128xi32, #tpu.memory_space<hbm>>
          %dma_start3A_367 = tpu.memref_slice %arg3[%mul3A_256] : memref<320000xi32, #tpu.memory_space<hbm>> -> memref<128xi32, #tpu.memory_space<hbm>>
          tpu.enqueue_dma source(%dma_start3A_367 : memref<128xi32, #tpu.memory_space<hbm>>) target(%arg16 : memref<128xi32, #tpu.memory_space<vmem>>) target_semaphore(%arg22 : memref<!tpu.dma_semaphore, #tpu.memory_space<semaphore_mem>>)
        } else {
        }
        %ge3A_262 = arith.constant 320000 : i32
        %ge3A_263 = arith.cmpi sge, %mul3A_256, %ge3A_262 : i32
        %convert_element_type3A_264 = arith.extui %ge3A_263 : i1 to i32
        %cond3A_265 = arith.constant 0 : i32
        %cond3A_266 = arith.cmpi ne, %convert_element_type3A_264, %cond3A_265 : i32
        scf.if %cond3A_266 {
          %sub3A = arith.constant 320000 : i32
          %sub3A_364 = arith.subi %mul3A_256, %sub3A : i32
          %dma_start3A_365 = tpu.memref_slice %arg5[%sub3A_364] : memref<7680xi32, #tpu.memory_space<hbm>> -> memref<128xi32, #tpu.memory_space<hbm>>
          %dma_start3A_366 = tpu.memref_slice %arg5[%sub3A_364] : memref<7680xi32, #tpu.memory_space<hbm>> -> memref<128xi32, #tpu.memory_space<hbm>>
          tpu.enqueue_dma source(%dma_start3A_366 : memref<128xi32, #tpu.memory_space<hbm>>) target(%arg12 : memref<128xi32, #tpu.memory_space<vmem>>) target_semaphore(%arg22 : memref<!tpu.dma_semaphore, #tpu.memory_space<semaphore_mem>>)
          %dma_start3A_367 = tpu.memref_slice %arg6[%sub3A_364] : memref<7680xi32, #tpu.memory_space<hbm>> -> memref<128xi32, #tpu.memory_space<hbm>>
          %dma_start3A_368 = tpu.memref_slice %arg6[%sub3A_364] : memref<7680xi32, #tpu.memory_space<hbm>> -> memref<128xi32, #tpu.memory_space<hbm>>
          tpu.enqueue_dma source(%dma_start3A_368 : memref<128xi32, #tpu.memory_space<hbm>>) target(%arg16 : memref<128xi32, #tpu.memory_space<vmem>>) target_semaphore(%arg22 : memref<!tpu.dma_semaphore, #tpu.memory_space<semaphore_mem>>)
        } else {
        }
        %dma_wait3A_267 = arith.constant 0 : i32
        %dma_wait3A_268 = arith.constant 0 : i32
        %dma_wait3A_269 = tpu.memref_slice %arg2[%scan3A, %dma_wait3A_267, %dma_wait3A_268] : memref<2x10000x128xf32, #tpu.memory_space<hbm>> -> memref<1x10000x128xf32, #tpu.memory_space<hbm>>
        %dma_wait3A_270 = tpu.memref_squeeze %dma_wait3A_269 : memref<1x10000x128xf32, #tpu.memory_space<hbm>> -> memref<10000x128xf32, #tpu.memory_space<hbm>>
        %dma_wait3A_271 = arith.constant 0 : i32
        %dma_wait3A_272 = arith.constant 0 : i32
        %dma_wait3A_273 = tpu.memref_slice %dma_wait3A_270[%dma_wait3A_271, %dma_wait3A_272] : memref<10000x128xf32, #tpu.memory_space<hbm>> -> memref<10000x128xf32, #tpu.memory_space<hbm>>
        tpu.wait_indirect_dma semaphore(%arg21 : memref<!tpu.dma_semaphore, #tpu.memory_space<semaphore_mem>>) src(%dma_wait3A_273 : memref<10000x128xf32, #tpu.memory_space<hbm>>) dst(%arg11 : memref<128x128xf32, #tpu.memory_space<vmem>>)
        "tpu.region"() ({
          %run_scoped3A = tpu.sem_alloc : memref<!tpu.dma_semaphore, #tpu.memory_space<semaphore_mem>>
          %dma_start3A_364 = arith.constant 0 : i32
          %dma_start3A_365 = arith.constant 0 : i32
          %dma_start3A_366 = tpu.memref_slice %arg9[%dma_start3A_364, %dma_start3A_365] : memref<10240x128xf32, #tpu.memory_space<vmem_shared>> -> memref<10240x128xf32, #tpu.memory_space<vmem_shared>>
          tpu.enqueue_indirect_dma source(%arg11 : memref<128x128xf32, #tpu.memory_space<vmem>>) target(%dma_start3A_366 : memref<10240x128xf32, #tpu.memory_space<vmem_shared>>) offsets(%arg17 : memref<128xi32, #tpu.memory_space<vmem>>) semaphore(%run_scoped3A : memref<!tpu.dma_semaphore, #tpu.memory_space<semaphore_mem>>) {add = true}
          %dma_wait3A_367 = arith.constant 0 : i32
          %dma_wait3A_368 = arith.constant 0 : i32
          %dma_wait3A_369 = tpu.memref_slice %arg9[%dma_wait3A_367, %dma_wait3A_368] : memref<10240x128xf32, #tpu.memory_space<vmem_shared>> -> memref<10240x128xf32, #tpu.memory_space<vmem_shared>>
          tpu.wait_indirect_dma semaphore(%run_scoped3A : memref<!tpu.dma_semaphore, #tpu.memory_space<semaphore_mem>>) src(%arg11 : memref<128x128xf32, #tpu.memory_space<vmem>>) dst(%dma_wait3A_369 : memref<10240x128xf32, #tpu.memory_space<vmem_shared>>)
          tpu.yield
        }) : () -> ()
        %mul3A_274 = arith.constant 4 : i32
        %mul3A_275 = arith.muli %mul3A_274, %add3A_183 : i32
        %add3A_276 = arith.constant 2 : i32
        %add3A_277 = arith.addi %mul3A_275, %add3A_276 : i32
        %add3A_278 = arith.constant 1 : i32
        %add3A_279 = arith.addi %add3A_277, %add3A_278 : i32
        %dma_wait3A_280 = arith.constant 0 : i32
        %dma_wait3A_281 = tpu.memref_slice %arg4[%dma_wait3A_280] : memref<320000xi32, #tpu.memory_space<hbm>> -> memref<128xi32, #tpu.memory_space<hbm>>
        %dma_wait3A_282 = arith.constant 0 : i32
        %dma_wait3A_283 = tpu.memref_slice %arg4[%dma_wait3A_282] : memref<320000xi32, #tpu.memory_space<hbm>> -> memref<128xi32, #tpu.memory_space<hbm>>
        tpu.wait_dma2 semaphore(%arg25 : memref<!tpu.dma_semaphore, #tpu.memory_space<semaphore_mem>>) src(%dma_wait3A_283 : memref<128xi32, #tpu.memory_space<hbm>>) dst(%arg15 : memref<128xi32, #tpu.memory_space<vmem>>)
        %dma_wait3A_284 = arith.constant 0 : i32
        %dma_wait3A_285 = tpu.memref_slice %arg3[%dma_wait3A_284] : memref<320000xi32, #tpu.memory_space<hbm>> -> memref<128xi32, #tpu.memory_space<hbm>>
        %dma_wait3A_286 = arith.constant 0 : i32
        %dma_wait3A_287 = tpu.memref_slice %arg3[%dma_wait3A_286] : memref<320000xi32, #tpu.memory_space<hbm>> -> memref<128xi32, #tpu.memory_space<hbm>>
        tpu.wait_dma2 semaphore(%arg25 : memref<!tpu.dma_semaphore, #tpu.memory_space<semaphore_mem>>) src(%dma_wait3A_287 : memref<128xi32, #tpu.memory_space<hbm>>) dst(%arg19 : memref<128xi32, #tpu.memory_space<vmem>>)
        %dma_start3A_288 = arith.constant 0 : i32
        %dma_start3A_289 = arith.constant 0 : i32
        %dma_start3A_290 = tpu.memref_slice %arg2[%scan3A, %dma_start3A_288, %dma_start3A_289] : memref<2x10000x128xf32, #tpu.memory_space<hbm>> -> memref<1x10000x128xf32, #tpu.memory_space<hbm>>
        %dma_start3A_291 = tpu.memref_squeeze %dma_start3A_290 : memref<1x10000x128xf32, #tpu.memory_space<hbm>> -> memref<10000x128xf32, #tpu.memory_space<hbm>>
        %dma_start3A_292 = arith.constant 0 : i32
        %dma_start3A_293 = arith.constant 0 : i32
        %dma_start3A_294 = tpu.memref_slice %dma_start3A_291[%dma_start3A_292, %dma_start3A_293] : memref<10000x128xf32, #tpu.memory_space<hbm>> -> memref<10000x128xf32, #tpu.memory_space<hbm>>
        tpu.enqueue_indirect_dma source(%dma_start3A_294 : memref<10000x128xf32, #tpu.memory_space<hbm>>) target(%arg11 : memref<128x128xf32, #tpu.memory_space<vmem>>) offsets(%arg15 : memref<128xi32, #tpu.memory_space<vmem>>) semaphore(%arg21 : memref<!tpu.dma_semaphore, #tpu.memory_space<semaphore_mem>>)
        %add3A_295 = arith.constant 2 : i32
        %add3A_296 = arith.addi %add3A_279, %add3A_295 : i32
        %mul3A_297 = arith.constant 160 : i32
        %mul3A_298 = arith.muli %arg1, %mul3A_297 : i32
        %add3A_299 = arith.addi %mul3A_298, %add3A_296 : i32
        %mul3A_300 = arith.constant 128 : i32
        %mul3A_301 = arith.muli %add3A_299, %mul3A_300 : i32
        %lt3A_302 = arith.constant 320000 : i32
        %lt3A_303 = arith.cmpi slt, %mul3A_301, %lt3A_302 : i32
        %convert_element_type3A_304 = arith.extui %lt3A_303 : i1 to i32
        %cond3A_305 = arith.constant 0 : i32
        %cond3A_306 = arith.cmpi ne, %convert_element_type3A_304, %cond3A_305 : i32
        scf.if %cond3A_306 {
          %dma_start3A_364 = tpu.memref_slice %arg4[%mul3A_301] : memref<320000xi32, #tpu.memory_space<hbm>> -> memref<128xi32, #tpu.memory_space<hbm>>
          %dma_start3A_365 = tpu.memref_slice %arg4[%mul3A_301] : memref<320000xi32, #tpu.memory_space<hbm>> -> memref<128xi32, #tpu.memory_space<hbm>>
          tpu.enqueue_dma source(%dma_start3A_365 : memref<128xi32, #tpu.memory_space<hbm>>) target(%arg13 : memref<128xi32, #tpu.memory_space<vmem>>) target_semaphore(%arg23 : memref<!tpu.dma_semaphore, #tpu.memory_space<semaphore_mem>>)
          %dma_start3A_366 = tpu.memref_slice %arg3[%mul3A_301] : memref<320000xi32, #tpu.memory_space<hbm>> -> memref<128xi32, #tpu.memory_space<hbm>>
          %dma_start3A_367 = tpu.memref_slice %arg3[%mul3A_301] : memref<320000xi32, #tpu.memory_space<hbm>> -> memref<128xi32, #tpu.memory_space<hbm>>
          tpu.enqueue_dma source(%dma_start3A_367 : memref<128xi32, #tpu.memory_space<hbm>>) target(%arg17 : memref<128xi32, #tpu.memory_space<vmem>>) target_semaphore(%arg23 : memref<!tpu.dma_semaphore, #tpu.memory_space<semaphore_mem>>)
        } else {
        }
        %ge3A_307 = arith.constant 320000 : i32
        %ge3A_308 = arith.cmpi sge, %mul3A_301, %ge3A_307 : i32
        %convert_element_type3A_309 = arith.extui %ge3A_308 : i1 to i32
        %cond3A_310 = arith.constant 0 : i32
        %cond3A_311 = arith.cmpi ne, %convert_element_type3A_309, %cond3A_310 : i32
        scf.if %cond3A_311 {
          %sub3A = arith.constant 320000 : i32
          %sub3A_364 = arith.subi %mul3A_301, %sub3A : i32
          %dma_start3A_365 = tpu.memref_slice %arg5[%sub3A_364] : memref<7680xi32, #tpu.memory_space<hbm>> -> memref<128xi32, #tpu.memory_space<hbm>>
          %dma_start3A_366 = tpu.memref_slice %arg5[%sub3A_364] : memref<7680xi32, #tpu.memory_space<hbm>> -> memref<128xi32, #tpu.memory_space<hbm>>
          tpu.enqueue_dma source(%dma_start3A_366 : memref<128xi32, #tpu.memory_space<hbm>>) target(%arg13 : memref<128xi32, #tpu.memory_space<vmem>>) target_semaphore(%arg23 : memref<!tpu.dma_semaphore, #tpu.memory_space<semaphore_mem>>)
          %dma_start3A_367 = tpu.memref_slice %arg6[%sub3A_364] : memref<7680xi32, #tpu.memory_space<hbm>> -> memref<128xi32, #tpu.memory_space<hbm>>
          %dma_start3A_368 = tpu.memref_slice %arg6[%sub3A_364] : memref<7680xi32, #tpu.memory_space<hbm>> -> memref<128xi32, #tpu.memory_space<hbm>>
          tpu.enqueue_dma source(%dma_start3A_368 : memref<128xi32, #tpu.memory_space<hbm>>) target(%arg17 : memref<128xi32, #tpu.memory_space<vmem>>) target_semaphore(%arg23 : memref<!tpu.dma_semaphore, #tpu.memory_space<semaphore_mem>>)
        } else {
        }
        %dma_wait3A_312 = arith.constant 0 : i32
        %dma_wait3A_313 = arith.constant 0 : i32
        %dma_wait3A_314 = tpu.memref_slice %arg2[%scan3A, %dma_wait3A_312, %dma_wait3A_313] : memref<2x10000x128xf32, #tpu.memory_space<hbm>> -> memref<1x10000x128xf32, #tpu.memory_space<hbm>>
        %dma_wait3A_315 = tpu.memref_squeeze %dma_wait3A_314 : memref<1x10000x128xf32, #tpu.memory_space<hbm>> -> memref<10000x128xf32, #tpu.memory_space<hbm>>
        %dma_wait3A_316 = arith.constant 0 : i32
        %dma_wait3A_317 = arith.constant 0 : i32
        %dma_wait3A_318 = tpu.memref_slice %dma_wait3A_315[%dma_wait3A_316, %dma_wait3A_317] : memref<10000x128xf32, #tpu.memory_space<hbm>> -> memref<10000x128xf32, #tpu.memory_space<hbm>>
        tpu.wait_indirect_dma semaphore(%arg20 : memref<!tpu.dma_semaphore, #tpu.memory_space<semaphore_mem>>) src(%dma_wait3A_318 : memref<10000x128xf32, #tpu.memory_space<hbm>>) dst(%arg10 : memref<128x128xf32, #tpu.memory_space<vmem>>)
        "tpu.region"() ({
          %run_scoped3A = tpu.sem_alloc : memref<!tpu.dma_semaphore, #tpu.memory_space<semaphore_mem>>
          %dma_start3A_364 = arith.constant 0 : i32
          %dma_start3A_365 = arith.constant 0 : i32
          %dma_start3A_366 = tpu.memref_slice %arg9[%dma_start3A_364, %dma_start3A_365] : memref<10240x128xf32, #tpu.memory_space<vmem_shared>> -> memref<10240x128xf32, #tpu.memory_space<vmem_shared>>
          tpu.enqueue_indirect_dma source(%arg10 : memref<128x128xf32, #tpu.memory_space<vmem>>) target(%dma_start3A_366 : memref<10240x128xf32, #tpu.memory_space<vmem_shared>>) offsets(%arg18 : memref<128xi32, #tpu.memory_space<vmem>>) semaphore(%run_scoped3A : memref<!tpu.dma_semaphore, #tpu.memory_space<semaphore_mem>>) {add = true}
          %dma_wait3A_367 = arith.constant 0 : i32
          %dma_wait3A_368 = arith.constant 0 : i32
          %dma_wait3A_369 = tpu.memref_slice %arg9[%dma_wait3A_367, %dma_wait3A_368] : memref<10240x128xf32, #tpu.memory_space<vmem_shared>> -> memref<10240x128xf32, #tpu.memory_space<vmem_shared>>
          tpu.wait_indirect_dma semaphore(%run_scoped3A : memref<!tpu.dma_semaphore, #tpu.memory_space<semaphore_mem>>) src(%arg10 : memref<128x128xf32, #tpu.memory_space<vmem>>) dst(%dma_wait3A_369 : memref<10240x128xf32, #tpu.memory_space<vmem_shared>>)
          tpu.yield
        }) : () -> ()
        %mul3A_319 = arith.constant 4 : i32
        %mul3A_320 = arith.muli %mul3A_319, %add3A_183 : i32
        %add3A_321 = arith.constant 3 : i32
        %add3A_322 = arith.addi %mul3A_320, %add3A_321 : i32
        %add3A_323 = arith.constant 1 : i32
        %add3A_324 = arith.addi %add3A_322, %add3A_323 : i32
        %dma_wait3A_325 = arith.constant 0 : i32
        %dma_wait3A_326 = tpu.memref_slice %arg4[%dma_wait3A_325] : memref<320000xi32, #tpu.memory_space<hbm>> -> memref<128xi32, #tpu.memory_space<hbm>>
        %dma_wait3A_327 = arith.constant 0 : i32
        %dma_wait3A_328 = tpu.memref_slice %arg4[%dma_wait3A_327] : memref<320000xi32, #tpu.memory_space<hbm>> -> memref<128xi32, #tpu.memory_space<hbm>>
        tpu.wait_dma2 semaphore(%arg22 : memref<!tpu.dma_semaphore, #tpu.memory_space<semaphore_mem>>) src(%dma_wait3A_328 : memref<128xi32, #tpu.memory_space<hbm>>) dst(%arg12 : memref<128xi32, #tpu.memory_space<vmem>>)
        %dma_wait3A_329 = arith.constant 0 : i32
        %dma_wait3A_330 = tpu.memref_slice %arg3[%dma_wait3A_329] : memref<320000xi32, #tpu.memory_space<hbm>> -> memref<128xi32, #tpu.memory_space<hbm>>
        %dma_wait3A_331 = arith.constant 0 : i32
        %dma_wait3A_332 = tpu.memref_slice %arg3[%dma_wait3A_331] : memref<320000xi32, #tpu.memory_space<hbm>> -> memref<128xi32, #tpu.memory_space<hbm>>
        tpu.wait_dma2 semaphore(%arg22 : memref<!tpu.dma_semaphore, #tpu.memory_space<semaphore_mem>>) src(%dma_wait3A_332 : memref<128xi32, #tpu.memory_space<hbm>>) dst(%arg16 : memref<128xi32, #tpu.memory_space<vmem>>)
        %dma_start3A_333 = arith.constant 0 : i32
        %dma_start3A_334 = arith.constant 0 : i32
        %dma_start3A_335 = tpu.memref_slice %arg2[%scan3A, %dma_start3A_333, %dma_start3A_334] : memref<2x10000x128xf32, #tpu.memory_space<hbm>> -> memref<1x10000x128xf32, #tpu.memory_space<hbm>>
        %dma_start3A_336 = tpu.memref_squeeze %dma_start3A_335 : memref<1x10000x128xf32, #tpu.memory_space<hbm>> -> memref<10000x128xf32, #tpu.memory_space<hbm>>
        %dma_start3A_337 = arith.constant 0 : i32
        %dma_start3A_338 = arith.constant 0 : i32
        %dma_start3A_339 = tpu.memref_slice %dma_start3A_336[%dma_start3A_337, %dma_start3A_338] : memref<10000x128xf32, #tpu.memory_space<hbm>> -> memref<10000x128xf32, #tpu.memory_space<hbm>>
        tpu.enqueue_indirect_dma source(%dma_start3A_339 : memref<10000x128xf32, #tpu.memory_space<hbm>>) target(%arg10 : memref<128x128xf32, #tpu.memory_space<vmem>>) offsets(%arg12 : memref<128xi32, #tpu.memory_space<vmem>>) semaphore(%arg20 : memref<!tpu.dma_semaphore, #tpu.memory_space<semaphore_mem>>)
        %add3A_340 = arith.constant 2 : i32
        %add3A_341 = arith.addi %add3A_324, %add3A_340 : i32
        %mul3A_342 = arith.constant 160 : i32
        %mul3A_343 = arith.muli %arg1, %mul3A_342 : i32
        %add3A_344 = arith.addi %mul3A_343, %add3A_341 : i32
        %mul3A_345 = arith.constant 128 : i32
        %mul3A_346 = arith.muli %add3A_344, %mul3A_345 : i32
        %lt3A_347 = arith.constant 320000 : i32
        %lt3A_348 = arith.cmpi slt, %mul3A_346, %lt3A_347 : i32
        %convert_element_type3A_349 = arith.extui %lt3A_348 : i1 to i32
        %cond3A_350 = arith.constant 0 : i32
        %cond3A_351 = arith.cmpi ne, %convert_element_type3A_349, %cond3A_350 : i32
        scf.if %cond3A_351 {
          %dma_start3A_364 = tpu.memref_slice %arg4[%mul3A_346] : memref<320000xi32, #tpu.memory_space<hbm>> -> memref<128xi32, #tpu.memory_space<hbm>>
          %dma_start3A_365 = tpu.memref_slice %arg4[%mul3A_346] : memref<320000xi32, #tpu.memory_space<hbm>> -> memref<128xi32, #tpu.memory_space<hbm>>
          tpu.enqueue_dma source(%dma_start3A_365 : memref<128xi32, #tpu.memory_space<hbm>>) target(%arg14 : memref<128xi32, #tpu.memory_space<vmem>>) target_semaphore(%arg24 : memref<!tpu.dma_semaphore, #tpu.memory_space<semaphore_mem>>)
          %dma_start3A_366 = tpu.memref_slice %arg3[%mul3A_346] : memref<320000xi32, #tpu.memory_space<hbm>> -> memref<128xi32, #tpu.memory_space<hbm>>
          %dma_start3A_367 = tpu.memref_slice %arg3[%mul3A_346] : memref<320000xi32, #tpu.memory_space<hbm>> -> memref<128xi32, #tpu.memory_space<hbm>>
          tpu.enqueue_dma source(%dma_start3A_367 : memref<128xi32, #tpu.memory_space<hbm>>) target(%arg18 : memref<128xi32, #tpu.memory_space<vmem>>) target_semaphore(%arg24 : memref<!tpu.dma_semaphore, #tpu.memory_space<semaphore_mem>>)
        } else {
        }
        %ge3A_352 = arith.constant 320000 : i32
        %ge3A_353 = arith.cmpi sge, %mul3A_346, %ge3A_352 : i32
        %convert_element_type3A_354 = arith.extui %ge3A_353 : i1 to i32
        %cond3A_355 = arith.constant 0 : i32
        %cond3A_356 = arith.cmpi ne, %convert_element_type3A_354, %cond3A_355 : i32
        scf.if %cond3A_356 {
          %sub3A = arith.constant 320000 : i32
          %sub3A_364 = arith.subi %mul3A_346, %sub3A : i32
          %dma_start3A_365 = tpu.memref_slice %arg5[%sub3A_364] : memref<7680xi32, #tpu.memory_space<hbm>> -> memref<128xi32, #tpu.memory_space<hbm>>
          %dma_start3A_366 = tpu.memref_slice %arg5[%sub3A_364] : memref<7680xi32, #tpu.memory_space<hbm>> -> memref<128xi32, #tpu.memory_space<hbm>>
          tpu.enqueue_dma source(%dma_start3A_366 : memref<128xi32, #tpu.memory_space<hbm>>) target(%arg14 : memref<128xi32, #tpu.memory_space<vmem>>) target_semaphore(%arg24 : memref<!tpu.dma_semaphore, #tpu.memory_space<semaphore_mem>>)
          %dma_start3A_367 = tpu.memref_slice %arg6[%sub3A_364] : memref<7680xi32, #tpu.memory_space<hbm>> -> memref<128xi32, #tpu.memory_space<hbm>>
          %dma_start3A_368 = tpu.memref_slice %arg6[%sub3A_364] : memref<7680xi32, #tpu.memory_space<hbm>> -> memref<128xi32, #tpu.memory_space<hbm>>
          tpu.enqueue_dma source(%dma_start3A_368 : memref<128xi32, #tpu.memory_space<hbm>>) target(%arg18 : memref<128xi32, #tpu.memory_space<vmem>>) target_semaphore(%arg24 : memref<!tpu.dma_semaphore, #tpu.memory_space<semaphore_mem>>)
        } else {
        }
        %dma_wait3A_357 = arith.constant 0 : i32
        %dma_wait3A_358 = arith.constant 0 : i32
        %dma_wait3A_359 = tpu.memref_slice %arg2[%scan3A, %dma_wait3A_357, %dma_wait3A_358] : memref<2x10000x128xf32, #tpu.memory_space<hbm>> -> memref<1x10000x128xf32, #tpu.memory_space<hbm>>
        %dma_wait3A_360 = tpu.memref_squeeze %dma_wait3A_359 : memref<1x10000x128xf32, #tpu.memory_space<hbm>> -> memref<10000x128xf32, #tpu.memory_space<hbm>>
        %dma_wait3A_361 = arith.constant 0 : i32
        %dma_wait3A_362 = arith.constant 0 : i32
        %dma_wait3A_363 = tpu.memref_slice %dma_wait3A_360[%dma_wait3A_361, %dma_wait3A_362] : memref<10000x128xf32, #tpu.memory_space<hbm>> -> memref<10000x128xf32, #tpu.memory_space<hbm>>
        tpu.wait_indirect_dma semaphore(%arg21 : memref<!tpu.dma_semaphore, #tpu.memory_space<semaphore_mem>>) src(%dma_wait3A_363 : memref<10000x128xf32, #tpu.memory_space<hbm>>) dst(%arg11 : memref<128x128xf32, #tpu.memory_space<vmem>>)
        "tpu.region"() ({
          %run_scoped3A = tpu.sem_alloc : memref<!tpu.dma_semaphore, #tpu.memory_space<semaphore_mem>>
          %dma_start3A_364 = arith.constant 0 : i32
          %dma_start3A_365 = arith.constant 0 : i32
          %dma_start3A_366 = tpu.memref_slice %arg9[%dma_start3A_364, %dma_start3A_365] : memref<10240x128xf32, #tpu.memory_space<vmem_shared>> -> memref<10240x128xf32, #tpu.memory_space<vmem_shared>>
          tpu.enqueue_indirect_dma source(%arg11 : memref<128x128xf32, #tpu.memory_space<vmem>>) target(%dma_start3A_366 : memref<10240x128xf32, #tpu.memory_space<vmem_shared>>) offsets(%arg19 : memref<128xi32, #tpu.memory_space<vmem>>) semaphore(%run_scoped3A : memref<!tpu.dma_semaphore, #tpu.memory_space<semaphore_mem>>) {add = true}
          %dma_wait3A_367 = arith.constant 0 : i32
          %dma_wait3A_368 = arith.constant 0 : i32
          %dma_wait3A_369 = tpu.memref_slice %arg9[%dma_wait3A_367, %dma_wait3A_368] : memref<10240x128xf32, #tpu.memory_space<vmem_shared>> -> memref<10240x128xf32, #tpu.memory_space<vmem_shared>>
          tpu.wait_indirect_dma semaphore(%run_scoped3A : memref<!tpu.dma_semaphore, #tpu.memory_space<semaphore_mem>>) src(%arg11 : memref<128x128xf32, #tpu.memory_space<vmem>>) dst(%dma_wait3A_369 : memref<10240x128xf32, #tpu.memory_space<vmem_shared>>)
          tpu.yield
        }) : () -> ()
      }
      %scan3A_82 = arith.constant 39 : i32
      %dma_wait3A_83 = arith.constant 0 : i32
      %dma_wait3A_84 = tpu.memref_slice %arg4[%dma_wait3A_83] : memref<320000xi32, #tpu.memory_space<hbm>> -> memref<128xi32, #tpu.memory_space<hbm>>
      %dma_wait3A_85 = arith.constant 0 : i32
      %dma_wait3A_86 = tpu.memref_slice %arg4[%dma_wait3A_85] : memref<320000xi32, #tpu.memory_space<hbm>> -> memref<128xi32, #tpu.memory_space<hbm>>
      tpu.wait_dma2 semaphore(%arg23 : memref<!tpu.dma_semaphore, #tpu.memory_space<semaphore_mem>>) src(%dma_wait3A_86 : memref<128xi32, #tpu.memory_space<hbm>>) dst(%arg13 : memref<128xi32, #tpu.memory_space<vmem>>)
      %dma_wait3A_87 = arith.constant 0 : i32
      %dma_wait3A_88 = tpu.memref_slice %arg3[%dma_wait3A_87] : memref<320000xi32, #tpu.memory_space<hbm>> -> memref<128xi32, #tpu.memory_space<hbm>>
      %dma_wait3A_89 = arith.constant 0 : i32
      %dma_wait3A_90 = tpu.memref_slice %arg3[%dma_wait3A_89] : memref<320000xi32, #tpu.memory_space<hbm>> -> memref<128xi32, #tpu.memory_space<hbm>>
      tpu.wait_dma2 semaphore(%arg23 : memref<!tpu.dma_semaphore, #tpu.memory_space<semaphore_mem>>) src(%dma_wait3A_90 : memref<128xi32, #tpu.memory_space<hbm>>) dst(%arg17 : memref<128xi32, #tpu.memory_space<vmem>>)
      %dma_start3A_91 = arith.constant 1 : i32
      %dma_start3A_92 = arith.constant 0 : i32
      %dma_start3A_93 = arith.constant 0 : i32
      %dma_start3A_94 = tpu.memref_slice %arg2[%dma_start3A_91, %dma_start3A_92, %dma_start3A_93] : memref<2x10000x128xf32, #tpu.memory_space<hbm>> -> memref<1x10000x128xf32, #tpu.memory_space<hbm>>
      %dma_start3A_95 = tpu.memref_squeeze %dma_start3A_94 : memref<1x10000x128xf32, #tpu.memory_space<hbm>> -> memref<10000x128xf32, #tpu.memory_space<hbm>>
      %dma_start3A_96 = arith.constant 0 : i32
      %dma_start3A_97 = arith.constant 0 : i32
      %dma_start3A_98 = tpu.memref_slice %dma_start3A_95[%dma_start3A_96, %dma_start3A_97] : memref<10000x128xf32, #tpu.memory_space<hbm>> -> memref<10000x128xf32, #tpu.memory_space<hbm>>
      tpu.enqueue_indirect_dma source(%dma_start3A_98 : memref<10000x128xf32, #tpu.memory_space<hbm>>) target(%arg11 : memref<128x128xf32, #tpu.memory_space<vmem>>) offsets(%arg13 : memref<128xi32, #tpu.memory_space<vmem>>) semaphore(%arg21 : memref<!tpu.dma_semaphore, #tpu.memory_space<semaphore_mem>>)
      %mul3A_99 = arith.constant 160 : i32
      %mul3A_100 = arith.muli %arg1, %mul3A_99 : i32
      %add3A_101 = arith.constant 159 : i32
      %add3A_102 = arith.addi %mul3A_100, %add3A_101 : i32
      %mul3A_103 = arith.constant 128 : i32
      %mul3A_104 = arith.muli %add3A_102, %mul3A_103 : i32
      %lt3A_105 = arith.constant 320000 : i32
      %lt3A_106 = arith.cmpi slt, %mul3A_104, %lt3A_105 : i32
      %convert_element_type3A_107 = arith.extui %lt3A_106 : i1 to i32
      %cond3A_108 = arith.constant 0 : i32
      %cond3A_109 = arith.cmpi ne, %convert_element_type3A_107, %cond3A_108 : i32
      scf.if %cond3A_109 {
        %dma_start3A_179 = tpu.memref_slice %arg4[%mul3A_104] : memref<320000xi32, #tpu.memory_space<hbm>> -> memref<128xi32, #tpu.memory_space<hbm>>
        %dma_start3A_180 = tpu.memref_slice %arg4[%mul3A_104] : memref<320000xi32, #tpu.memory_space<hbm>> -> memref<128xi32, #tpu.memory_space<hbm>>
        tpu.enqueue_dma source(%dma_start3A_180 : memref<128xi32, #tpu.memory_space<hbm>>) target(%arg15 : memref<128xi32, #tpu.memory_space<vmem>>) target_semaphore(%arg25 : memref<!tpu.dma_semaphore, #tpu.memory_space<semaphore_mem>>)
        %dma_start3A_181 = tpu.memref_slice %arg3[%mul3A_104] : memref<320000xi32, #tpu.memory_space<hbm>> -> memref<128xi32, #tpu.memory_space<hbm>>
        %dma_start3A_182 = tpu.memref_slice %arg3[%mul3A_104] : memref<320000xi32, #tpu.memory_space<hbm>> -> memref<128xi32, #tpu.memory_space<hbm>>
        tpu.enqueue_dma source(%dma_start3A_182 : memref<128xi32, #tpu.memory_space<hbm>>) target(%arg19 : memref<128xi32, #tpu.memory_space<vmem>>) target_semaphore(%arg25 : memref<!tpu.dma_semaphore, #tpu.memory_space<semaphore_mem>>)
      } else {
      }
      %ge3A_110 = arith.constant 320000 : i32
      %ge3A_111 = arith.cmpi sge, %mul3A_104, %ge3A_110 : i32
      %convert_element_type3A_112 = arith.extui %ge3A_111 : i1 to i32
      %cond3A_113 = arith.constant 0 : i32
      %cond3A_114 = arith.cmpi ne, %convert_element_type3A_112, %cond3A_113 : i32
      scf.if %cond3A_114 {
        %sub3A = arith.constant 320000 : i32
        %sub3A_179 = arith.subi %mul3A_104, %sub3A : i32
        %dma_start3A_180 = tpu.memref_slice %arg5[%sub3A_179] : memref<7680xi32, #tpu.memory_space<hbm>> -> memref<128xi32, #tpu.memory_space<hbm>>
        %dma_start3A_181 = tpu.memref_slice %arg5[%sub3A_179] : memref<7680xi32, #tpu.memory_space<hbm>> -> memref<128xi32, #tpu.memory_space<hbm>>
        tpu.enqueue_dma source(%dma_start3A_181 : memref<128xi32, #tpu.memory_space<hbm>>) target(%arg15 : memref<128xi32, #tpu.memory_space<vmem>>) target_semaphore(%arg25 : memref<!tpu.dma_semaphore, #tpu.memory_space<semaphore_mem>>)
        %dma_start3A_182 = tpu.memref_slice %arg6[%sub3A_179] : memref<7680xi32, #tpu.memory_space<hbm>> -> memref<128xi32, #tpu.memory_space<hbm>>
        %dma_start3A_183 = tpu.memref_slice %arg6[%sub3A_179] : memref<7680xi32, #tpu.memory_space<hbm>> -> memref<128xi32, #tpu.memory_space<hbm>>
        tpu.enqueue_dma source(%dma_start3A_183 : memref<128xi32, #tpu.memory_space<hbm>>) target(%arg19 : memref<128xi32, #tpu.memory_space<vmem>>) target_semaphore(%arg25 : memref<!tpu.dma_semaphore, #tpu.memory_space<semaphore_mem>>)
      } else {
      }
      %dma_wait3A_115 = arith.constant 1 : i32
      %dma_wait3A_116 = arith.constant 0 : i32
      %dma_wait3A_117 = arith.constant 0 : i32
      %dma_wait3A_118 = tpu.memref_slice %arg2[%dma_wait3A_115, %dma_wait3A_116, %dma_wait3A_117] : memref<2x10000x128xf32, #tpu.memory_space<hbm>> -> memref<1x10000x128xf32, #tpu.memory_space<hbm>>
      %dma_wait3A_119 = tpu.memref_squeeze %dma_wait3A_118 : memref<1x10000x128xf32, #tpu.memory_space<hbm>> -> memref<10000x128xf32, #tpu.memory_space<hbm>>
      %dma_wait3A_120 = arith.constant 0 : i32
      %dma_wait3A_121 = arith.constant 0 : i32
      %dma_wait3A_122 = tpu.memref_slice %dma_wait3A_119[%dma_wait3A_120, %dma_wait3A_121] : memref<10000x128xf32, #tpu.memory_space<hbm>> -> memref<10000x128xf32, #tpu.memory_space<hbm>>
      tpu.wait_indirect_dma semaphore(%arg20 : memref<!tpu.dma_semaphore, #tpu.memory_space<semaphore_mem>>) src(%dma_wait3A_122 : memref<10000x128xf32, #tpu.memory_space<hbm>>) dst(%arg10 : memref<128x128xf32, #tpu.memory_space<vmem>>)
      "tpu.region"() ({
        %run_scoped3A = tpu.sem_alloc : memref<!tpu.dma_semaphore, #tpu.memory_space<semaphore_mem>>
        %dma_start3A_179 = arith.constant 0 : i32
        %dma_start3A_180 = arith.constant 0 : i32
        %dma_start3A_181 = tpu.memref_slice %arg9[%dma_start3A_179, %dma_start3A_180] : memref<10240x128xf32, #tpu.memory_space<vmem_shared>> -> memref<10240x128xf32, #tpu.memory_space<vmem_shared>>
        tpu.enqueue_indirect_dma source(%arg10 : memref<128x128xf32, #tpu.memory_space<vmem>>) target(%dma_start3A_181 : memref<10240x128xf32, #tpu.memory_space<vmem_shared>>) offsets(%arg16 : memref<128xi32, #tpu.memory_space<vmem>>) semaphore(%run_scoped3A : memref<!tpu.dma_semaphore, #tpu.memory_space<semaphore_mem>>) {add = true}
        %dma_wait3A_182 = arith.constant 0 : i32
        %dma_wait3A_183 = arith.constant 0 : i32
        %dma_wait3A_184 = tpu.memref_slice %arg9[%dma_wait3A_182, %dma_wait3A_183] : memref<10240x128xf32, #tpu.memory_space<vmem_shared>> -> memref<10240x128xf32, #tpu.memory_space<vmem_shared>>
        tpu.wait_indirect_dma semaphore(%run_scoped3A : memref<!tpu.dma_semaphore, #tpu.memory_space<semaphore_mem>>) src(%arg10 : memref<128x128xf32, #tpu.memory_space<vmem>>) dst(%dma_wait3A_184 : memref<10240x128xf32, #tpu.memory_space<vmem_shared>>)
        tpu.yield
      }) : () -> ()
      %dma_wait3A_123 = arith.constant 0 : i32
      %dma_wait3A_124 = tpu.memref_slice %arg4[%dma_wait3A_123] : memref<320000xi32, #tpu.memory_space<hbm>> -> memref<128xi32, #tpu.memory_space<hbm>>
      %dma_wait3A_125 = arith.constant 0 : i32
      %dma_wait3A_126 = tpu.memref_slice %arg4[%dma_wait3A_125] : memref<320000xi32, #tpu.memory_space<hbm>> -> memref<128xi32, #tpu.memory_space<hbm>>
      tpu.wait_dma2 semaphore(%arg24 : memref<!tpu.dma_semaphore, #tpu.memory_space<semaphore_mem>>) src(%dma_wait3A_126 : memref<128xi32, #tpu.memory_space<hbm>>) dst(%arg14 : memref<128xi32, #tpu.memory_space<vmem>>)
      %dma_wait3A_127 = arith.constant 0 : i32
      %dma_wait3A_128 = tpu.memref_slice %arg3[%dma_wait3A_127] : memref<320000xi32, #tpu.memory_space<hbm>> -> memref<128xi32, #tpu.memory_space<hbm>>
      %dma_wait3A_129 = arith.constant 0 : i32
      %dma_wait3A_130 = tpu.memref_slice %arg3[%dma_wait3A_129] : memref<320000xi32, #tpu.memory_space<hbm>> -> memref<128xi32, #tpu.memory_space<hbm>>
      tpu.wait_dma2 semaphore(%arg24 : memref<!tpu.dma_semaphore, #tpu.memory_space<semaphore_mem>>) src(%dma_wait3A_130 : memref<128xi32, #tpu.memory_space<hbm>>) dst(%arg18 : memref<128xi32, #tpu.memory_space<vmem>>)
      %dma_start3A_131 = arith.constant 1 : i32
      %dma_start3A_132 = arith.constant 0 : i32
      %dma_start3A_133 = arith.constant 0 : i32
      %dma_start3A_134 = tpu.memref_slice %arg2[%dma_start3A_131, %dma_start3A_132, %dma_start3A_133] : memref<2x10000x128xf32, #tpu.memory_space<hbm>> -> memref<1x10000x128xf32, #tpu.memory_space<hbm>>
      %dma_start3A_135 = tpu.memref_squeeze %dma_start3A_134 : memref<1x10000x128xf32, #tpu.memory_space<hbm>> -> memref<10000x128xf32, #tpu.memory_space<hbm>>
      %dma_start3A_136 = arith.constant 0 : i32
      %dma_start3A_137 = arith.constant 0 : i32
      %dma_start3A_138 = tpu.memref_slice %dma_start3A_135[%dma_start3A_136, %dma_start3A_137] : memref<10000x128xf32, #tpu.memory_space<hbm>> -> memref<10000x128xf32, #tpu.memory_space<hbm>>
      tpu.enqueue_indirect_dma source(%dma_start3A_138 : memref<10000x128xf32, #tpu.memory_space<hbm>>) target(%arg10 : memref<128x128xf32, #tpu.memory_space<vmem>>) offsets(%arg14 : memref<128xi32, #tpu.memory_space<vmem>>) semaphore(%arg20 : memref<!tpu.dma_semaphore, #tpu.memory_space<semaphore_mem>>)
      %dma_wait3A_139 = arith.constant 1 : i32
      %dma_wait3A_140 = arith.constant 0 : i32
      %dma_wait3A_141 = arith.constant 0 : i32
      %dma_wait3A_142 = tpu.memref_slice %arg2[%dma_wait3A_139, %dma_wait3A_140, %dma_wait3A_141] : memref<2x10000x128xf32, #tpu.memory_space<hbm>> -> memref<1x10000x128xf32, #tpu.memory_space<hbm>>
      %dma_wait3A_143 = tpu.memref_squeeze %dma_wait3A_142 : memref<1x10000x128xf32, #tpu.memory_space<hbm>> -> memref<10000x128xf32, #tpu.memory_space<hbm>>
      %dma_wait3A_144 = arith.constant 0 : i32
      %dma_wait3A_145 = arith.constant 0 : i32
      %dma_wait3A_146 = tpu.memref_slice %dma_wait3A_143[%dma_wait3A_144, %dma_wait3A_145] : memref<10000x128xf32, #tpu.memory_space<hbm>> -> memref<10000x128xf32, #tpu.memory_space<hbm>>
      tpu.wait_indirect_dma semaphore(%arg21 : memref<!tpu.dma_semaphore, #tpu.memory_space<semaphore_mem>>) src(%dma_wait3A_146 : memref<10000x128xf32, #tpu.memory_space<hbm>>) dst(%arg11 : memref<128x128xf32, #tpu.memory_space<vmem>>)
      "tpu.region"() ({
        %run_scoped3A = tpu.sem_alloc : memref<!tpu.dma_semaphore, #tpu.memory_space<semaphore_mem>>
        %dma_start3A_179 = arith.constant 0 : i32
        %dma_start3A_180 = arith.constant 0 : i32
        %dma_start3A_181 = tpu.memref_slice %arg9[%dma_start3A_179, %dma_start3A_180] : memref<10240x128xf32, #tpu.memory_space<vmem_shared>> -> memref<10240x128xf32, #tpu.memory_space<vmem_shared>>
        tpu.enqueue_indirect_dma source(%arg11 : memref<128x128xf32, #tpu.memory_space<vmem>>) target(%dma_start3A_181 : memref<10240x128xf32, #tpu.memory_space<vmem_shared>>) offsets(%arg17 : memref<128xi32, #tpu.memory_space<vmem>>) semaphore(%run_scoped3A : memref<!tpu.dma_semaphore, #tpu.memory_space<semaphore_mem>>) {add = true}
        %dma_wait3A_182 = arith.constant 0 : i32
        %dma_wait3A_183 = arith.constant 0 : i32
        %dma_wait3A_184 = tpu.memref_slice %arg9[%dma_wait3A_182, %dma_wait3A_183] : memref<10240x128xf32, #tpu.memory_space<vmem_shared>> -> memref<10240x128xf32, #tpu.memory_space<vmem_shared>>
        tpu.wait_indirect_dma semaphore(%run_scoped3A : memref<!tpu.dma_semaphore, #tpu.memory_space<semaphore_mem>>) src(%arg11 : memref<128x128xf32, #tpu.memory_space<vmem>>) dst(%dma_wait3A_184 : memref<10240x128xf32, #tpu.memory_space<vmem_shared>>)
        tpu.yield
      }) : () -> ()
      %dma_wait3A_147 = arith.constant 0 : i32
      %dma_wait3A_148 = tpu.memref_slice %arg4[%dma_wait3A_147] : memref<320000xi32, #tpu.memory_space<hbm>> -> memref<128xi32, #tpu.memory_space<hbm>>
      %dma_wait3A_149 = arith.constant 0 : i32
      %dma_wait3A_150 = tpu.memref_slice %arg4[%dma_wait3A_149] : memref<320000xi32, #tpu.memory_space<hbm>> -> memref<128xi32, #tpu.memory_space<hbm>>
      tpu.wait_dma2 semaphore(%arg25 : memref<!tpu.dma_semaphore, #tpu.memory_space<semaphore_mem>>) src(%dma_wait3A_150 : memref<128xi32, #tpu.memory_space<hbm>>) dst(%arg15 : memref<128xi32, #tpu.memory_space<vmem>>)
      %dma_wait3A_151 = arith.constant 0 : i32
      %dma_wait3A_152 = tpu.memref_slice %arg3[%dma_wait3A_151] : memref<320000xi32, #tpu.memory_space<hbm>> -> memref<128xi32, #tpu.memory_space<hbm>>
      %dma_wait3A_153 = arith.constant 0 : i32
      %dma_wait3A_154 = tpu.memref_slice %arg3[%dma_wait3A_153] : memref<320000xi32, #tpu.memory_space<hbm>> -> memref<128xi32, #tpu.memory_space<hbm>>
      tpu.wait_dma2 semaphore(%arg25 : memref<!tpu.dma_semaphore, #tpu.memory_space<semaphore_mem>>) src(%dma_wait3A_154 : memref<128xi32, #tpu.memory_space<hbm>>) dst(%arg19 : memref<128xi32, #tpu.memory_space<vmem>>)
      %dma_start3A_155 = arith.constant 1 : i32
      %dma_start3A_156 = arith.constant 0 : i32
      %dma_start3A_157 = arith.constant 0 : i32
      %dma_start3A_158 = tpu.memref_slice %arg2[%dma_start3A_155, %dma_start3A_156, %dma_start3A_157] : memref<2x10000x128xf32, #tpu.memory_space<hbm>> -> memref<1x10000x128xf32, #tpu.memory_space<hbm>>
      %dma_start3A_159 = tpu.memref_squeeze %dma_start3A_158 : memref<1x10000x128xf32, #tpu.memory_space<hbm>> -> memref<10000x128xf32, #tpu.memory_space<hbm>>
      %dma_start3A_160 = arith.constant 0 : i32
      %dma_start3A_161 = arith.constant 0 : i32
      %dma_start3A_162 = tpu.memref_slice %dma_start3A_159[%dma_start3A_160, %dma_start3A_161] : memref<10000x128xf32, #tpu.memory_space<hbm>> -> memref<10000x128xf32, #tpu.memory_space<hbm>>
      tpu.enqueue_indirect_dma source(%dma_start3A_162 : memref<10000x128xf32, #tpu.memory_space<hbm>>) target(%arg11 : memref<128x128xf32, #tpu.memory_space<vmem>>) offsets(%arg15 : memref<128xi32, #tpu.memory_space<vmem>>) semaphore(%arg21 : memref<!tpu.dma_semaphore, #tpu.memory_space<semaphore_mem>>)
      %dma_wait3A_163 = arith.constant 1 : i32
      %dma_wait3A_164 = arith.constant 0 : i32
      %dma_wait3A_165 = arith.constant 0 : i32
      %dma_wait3A_166 = tpu.memref_slice %arg2[%dma_wait3A_163, %dma_wait3A_164, %dma_wait3A_165] : memref<2x10000x128xf32, #tpu.memory_space<hbm>> -> memref<1x10000x128xf32, #tpu.memory_space<hbm>>
      %dma_wait3A_167 = tpu.memref_squeeze %dma_wait3A_166 : memref<1x10000x128xf32, #tpu.memory_space<hbm>> -> memref<10000x128xf32, #tpu.memory_space<hbm>>
      %dma_wait3A_168 = arith.constant 0 : i32
      %dma_wait3A_169 = arith.constant 0 : i32
      %dma_wait3A_170 = tpu.memref_slice %dma_wait3A_167[%dma_wait3A_168, %dma_wait3A_169] : memref<10000x128xf32, #tpu.memory_space<hbm>> -> memref<10000x128xf32, #tpu.memory_space<hbm>>
      tpu.wait_indirect_dma semaphore(%arg20 : memref<!tpu.dma_semaphore, #tpu.memory_space<semaphore_mem>>) src(%dma_wait3A_170 : memref<10000x128xf32, #tpu.memory_space<hbm>>) dst(%arg10 : memref<128x128xf32, #tpu.memory_space<vmem>>)
      "tpu.region"() ({
        %run_scoped3A = tpu.sem_alloc : memref<!tpu.dma_semaphore, #tpu.memory_space<semaphore_mem>>
        %dma_start3A_179 = arith.constant 0 : i32
        %dma_start3A_180 = arith.constant 0 : i32
        %dma_start3A_181 = tpu.memref_slice %arg9[%dma_start3A_179, %dma_start3A_180] : memref<10240x128xf32, #tpu.memory_space<vmem_shared>> -> memref<10240x128xf32, #tpu.memory_space<vmem_shared>>
        tpu.enqueue_indirect_dma source(%arg10 : memref<128x128xf32, #tpu.memory_space<vmem>>) target(%dma_start3A_181 : memref<10240x128xf32, #tpu.memory_space<vmem_shared>>) offsets(%arg18 : memref<128xi32, #tpu.memory_space<vmem>>) semaphore(%run_scoped3A : memref<!tpu.dma_semaphore, #tpu.memory_space<semaphore_mem>>) {add = true}
        %dma_wait3A_182 = arith.constant 0 : i32
        %dma_wait3A_183 = arith.constant 0 : i32
        %dma_wait3A_184 = tpu.memref_slice %arg9[%dma_wait3A_182, %dma_wait3A_183] : memref<10240x128xf32, #tpu.memory_space<vmem_shared>> -> memref<10240x128xf32, #tpu.memory_space<vmem_shared>>
        tpu.wait_indirect_dma semaphore(%run_scoped3A : memref<!tpu.dma_semaphore, #tpu.memory_space<semaphore_mem>>) src(%arg10 : memref<128x128xf32, #tpu.memory_space<vmem>>) dst(%dma_wait3A_184 : memref<10240x128xf32, #tpu.memory_space<vmem_shared>>)
        tpu.yield
      }) : () -> ()
      %dma_wait3A_171 = arith.constant 1 : i32
      %dma_wait3A_172 = arith.constant 0 : i32
      %dma_wait3A_173 = arith.constant 0 : i32
      %dma_wait3A_174 = tpu.memref_slice %arg2[%dma_wait3A_171, %dma_wait3A_172, %dma_wait3A_173] : memref<2x10000x128xf32, #tpu.memory_space<hbm>> -> memref<1x10000x128xf32, #tpu.memory_space<hbm>>
      %dma_wait3A_175 = tpu.memref_squeeze %dma_wait3A_174 : memref<1x10000x128xf32, #tpu.memory_space<hbm>> -> memref<10000x128xf32, #tpu.memory_space<hbm>>
      %dma_wait3A_176 = arith.constant 0 : i32
      %dma_wait3A_177 = arith.constant 0 : i32
      %dma_wait3A_178 = tpu.memref_slice %dma_wait3A_175[%dma_wait3A_176, %dma_wait3A_177] : memref<10000x128xf32, #tpu.memory_space<hbm>> -> memref<10000x128xf32, #tpu.memory_space<hbm>>
      tpu.wait_indirect_dma semaphore(%arg21 : memref<!tpu.dma_semaphore, #tpu.memory_space<semaphore_mem>>) src(%dma_wait3A_178 : memref<10000x128xf32, #tpu.memory_space<hbm>>) dst(%arg11 : memref<128x128xf32, #tpu.memory_space<vmem>>)
      "tpu.region"() ({
        %run_scoped3A = tpu.sem_alloc : memref<!tpu.dma_semaphore, #tpu.memory_space<semaphore_mem>>
        %dma_start3A_179 = arith.constant 0 : i32
        %dma_start3A_180 = arith.constant 0 : i32
        %dma_start3A_181 = tpu.memref_slice %arg9[%dma_start3A_179, %dma_start3A_180] : memref<10240x128xf32, #tpu.memory_space<vmem_shared>> -> memref<10240x128xf32, #tpu.memory_space<vmem_shared>>
        tpu.enqueue_indirect_dma source(%arg11 : memref<128x128xf32, #tpu.memory_space<vmem>>) target(%dma_start3A_181 : memref<10240x128xf32, #tpu.memory_space<vmem_shared>>) offsets(%arg19 : memref<128xi32, #tpu.memory_space<vmem>>) semaphore(%run_scoped3A : memref<!tpu.dma_semaphore, #tpu.memory_space<semaphore_mem>>) {add = true}
        %dma_wait3A_182 = arith.constant 0 : i32
        %dma_wait3A_183 = arith.constant 0 : i32
        %dma_wait3A_184 = tpu.memref_slice %arg9[%dma_wait3A_182, %dma_wait3A_183] : memref<10240x128xf32, #tpu.memory_space<vmem_shared>> -> memref<10240x128xf32, #tpu.memory_space<vmem_shared>>
        tpu.wait_indirect_dma semaphore(%run_scoped3A : memref<!tpu.dma_semaphore, #tpu.memory_space<semaphore_mem>>) src(%arg11 : memref<128x128xf32, #tpu.memory_space<vmem>>) dst(%dma_wait3A_184 : memref<10240x128xf32, #tpu.memory_space<vmem_shared>>)
        tpu.yield
      }) : () -> ()
    } else {
    }
    %barrier3A_8 = arith.constant 0 : index
    tpu.barrier barrier_id(%barrier3A_8)
    %eq3A_9 = arith.constant 0 : i32
    %eq3A_10 = arith.cmpi eq, %arg0, %eq3A_9 : i32
    %convert_element_type3A_11 = arith.extui %eq3A_10 : i1 to i32
    %cond3A_12 = arith.constant 0 : i32
    %cond3A_13 = arith.cmpi ne, %convert_element_type3A_11, %cond3A_12 : i32
    scf.if %cond3A_13 {
      %lt3A = arith.constant 15 : i32
      %lt3A_19 = arith.cmpi slt, %arg1, %lt3A : i32
      %convert_element_type3A_20 = arith.extui %lt3A_19 : i1 to i32
      %cond3A_21 = arith.constant 0 : i32
      %cond3A_22 = arith.cmpi ne, %convert_element_type3A_20, %cond3A_21 : i32
      scf.if %cond3A_22 {
        %mul3A_28 = arith.constant 640 : i32
        %mul3A_29 = arith.muli %arg1, %mul3A_28 : i32
        %run_scoped3A = arith.constant 0 : i32
        "tpu.region"() ({
          %run_scoped3A_30 = tpu.sem_alloc : memref<!tpu.dma_semaphore, #tpu.memory_space<semaphore_mem>>
          %dma_start3A = arith.constant 0 : i32
          %dma_start3A_31 = arith.constant 0 : i32
          %dma_start3A_32 = tpu.memref_slice %arg8[%run_scoped3A, %dma_start3A, %dma_start3A_31] : memref<2x10000x128xf32, #tpu.memory_space<hbm>> -> memref<1x10000x128xf32, #tpu.memory_space<hbm>>
          %dma_start3A_33 = tpu.memref_squeeze %dma_start3A_32 : memref<1x10000x128xf32, #tpu.memory_space<hbm>> -> memref<10000x128xf32, #tpu.memory_space<hbm>>
          %dma_start3A_34 = arith.constant 0 : i32
          %dma_start3A_35 = tpu.memref_slice %dma_start3A_33[%mul3A_29, %dma_start3A_34] : memref<10000x128xf32, #tpu.memory_space<hbm>> -> memref<640x128xf32, #tpu.memory_space<hbm>>
          %dma_start3A_36 = arith.constant 0 : i32
          %dma_start3A_37 = tpu.memref_slice %arg9[%mul3A_29, %dma_start3A_36] : memref<10240x128xf32, #tpu.memory_space<vmem_shared>> -> memref<640x128xf32, #tpu.memory_space<vmem_shared>>
          tpu.enqueue_dma source(%dma_start3A_37 : memref<640x128xf32, #tpu.memory_space<vmem_shared>>) target(%dma_start3A_35 : memref<640x128xf32, #tpu.memory_space<hbm>>) target_semaphore(%run_scoped3A_30 : memref<!tpu.dma_semaphore, #tpu.memory_space<semaphore_mem>>)
          %dma_wait3A = arith.constant 0 : i32
          %dma_wait3A_38 = arith.constant 0 : i32
          %dma_wait3A_39 = tpu.memref_slice %arg8[%run_scoped3A, %dma_wait3A, %dma_wait3A_38] : memref<2x10000x128xf32, #tpu.memory_space<hbm>> -> memref<1x10000x128xf32, #tpu.memory_space<hbm>>
          %dma_wait3A_40 = tpu.memref_squeeze %dma_wait3A_39 : memref<1x10000x128xf32, #tpu.memory_space<hbm>> -> memref<10000x128xf32, #tpu.memory_space<hbm>>
          %dma_wait3A_41 = arith.constant 0 : i32
          %dma_wait3A_42 = tpu.memref_slice %dma_wait3A_40[%mul3A_29, %dma_wait3A_41] : memref<10000x128xf32, #tpu.memory_space<hbm>> -> memref<640x128xf32, #tpu.memory_space<hbm>>
          %dma_wait3A_43 = arith.constant 0 : i32
          %dma_wait3A_44 = tpu.memref_slice %arg9[%mul3A_29, %dma_wait3A_43] : memref<10240x128xf32, #tpu.memory_space<vmem_shared>> -> memref<640x128xf32, #tpu.memory_space<vmem_shared>>
          tpu.wait_dma2 semaphore(%run_scoped3A_30 : memref<!tpu.dma_semaphore, #tpu.memory_space<semaphore_mem>>) src(%dma_wait3A_44 : memref<640x128xf32, #tpu.memory_space<vmem_shared>>) dst(%dma_wait3A_42 : memref<640x128xf32, #tpu.memory_space<hbm>>)
          tpu.yield
        }) : () -> ()
      } else {
      }
      %eq3A_23 = arith.constant 15 : i32
      %eq3A_24 = arith.cmpi eq, %arg1, %eq3A_23 : i32
      %convert_element_type3A_25 = arith.extui %eq3A_24 : i1 to i32
      %cond3A_26 = arith.constant 0 : i32
      %cond3A_27 = arith.cmpi ne, %convert_element_type3A_25, %cond3A_26 : i32
      scf.if %cond3A_27 {
        %run_scoped3A = arith.constant 0 : i32
        "tpu.region"() ({
          %run_scoped3A_28 = tpu.sem_alloc : memref<!tpu.dma_semaphore, #tpu.memory_space<semaphore_mem>>
          %dma_start3A = arith.constant 0 : i32
          %dma_start3A_29 = arith.constant 0 : i32
          %dma_start3A_30 = tpu.memref_slice %arg8[%run_scoped3A, %dma_start3A, %dma_start3A_29] : memref<2x10000x128xf32, #tpu.memory_space<hbm>> -> memref<1x10000x128xf32, #tpu.memory_space<hbm>>
          %dma_start3A_31 = tpu.memref_squeeze %dma_start3A_30 : memref<1x10000x128xf32, #tpu.memory_space<hbm>> -> memref<10000x128xf32, #tpu.memory_space<hbm>>
          %dma_start3A_32 = arith.constant 9600 : i32
          %dma_start3A_33 = arith.constant 0 : i32
          %dma_start3A_34 = tpu.memref_slice %dma_start3A_31[%dma_start3A_32, %dma_start3A_33] : memref<10000x128xf32, #tpu.memory_space<hbm>> -> memref<400x128xf32, #tpu.memory_space<hbm>>
          %dma_start3A_35 = arith.constant 9600 : i32
          %dma_start3A_36 = arith.constant 0 : i32
          %dma_start3A_37 = tpu.memref_slice %arg9[%dma_start3A_35, %dma_start3A_36] : memref<10240x128xf32, #tpu.memory_space<vmem_shared>> -> memref<400x128xf32, #tpu.memory_space<vmem_shared>>
          tpu.enqueue_dma source(%dma_start3A_37 : memref<400x128xf32, #tpu.memory_space<vmem_shared>>) target(%dma_start3A_34 : memref<400x128xf32, #tpu.memory_space<hbm>>) target_semaphore(%run_scoped3A_28 : memref<!tpu.dma_semaphore, #tpu.memory_space<semaphore_mem>>)
          %dma_wait3A = arith.constant 0 : i32
          %dma_wait3A_38 = arith.constant 0 : i32
          %dma_wait3A_39 = tpu.memref_slice %arg8[%run_scoped3A, %dma_wait3A, %dma_wait3A_38] : memref<2x10000x128xf32, #tpu.memory_space<hbm>> -> memref<1x10000x128xf32, #tpu.memory_space<hbm>>
          %dma_wait3A_40 = tpu.memref_squeeze %dma_wait3A_39 : memref<1x10000x128xf32, #tpu.memory_space<hbm>> -> memref<10000x128xf32, #tpu.memory_space<hbm>>
          %dma_wait3A_41 = arith.constant 9600 : i32
          %dma_wait3A_42 = arith.constant 0 : i32
          %dma_wait3A_43 = tpu.memref_slice %dma_wait3A_40[%dma_wait3A_41, %dma_wait3A_42] : memref<10000x128xf32, #tpu.memory_space<hbm>> -> memref<400x128xf32, #tpu.memory_space<hbm>>
          %dma_wait3A_44 = arith.constant 9600 : i32
          %dma_wait3A_45 = arith.constant 0 : i32
          %dma_wait3A_46 = tpu.memref_slice %arg9[%dma_wait3A_44, %dma_wait3A_45] : memref<10240x128xf32, #tpu.memory_space<vmem_shared>> -> memref<400x128xf32, #tpu.memory_space<vmem_shared>>
          tpu.wait_dma2 semaphore(%run_scoped3A_28 : memref<!tpu.dma_semaphore, #tpu.memory_space<semaphore_mem>>) src(%dma_wait3A_46 : memref<400x128xf32, #tpu.memory_space<vmem_shared>>) dst(%dma_wait3A_43 : memref<400x128xf32, #tpu.memory_space<hbm>>)
          tpu.yield
        }) : () -> ()
      } else {
      }
    } else {
    }
    %eq3A_14 = arith.constant 1 : i32
    %eq3A_15 = arith.cmpi eq, %arg0, %eq3A_14 : i32
    %convert_element_type3A_16 = arith.extui %eq3A_15 : i1 to i32
    %cond3A_17 = arith.constant 0 : i32
    %cond3A_18 = arith.cmpi ne, %convert_element_type3A_16, %cond3A_17 : i32
    scf.if %cond3A_18 {
      %lt3A = arith.constant 15 : i32
      %lt3A_19 = arith.cmpi slt, %arg1, %lt3A : i32
      %convert_element_type3A_20 = arith.extui %lt3A_19 : i1 to i32
      %cond3A_21 = arith.constant 0 : i32
      %cond3A_22 = arith.cmpi ne, %convert_element_type3A_20, %cond3A_21 : i32
      scf.if %cond3A_22 {
        %mul3A_28 = arith.constant 640 : i32
        %mul3A_29 = arith.muli %arg1, %mul3A_28 : i32
        %run_scoped3A = arith.constant 1 : i32
        "tpu.region"() ({
          %run_scoped3A_30 = tpu.sem_alloc : memref<!tpu.dma_semaphore, #tpu.memory_space<semaphore_mem>>
          %dma_start3A = arith.constant 0 : i32
          %dma_start3A_31 = arith.constant 0 : i32
          %dma_start3A_32 = tpu.memref_slice %arg8[%run_scoped3A, %dma_start3A, %dma_start3A_31] : memref<2x10000x128xf32, #tpu.memory_space<hbm>> -> memref<1x10000x128xf32, #tpu.memory_space<hbm>>
          %dma_start3A_33 = tpu.memref_squeeze %dma_start3A_32 : memref<1x10000x128xf32, #tpu.memory_space<hbm>> -> memref<10000x128xf32, #tpu.memory_space<hbm>>
          %dma_start3A_34 = arith.constant 0 : i32
          %dma_start3A_35 = tpu.memref_slice %dma_start3A_33[%mul3A_29, %dma_start3A_34] : memref<10000x128xf32, #tpu.memory_space<hbm>> -> memref<640x128xf32, #tpu.memory_space<hbm>>
          %dma_start3A_36 = arith.constant 0 : i32
          %dma_start3A_37 = tpu.memref_slice %arg9[%mul3A_29, %dma_start3A_36] : memref<10240x128xf32, #tpu.memory_space<vmem_shared>> -> memref<640x128xf32, #tpu.memory_space<vmem_shared>>
          tpu.enqueue_dma source(%dma_start3A_37 : memref<640x128xf32, #tpu.memory_space<vmem_shared>>) target(%dma_start3A_35 : memref<640x128xf32, #tpu.memory_space<hbm>>) target_semaphore(%run_scoped3A_30 : memref<!tpu.dma_semaphore, #tpu.memory_space<semaphore_mem>>)
          %dma_wait3A = arith.constant 0 : i32
          %dma_wait3A_38 = arith.constant 0 : i32
          %dma_wait3A_39 = tpu.memref_slice %arg8[%run_scoped3A, %dma_wait3A, %dma_wait3A_38] : memref<2x10000x128xf32, #tpu.memory_space<hbm>> -> memref<1x10000x128xf32, #tpu.memory_space<hbm>>
          %dma_wait3A_40 = tpu.memref_squeeze %dma_wait3A_39 : memref<1x10000x128xf32, #tpu.memory_space<hbm>> -> memref<10000x128xf32, #tpu.memory_space<hbm>>
          %dma_wait3A_41 = arith.constant 0 : i32
          %dma_wait3A_42 = tpu.memref_slice %dma_wait3A_40[%mul3A_29, %dma_wait3A_41] : memref<10000x128xf32, #tpu.memory_space<hbm>> -> memref<640x128xf32, #tpu.memory_space<hbm>>
          %dma_wait3A_43 = arith.constant 0 : i32
          %dma_wait3A_44 = tpu.memref_slice %arg9[%mul3A_29, %dma_wait3A_43] : memref<10240x128xf32, #tpu.memory_space<vmem_shared>> -> memref<640x128xf32, #tpu.memory_space<vmem_shared>>
          tpu.wait_dma2 semaphore(%run_scoped3A_30 : memref<!tpu.dma_semaphore, #tpu.memory_space<semaphore_mem>>) src(%dma_wait3A_44 : memref<640x128xf32, #tpu.memory_space<vmem_shared>>) dst(%dma_wait3A_42 : memref<640x128xf32, #tpu.memory_space<hbm>>)
          tpu.yield
        }) : () -> ()
      } else {
      }
      %eq3A_23 = arith.constant 15 : i32
      %eq3A_24 = arith.cmpi eq, %arg1, %eq3A_23 : i32
      %convert_element_type3A_25 = arith.extui %eq3A_24 : i1 to i32
      %cond3A_26 = arith.constant 0 : i32
      %cond3A_27 = arith.cmpi ne, %convert_element_type3A_25, %cond3A_26 : i32
      scf.if %cond3A_27 {
        %run_scoped3A = arith.constant 1 : i32
        "tpu.region"() ({
          %run_scoped3A_28 = tpu.sem_alloc : memref<!tpu.dma_semaphore, #tpu.memory_space<semaphore_mem>>
          %dma_start3A = arith.constant 0 : i32
          %dma_start3A_29 = arith.constant 0 : i32
          %dma_start3A_30 = tpu.memref_slice %arg8[%run_scoped3A, %dma_start3A, %dma_start3A_29] : memref<2x10000x128xf32, #tpu.memory_space<hbm>> -> memref<1x10000x128xf32, #tpu.memory_space<hbm>>
          %dma_start3A_31 = tpu.memref_squeeze %dma_start3A_30 : memref<1x10000x128xf32, #tpu.memory_space<hbm>> -> memref<10000x128xf32, #tpu.memory_space<hbm>>
          %dma_start3A_32 = arith.constant 9600 : i32
          %dma_start3A_33 = arith.constant 0 : i32
          %dma_start3A_34 = tpu.memref_slice %dma_start3A_31[%dma_start3A_32, %dma_start3A_33] : memref<10000x128xf32, #tpu.memory_space<hbm>> -> memref<400x128xf32, #tpu.memory_space<hbm>>
          %dma_start3A_35 = arith.constant 9600 : i32
          %dma_start3A_36 = arith.constant 0 : i32
          %dma_start3A_37 = tpu.memref_slice %arg9[%dma_start3A_35, %dma_start3A_36] : memref<10240x128xf32, #tpu.memory_space<vmem_shared>> -> memref<400x128xf32, #tpu.memory_space<vmem_shared>>
          tpu.enqueue_dma source(%dma_start3A_37 : memref<400x128xf32, #tpu.memory_space<vmem_shared>>) target(%dma_start3A_34 : memref<400x128xf32, #tpu.memory_space<hbm>>) target_semaphore(%run_scoped3A_28 : memref<!tpu.dma_semaphore, #tpu.memory_space<semaphore_mem>>)
          %dma_wait3A = arith.constant 0 : i32
          %dma_wait3A_38 = arith.constant 0 : i32
          %dma_wait3A_39 = tpu.memref_slice %arg8[%run_scoped3A, %dma_wait3A, %dma_wait3A_38] : memref<2x10000x128xf32, #tpu.memory_space<hbm>> -> memref<1x10000x128xf32, #tpu.memory_space<hbm>>
          %dma_wait3A_40 = tpu.memref_squeeze %dma_wait3A_39 : memref<1x10000x128xf32, #tpu.memory_space<hbm>> -> memref<10000x128xf32, #tpu.memory_space<hbm>>
          %dma_wait3A_41 = arith.constant 9600 : i32
          %dma_wait3A_42 = arith.constant 0 : i32
          %dma_wait3A_43 = tpu.memref_slice %dma_wait3A_40[%dma_wait3A_41, %dma_wait3A_42] : memref<10000x128xf32, #tpu.memory_space<hbm>> -> memref<400x128xf32, #tpu.memory_space<hbm>>
          %dma_wait3A_44 = arith.constant 9600 : i32
          %dma_wait3A_45 = arith.constant 0 : i32
          %dma_wait3A_46 = tpu.memref_slice %arg9[%dma_wait3A_44, %dma_wait3A_45] : memref<10240x128xf32, #tpu.memory_space<vmem_shared>> -> memref<400x128xf32, #tpu.memory_space<vmem_shared>>
          tpu.wait_dma2 semaphore(%run_scoped3A_28 : memref<!tpu.dma_semaphore, #tpu.memory_space<semaphore_mem>>) src(%dma_wait3A_46 : memref<400x128xf32, #tpu.memory_space<vmem_shared>>) dst(%dma_wait3A_43 : memref<400x128xf32, #tpu.memory_space<hbm>>)
          tpu.yield
        }) : () -> ()
      } else {
      }
    } else {
    }
    return
  }
}

#map = affine_map<(d0, d1) -> (0)>
#map1 = affine_map<(d0, d1) -> (0, 0)>
module attributes {stable_mosaic.version = 14 : i64} {
  func.func @_root_kernel(%arg0: i32, %arg1: i32, %arg2: memref<64xi32, #tpu.memory_space<hbm>>, %arg3: memref<10000x128xf32, #tpu.memory_space<hbm>>, %arg4: memref<64x128xf32, #tpu.memory_space<hbm>>, %arg5: memref<64xi32, #tpu.memory_space<vmem>>, %arg6: memref<64x128xf32, #tpu.memory_space<vmem>>, %arg7: memref<!tpu.dma_semaphore, #tpu.memory_space<semaphore_mem>>) attributes {dimension_semantics = [#tpu.dimension_semantics<core_parallel>, #tpu.dimension_semantics<subcore_parallel>], iteration_bounds = array<i64: 2, 16>, scalar_prefetch = 0 : i64, scratch_operands = 3 : i64, tpu.core_type = #tpu.core_type<sc_vector_subcore>, window_params = [{transform_indices = #map}, {transform_indices = #map1}, {transform_indices = #map1}]} {
    %eq3A = arith.constant 0 : i32
    %eq3A_0 = arith.cmpi eq, %arg0, %eq3A : i32
    %eq3A_1 = arith.constant 0 : i32
    %eq3A_2 = arith.cmpi eq, %arg1, %eq3A_1 : i32
    %and3A = arith.andi %eq3A_0, %eq3A_2 : i1
    %convert_element_type3A = arith.extui %and3A : i1 to i32
    %cond3A = arith.constant 0 : i32
    %cond3A_3 = arith.cmpi ne, %convert_element_type3A, %cond3A : i32
    scf.if %cond3A_3 {
      "tpu.region"() ({
        %run_scoped3A = tpu.sem_alloc : memref<!tpu.dma_semaphore, #tpu.memory_space<semaphore_mem>>
        tpu.enqueue_dma source(%arg2 : memref<64xi32, #tpu.memory_space<hbm>>) target(%arg5 : memref<64xi32, #tpu.memory_space<vmem>>) target_semaphore(%run_scoped3A : memref<!tpu.dma_semaphore, #tpu.memory_space<semaphore_mem>>)
        tpu.wait_dma2 semaphore(%run_scoped3A : memref<!tpu.dma_semaphore, #tpu.memory_space<semaphore_mem>>) src(%arg2 : memref<64xi32, #tpu.memory_space<hbm>>) dst(%arg5 : memref<64xi32, #tpu.memory_space<vmem>>)
        tpu.yield
      }) : () -> ()
      %dma_start3A = arith.constant 0 : i32
      %dma_start3A_4 = arith.constant 0 : i32
      %dma_start3A_5 = tpu.memref_slice %arg3[%dma_start3A, %dma_start3A_4] : memref<10000x128xf32, #tpu.memory_space<hbm>> -> memref<10000x128xf32, #tpu.memory_space<hbm>>
      tpu.enqueue_indirect_dma source(%dma_start3A_5 : memref<10000x128xf32, #tpu.memory_space<hbm>>) target(%arg6 : memref<64x128xf32, #tpu.memory_space<vmem>>) offsets(%arg5 : memref<64xi32, #tpu.memory_space<vmem>>) semaphore(%arg7 : memref<!tpu.dma_semaphore, #tpu.memory_space<semaphore_mem>>)
      %dma_wait3A = arith.constant 0 : i32
      %dma_wait3A_6 = arith.constant 0 : i32
      %dma_wait3A_7 = tpu.memref_slice %arg3[%dma_wait3A, %dma_wait3A_6] : memref<10000x128xf32, #tpu.memory_space<hbm>> -> memref<10000x128xf32, #tpu.memory_space<hbm>>
      tpu.wait_indirect_dma semaphore(%arg7 : memref<!tpu.dma_semaphore, #tpu.memory_space<semaphore_mem>>) src(%dma_wait3A_7 : memref<10000x128xf32, #tpu.memory_space<hbm>>) dst(%arg6 : memref<64x128xf32, #tpu.memory_space<vmem>>)
      "tpu.region"() ({
        %run_scoped3A = tpu.sem_alloc : memref<!tpu.dma_semaphore, #tpu.memory_space<semaphore_mem>>
        tpu.enqueue_dma source(%arg6 : memref<64x128xf32, #tpu.memory_space<vmem>>) target(%arg4 : memref<64x128xf32, #tpu.memory_space<hbm>>) target_semaphore(%run_scoped3A : memref<!tpu.dma_semaphore, #tpu.memory_space<semaphore_mem>>)
        tpu.wait_dma2 semaphore(%run_scoped3A : memref<!tpu.dma_semaphore, #tpu.memory_space<semaphore_mem>>) src(%arg6 : memref<64x128xf32, #tpu.memory_space<vmem>>) dst(%arg4 : memref<64x128xf32, #tpu.memory_space<hbm>>)
        tpu.yield
      }) : () -> ()
    } else {
    }
    return
  }
}

module attributes {stable_mosaic.version = 14 : i64} {
  func.func @_prep_kernel(%arg0: memref<2x320000xi32, #tpu.memory_space<vmem>>, %arg1: memref<320000xi32, #tpu.memory_space<vmem>>, %arg2: memref<320000xi32, #tpu.memory_space<vmem>>) attributes {dimension_semantics = [], scalar_prefetch = 0 : i64, scratch_operands = 0 : i64, tpu.core_type = #tpu.core_type<tc>} {
    %get3A = arith.constant 0 : index
    %get3A_0 = arith.constant 0 : index
    %get3A_1 = vector.load %arg0[%get3A, %get3A_0] : memref<2x320000xi32, #tpu.memory_space<vmem>>, vector<1x320000xi32>
    %reshape3A = vector.shape_cast %get3A_1 : vector<1x320000xi32> to vector<320000xi32>
    %swap3A = arith.constant 0 : index
    %swap3A_2 = vector.load %arg1[%swap3A] : memref<320000xi32, #tpu.memory_space<vmem>>, vector<320000xi32>
    tpu.vector_store %arg1[%swap3A], %reshape3A {strides = array<i32>} : memref<320000xi32, #tpu.memory_space<vmem>>, vector<320000xi32>,
    %get3A_3 = arith.constant 1 : index
    %get3A_4 = arith.constant 0 : index
    %get3A_5 = vector.load %arg0[%get3A_3, %get3A_4] : memref<2x320000xi32, #tpu.memory_space<vmem>>, vector<1x320000xi32>
    %reshape3A_6 = vector.shape_cast %get3A_5 : vector<1x320000xi32> to vector<320000xi32>
    %swap3A_7 = arith.constant 0 : index
    %swap3A_8 = vector.load %arg2[%swap3A_7] : memref<320000xi32, #tpu.memory_space<vmem>>, vector<320000xi32>
    tpu.vector_store %arg2[%swap3A_7], %reshape3A_6 {strides = array<i32>} : memref<320000xi32, #tpu.memory_space<vmem>>, vector<320000xi32>,
    return
  }
}

module attributes {stable_mosaic.version = 14 : i64} {
  func.func @_hist_kernel(%arg0: i32, %arg1: memref<2x3200xi32, #tpu.memory_space<vmem>>, %arg2: memref<2x100x100xf32, #tpu.memory_space<vmem>>) attributes {dimension_semantics = [#tpu.dimension_semantics<arbitrary>], iteration_bounds = array<i64: 100>, scalar_prefetch = 0 : i64, scratch_operands = 0 : i64, tpu.core_type = #tpu.core_type<tc>, window_params = [{transform_indices = @transform_0, window_bounds = array<i64: 2, 3200>}, {pipeline_mode = #tpu.pipeline_mode<synchronous>, transform_indices = @transform_1, window_bounds = array<i64: 2, 100, 100>}]} {
    %eq3A = arith.constant 0 : i32
    %eq3A_0 = arith.cmpi eq, %arg0, %eq3A : i32
    %convert_element_type3A = arith.extui %eq3A_0 : i1 to i32
    %cond3A = arith.constant 0 : i32
    %cond3A_1 = arith.cmpi ne, %convert_element_type3A, %cond3A : i32
    scf.if %cond3A_1 {
      %broadcast_in_dim3A = arith.constant 0.000000e+00 : f32
      %broadcast_in_dim3A_113 = vector.broadcast %broadcast_in_dim3A : f32 to vector<2x100x100xf32>
      %swap3A_114 = arith.constant 0 : index
      %swap3A_115 = arith.constant 0 : index
      %swap3A_116 = arith.constant 0 : index
      %swap3A_117 = vector.load %arg2[%swap3A_114, %swap3A_115, %swap3A_116] : memref<2x100x100xf32, #tpu.memory_space<vmem>>, vector<2x100x100xf32>
      tpu.vector_store %arg2[%swap3A_114, %swap3A_115, %swap3A_116], %broadcast_in_dim3A_113 {strides = array<i32>} : memref<2x100x100xf32, #tpu.memory_space<vmem>>, vector<2x100x100xf32>,
    } else {
    }
    %iota3A = tpu.iota {dimensions = array<i32: 0>} : vector<100x3200xi32>
    %get3A = arith.constant 1 : index
    %get3A_2 = arith.constant 0 : index
    %get3A_3 = vector.load %arg1[%get3A, %get3A_2] : memref<2x3200xi32, #tpu.memory_space<vmem>>, vector<1x3200xi32>
    %jit3A = arith.constant 100 : i32
    %div3A = vector.broadcast %jit3A : i32 to vector<1x3200xi32>
    %div3A_4 = arith.divsi %get3A_3, %div3A : vector<1x3200xi32>
    %sign3A = arith.constant 0 : i32
    %sign3A_5 = vector.broadcast %sign3A : i32 to vector<1x3200xi32>
    %sign3A_6 = arith.cmpi sgt, %get3A_3, %sign3A_5 : vector<1x3200xi32>
    %sign3A_7 = arith.extui %sign3A_6 : vector<1x3200xi1> to vector<1x3200xi32>
    %sign3A_8 = arith.constant 0 : i32
    %sign3A_9 = vector.broadcast %sign3A_8 : i32 to vector<1x3200xi32>
    %sign3A_10 = arith.cmpi slt, %get3A_3, %sign3A_9 : vector<1x3200xi32>
    %sign3A_11 = arith.extui %sign3A_10 : vector<1x3200xi1> to vector<1x3200xi32>
    %sign3A_12 = arith.subi %sign3A_7, %sign3A_11 : vector<1x3200xi32>
    %sign3A_13 = arith.constant 0 : i32
    %sign3A_14 = arith.cmpi sgt, %jit3A, %sign3A_13 : i32
    %sign3A_15 = arith.extui %sign3A_14 : i1 to i32
    %sign3A_16 = arith.constant 0 : i32
    %sign3A_17 = arith.cmpi slt, %jit3A, %sign3A_16 : i32
    %sign3A_18 = arith.extui %sign3A_17 : i1 to i32
    %sign3A_19 = arith.subi %sign3A_15, %sign3A_18 : i32
    %ne3A = vector.broadcast %sign3A_19 : i32 to vector<1x3200xi32>
    %ne3A_20 = arith.cmpi ne, %sign3A_12, %ne3A : vector<1x3200xi32>
    %rem3A = vector.broadcast %jit3A : i32 to vector<1x3200xi32>
    %rem3A_21 = arith.remsi %get3A_3, %rem3A : vector<1x3200xi32>
    %ne3A_22 = arith.constant 0 : i32
    %ne3A_23 = vector.broadcast %ne3A_22 : i32 to vector<1x3200xi32>
    %ne3A_24 = arith.cmpi ne, %rem3A_21, %ne3A_23 : vector<1x3200xi32>
    %and3A = arith.andi %ne3A_20, %ne3A_24 : vector<1x3200xi1>
    %sub3A = arith.constant 1 : i32
    %sub3A_25 = vector.broadcast %sub3A : i32 to vector<1x3200xi32>
    %sub3A_26 = arith.subi %div3A_4, %sub3A_25 : vector<1x3200xi32>
    %select_n3A = arith.select %and3A, %sub3A_26, %div3A_4 : vector<1x3200xi1>, vector<1x3200xi32>
    %mul3A = arith.constant 100 : i32
    %mul3A_27 = vector.broadcast %mul3A : i32 to vector<1x3200xi32>
    %mul3A_28 = arith.muli %select_n3A, %mul3A_27 : vector<1x3200xi32>
    %sub3A_29 = arith.subi %get3A_3, %mul3A_28 : vector<1x3200xi32>
    %eq3A_30 = vector.broadcast %select_n3A : vector<1x3200xi32> to vector<100x3200xi32>
    %eq3A_31 = arith.cmpi eq, %eq3A_30, %iota3A : vector<100x3200xi32>
    %convert_element_type3A_32 = arith.extui %eq3A_31 : vector<100x3200xi1> to vector<100x3200xi32>
    %convert_element_type3A_33 = arith.sitofp %convert_element_type3A_32 : vector<100x3200xi32> to vector<100x3200xf32>
    %convert_element_type3A_34 = arith.truncf %convert_element_type3A_33 : vector<100x3200xf32> to vector<100x3200xbf16>
    %eq3A_35 = vector.broadcast %sub3A_29 : vector<1x3200xi32> to vector<100x3200xi32>
    %eq3A_36 = arith.cmpi eq, %eq3A_35, %iota3A : vector<100x3200xi32>
    %convert_element_type3A_37 = arith.extui %eq3A_36 : vector<100x3200xi1> to vector<100x3200xi32>
    %convert_element_type3A_38 = arith.sitofp %convert_element_type3A_37 : vector<100x3200xi32> to vector<100x3200xf32>
    %convert_element_type3A_39 = arith.truncf %convert_element_type3A_38 : vector<100x3200xf32> to vector<100x3200xbf16>
    %get3A_40 = arith.constant 0 : index
    %get3A_41 = arith.constant 0 : index
    %get3A_42 = arith.constant 0 : index
    %get3A_43 = vector.load %arg2[%get3A_40, %get3A_41, %get3A_42] : memref<2x100x100xf32, #tpu.memory_space<vmem>>, vector<1x100x100xf32>
    %get3A_44 = vector.shape_cast %get3A_43 : vector<1x100x100xf32> to vector<100x100xf32>
    %dot_general3A = arith.constant dense<0.000000e+00> : vector<100x100xf32>
    %dot_general3A_45 = tpu.matmul %convert_element_type3A_39, %convert_element_type3A_34, %dot_general3A {dimension_numbers = #tpu.dot_dimension_numbers<[1], [1], [0], [0], [0, 0, 1, 0], [], []>, transpose_lhs_hint = false} : vector<100x3200xbf16>, vector<100x3200xbf16>, vector<100x100xf32> -> vector<100x100xf32>
    %add3A = arith.addf %get3A_44, %dot_general3A_45 : vector<100x100xf32>
    %swap3A = arith.constant 0 : index
    %swap3A_46 = arith.constant 0 : index
    %swap3A_47 = arith.constant 0 : index
    %swap3A_48 = vector.load %arg2[%swap3A, %swap3A_46, %swap3A_47] : memref<2x100x100xf32, #tpu.memory_space<vmem>>, vector<1x100x100xf32>
    %swap3A_49 = vector.shape_cast %swap3A_48 : vector<1x100x100xf32> to vector<100x100xf32>
    %swap3A_50 = vector.shape_cast %add3A : vector<100x100xf32> to vector<1x100x100xf32>
    tpu.vector_store %arg2[%swap3A, %swap3A_46, %swap3A_47], %swap3A_50 {strides = array<i32>} : memref<2x100x100xf32, #tpu.memory_space<vmem>>, vector<1x100x100xf32>,
    %get3A_51 = arith.constant 0 : index
    %get3A_52 = arith.constant 0 : index
    %get3A_53 = vector.load %arg1[%get3A_51, %get3A_52] : memref<2x3200xi32, #tpu.memory_space<vmem>>, vector<1x3200xi32>
    %jit3A_54 = arith.constant 100 : i32
    %div3A_55 = vector.broadcast %jit3A_54 : i32 to vector<1x3200xi32>
    %div3A_56 = arith.divsi %get3A_53, %div3A_55 : vector<1x3200xi32>
    %sign3A_57 = arith.constant 0 : i32
    %sign3A_58 = vector.broadcast %sign3A_57 : i32 to vector<1x3200xi32>
    %sign3A_59 = arith.cmpi sgt, %get3A_53, %sign3A_58 : vector<1x3200xi32>
    %sign3A_60 = arith.extui %sign3A_59 : vector<1x3200xi1> to vector<1x3200xi32>
    %sign3A_61 = arith.constant 0 : i32
    %sign3A_62 = vector.broadcast %sign3A_61 : i32 to vector<1x3200xi32>
    %sign3A_63 = arith.cmpi slt, %get3A_53, %sign3A_62 : vector<1x3200xi32>
    %sign3A_64 = arith.extui %sign3A_63 : vector<1x3200xi1> to vector<1x3200xi32>
    %sign3A_65 = arith.subi %sign3A_60, %sign3A_64 : vector<1x3200xi32>
    %sign3A_66 = arith.constant 0 : i32
    %sign3A_67 = arith.cmpi sgt, %jit3A_54, %sign3A_66 : i32
    %sign3A_68 = arith.extui %sign3A_67 : i1 to i32
    %sign3A_69 = arith.constant 0 : i32
    %sign3A_70 = arith.cmpi slt, %jit3A_54, %sign3A_69 : i32
    %sign3A_71 = arith.extui %sign3A_70 : i1 to i32
    %sign3A_72 = arith.subi %sign3A_68, %sign3A_71 : i32
    %ne3A_73 = vector.broadcast %sign3A_72 : i32 to vector<1x3200xi32>
    %ne3A_74 = arith.cmpi ne, %sign3A_65, %ne3A_73 : vector<1x3200xi32>
    %rem3A_75 = vector.broadcast %jit3A_54 : i32 to vector<1x3200xi32>
    %rem3A_76 = arith.remsi %get3A_53, %rem3A_75 : vector<1x3200xi32>
    %ne3A_77 = arith.constant 0 : i32
    %ne3A_78 = vector.broadcast %ne3A_77 : i32 to vector<1x3200xi32>
    %ne3A_79 = arith.cmpi ne, %rem3A_76, %ne3A_78 : vector<1x3200xi32>
    %and3A_80 = arith.andi %ne3A_74, %ne3A_79 : vector<1x3200xi1>
    %sub3A_81 = arith.constant 1 : i32
    %sub3A_82 = vector.broadcast %sub3A_81 : i32 to vector<1x3200xi32>
    %sub3A_83 = arith.subi %div3A_56, %sub3A_82 : vector<1x3200xi32>
    %select_n3A_84 = arith.select %and3A_80, %sub3A_83, %div3A_56 : vector<1x3200xi1>, vector<1x3200xi32>
    %mul3A_85 = arith.constant 100 : i32
    %mul3A_86 = vector.broadcast %mul3A_85 : i32 to vector<1x3200xi32>
    %mul3A_87 = arith.muli %select_n3A_84, %mul3A_86 : vector<1x3200xi32>
    %sub3A_88 = arith.subi %get3A_53, %mul3A_87 : vector<1x3200xi32>
    %eq3A_89 = vector.broadcast %select_n3A_84 : vector<1x3200xi32> to vector<100x3200xi32>
    %eq3A_90 = arith.cmpi eq, %eq3A_89, %iota3A : vector<100x3200xi32>
    %convert_element_type3A_91 = arith.extui %eq3A_90 : vector<100x3200xi1> to vector<100x3200xi32>
    %convert_element_type3A_92 = arith.sitofp %convert_element_type3A_91 : vector<100x3200xi32> to vector<100x3200xf32>
    %convert_element_type3A_93 = arith.truncf %convert_element_type3A_92 : vector<100x3200xf32> to vector<100x3200xbf16>
    %eq3A_94 = vector.broadcast %sub3A_88 : vector<1x3200xi32> to vector<100x3200xi32>
    %eq3A_95 = arith.cmpi eq, %eq3A_94, %iota3A : vector<100x3200xi32>
    %convert_element_type3A_96 = arith.extui %eq3A_95 : vector<100x3200xi1> to vector<100x3200xi32>
    %convert_element_type3A_97 = arith.sitofp %convert_element_type3A_96 : vector<100x3200xi32> to vector<100x3200xf32>
    %convert_element_type3A_98 = arith.truncf %convert_element_type3A_97 : vector<100x3200xf32> to vector<100x3200xbf16>
    %get3A_99 = arith.constant 1 : index
    %get3A_100 = arith.constant 0 : index
    %get3A_101 = arith.constant 0 : index
    %get3A_102 = vector.load %arg2[%get3A_99, %get3A_100, %get3A_101] : memref<2x100x100xf32, #tpu.memory_space<vmem>>, vector<1x100x100xf32>
    %get3A_103 = vector.shape_cast %get3A_102 : vector<1x100x100xf32> to vector<100x100xf32>
    %dot_general3A_104 = arith.constant dense<0.000000e+00> : vector<100x100xf32>
    %dot_general3A_105 = tpu.matmul %convert_element_type3A_98, %convert_element_type3A_93, %dot_general3A_104 {dimension_numbers = #tpu.dot_dimension_numbers<[1], [1], [0], [0], [0, 0, 1, 0], [], []>, transpose_lhs_hint = false} : vector<100x3200xbf16>, vector<100x3200xbf16>, vector<100x100xf32> -> vector<100x100xf32>
    %add3A_106 = arith.addf %get3A_103, %dot_general3A_105 : vector<100x100xf32>
    %swap3A_107 = arith.constant 1 : index
    %swap3A_108 = arith.constant 0 : index
    %swap3A_109 = arith.constant 0 : index
    %swap3A_110 = vector.load %arg2[%swap3A_107, %swap3A_108, %swap3A_109] : memref<2x100x100xf32, #tpu.memory_space<vmem>>, vector<1x100x100xf32>
    %swap3A_111 = vector.shape_cast %swap3A_110 : vector<1x100x100xf32> to vector<100x100xf32>
    %swap3A_112 = vector.shape_cast %add3A_106 : vector<100x100xf32> to vector<1x100x100xf32>
    tpu.vector_store %arg2[%swap3A_107, %swap3A_108, %swap3A_109], %swap3A_112 {strides = array<i32>} : memref<2x100x100xf32, #tpu.memory_space<vmem>>, vector<1x100x100xf32>,
    return
  }
  func.func @transform_0(%arg0: i32) -> (i32, i32) {
    %c0_i32 = arith.constant 0 : i32
    %c0_i32_0 = arith.constant 0 : i32
    return %c0_i32, %arg0 : i32, i32
  }
  func.func @transform_1(%arg0: i32) -> (i32, i32, i32) {
    %c0_i32 = arith.constant 0 : i32
    %c0_i32_0 = arith.constant 0 : i32
    %c0_i32_1 = arith.constant 0 : i32
    %c0_i32_2 = arith.constant 0 : i32
    return %c0_i32, %c0_i32_0, %c0_i32_1 : i32, i32, i32
  }
}

module attributes {stable_mosaic.version = 14 : i64} {
  func.func @_hscale_kernel(%arg0: i32, %arg1: memref<400x128xf32, #tpu.memory_space<vmem>>, %arg2: memref<128x256xf32, #tpu.memory_space<vmem>>, %arg3: memref<2x100x100xf32, #tpu.memory_space<vmem>>, %arg4: memref<400x1xi32, #tpu.memory_space<vmem>>, %arg5: memref<2x400x128xf32, #tpu.memory_space<vmem>>, %arg6: memref<2x400x1xf32, #tpu.memory_space<vmem>>, %arg7: memref<1x64xi32, #tpu.memory_space<vmem>>, %arg8: memref<1x64xf32, #tpu.memory_space<vmem>>, %arg9: memref<1x64xf32, #tpu.memory_space<vmem>>) attributes {dimension_semantics = [#tpu.dimension_semantics<arbitrary>], iteration_bounds = array<i64: 25>, scalar_prefetch = 0 : i64, scratch_operands = 1 : i64, tpu.core_type = #tpu.core_type<tc>, window_params = [{transform_indices = @transform_0, window_bounds = array<i64: 400, 128>}, {pipeline_mode = #tpu.pipeline_mode<synchronous>, transform_indices = @transform_1, window_bounds = array<i64: 128, 256>}, {pipeline_mode = #tpu.pipeline_mode<synchronous>, transform_indices = @transform_2, window_bounds = array<i64: 2, 100, 100>}, {transform_indices = @transform_3, window_bounds = array<i64: 400, 1>}, {transform_indices = @transform_4, window_bounds = array<i64: 2, 400, 128>}, {transform_indices = @transform_5, window_bounds = array<i64: 2, 400, 1>}, {pipeline_mode = #tpu.pipeline_mode<synchronous>, transform_indices = @transform_6, window_bounds = array<i64: 1, 64>}, {pipeline_mode = #tpu.pipeline_mode<synchronous>, transform_indices = @transform_7, window_bounds = array<i64: 1, 64>}]} {
    %get3A = arith.constant 0 : index
    %get3A_0 = arith.constant 0 : index
    %get3A_1 = vector.load %arg1[%get3A, %get3A_0] : memref<400x128xf32, #tpu.memory_space<vmem>>, vector<400x128xf32>
    %get3A_2 = arith.constant 0 : index
    %get3A_3 = arith.constant 0 : index
    %get3A_4 = vector.load %arg2[%get3A_2, %get3A_3] : memref<128x256xf32, #tpu.memory_space<vmem>>, vector<128x256xf32>
    %dot_general3A = arith.constant dense<0.000000e+00> : vector<400x256xf32>
    %dot_general3A_5 = tpu.matmul %get3A_1, %get3A_4, %dot_general3A {dimension_numbers = #tpu.dot_dimension_numbers<[1], [0], [0], [1], [0, 0, 1, 1], [], []>, transpose_lhs_hint = false} : vector<400x128xf32>, vector<128x256xf32>, vector<400x256xf32> -> vector<400x256xf32>
    %get3A_6 = arith.constant 0 : index
    %get3A_7 = arith.constant 0 : index
    %get3A_8 = arith.constant 0 : index
    %get3A_9 = vector.load %arg3[%get3A_6, %get3A_7, %get3A_8] : memref<2x100x100xf32, #tpu.memory_space<vmem>>, vector<1x100x100xf32>
    %get3A_10 = vector.shape_cast %get3A_9 : vector<1x100x100xf32> to vector<100x100xf32>
    %iota3A = tpu.iota {dimensions = array<i32: 1>} : vector<100x100xi32>
    %mul3A = arith.constant 4 : i32
    %mul3A_11 = arith.muli %mul3A, %arg0 : i32
    %add3A = arith.constant 0 : i32
    %add3A_12 = arith.addi %mul3A_11, %add3A : i32
    %eq3A = vector.broadcast %add3A_12 : i32 to vector<100x100xi32>
    %eq3A_13 = arith.cmpi eq, %iota3A, %eq3A : vector<100x100xi32>
    %convert_element_type3A = arith.extui %eq3A_13 : vector<100x100xi1> to vector<100x100xi32>
    %convert_element_type3A_14 = arith.sitofp %convert_element_type3A : vector<100x100xi32> to vector<100x100xf32>
    %mul3A_15 = arith.mulf %get3A_10, %convert_element_type3A_14 : vector<100x100xf32>
    %reduce_sum3A = arith.constant dense<0.000000e+00> : vector<100xf32>
    %reduce_sum3A_16 = vector.multi_reduction <add>, %mul3A_15, %reduce_sum3A [1] : vector<100x100xf32> to vector<100xf32>
    %broadcast_in_dim3A = vector.shape_cast %reduce_sum3A_16 : vector<100xf32> to vector<100x1xf32>
    %mul3A_17 = arith.constant 4 : i32
    %mul3A_18 = arith.muli %mul3A_17, %arg0 : i32
    %add3A_19 = arith.constant 1 : i32
    %add3A_20 = arith.addi %mul3A_18, %add3A_19 : i32
    %eq3A_21 = vector.broadcast %add3A_20 : i32 to vector<100x100xi32>
    %eq3A_22 = arith.cmpi eq, %iota3A, %eq3A_21 : vector<100x100xi32>
    %convert_element_type3A_23 = arith.extui %eq3A_22 : vector<100x100xi1> to vector<100x100xi32>
    %convert_element_type3A_24 = arith.sitofp %convert_element_type3A_23 : vector<100x100xi32> to vector<100x100xf32>
    %mul3A_25 = arith.mulf %get3A_10, %convert_element_type3A_24 : vector<100x100xf32>
    %reduce_sum3A_26 = arith.constant dense<0.000000e+00> : vector<100xf32>
    %reduce_sum3A_27 = vector.multi_reduction <add>, %mul3A_25, %reduce_sum3A_26 [1] : vector<100x100xf32> to vector<100xf32>
    %broadcast_in_dim3A_28 = vector.shape_cast %reduce_sum3A_27 : vector<100xf32> to vector<100x1xf32>
    %mul3A_29 = arith.constant 4 : i32
    %mul3A_30 = arith.muli %mul3A_29, %arg0 : i32
    %add3A_31 = arith.constant 2 : i32
    %add3A_32 = arith.addi %mul3A_30, %add3A_31 : i32
    %eq3A_33 = vector.broadcast %add3A_32 : i32 to vector<100x100xi32>
    %eq3A_34 = arith.cmpi eq, %iota3A, %eq3A_33 : vector<100x100xi32>
    %convert_element_type3A_35 = arith.extui %eq3A_34 : vector<100x100xi1> to vector<100x100xi32>
    %convert_element_type3A_36 = arith.sitofp %convert_element_type3A_35 : vector<100x100xi32> to vector<100x100xf32>
    %mul3A_37 = arith.mulf %get3A_10, %convert_element_type3A_36 : vector<100x100xf32>
    %reduce_sum3A_38 = arith.constant dense<0.000000e+00> : vector<100xf32>
    %reduce_sum3A_39 = vector.multi_reduction <add>, %mul3A_37, %reduce_sum3A_38 [1] : vector<100x100xf32> to vector<100xf32>
    %broadcast_in_dim3A_40 = vector.shape_cast %reduce_sum3A_39 : vector<100xf32> to vector<100x1xf32>
    %mul3A_41 = arith.constant 4 : i32
    %mul3A_42 = arith.muli %mul3A_41, %arg0 : i32
    %add3A_43 = arith.constant 3 : i32
    %add3A_44 = arith.addi %mul3A_42, %add3A_43 : i32
    %eq3A_45 = vector.broadcast %add3A_44 : i32 to vector<100x100xi32>
    %eq3A_46 = arith.cmpi eq, %iota3A, %eq3A_45 : vector<100x100xi32>
    %convert_element_type3A_47 = arith.extui %eq3A_46 : vector<100x100xi1> to vector<100x100xi32>
    %convert_element_type3A_48 = arith.sitofp %convert_element_type3A_47 : vector<100x100xi32> to vector<100x100xf32>
    %mul3A_49 = arith.mulf %get3A_10, %convert_element_type3A_48 : vector<100x100xf32>
    %reduce_sum3A_50 = arith.constant dense<0.000000e+00> : vector<100xf32>
    %reduce_sum3A_51 = vector.multi_reduction <add>, %mul3A_49, %reduce_sum3A_50 [1] : vector<100x100xf32> to vector<100xf32>
    %broadcast_in_dim3A_52 = vector.shape_cast %reduce_sum3A_51 : vector<100xf32> to vector<100x1xf32>
    %concatenate3A = tpu.concatenate %broadcast_in_dim3A, %broadcast_in_dim3A_28, %broadcast_in_dim3A_40, %broadcast_in_dim3A_52 in 0 : vector<100x1xf32>, vector<100x1xf32>, vector<100x1xf32>, vector<100x1xf32> -> vector<400x1xf32>
    %add3A_53 = arith.constant 1.000000e+00 : f32
    %add3A_54 = vector.broadcast %add3A_53 : f32 to vector<400x1xf32>
    %add3A_55 = arith.addf %concatenate3A, %add3A_54 : vector<400x1xf32>
    %rsqrt3A = math.rsqrt %add3A_55 : vector<400x1xf32>
    %slice3A = vector.extract_strided_slice %dot_general3A_5 {offsets = [0, 0], sizes = [400, 128], strides = [1, 1]} : vector<400x256xf32> to vector<400x128xf32>
    %mul3A_56 = vector.broadcast %rsqrt3A : vector<400x1xf32> to vector<400x128xf32>
    %mul3A_57 = arith.mulf %slice3A, %mul3A_56 : vector<400x128xf32>
    %swap3A = arith.constant 0 : index
    %swap3A_58 = arith.constant 0 : index
    %swap3A_59 = arith.constant 0 : index
    %swap3A_60 = vector.load %arg5[%swap3A, %swap3A_58, %swap3A_59] : memref<2x400x128xf32, #tpu.memory_space<vmem>>, vector<1x400x128xf32>
    %swap3A_61 = vector.shape_cast %swap3A_60 : vector<1x400x128xf32> to vector<400x128xf32>
    %swap3A_62 = vector.shape_cast %mul3A_57 : vector<400x128xf32> to vector<1x400x128xf32>
    tpu.vector_store %arg5[%swap3A, %swap3A_58, %swap3A_59], %swap3A_62 {strides = array<i32>} : memref<2x400x128xf32, #tpu.memory_space<vmem>>, vector<1x400x128xf32>,
    %swap3A_63 = arith.constant 0 : index
    %swap3A_64 = arith.constant 0 : index
    %swap3A_65 = arith.constant 0 : index
    %swap3A_66 = vector.load %arg6[%swap3A_63, %swap3A_64, %swap3A_65] : memref<2x400x1xf32, #tpu.memory_space<vmem>>, vector<1x400x1xf32>
    %swap3A_67 = vector.shape_cast %swap3A_66 : vector<1x400x1xf32> to vector<400x1xf32>
    %swap3A_68 = vector.shape_cast %rsqrt3A : vector<400x1xf32> to vector<1x400x1xf32>
    tpu.vector_store %arg6[%swap3A_63, %swap3A_64, %swap3A_65], %swap3A_68 {strides = array<i32>} : memref<2x400x1xf32, #tpu.memory_space<vmem>>, vector<1x400x1xf32>,
    %get3A_69 = arith.constant 1 : index
    %get3A_70 = arith.constant 0 : index
    %get3A_71 = arith.constant 0 : index
    %get3A_72 = vector.load %arg3[%get3A_69, %get3A_70, %get3A_71] : memref<2x100x100xf32, #tpu.memory_space<vmem>>, vector<1x100x100xf32>
    %get3A_73 = vector.shape_cast %get3A_72 : vector<1x100x100xf32> to vector<100x100xf32>
    %iota3A_74 = tpu.iota {dimensions = array<i32: 1>} : vector<100x100xi32>
    %mul3A_75 = arith.constant 4 : i32
    %mul3A_76 = arith.muli %mul3A_75, %arg0 : i32
    %add3A_77 = arith.constant 0 : i32
    %add3A_78 = arith.addi %mul3A_76, %add3A_77 : i32
    %eq3A_79 = vector.broadcast %add3A_78 : i32 to vector<100x100xi32>
    %eq3A_80 = arith.cmpi eq, %iota3A_74, %eq3A_79 : vector<100x100xi32>
    %convert_element_type3A_81 = arith.extui %eq3A_80 : vector<100x100xi1> to vector<100x100xi32>
    %convert_element_type3A_82 = arith.sitofp %convert_element_type3A_81 : vector<100x100xi32> to vector<100x100xf32>
    %mul3A_83 = arith.mulf %get3A_73, %convert_element_type3A_82 : vector<100x100xf32>
    %reduce_sum3A_84 = arith.constant dense<0.000000e+00> : vector<100xf32>
    %reduce_sum3A_85 = vector.multi_reduction <add>, %mul3A_83, %reduce_sum3A_84 [1] : vector<100x100xf32> to vector<100xf32>
    %broadcast_in_dim3A_86 = vector.shape_cast %reduce_sum3A_85 : vector<100xf32> to vector<100x1xf32>
    %mul3A_87 = arith.constant 4 : i32
    %mul3A_88 = arith.muli %mul3A_87, %arg0 : i32
    %add3A_89 = arith.constant 1 : i32
    %add3A_90 = arith.addi %mul3A_88, %add3A_89 : i32
    %eq3A_91 = vector.broadcast %add3A_90 : i32 to vector<100x100xi32>
    %eq3A_92 = arith.cmpi eq, %iota3A_74, %eq3A_91 : vector<100x100xi32>
    %convert_element_type3A_93 = arith.extui %eq3A_92 : vector<100x100xi1> to vector<100x100xi32>
    %convert_element_type3A_94 = arith.sitofp %convert_element_type3A_93 : vector<100x100xi32> to vector<100x100xf32>
    %mul3A_95 = arith.mulf %get3A_73, %convert_element_type3A_94 : vector<100x100xf32>
    %reduce_sum3A_96 = arith.constant dense<0.000000e+00> : vector<100xf32>
    %reduce_sum3A_97 = vector.multi_reduction <add>, %mul3A_95, %reduce_sum3A_96 [1] : vector<100x100xf32> to vector<100xf32>
    %broadcast_in_dim3A_98 = vector.shape_cast %reduce_sum3A_97 : vector<100xf32> to vector<100x1xf32>
    %mul3A_99 = arith.constant 4 : i32
    %mul3A_100 = arith.muli %mul3A_99, %arg0 : i32
    %add3A_101 = arith.constant 2 : i32
    %add3A_102 = arith.addi %mul3A_100, %add3A_101 : i32
    %eq3A_103 = vector.broadcast %add3A_102 : i32 to vector<100x100xi32>
    %eq3A_104 = arith.cmpi eq, %iota3A_74, %eq3A_103 : vector<100x100xi32>
    %convert_element_type3A_105 = arith.extui %eq3A_104 : vector<100x100xi1> to vector<100x100xi32>
    %convert_element_type3A_106 = arith.sitofp %convert_element_type3A_105 : vector<100x100xi32> to vector<100x100xf32>
    %mul3A_107 = arith.mulf %get3A_73, %convert_element_type3A_106 : vector<100x100xf32>
    %reduce_sum3A_108 = arith.constant dense<0.000000e+00> : vector<100xf32>
    %reduce_sum3A_109 = vector.multi_reduction <add>, %mul3A_107, %reduce_sum3A_108 [1] : vector<100x100xf32> to vector<100xf32>
    %broadcast_in_dim3A_110 = vector.shape_cast %reduce_sum3A_109 : vector<100xf32> to vector<100x1xf32>
    %mul3A_111 = arith.constant 4 : i32
    %mul3A_112 = arith.muli %mul3A_111, %arg0 : i32
    %add3A_113 = arith.constant 3 : i32
    %add3A_114 = arith.addi %mul3A_112, %add3A_113 : i32
    %eq3A_115 = vector.broadcast %add3A_114 : i32 to vector<100x100xi32>
    %eq3A_116 = arith.cmpi eq, %iota3A_74, %eq3A_115 : vector<100x100xi32>
    %convert_element_type3A_117 = arith.extui %eq3A_116 : vector<100x100xi1> to vector<100x100xi32>
    %convert_element_type3A_118 = arith.sitofp %convert_element_type3A_117 : vector<100x100xi32> to vector<100x100xf32>
    %mul3A_119 = arith.mulf %get3A_73, %convert_element_type3A_118 : vector<100x100xf32>
    %reduce_sum3A_120 = arith.constant dense<0.000000e+00> : vector<100xf32>
    %reduce_sum3A_121 = vector.multi_reduction <add>, %mul3A_119, %reduce_sum3A_120 [1] : vector<100x100xf32> to vector<100xf32>
    %broadcast_in_dim3A_122 = vector.shape_cast %reduce_sum3A_121 : vector<100xf32> to vector<100x1xf32>
    %concatenate3A_123 = tpu.concatenate %broadcast_in_dim3A_86, %broadcast_in_dim3A_98, %broadcast_in_dim3A_110, %broadcast_in_dim3A_122 in 0 : vector<100x1xf32>, vector<100x1xf32>, vector<100x1xf32>, vector<100x1xf32> -> vector<400x1xf32>
    %add3A_124 = arith.constant 1.000000e+00 : f32
    %add3A_125 = vector.broadcast %add3A_124 : f32 to vector<400x1xf32>
    %add3A_126 = arith.addf %concatenate3A_123, %add3A_125 : vector<400x1xf32>
    %rsqrt3A_127 = math.rsqrt %add3A_126 : vector<400x1xf32>
    %slice3A_128 = vector.extract_strided_slice %dot_general3A_5 {offsets = [0, 128], sizes = [400, 128], strides = [1, 1]} : vector<400x256xf32> to vector<400x128xf32>
    %mul3A_129 = vector.broadcast %rsqrt3A_127 : vector<400x1xf32> to vector<400x128xf32>
    %mul3A_130 = arith.mulf %slice3A_128, %mul3A_129 : vector<400x128xf32>
    %swap3A_131 = arith.constant 1 : index
    %swap3A_132 = arith.constant 0 : index
    %swap3A_133 = arith.constant 0 : index
    %swap3A_134 = vector.load %arg5[%swap3A_131, %swap3A_132, %swap3A_133] : memref<2x400x128xf32, #tpu.memory_space<vmem>>, vector<1x400x128xf32>
    %swap3A_135 = vector.shape_cast %swap3A_134 : vector<1x400x128xf32> to vector<400x128xf32>
    %swap3A_136 = vector.shape_cast %mul3A_130 : vector<400x128xf32> to vector<1x400x128xf32>
    tpu.vector_store %arg5[%swap3A_131, %swap3A_132, %swap3A_133], %swap3A_136 {strides = array<i32>} : memref<2x400x128xf32, #tpu.memory_space<vmem>>, vector<1x400x128xf32>,
    %swap3A_137 = arith.constant 1 : index
    %swap3A_138 = arith.constant 0 : index
    %swap3A_139 = arith.constant 0 : index
    %swap3A_140 = vector.load %arg6[%swap3A_137, %swap3A_138, %swap3A_139] : memref<2x400x1xf32, #tpu.memory_space<vmem>>, vector<1x400x1xf32>
    %swap3A_141 = vector.shape_cast %swap3A_140 : vector<1x400x1xf32> to vector<400x1xf32>
    %swap3A_142 = vector.shape_cast %rsqrt3A_127 : vector<400x1xf32> to vector<1x400x1xf32>
    tpu.vector_store %arg6[%swap3A_137, %swap3A_138, %swap3A_139], %swap3A_142 {strides = array<i32>} : memref<2x400x1xf32, #tpu.memory_space<vmem>>, vector<1x400x1xf32>,
    %eq3A_143 = arith.constant 0 : i32
    %eq3A_144 = arith.cmpi eq, %arg0, %eq3A_143 : i32
    %convert_element_type3A_145 = arith.extui %eq3A_144 : i1 to i32
    %cond3A = arith.constant 0 : i32
    %cond3A_146 = arith.cmpi ne, %convert_element_type3A_145, %cond3A : i32
    scf.if %cond3A_146 {
      %broadcast_in_dim3A_170 = arith.constant 0.000000e+00 : f32
      %broadcast_in_dim3A_171 = vector.broadcast %broadcast_in_dim3A_170 : f32 to vector<1x64xf32>
      %swap3A_172 = arith.constant 0 : index
      %swap3A_173 = arith.constant 0 : index
      %swap3A_174 = vector.load %arg9[%swap3A_172, %swap3A_173] : memref<1x64xf32, #tpu.memory_space<vmem>>, vector<1x64xf32>
      tpu.vector_store %arg9[%swap3A_172, %swap3A_173], %broadcast_in_dim3A_171 {strides = array<i32>} : memref<1x64xf32, #tpu.memory_space<vmem>>, vector<1x64xf32>,
    } else {
    }
    %iota3A_147 = tpu.iota {dimensions = array<i32: 1>} : vector<400x64xi32>
    %get3A_148 = arith.constant 0 : index
    %get3A_149 = arith.constant 0 : index
    %get3A_150 = vector.load %arg4[%get3A_148, %get3A_149] : memref<400x1xi32, #tpu.memory_space<vmem>>, vector<400x1xi32>
    %eq3A_151 = vector.broadcast %get3A_150 : vector<400x1xi32> to vector<400x64xi32>
    %eq3A_152 = arith.cmpi eq, %eq3A_151, %iota3A_147 : vector<400x64xi32>
    %convert_element_type3A_153 = arith.extui %eq3A_152 : vector<400x64xi1> to vector<400x64xi32>
    %convert_element_type3A_154 = arith.sitofp %convert_element_type3A_153 : vector<400x64xi32> to vector<400x64xf32>
    %get3A_155 = arith.constant 0 : index
    %get3A_156 = arith.constant 0 : index
    %get3A_157 = vector.load %arg9[%get3A_155, %get3A_156] : memref<1x64xf32, #tpu.memory_space<vmem>>, vector<1x64xf32>
    %reduce_sum3A_158 = arith.constant dense<0.000000e+00> : vector<64xf32>
    %reduce_sum3A_159 = vector.multi_reduction <add>, %convert_element_type3A_154, %reduce_sum3A_158 [0] : vector<400x64xf32> to vector<64xf32>
    %broadcast_in_dim3A_160 = vector.shape_cast %reduce_sum3A_159 : vector<64xf32> to vector<1x64xf32>
    %add3A_161 = arith.addf %get3A_157, %broadcast_in_dim3A_160 : vector<1x64xf32>
    %swap3A_162 = arith.constant 0 : index
    %swap3A_163 = arith.constant 0 : index
    %swap3A_164 = vector.load %arg9[%swap3A_162, %swap3A_163] : memref<1x64xf32, #tpu.memory_space<vmem>>, vector<1x64xf32>
    tpu.vector_store %arg9[%swap3A_162, %swap3A_163], %add3A_161 {strides = array<i32>} : memref<1x64xf32, #tpu.memory_space<vmem>>, vector<1x64xf32>,
    %eq3A_165 = arith.constant 24 : i32
    %eq3A_166 = arith.cmpi eq, %arg0, %eq3A_165 : i32
    %convert_element_type3A_167 = arith.extui %eq3A_166 : i1 to i32
    %cond3A_168 = arith.constant 0 : i32
    %cond3A_169 = arith.cmpi ne, %convert_element_type3A_167, %cond3A_168 : i32
    scf.if %cond3A_169 {
      %get3A_170 = arith.constant 0 : index
      %get3A_171 = arith.constant 0 : index
      %get3A_172 = vector.load %arg9[%get3A_170, %get3A_171] : memref<1x64xf32, #tpu.memory_space<vmem>>, vector<1x64xf32>
      %iota3A_173 = tpu.iota {dimensions = array<i32: 0>} : vector<64x64xi32>
      %iota3A_174 = tpu.iota {dimensions = array<i32: 1>} : vector<64x64xi32>
      %lt3A = arith.cmpi slt, %iota3A_173, %iota3A_174 : vector<64x64xi32>
      %convert_element_type3A_175 = arith.extui %lt3A : vector<64x64xi1> to vector<64x64xi32>
      %convert_element_type3A_176 = arith.sitofp %convert_element_type3A_175 : vector<64x64xi32> to vector<64x64xf32>
      %dot_general3A_177 = arith.constant dense<0.000000e+00> : vector<1x64xf32>
      %dot_general3A_178 = tpu.matmul %get3A_172, %convert_element_type3A_176, %dot_general3A_177 {dimension_numbers = #tpu.dot_dimension_numbers<[1], [0], [0], [1], [0, 0, 1, 1], [], []>, transpose_lhs_hint = false} : vector<1x64xf32>, vector<64x64xf32>, vector<1x64xf32> -> vector<1x64xf32>
      %convert_element_type3A_179 = arith.fptosi %dot_general3A_178 : vector<1x64xf32> to vector<1x64xi32>
      %jit3A = arith.constant 0 : i32
      %jit3A_180 = arith.constant 9999 : i32
      %max3A = vector.broadcast %jit3A : i32 to vector<1x64xi32>
      %max3A_181 = arith.maxsi %max3A, %convert_element_type3A_179 : vector<1x64xi32>
      %min3A = vector.broadcast %jit3A_180 : i32 to vector<1x64xi32>
      %min3A_182 = arith.minsi %min3A, %max3A_181 : vector<1x64xi32>
      %swap3A_183 = arith.constant 0 : index
      %swap3A_184 = arith.constant 0 : index
      %swap3A_185 = vector.load %arg7[%swap3A_183, %swap3A_184] : memref<1x64xi32, #tpu.memory_space<vmem>>, vector<1x64xi32>
      tpu.vector_store %arg7[%swap3A_183, %swap3A_184], %min3A_182 {strides = array<i32>} : memref<1x64xi32, #tpu.memory_space<vmem>>, vector<1x64xi32>,
      %swap3A_186 = arith.constant 0 : index
      %swap3A_187 = arith.constant 0 : index
      %swap3A_188 = vector.load %arg8[%swap3A_186, %swap3A_187] : memref<1x64xf32, #tpu.memory_space<vmem>>, vector<1x64xf32>
      tpu.vector_store %arg8[%swap3A_186, %swap3A_187], %get3A_172 {strides = array<i32>} : memref<1x64xf32, #tpu.memory_space<vmem>>, vector<1x64xf32>,
    } else {
    }
    return
  }
  func.func @transform_0(%arg0: i32) -> (i32, i32) {
    %c0_i32 = arith.constant 0 : i32
    %c0_i32_0 = arith.constant 0 : i32
    return %arg0, %c0_i32 : i32, i32
  }
  func.func @transform_1(%arg0: i32) -> (i32, i32) {
    %c0_i32 = arith.constant 0 : i32
    %c0_i32_0 = arith.constant 0 : i32
    %c0_i32_1 = arith.constant 0 : i32
    return %c0_i32, %c0_i32_0 : i32, i32
  }
  func.func @transform_2(%arg0: i32) -> (i32, i32, i32) {
    %c0_i32 = arith.constant 0 : i32
    %c0_i32_0 = arith.constant 0 : i32
    %c0_i32_1 = arith.constant 0 : i32
    %c0_i32_2 = arith.constant 0 : i32
    return %c0_i32, %c0_i32_0, %c0_i32_1 : i32, i32, i32
  }
  func.func @transform_3(%arg0: i32) -> (i32, i32) {
    %c0_i32 = arith.constant 0 : i32
    %c0_i32_0 = arith.constant 0 : i32
    return %arg0, %c0_i32 : i32, i32
  }
  func.func @transform_4(%arg0: i32) -> (i32, i32, i32) {
    %c0_i32 = arith.constant 0 : i32
    %c0_i32_0 = arith.constant 0 : i32
    %c0_i32_1 = arith.constant 0 : i32
    return %c0_i32, %arg0, %c0_i32_0 : i32, i32, i32
  }
  func.func @transform_5(%arg0: i32) -> (i32, i32, i32) {
    %c0_i32 = arith.constant 0 : i32
    %c0_i32_0 = arith.constant 0 : i32
    %c0_i32_1 = arith.constant 0 : i32
    return %c0_i32, %arg0, %c0_i32_0 : i32, i32, i32
  }
  func.func @transform_6(%arg0: i32) -> (i32, i32) {
    %c0_i32 = arith.constant 0 : i32
    %c0_i32_0 = arith.constant 0 : i32
    %c0_i32_1 = arith.constant 0 : i32
    return %c0_i32, %c0_i32_0 : i32, i32
  }
  func.func @transform_7(%arg0: i32) -> (i32, i32) {
    %c0_i32 = arith.constant 0 : i32
    %c0_i32_0 = arith.constant 0 : i32
    %c0_i32_1 = arith.constant 0 : i32
    return %c0_i32, %c0_i32_0 : i32, i32
  }
}

module attributes {stable_mosaic.version = 14 : i64} {
  func.func @_final_kernel(%arg0: i32, %arg1: memref<2x400x128xf32, #tpu.memory_space<vmem>>, %arg2: memref<2x400x128xf32, #tpu.memory_space<vmem>>, %arg3: memref<2x400x1xf32, #tpu.memory_space<vmem>>, %arg4: memref<400x1xi32, #tpu.memory_space<vmem>>, %arg5: memref<1x64xf32, #tpu.memory_space<vmem>>, %arg6: memref<256x4xf32, #tpu.memory_space<vmem>>, %arg7: memref<1x4xf32, #tpu.memory_space<vmem>>, %arg8: memref<64x4xf32, #tpu.memory_space<vmem>>, %arg9: memref<64x256xf32, #tpu.memory_space<vmem>>) attributes {dimension_semantics = [#tpu.dimension_semantics<arbitrary>], iteration_bounds = array<i64: 25>, scalar_prefetch = 0 : i64, scratch_operands = 1 : i64, tpu.core_type = #tpu.core_type<tc>, window_params = [{transform_indices = @transform_0, window_bounds = array<i64: 2, 400, 128>}, {transform_indices = @transform_1, window_bounds = array<i64: 2, 400, 128>}, {transform_indices = @transform_2, window_bounds = array<i64: 2, 400, 1>}, {transform_indices = @transform_3, window_bounds = array<i64: 400, 1>}, {pipeline_mode = #tpu.pipeline_mode<synchronous>, transform_indices = @transform_4, window_bounds = array<i64: 1, 64>}, {pipeline_mode = #tpu.pipeline_mode<synchronous>, transform_indices = @transform_5, window_bounds = array<i64: 256, 4>}, {pipeline_mode = #tpu.pipeline_mode<synchronous>, transform_indices = @transform_6, window_bounds = array<i64: 1, 4>}, {pipeline_mode = #tpu.pipeline_mode<synchronous>, transform_indices = @transform_7, window_bounds = array<i64: 64, 4>}]} {
    %eq3A = arith.constant 0 : i32
    %eq3A_0 = arith.cmpi eq, %arg0, %eq3A : i32
    %convert_element_type3A = arith.extui %eq3A_0 : i1 to i32
    %cond3A = arith.constant 0 : i32
    %cond3A_1 = arith.cmpi ne, %convert_element_type3A, %cond3A : i32
    scf.if %cond3A_1 {
      %broadcast_in_dim3A = arith.constant 0.000000e+00 : f32
      %broadcast_in_dim3A_68 = vector.broadcast %broadcast_in_dim3A : f32 to vector<64x256xf32>
      %swap3A_69 = arith.constant 0 : index
      %swap3A_70 = arith.constant 0 : index
      %swap3A_71 = vector.load %arg9[%swap3A_69, %swap3A_70] : memref<64x256xf32, #tpu.memory_space<vmem>>, vector<64x256xf32>
      tpu.vector_store %arg9[%swap3A_69, %swap3A_70], %broadcast_in_dim3A_68 {strides = array<i32>} : memref<64x256xf32, #tpu.memory_space<vmem>>, vector<64x256xf32>,
    } else {
    }
    %get3A = arith.constant 0 : index
    %get3A_2 = arith.constant 0 : index
    %get3A_3 = vector.load %arg4[%get3A, %get3A_2] : memref<400x1xi32, #tpu.memory_space<vmem>>, vector<400x1xi32>
    %iota3A = tpu.iota {dimensions = array<i32: 1>} : vector<400x64xi32>
    %eq3A_4 = vector.broadcast %get3A_3 : vector<400x1xi32> to vector<400x64xi32>
    %eq3A_5 = arith.cmpi eq, %eq3A_4, %iota3A : vector<400x64xi32>
    %convert_element_type3A_6 = arith.extui %eq3A_5 : vector<400x64xi1> to vector<400x64xi32>
    %convert_element_type3A_7 = arith.sitofp %convert_element_type3A_6 : vector<400x64xi32> to vector<400x64xf32>
    %get3A_8 = arith.constant 0 : index
    %get3A_9 = arith.constant 0 : index
    %get3A_10 = arith.constant 0 : index
    %get3A_11 = vector.load %arg3[%get3A_8, %get3A_9, %get3A_10] : memref<2x400x1xf32, #tpu.memory_space<vmem>>, vector<1x400x1xf32>
    %get3A_12 = vector.shape_cast %get3A_11 : vector<1x400x1xf32> to vector<400x1xf32>
    %get3A_13 = arith.constant 0 : index
    %get3A_14 = arith.constant 0 : index
    %get3A_15 = arith.constant 0 : index
    %get3A_16 = vector.load %arg1[%get3A_13, %get3A_14, %get3A_15] : memref<2x400x128xf32, #tpu.memory_space<vmem>>, vector<1x400x128xf32>
    %get3A_17 = vector.shape_cast %get3A_16 : vector<1x400x128xf32> to vector<400x128xf32>
    %mul3A = vector.broadcast %get3A_12 : vector<400x1xf32> to vector<400x128xf32>
    %mul3A_18 = arith.mulf %mul3A, %get3A_17 : vector<400x128xf32>
    %get3A_19 = arith.constant 0 : index
    %get3A_20 = arith.constant 0 : index
    %get3A_21 = arith.constant 0 : index
    %get3A_22 = vector.load %arg2[%get3A_19, %get3A_20, %get3A_21] : memref<2x400x128xf32, #tpu.memory_space<vmem>>, vector<1x400x128xf32>
    %get3A_23 = vector.shape_cast %get3A_22 : vector<1x400x128xf32> to vector<400x128xf32>
    %add3A = arith.addf %mul3A_18, %get3A_23 : vector<400x128xf32>
    %max3A = arith.constant 0.000000e+00 : f32
    %max3A_24 = vector.broadcast %max3A : f32 to vector<400x128xf32>
    %max3A_25 = arith.maximumf %add3A, %max3A_24 : vector<400x128xf32>
    %dot_general3A = arith.constant dense<0.000000e+00> : vector<64x128xf32>
    %dot_general3A_26 = tpu.matmul %convert_element_type3A_7, %max3A_25, %dot_general3A {dimension_numbers = #tpu.dot_dimension_numbers<[0], [0], [1], [1], [0, 1, 1, 1], [], []>, transpose_lhs_hint = false} : vector<400x64xf32>, vector<400x128xf32>, vector<64x128xf32> -> vector<64x128xf32>
    %get3A_27 = arith.constant 0 : index
    %get3A_28 = arith.constant 0 : index
    %get3A_29 = vector.load %arg9[%get3A_27, %get3A_28] : memref<64x256xf32, #tpu.memory_space<vmem>>, vector<64x128xf32>
    %add3A_30 = arith.addf %get3A_29, %dot_general3A_26 : vector<64x128xf32>
    %swap3A = arith.constant 0 : index
    %swap3A_31 = arith.constant 0 : index
    %swap3A_32 = vector.load %arg9[%swap3A, %swap3A_31] : memref<64x256xf32, #tpu.memory_space<vmem>>, vector<64x128xf32>
    tpu.vector_store %arg9[%swap3A, %swap3A_31], %add3A_30 {strides = array<i32>} : memref<64x256xf32, #tpu.memory_space<vmem>>, vector<64x128xf32>,
    %get3A_33 = arith.constant 1 : index
    %get3A_34 = arith.constant 0 : index
    %get3A_35 = arith.constant 0 : index
    %get3A_36 = vector.load %arg3[%get3A_33, %get3A_34, %get3A_35] : memref<2x400x1xf32, #tpu.memory_space<vmem>>, vector<1x400x1xf32>
    %get3A_37 = vector.shape_cast %get3A_36 : vector<1x400x1xf32> to vector<400x1xf32>
    %get3A_38 = arith.constant 1 : index
    %get3A_39 = arith.constant 0 : index
    %get3A_40 = arith.constant 0 : index
    %get3A_41 = vector.load %arg1[%get3A_38, %get3A_39, %get3A_40] : memref<2x400x128xf32, #tpu.memory_space<vmem>>, vector<1x400x128xf32>
    %get3A_42 = vector.shape_cast %get3A_41 : vector<1x400x128xf32> to vector<400x128xf32>
    %mul3A_43 = vector.broadcast %get3A_37 : vector<400x1xf32> to vector<400x128xf32>
    %mul3A_44 = arith.mulf %mul3A_43, %get3A_42 : vector<400x128xf32>
    %get3A_45 = arith.constant 1 : index
    %get3A_46 = arith.constant 0 : index
    %get3A_47 = arith.constant 0 : index
    %get3A_48 = vector.load %arg2[%get3A_45, %get3A_46, %get3A_47] : memref<2x400x128xf32, #tpu.memory_space<vmem>>, vector<1x400x128xf32>
    %get3A_49 = vector.shape_cast %get3A_48 : vector<1x400x128xf32> to vector<400x128xf32>
    %add3A_50 = arith.addf %mul3A_44, %get3A_49 : vector<400x128xf32>
    %max3A_51 = arith.constant 0.000000e+00 : f32
    %max3A_52 = vector.broadcast %max3A_51 : f32 to vector<400x128xf32>
    %max3A_53 = arith.maximumf %add3A_50, %max3A_52 : vector<400x128xf32>
    %dot_general3A_54 = arith.constant dense<0.000000e+00> : vector<64x128xf32>
    %dot_general3A_55 = tpu.matmul %convert_element_type3A_7, %max3A_53, %dot_general3A_54 {dimension_numbers = #tpu.dot_dimension_numbers<[0], [0], [1], [1], [0, 1, 1, 1], [], []>, transpose_lhs_hint = false} : vector<400x64xf32>, vector<400x128xf32>, vector<64x128xf32> -> vector<64x128xf32>
    %get3A_56 = arith.constant 0 : index
    %get3A_57 = arith.constant 128 : index
    %get3A_58 = vector.load %arg9[%get3A_56, %get3A_57] : memref<64x256xf32, #tpu.memory_space<vmem>>, vector<64x128xf32>
    %add3A_59 = arith.addf %get3A_58, %dot_general3A_55 : vector<64x128xf32>
    %swap3A_60 = arith.constant 0 : index
    %swap3A_61 = arith.constant 128 : index
    %swap3A_62 = vector.load %arg9[%swap3A_60, %swap3A_61] : memref<64x256xf32, #tpu.memory_space<vmem>>, vector<64x128xf32>
    tpu.vector_store %arg9[%swap3A_60, %swap3A_61], %add3A_59 {strides = array<i32>} : memref<64x256xf32, #tpu.memory_space<vmem>>, vector<64x128xf32>,
    %eq3A_63 = arith.constant 24 : i32
    %eq3A_64 = arith.cmpi eq, %arg0, %eq3A_63 : i32
    %convert_element_type3A_65 = arith.extui %eq3A_64 : i1 to i32
    %cond3A_66 = arith.constant 0 : i32
    %cond3A_67 = arith.cmpi ne, %convert_element_type3A_65, %cond3A_66 : i32
    scf.if %cond3A_67 {
      %iota3A_68 = tpu.iota {dimensions = array<i32: 0>} : vector<64x64xi32>
      %iota3A_69 = tpu.iota {dimensions = array<i32: 1>} : vector<64x64xi32>
      %eq3A_70 = arith.cmpi eq, %iota3A_68, %iota3A_69 : vector<64x64xi32>
      %convert_element_type3A_71 = arith.extui %eq3A_70 : vector<64x64xi1> to vector<64x64xi32>
      %convert_element_type3A_72 = arith.sitofp %convert_element_type3A_71 : vector<64x64xi32> to vector<64x64xf32>
      %get3A_73 = arith.constant 0 : index
      %get3A_74 = arith.constant 0 : index
      %get3A_75 = vector.load %arg5[%get3A_73, %get3A_74] : memref<1x64xf32, #tpu.memory_space<vmem>>, vector<1x64xf32>
      %max3A_76 = arith.constant 1.000000e+00 : f32
      %max3A_77 = vector.broadcast %max3A_76 : f32 to vector<1x64xf32>
      %max3A_78 = arith.maximumf %get3A_75, %max3A_77 : vector<1x64xf32>
      %div3A = vector.broadcast %max3A_78 : vector<1x64xf32> to vector<64x64xf32>
      %div3A_79 = arith.divf %convert_element_type3A_72, %div3A : vector<64x64xf32>
      %get3A_80 = arith.constant 0 : index
      %get3A_81 = arith.constant 0 : index
      %get3A_82 = vector.load %arg9[%get3A_80, %get3A_81] : memref<64x256xf32, #tpu.memory_space<vmem>>, vector<64x256xf32>
      %dot_general3A_83 = arith.constant dense<0.000000e+00> : vector<64x256xf32>
      %dot_general3A_84 = tpu.matmul %div3A_79, %get3A_82, %dot_general3A_83 {dimension_numbers = #tpu.dot_dimension_numbers<[1], [0], [0], [1], [0, 0, 1, 1], [], []>, transpose_lhs_hint = false} : vector<64x64xf32>, vector<64x256xf32>, vector<64x256xf32> -> vector<64x256xf32>
      %get3A_85 = arith.constant 0 : index
      %get3A_86 = arith.constant 0 : index
      %get3A_87 = vector.load %arg6[%get3A_85, %get3A_86] : memref<256x4xf32, #tpu.memory_space<vmem>>, vector<256x4xf32>
      %dot_general3A_88 = arith.constant dense<0.000000e+00> : vector<64x4xf32>
      %dot_general3A_89 = tpu.matmul %dot_general3A_84, %get3A_87, %dot_general3A_88 {dimension_numbers = #tpu.dot_dimension_numbers<[1], [0], [0], [1], [0, 0, 1, 1], [], []>, transpose_lhs_hint = false} : vector<64x256xf32>, vector<256x4xf32>, vector<64x4xf32> -> vector<64x4xf32>
      %get3A_90 = arith.constant 0 : index
      %get3A_91 = arith.constant 0 : index
      %get3A_92 = vector.load %arg7[%get3A_90, %get3A_91] : memref<1x4xf32, #tpu.memory_space<vmem>>, vector<1x4xf32>
      %add3A_93 = vector.broadcast %get3A_92 : vector<1x4xf32> to vector<64x4xf32>
      %add3A_94 = arith.addf %dot_general3A_89, %add3A_93 : vector<64x4xf32>
      %reduce_max3A = arith.constant dense<0xFF800000> : vector<64xf32>
      %reduce_max3A_95 = vector.multi_reduction <maximumf>, %add3A_94, %reduce_max3A [1] : vector<64x4xf32> to vector<64xf32>
      %broadcast_in_dim3A = vector.shape_cast %reduce_max3A_95 : vector<64xf32> to vector<64x1xf32>
      %sub3A = vector.broadcast %broadcast_in_dim3A : vector<64x1xf32> to vector<64x4xf32>
      %sub3A_96 = arith.subf %add3A_94, %sub3A : vector<64x4xf32>
      %exp3A = math.exp %sub3A_96 : vector<64x4xf32>
      %reduce_sum3A = arith.constant dense<0.000000e+00> : vector<64xf32>
      %reduce_sum3A_97 = vector.multi_reduction <add>, %exp3A, %reduce_sum3A [1] : vector<64x4xf32> to vector<64xf32>
      %broadcast_in_dim3A_98 = vector.shape_cast %reduce_sum3A_97 : vector<64xf32> to vector<64x1xf32>
      %log3A = math.log %broadcast_in_dim3A_98 : vector<64x1xf32>
      %sub3A_99 = vector.broadcast %log3A : vector<64x1xf32> to vector<64x4xf32>
      %sub3A_100 = arith.subf %sub3A_96, %sub3A_99 : vector<64x4xf32>
      %swap3A_101 = arith.constant 0 : index
      %swap3A_102 = arith.constant 0 : index
      %swap3A_103 = vector.load %arg8[%swap3A_101, %swap3A_102] : memref<64x4xf32, #tpu.memory_space<vmem>>, vector<64x4xf32>
      tpu.vector_store %arg8[%swap3A_101, %swap3A_102], %sub3A_100 {strides = array<i32>} : memref<64x4xf32, #tpu.memory_space<vmem>>, vector<64x4xf32>,
    } else {
    }
    return
  }
  func.func @transform_0(%arg0: i32) -> (i32, i32, i32) {
    %c0_i32 = arith.constant 0 : i32
    %c0_i32_0 = arith.constant 0 : i32
    %c0_i32_1 = arith.constant 0 : i32
    return %c0_i32, %arg0, %c0_i32_0 : i32, i32, i32
  }
  func.func @transform_1(%arg0: i32) -> (i32, i32, i32) {
    %c0_i32 = arith.constant 0 : i32
    %c0_i32_0 = arith.constant 0 : i32
    %c0_i32_1 = arith.constant 0 : i32
    return %c0_i32, %arg0, %c0_i32_0 : i32, i32, i32
  }
  func.func @transform_2(%arg0: i32) -> (i32, i32, i32) {
    %c0_i32 = arith.constant 0 : i32
    %c0_i32_0 = arith.constant 0 : i32
    %c0_i32_1 = arith.constant 0 : i32
    return %c0_i32, %arg0, %c0_i32_0 : i32, i32, i32
  }
  func.func @transform_3(%arg0: i32) -> (i32, i32) {
    %c0_i32 = arith.constant 0 : i32
    %c0_i32_0 = arith.constant 0 : i32
    return %arg0, %c0_i32 : i32, i32
  }
  func.func @transform_4(%arg0: i32) -> (i32, i32) {
    %c0_i32 = arith.constant 0 : i32
    %c0_i32_0 = arith.constant 0 : i32
    %c0_i32_1 = arith.constant 0 : i32
    return %c0_i32, %c0_i32_0 : i32, i32
  }
  func.func @transform_5(%arg0: i32) -> (i32, i32) {
    %c0_i32 = arith.constant 0 : i32
    %c0_i32_0 = arith.constant 0 : i32
    %c0_i32_1 = arith.constant 0 : i32
    return %c0_i32, %c0_i32_0 : i32, i32
  }
  func.func @transform_6(%arg0: i32) -> (i32, i32) {
    %c0_i32 = arith.constant 0 : i32
    %c0_i32_0 = arith.constant 0 : i32
    %c0_i32_1 = arith.constant 0 : i32
    return %c0_i32, %c0_i32_0 : i32, i32
  }
  func.func @transform_7(%arg0: i32) -> (i32, i32) {
    %c0_i32 = arith.constant 0 : i32
    %c0_i32_0 = arith.constant 0 : i32
    %c0_i32_1 = arith.constant 0 : i32
    return %c0_i32, %c0_i32_0 : i32, i32
  }
}

module attributes {stable_mosaic.version = 14 : i64} {
  func.func @_layer2_kernel(%arg0: i32, %arg1: memref<2x400x128xf32, #tpu.memory_space<vmem>>, %arg2: memref<2x400x128xf32, #tpu.memory_space<vmem>>, %arg3: memref<2x400x1xf32, #tpu.memory_space<vmem>>, %arg4: memref<400x1xi32, #tpu.memory_space<vmem>>, %arg5: memref<64x128xf32, #tpu.memory_space<vmem>>, %arg6: memref<128x256xf32, #tpu.memory_space<vmem>>, %arg7: memref<2x128x128xf32, #tpu.memory_space<vmem>>, %arg8: memref<2x128xf32, #tpu.memory_space<vmem>>, %arg9: memref<2x128xf32, #tpu.memory_space<vmem>>, %arg10: memref<2x400x128xf32, #tpu.memory_space<vmem>>, %arg11: memref<2x400x128xf32, #tpu.memory_space<vmem>>) attributes {dimension_semantics = [#tpu.dimension_semantics<arbitrary>], iteration_bounds = array<i64: 25>, scalar_prefetch = 0 : i64, scratch_operands = 0 : i64, tpu.core_type = #tpu.core_type<tc>, window_params = [{transform_indices = @transform_0, window_bounds = array<i64: 2, 400, 128>}, {transform_indices = @transform_1, window_bounds = array<i64: 2, 400, 128>}, {transform_indices = @transform_2, window_bounds = array<i64: 2, 400, 1>}, {transform_indices = @transform_3, window_bounds = array<i64: 400, 1>}, {pipeline_mode = #tpu.pipeline_mode<synchronous>, transform_indices = @transform_4, window_bounds = array<i64: 64, 128>}, {pipeline_mode = #tpu.pipeline_mode<synchronous>, transform_indices = @transform_5, window_bounds = array<i64: 128, 256>}, {pipeline_mode = #tpu.pipeline_mode<synchronous>, transform_indices = @transform_6, window_bounds = array<i64: 2, 128, 128>}, {pipeline_mode = #tpu.pipeline_mode<synchronous>, transform_indices = @transform_7, window_bounds = array<i64: 2, 128>}, {pipeline_mode = #tpu.pipeline_mode<synchronous>, transform_indices = @transform_8, window_bounds = array<i64: 2, 128>}, {transform_indices = @transform_9, window_bounds = array<i64: 2, 400, 128>}, {transform_indices = @transform_10, window_bounds = array<i64: 2, 400, 128>}]} {
    %get3A = arith.constant 0 : index
    %get3A_0 = arith.constant 0 : index
    %get3A_1 = vector.load %arg5[%get3A, %get3A_0] : memref<64x128xf32, #tpu.memory_space<vmem>>, vector<64x128xf32>
    %max3A = arith.constant 0.000000e+00 : f32
    %max3A_2 = vector.broadcast %max3A : f32 to vector<64x128xf32>
    %max3A_3 = arith.maximumf %get3A_1, %max3A_2 : vector<64x128xf32>
    %get3A_4 = arith.constant 0 : index
    %get3A_5 = arith.constant 0 : index
    %get3A_6 = vector.load %arg6[%get3A_4, %get3A_5] : memref<128x256xf32, #tpu.memory_space<vmem>>, vector<128x256xf32>
    %dot_general3A = arith.constant dense<0.000000e+00> : vector<64x256xf32>
    %dot_general3A_7 = tpu.matmul %max3A_3, %get3A_6, %dot_general3A {dimension_numbers = #tpu.dot_dimension_numbers<[1], [0], [0], [1], [0, 0, 1, 1], [], []>, transpose_lhs_hint = false} : vector<64x128xf32>, vector<128x256xf32>, vector<64x256xf32> -> vector<64x256xf32>
    %get3A_8 = arith.constant 0 : index
    %get3A_9 = arith.constant 0 : index
    %get3A_10 = vector.load %arg4[%get3A_8, %get3A_9] : memref<400x1xi32, #tpu.memory_space<vmem>>, vector<400x1xi32>
    %iota3A = tpu.iota {dimensions = array<i32: 1>} : vector<400x64xi32>
    %eq3A = vector.broadcast %get3A_10 : vector<400x1xi32> to vector<400x64xi32>
    %eq3A_11 = arith.cmpi eq, %eq3A, %iota3A : vector<400x64xi32>
    %convert_element_type3A = arith.extui %eq3A_11 : vector<400x64xi1> to vector<400x64xi32>
    %convert_element_type3A_12 = arith.sitofp %convert_element_type3A : vector<400x64xi32> to vector<400x64xf32>
    %get3A_13 = arith.constant 0 : index
    %get3A_14 = arith.constant 0 : index
    %get3A_15 = arith.constant 0 : index
    %get3A_16 = vector.load %arg3[%get3A_13, %get3A_14, %get3A_15] : memref<2x400x1xf32, #tpu.memory_space<vmem>>, vector<1x400x1xf32>
    %get3A_17 = vector.shape_cast %get3A_16 : vector<1x400x1xf32> to vector<400x1xf32>
    %get3A_18 = arith.constant 0 : index
    %get3A_19 = arith.constant 0 : index
    %get3A_20 = arith.constant 0 : index
    %get3A_21 = vector.load %arg2[%get3A_18, %get3A_19, %get3A_20] : memref<2x400x128xf32, #tpu.memory_space<vmem>>, vector<1x400x128xf32>
    %get3A_22 = vector.shape_cast %get3A_21 : vector<1x400x128xf32> to vector<400x128xf32>
    %get3A_23 = arith.constant 0 : index
    %get3A_24 = arith.constant 0 : index
    %get3A_25 = arith.constant 0 : index
    %get3A_26 = vector.load %arg1[%get3A_23, %get3A_24, %get3A_25] : memref<2x400x128xf32, #tpu.memory_space<vmem>>, vector<1x400x128xf32>
    %get3A_27 = vector.shape_cast %get3A_26 : vector<1x400x128xf32> to vector<400x128xf32>
    %add3A = arith.addf %get3A_22, %get3A_27 : vector<400x128xf32>
    %mul3A = vector.broadcast %get3A_17 : vector<400x1xf32> to vector<400x128xf32>
    %mul3A_28 = arith.mulf %mul3A, %add3A : vector<400x128xf32>
    %get3A_29 = arith.constant 0 : index
    %get3A_30 = arith.constant 0 : index
    %get3A_31 = vector.load %arg8[%get3A_29, %get3A_30] : memref<2x128xf32, #tpu.memory_space<vmem>>, vector<1x128xf32>
    %get3A_32 = vector.shape_cast %get3A_31 : vector<1x128xf32> to vector<128xf32>
    %broadcast_in_dim3A = vector.shape_cast %get3A_32 : vector<128xf32> to vector<1x128xf32>
    %add3A_33 = vector.broadcast %broadcast_in_dim3A : vector<1x128xf32> to vector<400x128xf32>
    %add3A_34 = arith.addf %mul3A_28, %add3A_33 : vector<400x128xf32>
    %max3A_35 = arith.constant 0.000000e+00 : f32
    %max3A_36 = vector.broadcast %max3A_35 : f32 to vector<400x128xf32>
    %max3A_37 = arith.maximumf %add3A_34, %max3A_36 : vector<400x128xf32>
    %get3A_38 = arith.constant 0 : index
    %get3A_39 = arith.constant 0 : index
    %get3A_40 = arith.constant 0 : index
    %get3A_41 = vector.load %arg7[%get3A_38, %get3A_39, %get3A_40] : memref<2x128x128xf32, #tpu.memory_space<vmem>>, vector<1x128x128xf32>
    %get3A_42 = vector.shape_cast %get3A_41 : vector<1x128x128xf32> to vector<128x128xf32>
    %dot_general3A_43 = arith.constant dense<0.000000e+00> : vector<400x128xf32>
    %dot_general3A_44 = tpu.matmul %max3A_37, %get3A_42, %dot_general3A_43 {dimension_numbers = #tpu.dot_dimension_numbers<[1], [0], [0], [1], [0, 0, 1, 1], [], []>, transpose_lhs_hint = false} : vector<400x128xf32>, vector<128x128xf32>, vector<400x128xf32> -> vector<400x128xf32>
    %slice3A = vector.extract_strided_slice %dot_general3A_7 {offsets = [0, 0], sizes = [64, 128], strides = [1, 1]} : vector<64x256xf32> to vector<64x128xf32>
    %dot_general3A_45 = arith.constant dense<0.000000e+00> : vector<400x128xf32>
    %dot_general3A_46 = tpu.matmul %convert_element_type3A_12, %slice3A, %dot_general3A_45 {dimension_numbers = #tpu.dot_dimension_numbers<[1], [0], [0], [1], [0, 0, 1, 1], [], []>, transpose_lhs_hint = false} : vector<400x64xf32>, vector<64x128xf32>, vector<400x128xf32> -> vector<400x128xf32>
    %add3A_47 = arith.addf %dot_general3A_44, %dot_general3A_46 : vector<400x128xf32>
    %mul3A_48 = vector.broadcast %get3A_17 : vector<400x1xf32> to vector<400x128xf32>
    %mul3A_49 = arith.mulf %mul3A_48, %add3A_47 : vector<400x128xf32>
    %swap3A = arith.constant 0 : index
    %swap3A_50 = arith.constant 0 : index
    %swap3A_51 = arith.constant 0 : index
    %swap3A_52 = vector.load %arg10[%swap3A, %swap3A_50, %swap3A_51] : memref<2x400x128xf32, #tpu.memory_space<vmem>>, vector<1x400x128xf32>
    %swap3A_53 = vector.shape_cast %swap3A_52 : vector<1x400x128xf32> to vector<400x128xf32>
    %swap3A_54 = vector.shape_cast %mul3A_49 : vector<400x128xf32> to vector<1x400x128xf32>
    tpu.vector_store %arg10[%swap3A, %swap3A_50, %swap3A_51], %swap3A_54 {strides = array<i32>} : memref<2x400x128xf32, #tpu.memory_space<vmem>>, vector<1x400x128xf32>,
    %mul3A_55 = vector.broadcast %get3A_17 : vector<400x1xf32> to vector<400x128xf32>
    %mul3A_56 = arith.mulf %mul3A_55, %mul3A_49 : vector<400x128xf32>
    %get3A_57 = arith.constant 0 : index
    %get3A_58 = arith.constant 0 : index
    %get3A_59 = vector.load %arg9[%get3A_57, %get3A_58] : memref<2x128xf32, #tpu.memory_space<vmem>>, vector<1x128xf32>
    %get3A_60 = vector.shape_cast %get3A_59 : vector<1x128xf32> to vector<128xf32>
    %broadcast_in_dim3A_61 = vector.shape_cast %get3A_60 : vector<128xf32> to vector<1x128xf32>
    %add3A_62 = vector.broadcast %broadcast_in_dim3A_61 : vector<1x128xf32> to vector<400x128xf32>
    %add3A_63 = arith.addf %mul3A_56, %add3A_62 : vector<400x128xf32>
    %swap3A_64 = arith.constant 0 : index
    %swap3A_65 = arith.constant 0 : index
    %swap3A_66 = arith.constant 0 : index
    %swap3A_67 = vector.load %arg11[%swap3A_64, %swap3A_65, %swap3A_66] : memref<2x400x128xf32, #tpu.memory_space<vmem>>, vector<1x400x128xf32>
    %swap3A_68 = vector.shape_cast %swap3A_67 : vector<1x400x128xf32> to vector<400x128xf32>
    %swap3A_69 = vector.shape_cast %add3A_63 : vector<400x128xf32> to vector<1x400x128xf32>
    tpu.vector_store %arg11[%swap3A_64, %swap3A_65, %swap3A_66], %swap3A_69 {strides = array<i32>} : memref<2x400x128xf32, #tpu.memory_space<vmem>>, vector<1x400x128xf32>,
    %get3A_70 = arith.constant 1 : index
    %get3A_71 = arith.constant 0 : index
    %get3A_72 = arith.constant 0 : index
    %get3A_73 = vector.load %arg3[%get3A_70, %get3A_71, %get3A_72] : memref<2x400x1xf32, #tpu.memory_space<vmem>>, vector<1x400x1xf32>
    %get3A_74 = vector.shape_cast %get3A_73 : vector<1x400x1xf32> to vector<400x1xf32>
    %get3A_75 = arith.constant 1 : index
    %get3A_76 = arith.constant 0 : index
    %get3A_77 = arith.constant 0 : index
    %get3A_78 = vector.load %arg2[%get3A_75, %get3A_76, %get3A_77] : memref<2x400x128xf32, #tpu.memory_space<vmem>>, vector<1x400x128xf32>
    %get3A_79 = vector.shape_cast %get3A_78 : vector<1x400x128xf32> to vector<400x128xf32>
    %get3A_80 = arith.constant 1 : index
    %get3A_81 = arith.constant 0 : index
    %get3A_82 = arith.constant 0 : index
    %get3A_83 = vector.load %arg1[%get3A_80, %get3A_81, %get3A_82] : memref<2x400x128xf32, #tpu.memory_space<vmem>>, vector<1x400x128xf32>
    %get3A_84 = vector.shape_cast %get3A_83 : vector<1x400x128xf32> to vector<400x128xf32>
    %add3A_85 = arith.addf %get3A_79, %get3A_84 : vector<400x128xf32>
    %mul3A_86 = vector.broadcast %get3A_74 : vector<400x1xf32> to vector<400x128xf32>
    %mul3A_87 = arith.mulf %mul3A_86, %add3A_85 : vector<400x128xf32>
    %get3A_88 = arith.constant 1 : index
    %get3A_89 = arith.constant 0 : index
    %get3A_90 = vector.load %arg8[%get3A_88, %get3A_89] : memref<2x128xf32, #tpu.memory_space<vmem>>, vector<1x128xf32>
    %get3A_91 = vector.shape_cast %get3A_90 : vector<1x128xf32> to vector<128xf32>
    %broadcast_in_dim3A_92 = vector.shape_cast %get3A_91 : vector<128xf32> to vector<1x128xf32>
    %add3A_93 = vector.broadcast %broadcast_in_dim3A_92 : vector<1x128xf32> to vector<400x128xf32>
    %add3A_94 = arith.addf %mul3A_87, %add3A_93 : vector<400x128xf32>
    %max3A_95 = arith.constant 0.000000e+00 : f32
    %max3A_96 = vector.broadcast %max3A_95 : f32 to vector<400x128xf32>
    %max3A_97 = arith.maximumf %add3A_94, %max3A_96 : vector<400x128xf32>
    %get3A_98 = arith.constant 1 : index
    %get3A_99 = arith.constant 0 : index
    %get3A_100 = arith.constant 0 : index
    %get3A_101 = vector.load %arg7[%get3A_98, %get3A_99, %get3A_100] : memref<2x128x128xf32, #tpu.memory_space<vmem>>, vector<1x128x128xf32>
    %get3A_102 = vector.shape_cast %get3A_101 : vector<1x128x128xf32> to vector<128x128xf32>
    %dot_general3A_103 = arith.constant dense<0.000000e+00> : vector<400x128xf32>
    %dot_general3A_104 = tpu.matmul %max3A_97, %get3A_102, %dot_general3A_103 {dimension_numbers = #tpu.dot_dimension_numbers<[1], [0], [0], [1], [0, 0, 1, 1], [], []>, transpose_lhs_hint = false} : vector<400x128xf32>, vector<128x128xf32>, vector<400x128xf32> -> vector<400x128xf32>
    %slice3A_105 = vector.extract_strided_slice %dot_general3A_7 {offsets = [0, 128], sizes = [64, 128], strides = [1, 1]} : vector<64x256xf32> to vector<64x128xf32>
    %dot_general3A_106 = arith.constant dense<0.000000e+00> : vector<400x128xf32>
    %dot_general3A_107 = tpu.matmul %convert_element_type3A_12, %slice3A_105, %dot_general3A_106 {dimension_numbers = #tpu.dot_dimension_numbers<[1], [0], [0], [1], [0, 0, 1, 1], [], []>, transpose_lhs_hint = false} : vector<400x64xf32>, vector<64x128xf32>, vector<400x128xf32> -> vector<400x128xf32>
    %add3A_108 = arith.addf %dot_general3A_104, %dot_general3A_107 : vector<400x128xf32>
    %mul3A_109 = vector.broadcast %get3A_74 : vector<400x1xf32> to vector<400x128xf32>
    %mul3A_110 = arith.mulf %mul3A_109, %add3A_108 : vector<400x128xf32>
    %swap3A_111 = arith.constant 1 : index
    %swap3A_112 = arith.constant 0 : index
    %swap3A_113 = arith.constant 0 : index
    %swap3A_114 = vector.load %arg10[%swap3A_111, %swap3A_112, %swap3A_113] : memref<2x400x128xf32, #tpu.memory_space<vmem>>, vector<1x400x128xf32>
    %swap3A_115 = vector.shape_cast %swap3A_114 : vector<1x400x128xf32> to vector<400x128xf32>
    %swap3A_116 = vector.shape_cast %mul3A_110 : vector<400x128xf32> to vector<1x400x128xf32>
    tpu.vector_store %arg10[%swap3A_111, %swap3A_112, %swap3A_113], %swap3A_116 {strides = array<i32>} : memref<2x400x128xf32, #tpu.memory_space<vmem>>, vector<1x400x128xf32>,
    %mul3A_117 = vector.broadcast %get3A_74 : vector<400x1xf32> to vector<400x128xf32>
    %mul3A_118 = arith.mulf %mul3A_117, %mul3A_110 : vector<400x128xf32>
    %get3A_119 = arith.constant 1 : index
    %get3A_120 = arith.constant 0 : index
    %get3A_121 = vector.load %arg9[%get3A_119, %get3A_120] : memref<2x128xf32, #tpu.memory_space<vmem>>, vector<1x128xf32>
    %get3A_122 = vector.shape_cast %get3A_121 : vector<1x128xf32> to vector<128xf32>
    %broadcast_in_dim3A_123 = vector.shape_cast %get3A_122 : vector<128xf32> to vector<1x128xf32>
    %add3A_124 = vector.broadcast %broadcast_in_dim3A_123 : vector<1x128xf32> to vector<400x128xf32>
    %add3A_125 = arith.addf %mul3A_118, %add3A_124 : vector<400x128xf32>
    %swap3A_126 = arith.constant 1 : index
    %swap3A_127 = arith.constant 0 : index
    %swap3A_128 = arith.constant 0 : index
    %swap3A_129 = vector.load %arg11[%swap3A_126, %swap3A_127, %swap3A_128] : memref<2x400x128xf32, #tpu.memory_space<vmem>>, vector<1x400x128xf32>
    %swap3A_130 = vector.shape_cast %swap3A_129 : vector<1x400x128xf32> to vector<400x128xf32>
    %swap3A_131 = vector.shape_cast %add3A_125 : vector<400x128xf32> to vector<1x400x128xf32>
    tpu.vector_store %arg11[%swap3A_126, %swap3A_127, %swap3A_128], %swap3A_131 {strides = array<i32>} : memref<2x400x128xf32, #tpu.memory_space<vmem>>, vector<1x400x128xf32>,
    return
  }
  func.func @transform_0(%arg0: i32) -> (i32, i32, i32) {
    %c0_i32 = arith.constant 0 : i32
    %c0_i32_0 = arith.constant 0 : i32
    %c0_i32_1 = arith.constant 0 : i32
    return %c0_i32, %arg0, %c0_i32_0 : i32, i32, i32
  }
  func.func @transform_1(%arg0: i32) -> (i32, i32, i32) {
    %c0_i32 = arith.constant 0 : i32
    %c0_i32_0 = arith.constant 0 : i32
    %c0_i32_1 = arith.constant 0 : i32
    return %c0_i32, %arg0, %c0_i32_0 : i32, i32, i32
  }
  func.func @transform_2(%arg0: i32) -> (i32, i32, i32) {
    %c0_i32 = arith.constant 0 : i32
    %c0_i32_0 = arith.constant 0 : i32
    %c0_i32_1 = arith.constant 0 : i32
    return %c0_i32, %arg0, %c0_i32_0 : i32, i32, i32
  }
  func.func @transform_3(%arg0: i32) -> (i32, i32) {
    %c0_i32 = arith.constant 0 : i32
    %c0_i32_0 = arith.constant 0 : i32
    return %arg0, %c0_i32 : i32, i32
  }
  func.func @transform_4(%arg0: i32) -> (i32, i32) {
    %c0_i32 = arith.constant 0 : i32
    %c0_i32_0 = arith.constant 0 : i32
    %c0_i32_1 = arith.constant 0 : i32
    return %c0_i32, %c0_i32_0 : i32, i32
  }
  func.func @transform_5(%arg0: i32) -> (i32, i32) {
    %c0_i32 = arith.constant 0 : i32
    %c0_i32_0 = arith.constant 0 : i32
    %c0_i32_1 = arith.constant 0 : i32
    return %c0_i32, %c0_i32_0 : i32, i32
  }
  func.func @transform_6(%arg0: i32) -> (i32, i32, i32) {
    %c0_i32 = arith.constant 0 : i32
    %c0_i32_0 = arith.constant 0 : i32
    %c0_i32_1 = arith.constant 0 : i32
    %c0_i32_2 = arith.constant 0 : i32
    return %c0_i32, %c0_i32_0, %c0_i32_1 : i32, i32, i32
  }
  func.func @transform_7(%arg0: i32) -> (i32, i32) {
    %c0_i32 = arith.constant 0 : i32
    %c0_i32_0 = arith.constant 0 : i32
    %c0_i32_1 = arith.constant 0 : i32
    return %c0_i32, %c0_i32_0 : i32, i32
  }
  func.func @transform_8(%arg0: i32) -> (i32, i32) {
    %c0_i32 = arith.constant 0 : i32
    %c0_i32_0 = arith.constant 0 : i32
    %c0_i32_1 = arith.constant 0 : i32
    return %c0_i32, %c0_i32_0 : i32, i32
  }
  func.func @transform_9(%arg0: i32) -> (i32, i32, i32) {
    %c0_i32 = arith.constant 0 : i32
    %c0_i32_0 = arith.constant 0 : i32
    %c0_i32_1 = arith.constant 0 : i32
    return %c0_i32, %arg0, %c0_i32_0 : i32, i32, i32
  }
  func.func @transform_10(%arg0: i32) -> (i32, i32, i32) {
    %c0_i32 = arith.constant 0 : i32
    %c0_i32_0 = arith.constant 0 : i32
    %c0_i32_1 = arith.constant 0 : i32
    return %c0_i32, %arg0, %c0_i32_0 : i32, i32, i32
  }
}

</mosaic_0001>

<sc_bundles>
// kernel: kernel.10.cloned.1.call-start
scs
__scs_entry_jumppad:
0x0: {  	(pc) =	sbr.rel $0x88, $3  }
0x1: {  	(tag) =	ssettag $0x0;
	lr =	simm.s32 $0x1  }
0x2: {  	[smem:$0x3F94] =	sst lr;
	_ =	strace $0xD0000000  }
0x3: {  	_ = 	snop  }
0x4: {  	_ = 	snop  }
0x5: {  	_ = 	snop  }
0x6: {  	_ = 	snop  }
0x7: {  	_ = 	snop  }
__scs_overlays_trampoline_lowered:
0x8: {  	[smem:$0x3FA3] =	sst s0  }
0x9: {  	[smem:$0x3FA4] =	sst s1  }
0xa: {  	[smem:$0x3FA5] =	sst s2  }
0xb: {  	[smem:$0x3FA6] =	sst s3  }
0xc: {  	[smem:$0x3FA7] =	sst s4  }
0xd: {  	[smem:$0x3FA8] =	sst s5  }
0xe: {  	[smem:$0x3FA9] =	sst s6  }
0xf: {  	[smem:$0x3FAA] =	sst s7  }
0x10: {  	[smem:$0x3FAB] =	sst s8  }
0x11: {  	[smem:$0x3FAC] =	sst s9;
	s0 =	simm.s32 @!p0 $0x0  }
0x12: {  	s1 =	sld [smem:$0x3F92];
	s0 =	simm.s32 @p0 $0x1  }
0x13: {  	[smem:$0x3FAD] =	sst s0;
	s0 =	simm.s32 @!p1 $0x0  }
0x14: {  	s2 =	sld [smem:$0x3F91];
	s0 =	simm.s32 @p1 $0x1  }
0x15: {  	[smem:$0x3FAE] =	sst s0;
	s0 =	simm.s32 @!p2 $0x0  }
0x16: {  	s3 =	sld [smem:$0x3FDB];
	s0 =	simm.s32 @p2 $0x1  }
0x17: {  	s4 =	simm.s32 $0x1BF5;
	[smem:$0x3FB0] =	sst s0  }
0x18: {  	s0 =	sld [smem:$0x3F93];
	_ =	swait.ge [sflag:s4], $0x0  }
0x19: {  	s7 =	sld [smem:$0x3F94]  }
0x1a: {  	s8 =	sadd.s32 $0xFFFFE003, lr  }
0x1b: {  	s9 =	sadd.s32 $0xFFFFFEF7, lr;
	s5 =	simm.s32 $0xFFFFFFFF;
	p2 =	slt.u32 s8, $0xFFFFF086  }
0x1c: {  	p1 =	slt.u32 s9, $0xF7A;
	s5 =	simm.s32 @!p2 $0x0  }
0x1d: {  	s5 =	simm.s32 @p1 $0x1;
	p0 =	seq.s32 s7, s2  }
0x1e: {  	s7 =	smul.u32 @!p0 $0xF7A, s2;
	p2 =	seq.s32 @!p0 s5, $0x0  }
0x1f: {  	s9 =	smul.u32 $0xF7A, s1;
	s8 =	simm.s32 @!p0 $0x1BF5;
	p2 =	por !p2, p0  }
0x20: {  	[sflag:s8] =	ssyncset.s32 @!p0 $0xFFFFF086;
	s6 =	sadd.s32 @!p0 s3, s7;
	s7 =	simm.s32 @!p0 $0x108  }
0x21: {  	s3 =	sadd.s32 s3, s9;
	s6 =	sadd.s32 @!p0 $0x88, s6;
	s7 =	simm.s32 @p2 $0x1082  }
0x22: {  	[simem:s7], [sflag:s8] =	dma.local @!p0 [hbm:s6], $0xF7A  }
0x23: {  	s9 =	sor.u32 $0xD0000000, s2;
	s6 =	simm.s32 $0x108;
	_ =	swait.ge @!p0 [sflag:s8], $0x0  }
0x24: {  	s3 =	sadd.s32 $0x88, s3;
	s6 =	simm.s32 @!p1 $0x1082;
	[sflag:s4] =	ssyncset.s32 $0xFFFFF086  }
0x25: {  	[simem:s6], [sflag:s4] =	dma.local [hbm:s3], $0xF7A  }
0x26: {  	[smem:$0x3F94] =	sst s1;
	(tag) =	ssettag s2;
	_ =	strace s9  }
0x27: {  	s1 =	sld [smem:$0x3FA4]  }
0x28: {  	s2 =	sld [smem:$0x3FA5]  }
0x29: {  	s4 =	sld [smem:$0x3FA7]  }
0x2a: {  	p0 =	seq.s32 s5, $0x0;
	s5 =	sld [smem:$0x3FA8]  }
0x2b: {  	s6 =	sld [smem:$0x3FA9]  }
0x2c: {  	s7 =	sld [smem:$0x3FAA]  }
0x2d: {  	s3 =	simm.s32 $0x108;
	s8 =	sld [smem:$0x3FAB]  }
0x2e: {  	s3 =	simm.s32 @!p0 $0x1082;
	s9 =	sld [smem:$0x3FAC]  }
0x2f: {  	lr =	sadd.s32 s0, s3;
	s0 =	sld [smem:$0x3FA3]  }
0x30: {  	s3 =	sld [smem:$0x3FA6]  }
0x31: {  	[smem:$0x3FAF] =	sst s10  }
0x32: {  	s10 =	sld [smem:$0x3FAD];
	_ =	sdelay $0x3  }
0x33: {  	p0 =	seq.s32 s10, $0x1;
	s10 =	sld [smem:$0x3FAF];
	_ =	sdelay $0x3  }
0x34: {  	[smem:$0x3FAF] =	sst s10  }
0x35: {  	s10 =	sld [smem:$0x3FAE];
	_ =	sdelay $0x3  }
0x36: {  	p1 =	seq.s32 s10, $0x1;
	s10 =	sld [smem:$0x3FAF];
	_ =	sdelay $0x3  }
0x37: {  	[smem:$0x3FAF] =	sst s10  }
0x38: {  	s10 =	sld [smem:$0x3FB0]  }
0x39: {  	_ = 	snop;
	(pc) =	sbr.ind lr, $3  }
0x3a: {  	_ = 	snop  }
0x3b: {  	_ = 	snop  }
0x3c: {  	p2 =	seq.s32 s10, $0x1;
	s10 =	sld [smem:$0x3FAF]  }
0x3d: {  	_ =	shalt  }
0x3e: {  	_ =	shalt  }
0x3f: {  	_ =	shalt  }
0x40: {  	_ =	shalt  }
0x41: {  	_ =	shalt  }
0x42: {  	_ =	shalt  }
0x43: {  	_ =	shalt  }
0x44: {  	_ =	shalt  }
0x45: {  	_ =	shalt  }
0x46: {  	_ =	shalt  }
0x47: {  	_ =	shalt  }
0x48: {  	_ =	shalt  }
0x49: {  	_ =	shalt  }
0x4a: {  	_ =	shalt  }
0x4b: {  	_ =	shalt  }
0x4c: {  	_ =	shalt  }
0x4d: {  	_ =	shalt  }
0x4e: {  	_ =	shalt  }
0x4f: {  	_ =	shalt  }
0x50: {  	_ =	shalt  }
0x51: {  	_ =	shalt  }
0x52: {  	_ =	shalt  }
0x53: {  	_ =	shalt  }
0x54: {  	_ =	shalt  }
0x55: {  	_ =	shalt  }
0x56: {  	_ =	shalt  }
0x57: {  	_ =	shalt  }
0x58: {  	_ =	shalt  }
0x59: {  	_ =	shalt  }
0x5a: {  	_ =	shalt  }
0x5b: {  	_ =	shalt  }
0x5c: {  	_ =	shalt  }
0x5d: {  	_ =	shalt  }
0x5e: {  	_ =	shalt  }
0x5f: {  	_ =	shalt  }
0x60: {  	_ =	shalt  }
0x61: {  	_ =	shalt  }
0x62: {  	_ =	shalt  }
0x63: {  	_ =	shalt  }
0x64: {  	_ =	shalt  }
0x65: {  	_ =	shalt  }
0x66: {  	_ =	shalt  }
0x67: {  	_ =	shalt  }
0x68: {  	_ =	shalt  }
0x69: {  	_ =	shalt  }
0x6a: {  	_ =	shalt  }
0x6b: {  	_ =	shalt  }
0x6c: {  	_ =	shalt  }
0x6d: {  	_ =	shalt  }
0x6e: {  	_ =	shalt  }
0x6f: {  	_ =	shalt  }
0x70: {  	_ =	shalt  }
0x71: {  	_ =	shalt  }
0x72: {  	_ =	shalt  }
0x73: {  	_ =	shalt  }
0x74: {  	_ =	shalt  }
0x75: {  	_ =	shalt  }
0x76: {  	_ =	shalt  }
0x77: {  	_ =	shalt  }
0x78: {  	_ =	shalt  }
0x79: {  	_ =	shalt  }
0x7a: {  	_ =	shalt  }
0x7b: {  	_ =	shalt  }
0x7c: {  	_ =	shalt  }
0x7d: {  	_ =	shalt  }
0x7e: {  	_ =	shalt  }
0x7f: {  	_ =	shalt  }
0x80: {  	_ =	shalt  }
0x81: {  	_ =	shalt  }
0x82: {  	_ =	shalt  }
0x83: {  	_ =	shalt  }
0x84: {  	_ =	shalt  }
0x85: {  	_ =	shalt  }
0x86: {  	_ =	shalt  }
0x87: {  	_ =	shalt  }
.Lfunc_end0:
.L_simem_size_0:
called_computation_lowered:
.L_overlay_start_0:
0x88: {  	s2 =	sld [smem:$0x3FD9]  }
0x89: {  	s3 =	sld [smem:$0x3FFE];
	_ =	sdelay $0x1  }
0x8a: {  	s1 =	srdreg.scid  }
0x8b: {  	s0 =	sand.u32 $0x1, s1  }
0x8c: {  	s17 =	sshll.u32 s0, $0xA;
	s2 =	sadd.s32 s3, s2  }
0x8d: {  	s2 =	sadd.s32 s2, s17  }
0x8e: {  	[smem:$0x3FBB] =	sst s2  }
0x8f: {  	_ = 	snop  }
0x90: {  	s18 =	sld [smem:$0x3FC9]  }
0x91: {  	s4 =	sld [smem:$0x3FD0];
	(tm) =	ssettm $0x1  }
0x92: {  	s19 =	sld [smem:$0x3FFB];
	_ =	sdelay $0x3  }
0x93: {  	_ =	strace s19  }
0x94: {  	s2 =	sld [smem:$0x3FFC];
	_ =	sdelay $0x3  }
0x95: {  	_ =	strace s2  }
0x96: {  	s2 =	sld [smem:$0x3FFD];
	_ =	sdelay $0x3  }
0x97: {  	_ =	strace s2  }
0x98: {  	_ =	strace $0x8FFFFFFF  }
0x99: {  	s20 =	sld [smem:$0x3FDB];
	_ =	sdelay $0x1  }
0x9a: {  	s5 =	simm.s32 $_scs_section_size  }
0x9b: {  	s6 =	simm.s32 $_size__tile_overlayer_lowered;
	s7 =	simm.s32 $_tile_overlayer_lowered  }
0x9c: {  	s8 =	simm.s32 $0x1BFF;
	s21 =	sshll.u32 s7, $0x1;
	s5 =	sadd.s32 s5, s20  }
0x9d: {  	s22 =	simm.s32 $0x0;
	s6 =	sshll.u32 s6, $0x1;
	s7 =	sadd.s32 s21, s5  }
0x9e: {  	[timem:s22], [sflag:s8] =	dma.local [hbm:s7], s6  }
0x9f: {  	_ =	swait.ge [sflag:s8], s6  }
0xa0: {  	s6 =	ssub.s32 $0x0, s6;
	[sflag:s8] =	ssyncset.done $0x0  }
0xa1: {  	[sflag:s8] =	ssyncadd.s32 s6;
	_ =	sdelay $0x1  }
0xa2: {  	s23 =	simm.s32 $0x1B8B  }
0xa3: {  	_ =	swait.ge [sflag:s23], $0x1  }
0xa4: {  	[sflag:s23] =	ssyncset.done $0x0  }
0xa5: {  	[sflag:s23] =	ssyncadd.s32 $0xFFFFFFFF  }
0xa6: {  	s6 =	sld [smem:$0x0]  }
0xa7: {  	s7 =	sand.u32 $0xFFFFFFFE, s1  }
0xa8: {  	p0 =	sne.s32 s1, s7  }
0xa9: {  	s7 =	sshll.u32 @p0 s7, $0xE  }
0xaa: {  	s7 =	sadd.s32 @p0 $0x11B8D, s7;
	s8 =	sshll.u32 @p0 s6, $0x11  }
0xab: {  	s7 =	sor.u32 @p0 s8, s7  }
0xac: {  	[sflag:s7] =	ssyncadd.remote.s32 @p0 $0x1;
	_ =	sdelay $0x1  }
0xad: {  	s7 =	simm.s32 @p0 $0x1B8D  }
0xae: {  	_ =	swait.eq @p0 [sflag:s7], $0x1  }
0xaf: {  	[sflag:s7] =	ssyncadd.s32 @p0 $0xFFFFFFFF  }
0xb0: {  	s8 =	sshll.u32 @!p0 s1, $0xE  }
0xb1: {  	s8 =	sor.u32 @!p0 $0x4000, s8;
	s7 =	simm.s32 @!p0 $0x1B8D  }
0xb2: {  	s6 =	sshll.u32 @!p0 s6, $0x11;
	s8 =	sadd.s32 @!p0 $0x11B8D, s8;
	_ =	swait.eq @!p0 [sflag:s7], $0x1  }
0xb3: {  	s6 =	sor.u32 @!p0 s6, s8;
	[sflag:s7] =	ssyncadd.s32 @!p0 $0xFFFFFFFF  }
0xb4: {  	s25 =	simm.s32 $0x1B8E;
	s24 =	sld [smem:$0x3FFE];
	[sflag:s6] =	ssyncadd.remote.s32 @!p0 $0x1  }
0xb5: {  	s26 =	simm.s32 $execute0_lowered;
	[smem:$0x3FD2] =	sst s25  }
0xb6: {  	s7 =	sshll.u32 s26, $0x1;
	_ =	strace $0x80000049;
	[dreg:$0x1] =	wrdreg $0xFFFFFFFF  }
0xb7: {  	s28 =	simm.s32 $_size_execute0_lowered;
	s5 =	sadd.s32 s5, s7;
	[dreg:$0x0] =	wrdreg $0x0  }
0xb8: {  	s7 =	sshll.u32 s28, $0x1;
	[dreg:$0x2] =	wrdreg s5  }
0xb9: {  	[dreg:$0x3] =	wrdreg s7  }
0xba: {  	[dreg:$0x4] =	wrdreg $0xC0  }
0xbb: {  	_ =	task [dreg:s22], $0x5FFFF  }
0xbc: {  	[dreg:$0x1] =	wrdreg $0xFFFFFFFF  }
0xbd: {  	[dreg:$0x0] =	wrdreg $0x60  }
0xbe: {  	[dreg:$0x2] =	wrdreg s4  }
0xbf: {  	[dreg:$0x3] =	wrdreg s18  }
0xc0: {  	[dreg:$0x4] =	wrdreg s24  }
0xc1: {  	[dreg:$0x5] =	wrdreg $0x9  }
0xc2: {  	_ =	task.clear_ibuf [dreg:s22], $0x6FFFF;
	_ =	strace $0x90000049  }
0xc3: {  	s29 =	simm.s32 $0x9;
	_ =	strace $0x8000004B  }
0xc4: {  	_ =	swait.ge [sflag:s29], $0x1  }
0xc5: {  	[sflag:s29] =	ssyncadd.s32 $0xFFFFFFFF  }
0xc6: {  	_ =	strace $0x9000004B  }
0xc7: {  	_ =	sfence  }
0xc8: {  	s30 =	sld [smem:$0x0];
	_ =	sdelay $0x2  }
0xc9: {  	s31 =	sshll.u32 s1, $0xD;
	s1 =	sshrl.u32 s1, $0x2  }
0xca: {  	s4 =	sand.u32 $0x4000, s31;
	s1 =	sadd.s32 s1, s30  }
0xcb: {  	s0 =	sor.u32 s4, s0;
	s1 =	sshll.u32 s1, $0x11  }
0xcc: {  	s0 =	sor.u32 s1, s0  }
0xcd: {  	s0 =	sadd.s32 $0x8F2B, s0  }
0xce: {  	[sflag:s0] =	ssyncadd.remote.s32 $0x1  }
0xcf: {  	_ =	sfence.sel $0xFFFF  }
0xd0: {  	[dreg:$0x0] =	wrdreg $0xFFFFFFFF;
	(pc) =	sbr.abs _section_cstart, $3  }
0xd1: {  	[dreg:$0x1] =	wrdreg $0xFFFFFFFF  }
0xd2: {  	_ =	task.clear_ibuf [dreg:s22], $0x2FFFF;
	_ =	strace $0x9FFFFFFF  }
0xd3: {  	(tm) =	ssettm $0x7FFFFFFF  }
tec
execute0_lowered:
.L_overlay_start_1:
0x0: {  	(tag) =	ssettag $0x1  }
0x1: {  	s0 =	srdreg.scid  }
0x2: {  	s10 =	sand.u32 $0x1, s0;
	s0 =	stileid.u32  }
0x3: {  	s4 =	sor.u32 s0, s10  }
0x4: {  	p0 =	sne.s32 s4, $0x0  }
.Ltmp0:
0x5: {  	_ = 	snop;
	(pc) =	sbr.rel @p0 .LBB2_4-.Ltmp0, $4  }
0x6: {  	s2 =	rddreg [dreg:$0x0]  }
0x7: {  	s3 =	rddreg [dreg:$0x1]  }
0x8: {  	s9 =	rddreg [dreg:$0x2]  }
0x9: {  	s1 =	rddreg [dreg:$0x3];
	_ =	strace $0x8000004A  }
0xa: {  	s5 =	simm.s32 $0x0;
	s4 =	simm.s32 $0x2  }
0xb: {  	[tilespmem:s5], [sflag:$0x2] =	stream.linear.gather [hbm4b:s2+s5], $0x80, $0x38;
	[tilespmem:$0x2080] =	vst v63  }
0xc: {  	s6 =	simm.s32 $0x40;
	s10 =	ssub.s32 $0x2, s10;
	_ =	swait.ge [sflag:s4], $0x80  }
0xd: {  	s7 =	simm.s32 $0x80;
	s11 =	sshrl.u32 s10, $0x1;
	[sflag:s4] =	ssyncset.done $0x0  }
0xe: {  	s8 =	simm.s32 $0x1;
	s10 =	ssub.s32 s10, s11;
	[sflag:s4] =	ssyncadd.s32 $0xFFFFFF80  }
0xf: {  	[tilespmem:s7], [sflag:$0x1] =	stream.indirect.gather [hbm4b:s3+s6], $0x80, s5, s6, $0xb8;
	[tilespmem:$0x2080] =	vst v63  }
0x10: {  	p0 =	sne.s32 s10, $0x1;
	_ =	swait.ge [sflag:s8], $0x2000  }
.Ltmp1:
0x11: {  	[sflag:s8] =	ssyncset.done $0x0;
	(pc) =	sbr.rel @!p0 .LBB2_3-.Ltmp1, $4  }
0x12: {  	s9 =	sadd.s32 $0x104E00, s9;
	[sflag:s8] =	ssyncadd.s32 $0xFFFFE000  }
0x13: {  	[hbm4b:s9+s5] =	stream.linear.scatter [tilespmem:s7], [sflag:$0x2], $0x2000, $0x38;
	[tilespmem:$0x2080] =	vst v63  }
0x14: {  	_ =	swait.ge [sflag:s4], $0x2000  }
0x15: {  	s10 =	sadd.s32 $0xFFFFFFFF, s10;
	[sflag:s4] =	ssyncset.done $0x0  }
.LBB2_2:
0x16: {  	p0 =	sne.s32 s10, $0x1;
	s10 =	sadd.s32 $0xFFFFFFFF, s10;
	[sflag:s4] =	ssyncadd.s32 $0xFFFFE000  }
0x17: {  	[tilespmem:s5], [sflag:$0x2] =	stream.linear.gather [hbm4b:s2+s5], $0x80, $0x38;
	[tilespmem:$0x2080] =	vst v63  }
0x18: {  	_ =	swait.ge [sflag:s4], $0x80  }
0x19: {  	[sflag:s4] =	ssyncset.done $0x0  }
0x1a: {  	[sflag:s4] =	ssyncadd.s32 $0xFFFFFF80  }
0x1b: {  	[tilespmem:s7], [sflag:$0x1] =	stream.indirect.gather [hbm4b:s3+s6], $0x80, s5, s6, $0xb8;
	[tilespmem:$0x2080] =	vst v63  }
0x1c: {  	_ =	swait.ge [sflag:s8], $0x2000  }
.Ltmp2:
0x1d: {  	[sflag:s8] =	ssyncset.done $0x0;
	(pc) =	sbr.rel @p0 .LBB2_2-.Ltmp2, $4  }
0x1e: {  	[sflag:s8] =	ssyncadd.s32 $0xFFFFE000  }
0x1f: {  	[hbm4b:s9+s5] =	stream.linear.scatter [tilespmem:s7], [sflag:$0x2], $0x2000, $0x38;
	[tilespmem:$0x2080] =	vst v63  }
0x20: {  	_ =	swait.ge [sflag:s4], $0x2000  }
0x21: {  	[sflag:s4] =	ssyncset.done $0x0  }
.LBB2_3:
0x22: {  	[sflag:s4] =	ssyncadd.s32 $0xFFFFE000  }
.LBB2_4:
0x23: {  	_ =	sfence.sel $0x180000  }
0x24: {  	[bflag:$0x0] =	sbarrier.arrive $0xFFFF  }
0x25: {  	p0 =	sne.s32 s0, $0x0;
	_ =	strace $0x9000004A  }
0x26: {  	s0 =	sadd.s32 @!p0 $0x100000, s1;
	[bflag:$0x2] =	sbarrier.arrive $0xFFFF  }
0x27: {  	[sflag:s0] =	ssyncadd.tile.s32 @!p0 $0x1;
	_ =	shalt  }
.Lfunc_end2:
_tile_overlayer_lowered:
.L_overlay_start_2:
0x28: {  	(tag) =	ssettag $0x2  }
0x29: {  	s0 =	rddreg [dreg:$0x0];
	s2 =	stileid.u32  }
0x2a: {  	s1 =	rddreg [dreg:$0x1];
	p0 =	sne.s32 s2, $0x0  }
0x2b: {  	s3 =	rddreg [dreg:$0x2];
	[bflag:$0x3] =	sbarrier.arrive $0xFFFF;
	s2 =	simm.s32 @!p0 $0x1C02  }
0x2c: {  	[timem:s3], [sflag:s2] =	dma.local @!p0 [hbm:s0], s1  }
0x2d: {  	s0 =	simm.s32 @!p0 $0x2  }
0x2e: {  	_ =	swait.ge @!p0 [sflag:s0], s1  }
0x2f: {  	s1 =	ssub.s32 @!p0 $0x0, s1;
	[sflag:s0] =	ssyncset.done @!p0 $0x0  }
0x30: {  	[sflag:s0] =	ssyncadd.s32 @!p0 s1  }
0x31: {  	[bflag:$0x3] =	sbarrier.arrive $0xFFFF  }
0x32: {  	_ =	shalt  }

// kernel: kernel.13.cloned.1.call-start
scs
__scs_entry_jumppad:
0x0: {  	(pc) =	sbr.rel $0x88, $3  }
0x1: {  	(tag) =	ssettag $0x0;
	lr =	simm.s32 $0x1  }
0x2: {  	[smem:$0x3F94] =	sst lr;
	_ =	strace $0xD0000000  }
0x3: {  	_ = 	snop  }
0x4: {  	_ = 	snop  }
0x5: {  	_ = 	snop  }
0x6: {  	_ = 	snop  }
0x7: {  	_ = 	snop  }
__scs_overlays_trampoline_lowered:
0x8: {  	[smem:$0x3FA3] =	sst s0  }
0x9: {  	[smem:$0x3FA4] =	sst s1  }
0xa: {  	[smem:$0x3FA5] =	sst s2  }
0xb: {  	[smem:$0x3FA6] =	sst s3  }
0xc: {  	[smem:$0x3FA7] =	sst s4  }
0xd: {  	[smem:$0x3FA8] =	sst s5  }
0xe: {  	[smem:$0x3FA9] =	sst s6  }
0xf: {  	[smem:$0x3FAA] =	sst s7  }
0x10: {  	[smem:$0x3FAB] =	sst s8  }
0x11: {  	[smem:$0x3FAC] =	sst s9;
	s0 =	simm.s32 @!p0 $0x0  }
0x12: {  	s1 =	sld [smem:$0x3F92];
	s0 =	simm.s32 @p0 $0x1  }
0x13: {  	[smem:$0x3FAD] =	sst s0;
	s0 =	simm.s32 @!p1 $0x0  }
0x14: {  	s2 =	sld [smem:$0x3F91];
	s0 =	simm.s32 @p1 $0x1  }
0x15: {  	[smem:$0x3FAE] =	sst s0;
	s0 =	simm.s32 @!p2 $0x0  }
0x16: {  	s3 =	sld [smem:$0x3FDB];
	s0 =	simm.s32 @p2 $0x1  }
0x17: {  	s4 =	simm.s32 $0x1BF5;
	[smem:$0x3FB0] =	sst s0  }
0x18: {  	s0 =	sld [smem:$0x3F93];
	_ =	swait.ge [sflag:s4], $0x0  }
0x19: {  	s7 =	sld [smem:$0x3F94]  }
0x1a: {  	s8 =	sadd.s32 $0xFFFFE003, lr  }
0x1b: {  	s9 =	sadd.s32 $0xFFFFFEF7, lr;
	s5 =	simm.s32 $0xFFFFFFFF;
	p2 =	slt.u32 s8, $0xFFFFF086  }
0x1c: {  	p1 =	slt.u32 s9, $0xF7A;
	s5 =	simm.s32 @!p2 $0x0  }
0x1d: {  	s5 =	simm.s32 @p1 $0x1;
	p0 =	seq.s32 s7, s2  }
0x1e: {  	s7 =	smul.u32 @!p0 $0xF7A, s2;
	p2 =	seq.s32 @!p0 s5, $0x0  }
0x1f: {  	s9 =	smul.u32 $0xF7A, s1;
	s8 =	simm.s32 @!p0 $0x1BF5;
	p2 =	por !p2, p0  }
0x20: {  	[sflag:s8] =	ssyncset.s32 @!p0 $0xFFFFF086;
	s6 =	sadd.s32 @!p0 s3, s7;
	s7 =	simm.s32 @!p0 $0x108  }
0x21: {  	s3 =	sadd.s32 s3, s9;
	s6 =	sadd.s32 @!p0 $0x88, s6;
	s7 =	simm.s32 @p2 $0x1082  }
0x22: {  	[simem:s7], [sflag:s8] =	dma.local @!p0 [hbm:s6], $0xF7A  }
0x23: {  	s9 =	sor.u32 $0xD0000000, s2;
	s6 =	simm.s32 $0x108;
	_ =	swait.ge @!p0 [sflag:s8], $0x0  }
0x24: {  	s3 =	sadd.s32 $0x88, s3;
	s6 =	simm.s32 @!p1 $0x1082;
	[sflag:s4] =	ssyncset.s32 $0xFFFFF086  }
0x25: {  	[simem:s6], [sflag:s4] =	dma.local [hbm:s3], $0xF7A  }
0x26: {  	[smem:$0x3F94] =	sst s1;
	(tag) =	ssettag s2;
	_ =	strace s9  }
0x27: {  	s1 =	sld [smem:$0x3FA4]  }
0x28: {  	s2 =	sld [smem:$0x3FA5]  }
0x29: {  	s4 =	sld [smem:$0x3FA7]  }
0x2a: {  	p0 =	seq.s32 s5, $0x0;
	s5 =	sld [smem:$0x3FA8]  }
0x2b: {  	s6 =	sld [smem:$0x3FA9]  }
0x2c: {  	s7 =	sld [smem:$0x3FAA]  }
0x2d: {  	s3 =	simm.s32 $0x108;
	s8 =	sld [smem:$0x3FAB]  }
0x2e: {  	s3 =	simm.s32 @!p0 $0x1082;
	s9 =	sld [smem:$0x3FAC]  }
0x2f: {  	lr =	sadd.s32 s0, s3;
	s0 =	sld [smem:$0x3FA3]  }
0x30: {  	s3 =	sld [smem:$0x3FA6]  }
0x31: {  	[smem:$0x3FAF] =	sst s10  }
0x32: {  	s10 =	sld [smem:$0x3FAD];
	_ =	sdelay $0x3  }
0x33: {  	p0 =	seq.s32 s10, $0x1;
	s10 =	sld [smem:$0x3FAF];
	_ =	sdelay $0x3  }
0x34: {  	[smem:$0x3FAF] =	sst s10  }
0x35: {  	s10 =	sld [smem:$0x3FAE];
	_ =	sdelay $0x3  }
0x36: {  	p1 =	seq.s32 s10, $0x1;
	s10 =	sld [smem:$0x3FAF];
	_ =	sdelay $0x3  }
0x37: {  	[smem:$0x3FAF] =	sst s10  }
0x38: {  	s10 =	sld [smem:$0x3FB0]  }
0x39: {  	_ = 	snop;
	(pc) =	sbr.ind lr, $3  }
0x3a: {  	_ = 	snop  }
0x3b: {  	_ = 	snop  }
0x3c: {  	p2 =	seq.s32 s10, $0x1;
	s10 =	sld [smem:$0x3FAF]  }
0x3d: {  	_ =	shalt  }
0x3e: {  	_ =	shalt  }
0x3f: {  	_ =	shalt  }
0x40: {  	_ =	shalt  }
0x41: {  	_ =	shalt  }
0x42: {  	_ =	shalt  }
0x43: {  	_ =	shalt  }
0x44: {  	_ =	shalt  }
0x45: {  	_ =	shalt  }
0x46: {  	_ =	shalt  }
0x47: {  	_ =	shalt  }
0x48: {  	_ =	shalt  }
0x49: {  	_ =	shalt  }
0x4a: {  	_ =	shalt  }
0x4b: {  	_ =	shalt  }
0x4c: {  	_ =	shalt  }
0x4d: {  	_ =	shalt  }
0x4e: {  	_ =	shalt  }
0x4f: {  	_ =	shalt  }
0x50: {  	_ =	shalt  }
0x51: {  	_ =	shalt  }
0x52: {  	_ =	shalt  }
0x53: {  	_ =	shalt  }
0x54: {  	_ =	shalt  }
0x55: {  	_ =	shalt  }
0x56: {  	_ =	shalt  }
0x57: {  	_ =	shalt  }
0x58: {  	_ =	shalt  }
0x59: {  	_ =	shalt  }
0x5a: {  	_ =	shalt  }
0x5b: {  	_ =	shalt  }
0x5c: {  	_ =	shalt  }
0x5d: {  	_ =	shalt  }
0x5e: {  	_ =	shalt  }
0x5f: {  	_ =	shalt  }
0x60: {  	_ =	shalt  }
0x61: {  	_ =	shalt  }
0x62: {  	_ =	shalt  }
0x63: {  	_ =	shalt  }
0x64: {  	_ =	shalt  }
0x65: {  	_ =	shalt  }
0x66: {  	_ =	shalt  }
0x67: {  	_ =	shalt  }
0x68: {  	_ =	shalt  }
0x69: {  	_ =	shalt  }
0x6a: {  	_ =	shalt  }
0x6b: {  	_ =	shalt  }
0x6c: {  	_ =	shalt  }
0x6d: {  	_ =	shalt  }
0x6e: {  	_ =	shalt  }
0x6f: {  	_ =	shalt  }
0x70: {  	_ =	shalt  }
0x71: {  	_ =	shalt  }
0x72: {  	_ =	shalt  }
0x73: {  	_ =	shalt  }
0x74: {  	_ =	shalt  }
0x75: {  	_ =	shalt  }
0x76: {  	_ =	shalt  }
0x77: {  	_ =	shalt  }
0x78: {  	_ =	shalt  }
0x79: {  	_ =	shalt  }
0x7a: {  	_ =	shalt  }
0x7b: {  	_ =	shalt  }
0x7c: {  	_ =	shalt  }
0x7d: {  	_ =	shalt  }
0x7e: {  	_ =	shalt  }
0x7f: {  	_ =	shalt  }
0x80: {  	_ =	shalt  }
0x81: {  	_ =	shalt  }
0x82: {  	_ =	shalt  }
0x83: {  	_ =	shalt  }
0x84: {  	_ =	shalt  }
0x85: {  	_ =	shalt  }
0x86: {  	_ =	shalt  }
0x87: {  	_ =	shalt  }
.Lfunc_end0:
.L_simem_size_0:
called_computation.1_lowered:
.L_overlay_start_0:
0x88: {  	s2 =	sld [smem:$0x3FD9]  }
0x89: {  	s3 =	sld [smem:$0x3FFE];
	_ =	sdelay $0x1  }
0x8a: {  	s1 =	srdreg.scid  }
0x8b: {  	s0 =	sand.u32 $0x1, s1  }
0x8c: {  	s16 =	sshll.u32 s0, $0xA;
	s2 =	sadd.s32 s3, s2  }
0x8d: {  	s2 =	sadd.s32 s2, s16  }
0x8e: {  	[smem:$0x3FBB] =	sst s2  }
0x8f: {  	_ = 	snop  }
0x90: {  	(tm) =	ssettm $0x1  }
0x91: {  	s17 =	sld [smem:$0x3FFB];
	_ =	sdelay $0x3  }
0x92: {  	_ =	strace s17  }
0x93: {  	s2 =	sld [smem:$0x3FFC];
	_ =	sdelay $0x3  }
0x94: {  	_ =	strace s2  }
0x95: {  	s2 =	sld [smem:$0x3FFD];
	_ =	sdelay $0x3  }
0x96: {  	_ =	strace s2  }
0x97: {  	_ =	strace $0x8FFFFFFF  }
0x98: {  	s18 =	sld [smem:$0x3FDB];
	_ =	sdelay $0x1  }
0x99: {  	s19 =	simm.s32 $_scs_section_size  }
0x9a: {  	s4 =	simm.s32 $_size__tile_overlayer_lowered;
	s5 =	simm.s32 $_tile_overlayer_lowered  }
0x9b: {  	s22 =	simm.s32 $0x1BFF;
	s21 =	sshll.u32 s5, $0x1;
	s2 =	sadd.s32 s19, s18  }
0x9c: {  	s6 =	simm.s32 $0x0;
	s20 =	sshll.u32 s4, $0x1;
	s4 =	sadd.s32 s21, s2  }
0x9d: {  	[timem:s6], [sflag:s22] =	dma.local [hbm:s4], s20  }
0x9e: {  	_ =	swait.ge [sflag:s22], s20  }
0x9f: {  	s3 =	ssub.s32 $0x0, s20;
	[sflag:s22] =	ssyncset.done $0x0  }
0xa0: {  	[sflag:s22] =	ssyncadd.s32 s3;
	_ =	sdelay $0x1  }
0xa1: {  	s23 =	simm.s32 $0x1B8B  }
0xa2: {  	_ =	swait.ge [sflag:s23], $0x1  }
0xa3: {  	[sflag:s23] =	ssyncset.done $0x0  }
0xa4: {  	s25 =	simm.s32 $0x1B8E;
	s24 =	sld [smem:$0x3FFE];
	[sflag:s23] =	ssyncadd.s32 $0xFFFFFFFF  }
0xa5: {  	s26 =	simm.s32 $execute0_lowered;
	[smem:$0x3FD2] =	sst s25  }
0xa6: {  	s4 =	sshll.u32 s26, $0x1;
	_ =	strace $0x80000046;
	[dreg:$0x1] =	wrdreg $0xFFFFFFFF  }
0xa7: {  	s28 =	simm.s32 $_size_execute0_lowered;
	s2 =	sadd.s32 s2, s4;
	[dreg:$0x0] =	wrdreg $0x0  }
0xa8: {  	s4 =	sshll.u32 s28, $0x1;
	[dreg:$0x2] =	wrdreg s2  }
0xa9: {  	[dreg:$0x3] =	wrdreg s4  }
0xaa: {  	[dreg:$0x4] =	wrdreg $0xC0  }
0xab: {  	_ =	task [dreg:s6], $0x5FFFF  }
0xac: {  	[dreg:$0x1] =	wrdreg $0xFFFFFFFF  }
0xad: {  	[dreg:$0x0] =	wrdreg $0x60  }
0xae: {  	[dreg:$0x2] =	wrdreg s24  }
0xaf: {  	[dreg:$0x3] =	wrdreg $0x0  }
0xb0: {  	[dreg:$0x4] =	wrdreg $0xA  }
0xb1: {  	_ =	task.clear_ibuf [dreg:s6], $0x5FFFF;
	_ =	strace $0x90000046  }
0xb2: {  	s29 =	simm.s32 $0xA;
	_ =	strace $0x80000048  }
0xb3: {  	_ =	swait.ge [sflag:s29], $0x1  }
0xb4: {  	[sflag:s29] =	ssyncadd.s32 $0xFFFFFFFF  }
0xb5: {  	_ =	strace $0x90000048  }
0xb6: {  	_ =	sfence  }
0xb7: {  	s30 =	sld [smem:$0x0];
	_ =	sdelay $0x2  }
0xb8: {  	s31 =	sshll.u32 s1, $0xD;
	s1 =	sshrl.u32 s1, $0x2  }
0xb9: {  	s3 =	sand.u32 $0x4000, s31;
	s1 =	sadd.s32 s1, s30  }
0xba: {  	s0 =	sor.u32 s3, s0;
	s1 =	sshll.u32 s1, $0x11  }
0xbb: {  	s0 =	sor.u32 s1, s0  }
0xbc: {  	s0 =	sadd.s32 $0x8F2B, s0  }
0xbd: {  	[sflag:s0] =	ssyncadd.remote.s32 $0x1  }
0xbe: {  	_ =	sfence.sel $0xFFFF  }
0xbf: {  	[dreg:$0x0] =	wrdreg $0xFFFFFFFF;
	(pc) =	sbr.abs _section_cstart, $3  }
0xc0: {  	[dreg:$0x1] =	wrdreg $0xFFFFFFFF  }
0xc1: {  	_ =	task.clear_ibuf [dreg:s6], $0x2FFFF;
	_ =	strace $0x9FFFFFFF  }
0xc2: {  	(tm) =	ssettm $0x7FFFFFFF  }
0xc3: {  	_ =	shalt  }
tec
execute0_lowered:
.L_overlay_start_1:
0x0: {  	(tag) =	ssettag $0x1  }
0x1: {  	s0 =	rddreg [dreg:$0x0]  }
0x2: {  	s2 =	rddreg [dreg:$0x1];
	s4 =	simm.s32 $0x0;
	s17 =	stileid.u32  }
0x3: {  	s8 =	srdreg.scid;
	s30 =	simm.s32 $0x7;
	s31 =	simm.s32 $0x1C000  }
0x4: {  	s29 =	simm.s32 $0x1C380;
	[smem:$0x7FF] =	sst s4;
	s1 =	sadd.s32 $0x66200, s0  }
0x5: {  	s3 =	sadd.s32 $0x3C00, s0;
	s7 =	sadd.s32 $0xDA00, s0;
	s11 =	smul.u32 $0x2800, s17  }
0x6: {  	s5 =	sadd.s32 $0x17800, s0;
	s6 =	sadd.s32 $0x17C00, s0;
	s10 =	smul.u32 $0x50000, s17  }
0x7: {  	s8 =	sand.u32 $0x1, s8;
	s9 =	sadd.s32 $0xB4400, s0;
	s13 =	smul.u32 $0xA00, s17  }
0x8: {  	s14 =	smul.u32 $0x5000, s17;
	p0 =	seq.s32 s17, $0xF;
	s20 =	sshll.u32 s17, $0x6  }
0x9: {  	s23 =	sadd.s32 $0xDDD00, s0;
	_ =	strace $0x80000047;
	[dreg:$0x4] =	wrdreg s9  }
0xa: {  	s21 =	smul.u32 $0xA0, s17;
	s17 =	simm.s32 $0x2;
	[dreg:$0x10] =	wrdreg s23  }
0xb: {  	s25 =	ssub.s32 $0x2, s8;
	p1 =	sne.s32 s8, $0x0;
	[dreg:$0x19] =	wrdreg s1  }
0xc: {  	s8 =	simm.s32 $0x18000;
	s23 =	simm.s32 $0x6;
	[dreg:$0x3] =	wrdreg s11  }
0xd: {  	s12 =	sadd.s32 s11, s0;
	s26 =	sshrl.u32 s25, $0x1;
	s10 =	sshrl.u32 s10, $0x2  }
0xe: {  	s15 =	sor.u32 $0x10, s13;
	s11 =	sadd.s32 s3, s13;
	s28 =	sshrl.u32 s14, $0x3  }
0xf: {  	s9 =	ssub.s32 s25, s26;
	s10 =	sadd.s32 s10, s2;
	s16 =	sadd.s32 s7, s15  }
0x10: {  	s15 =	sadd.s32 s3, s15;
	s18 =	sadd.s32 $0x9F0, s28;
	[dreg:$0x5] =	wrdreg s10  }
0x11: {  	s22 =	sadd.s32 $0xB6C00, s12;
	s25 =	sadd.s32 $0xFFFB1F80, s14;
	[dreg:$0x6] =	wrdreg s16  }
0x12: {  	s26 =	sor.u32 $0x6, s21;
	s28 =	sadd.s32 $0x12C000, s2;
	[dreg:$0x7] =	wrdreg s15  }
0x13: {  	s21 =	simm.s32 $0x1C200;
	s12 =	simm.s32 $0x1C280;
	[dreg:$0xf] =	wrdreg s22  }
0x14: {  	s14 =	simm.s32 $0x5;
	s10 =	sadd.s32 s7, s13;
	[dreg:$0x13] =	wrdreg s25  }
0x15: {  	s13 =	sor.u32 $0x20, s13;
	s15 =	sadd.s32 s3, s18;
	[dreg:$0x14] =	wrdreg s26  }
0x16: {  	s22 =	sadd.s32 $0x8D300, s0;
	s24 =	smax.u32 s9, $0x1;
	[dreg:$0x15] =	wrdreg s28  }
0x17: {  	s25 =	simm.s32 $0x1C100;
	s26 =	simm.s32 $0x1C180;
	s19 =	sadd.s32 s7, s13  }
0x18: {  	s7 =	sadd.s32 s7, s18;
	s3 =	sadd.s32 s3, s13;
	[dreg:$0x12] =	wrdreg s24  }
0x19: {  	s16 =	smov.u32 s15;
	s24 =	simm.s32 $0x3;
	[dreg:$0x8] =	wrdreg s19  }
0x1a: {  	s18 =	simm.s32 $0x14000;
	[dreg:$0xb] =	wrdreg s3;
	s3 =	sadd.s32 $0x17BB0, s0  }
0x1b: {  	s13 =	smov.u32 s7;
	s19 =	sor.u32 $0x1C07, s20;
	s20 =	simm.s32 $0x1C080  }
0x1c: {  	s13 =	smov.u32 @p0 s3;
	s15 =	smov.u32 @p0 s3;
	[dreg:$0xe] =	wrdreg s19  }
.Ltmp0:
0x1d: {  	s3 =	sadd.s32 $0x17FB0, s0;
	[dreg:$0xc] =	wrdreg s13;
	(pc) =	sbr.rel .LBB2_1-.Ltmp0, $4  }
0x1e: {  	s0 =	sadd.s32 $0xDC400, s0;
	[dreg:$0xa] =	wrdreg s15;
	s16 =	smov.u32 @p0 s3  }
0x1f: {  	s7 =	smov.u32 @p0 s3;
	[dreg:$0x11] =	wrdreg s0;
	s15 =	simm.s32 $0x1C300  }
0x20: {  	s13 =	simm.s32 $0x1;
	s3 =	simm.s32 $0x0;
	[dreg:$0xd] =	wrdreg s16  }
0x21: {  	[dreg:$0x9] =	wrdreg s7;
	s7 =	simm.s32 $0x80;
	s16 =	simm.s32 $0x4  }
.LBB2_7:
0x22: {  	s9 =	simm.s32 $0x1C300  }
0x23: {  	[tilespmem:s9], [sflag:$0x5] =	stream.linear.gather [hbm4b:s29+s4], $0x80, $0x38;
	[tilespmem:$0x1C400] =	vst v63  }
0x24: {  	_ =	swait.ge [sflag:s17], $0x4000  }
0x25: {  	[sflag:s17] =	ssyncset.done $0x0  }
0x26: {  	s3 =	simm.s32 $0x1C380;
	[sflag:s17] =	ssyncadd.s32 $0xFFFFC000  }
0x27: {  	[spmem:s2] =	stream.indirect.scatter.add.f32 [tilespmem:s8], [sflag:$0x7], $0x80, s3, s7, $0xb8;
	[tilespmem:$0x1C400] =	vst v63  }
0x28: {  	_ =	swait.ge [sflag:s30], $0x4000  }
0x29: {  	[sflag:s30] =	ssyncset.done $0x0  }
0x2a: {  	[sflag:s30] =	ssyncadd.s32 $0xFFFFC000  }
0x2b: {  	_ =	swait.ge [sflag:s16], $0x80  }
0x2c: {  	[sflag:s16] =	ssyncset.done $0x0  }
0x2d: {  	[sflag:s16] =	ssyncadd.s32 $0xFFFFFF80  }
0x2e: {  	_ =	swait.ge [sflag:s16], $0x80  }
0x2f: {  	[sflag:s16] =	ssyncset.done $0x0  }
0x30: {  	s0 =	simm.s32 $0x1C080;
	[sflag:s16] =	ssyncadd.s32 $0xFFFFFF80  }
0x31: {  	[tilespmem:s8], [sflag:$0x2] =	stream.indirect.gather [hbm4b:s22+s7], $0x80, s0, s7, $0xb8;
	[tilespmem:$0x1C400] =	vst v63  }
0x32: {  	s12 =	simm.s32 $0x1C180;
	s25 =	rddreg [dreg:$0xc]  }
0x33: {  	[tilespmem:s12], [sflag:$0x6] =	stream.linear.gather [hbm4b:s25+s4], $0x80, $0x38;
	[tilespmem:$0x1C400] =	vst v63  }
0x34: {  	s26 =	rddreg [dreg:$0xd]  }
0x35: {  	[tilespmem:s3], [sflag:$0x6] =	stream.linear.gather [hbm4b:s26+s4], $0x80, $0x38;
	[tilespmem:$0x1C400] =	vst v63  }
0x36: {  	_ =	swait.ge [sflag:s13], $0x4000  }
0x37: {  	[sflag:s13] =	ssyncset.done $0x0  }
0x38: {  	[sflag:s13] =	ssyncadd.s32 $0xFFFFC000  }
0x39: {  	[spmem:s2] =	stream.indirect.scatter.add.f32 [tilespmem:s18], [sflag:$0x7], $0x80, s15, s7, $0xb8;
	[tilespmem:$0x1C400] =	vst v63  }
0x3a: {  	_ =	swait.ge [sflag:s30], $0x4000  }
0x3b: {  	[sflag:s30] =	ssyncset.done $0x0  }
0x3c: {  	[sflag:s30] =	ssyncadd.s32 $0xFFFFC000  }
0x3d: {  	_ =	swait.ge [sflag:s14], $0x80  }
0x3e: {  	[sflag:s14] =	ssyncset.done $0x0  }
0x3f: {  	[sflag:s14] =	ssyncadd.s32 $0xFFFFFF80  }
0x40: {  	_ =	swait.ge [sflag:s14], $0x80  }
0x41: {  	[sflag:s14] =	ssyncset.done $0x0  }
0x42: {  	s28 =	simm.s32 $0x1C100;
	[sflag:s14] =	ssyncadd.s32 $0xFFFFFF80  }
0x43: {  	[tilespmem:s18], [sflag:$0x1] =	stream.indirect.gather [hbm4b:s22+s7], $0x80, s28, s7, $0xb8;
	[tilespmem:$0x1C400] =	vst v63  }
0x44: {  	_ =	swait.ge [sflag:s17], $0x4000  }
0x45: {  	[sflag:s17] =	ssyncset.done $0x0  }
0x46: {  	[sflag:s17] =	ssyncadd.s32 $0xFFFFC000  }
0x47: {  	[spmem:s2] =	stream.indirect.scatter.add.f32 [tilespmem:s8], [sflag:$0x7], $0x80, s1, s7, $0xb8;
	[tilespmem:$0x1C400] =	vst v63  }
0x48: {  	_ =	swait.ge [sflag:s30], $0x4000  }
0x49: {  	[sflag:s30] =	ssyncset.done $0x0  }
0x4a: {  	[sflag:s30] =	ssyncadd.s32 $0xFFFFC000  }
0x4b: {  	_ =	swait.ge [sflag:s23], $0x80  }
0x4c: {  	[sflag:s23] =	ssyncset.done $0x0  }
0x4d: {  	[sflag:s23] =	ssyncadd.s32 $0xFFFFFF80  }
0x4e: {  	_ =	swait.ge [sflag:s23], $0x80  }
0x4f: {  	[sflag:s23] =	ssyncset.done $0x0  }
0x50: {  	[sflag:s23] =	ssyncadd.s32 $0xFFFFFF80  }
0x51: {  	[tilespmem:s8], [sflag:$0x2] =	stream.indirect.gather [hbm4b:s22+s7], $0x80, s12, s7, $0xb8;
	[tilespmem:$0x1C400] =	vst v63  }
0x52: {  	_ =	swait.ge [sflag:s13], $0x4000  }
0x53: {  	[sflag:s13] =	ssyncset.done $0x0  }
0x54: {  	[sflag:s13] =	ssyncadd.s32 $0xFFFFC000  }
0x55: {  	[spmem:s2] =	stream.indirect.scatter.add.f32 [tilespmem:s18], [sflag:$0x7], $0x80, s9, s7, $0xb8;
	[tilespmem:$0x1C400] =	vst v63  }
0x56: {  	_ =	swait.ge [sflag:s30], $0x4000  }
0x57: {  	[sflag:s30] =	ssyncset.done $0x0  }
0x58: {  	[sflag:s30] =	ssyncadd.s32 $0xFFFFC000  }
0x59: {  	_ =	swait.ge [sflag:s17], $0x4000  }
0x5a: {  	[sflag:s17] =	ssyncset.done $0x0  }
0x5b: {  	[sflag:s17] =	ssyncadd.s32 $0xFFFFC000  }
0x5c: {  	[spmem:s2] =	stream.indirect.scatter.add.f32 [tilespmem:s8], [sflag:$0x7], $0x80, s3, s7, $0xb8;
	[tilespmem:$0x1C400] =	vst v63  }
0x5d: {  	_ =	swait.ge [sflag:s30], $0x4000  }
0x5e: {  	[sflag:s30] =	ssyncset.done $0x0  }
0x5f: {  	[sflag:s30] =	ssyncadd.s32 $0xFFFFC000  }
0x60: {  	[bflag:$0x0] =	sbarrier.arrive $0xFFFF  }
0x61: {  	s3 =	rddreg [dreg:$0x10]  }
0x62: {  	s19 =	rddreg [dreg:$0xe]  }
0x63: {  	s9 =	rddreg [dreg:$0x18];
	s0 =	sadd.s32 @p0 $0x25800, s3  }
0x64: {  	[hbm:s0], [sflag:s19] =	dma.local @p0 [spmem:s9], $0x1900  }
0x65: {  	s0 =	simm.s32 @p0 $0x7  }
0x66: {  	_ =	swait.ge @p0 [sflag:s0], $0x1900  }
0x67: {  	[sflag:s0] =	ssyncset.done @p0 $0x0  }
0x68: {  	[sflag:s0] =	ssyncadd.s32 @p0 $0xFFFFE700;
	s0 =	rddreg [dreg:$0x3]  }
0x69: {  	s21 =	simm.s32 $0x1C200;
	s0 =	sadd.s32 @!p0 s0, s3;
	s3 =	rddreg [dreg:$0x17]  }
0x6a: {  	[hbm:s0], [sflag:s19] =	dma.local @!p0 [spmem:s3], $0x2800  }
0x6b: {  	s20 =	simm.s32 $0x1C080;
	s29 =	simm.s32 $0x1C380;
	s0 =	simm.s32 @!p0 $0x7  }
0x6c: {  	s25 =	simm.s32 $0x1C100;
	s26 =	simm.s32 $0x1C180;
	_ =	swait.ge @!p0 [sflag:s0], $0x2800  }
0x6d: {  	s15 =	simm.s32 $0x1C300;
	[sflag:s0] =	ssyncset.done @!p0 $0x0;
	s3 =	rddreg [dreg:$0x16]  }
0x6e: {  	s12 =	simm.s32 $0x1C280;
	s1 =	rddreg [dreg:$0x19];
	[sflag:s0] =	ssyncadd.s32 @!p0 $0xFFFFD800  }
.LBB2_8:
0x6f: {  	s3 =	sadd.s32 $0x1, s3;
	s0 =	rddreg [dreg:$0x12]  }
0x70: {  	p2 =	sne.s32 s3, s0  }
.Ltmp1:
0x71: {  	_ = 	snop;
	(pc) =	sbr.rel @!p2 .LBB2_9-.Ltmp1, $1  }
0x72: {  	_ =	sdelay $0x3  }
.LBB2_1:
0x73: {  	[dreg:$0x16] =	wrdreg s3  }
0x74: {  	s3 =	rddreg [dreg:$0x5]  }
0x75: {  	s0 =	rddreg [dreg:$0x4];
	s9 =	sshrl.u32 s3, $0x3  }
0x76: {  	[spmem:s9], [sflag:s19] =	dma.local [hbm:s0], $0x2800  }
0x77: {  	_ =	swait.ge [sflag:s30], $0x2800  }
0x78: {  	[sflag:s30] =	ssyncset.done $0x0  }
0x79: {  	[sflag:s30] =	ssyncadd.s32 $0xFFFFD800  }
.Ltmp2:
0x7a: {  	[bflag:$0x0] =	sbarrier.arrive $0xFFFF;
	(pc) =	sbr.rel @p1 .LBB2_5-.Ltmp2, $4  }
0x7b: {  	s0 =	rddreg [dreg:$0x15]  }
0x7c: {  	s0 =	sshrl.u32 @p0 s0, $0x3  }
0x7d: {  	[dreg:$0x18] =	wrdreg s0;
	s0 =	sshrl.u32 @!p0 s3, $0x3  }
0x7e: {  	[dreg:$0x17] =	wrdreg s0  }
0x7f: {  	s9 =	simm.s32 $0x0  }
0x80: {  	[tilespmem:s31], [sflag:$0x3] =	stream.linear.gather [hbm4b:s11+s9], $0x80, $0x38;
	[tilespmem:$0x1C400] =	vst v63  }
0x81: {  	_ = 	snop  }
0x82: {  	[tilespmem:s21], [sflag:$0x3] =	stream.linear.gather [hbm4b:s10+s9], $0x80, $0x38;
	[tilespmem:$0x1C400] =	vst v63  }
0x83: {  	s0 =	rddreg [dreg:$0x7]  }
0x84: {  	[tilespmem:s20], [sflag:$0x4] =	stream.linear.gather [hbm4b:s0+s9], $0x80, $0x38;
	[tilespmem:$0x1C400] =	vst v63  }
0x85: {  	s26 =	rddreg [dreg:$0x6]  }
0x86: {  	[tilespmem:s12], [sflag:$0x4] =	stream.linear.gather [hbm4b:s26+s9], $0x80, $0x38;
	[tilespmem:$0x1C400] =	vst v63  }
0x87: {  	_ =	swait.ge [sflag:s24], $0x80  }
0x88: {  	[sflag:s24] =	ssyncset.done $0x0  }
0x89: {  	[sflag:s24] =	ssyncadd.s32 $0xFFFFFF80  }
0x8a: {  	_ =	swait.ge [sflag:s24], $0x80  }
0x8b: {  	[sflag:s24] =	ssyncset.done $0x0  }
0x8c: {  	[sflag:s24] =	ssyncadd.s32 $0xFFFFFF80  }
0x8d: {  	[tilespmem:s18], [sflag:$0x1] =	stream.indirect.gather [hbm4b:s1+s7], $0x80, s31, s7, $0xb8;
	[tilespmem:$0x1C400] =	vst v63  }
0x8e: {  	s28 =	rddreg [dreg:$0xb]  }
0x8f: {  	[tilespmem:s25], [sflag:$0x5] =	stream.linear.gather [hbm4b:s28+s9], $0x80, $0x38;
	[tilespmem:$0x1C400] =	vst v63  }
0x90: {  	s3 =	rddreg [dreg:$0x8]  }
0x91: {  	[tilespmem:s15], [sflag:$0x5] =	stream.linear.gather [hbm4b:s3+s9], $0x80, $0x38;
	[tilespmem:$0x1C400] =	vst v63  }
0x92: {  	_ =	swait.ge [sflag:s16], $0x80  }
0x93: {  	[sflag:s16] =	ssyncset.done $0x0  }
0x94: {  	s3 =	rddreg [dreg:$0x14];
	[sflag:s16] =	ssyncadd.s32 $0xFFFFFF80  }
0x95: {  	s19 =	sadd.s32 $0xFFFFFFFD, s3;
	_ =	swait.ge [sflag:s16], $0x80  }
0x96: {  	p2 =	sgt.u32 s19, $0x9C3;
	[sflag:s16] =	ssyncset.done $0x0;
	s0 =	rddreg [dreg:$0x13]  }
0x97: {  	s9 =	sshrl.u32 @p2 s0, $0x3;
	[sflag:s16] =	ssyncadd.s32 $0xFFFFFF80  }
0x98: {  	[tilespmem:s8], [sflag:$0x2] =	stream.indirect.gather [hbm4b:s1+s7], $0x80, s20, s7, $0xb8;
	[tilespmem:$0x1C400] =	vst v63  }
0x99: {  	s26 =	simm.s32 @p2 $0x1C180;
	s28 =	simm.s32 @p2 $0x0;
	s20 =	sadd.s32 @p2 s5, s9  }
0x9a: {  	[tilespmem:s26], [sflag:$0x6] =	stream.linear.gather @p2 [hbm4b:s20+s28], $0x80, $0x38;
	[tilespmem:$0x1C400] =	vst v63  }
0x9b: {  	s20 =	sadd.s32 @!p2 $0x0, s11  }
0x9c: {  	s26 =	simm.s32 @!p2 $0x0;
	s28 =	simm.s32 @!p2 $0x1C180;
	s20 =	sadd.s32 @!p2 $0x30, s20  }
0x9d: {  	[tilespmem:s28], [sflag:$0x6] =	stream.linear.gather @!p2 [hbm4b:s20+s26], $0x80, $0x38;
	[tilespmem:$0x1C400] =	vst v63  }
0x9e: {  	s20 =	sadd.s32 @!p2 $0x0, s10  }
0x9f: {  	s9 =	sadd.s32 @p2 s6, s9;
	s20 =	sadd.s32 @!p2 $0x30, s20  }
0xa0: {  	s20 =	smov.u32 @p2 s9  }
0xa1: {  	[tilespmem:s29], [sflag:$0x6] =	stream.linear.gather [hbm4b:s20+s4], $0x80, $0x38;
	[tilespmem:$0x1C400] =	vst v63  }
0xa2: {  	_ =	swait.ge [sflag:s13], $0x4000  }
0xa3: {  	[sflag:s13] =	ssyncset.done $0x0  }
0xa4: {  	[sflag:s13] =	ssyncadd.s32 $0xFFFFC000  }
0xa5: {  	[spmem:s2] =	stream.indirect.scatter.add.f32 [tilespmem:s18], [sflag:$0x7], $0x80, s21, s7, $0xb8;
	[tilespmem:$0x1C400] =	vst v63  }
0xa6: {  	_ =	swait.ge [sflag:s30], $0x4000  }
0xa7: {  	[sflag:s30] =	ssyncset.done $0x0  }
0xa8: {  	[sflag:s30] =	ssyncadd.s32 $0xFFFFC000  }
0xa9: {  	_ =	swait.ge [sflag:s14], $0x80  }
0xaa: {  	[sflag:s14] =	ssyncset.done $0x0  }
0xab: {  	s26 =	sadd.s32 $0xFFFFFFFE, s3;
	[sflag:s14] =	ssyncadd.s32 $0xFFFFFF80  }
0xac: {  	p2 =	sgt.u32 s26, $0x9C3;
	_ =	swait.ge [sflag:s14], $0x80  }
0xad: {  	s9 =	sadd.s32 @p2 $0x80, s0;
	[sflag:s14] =	ssyncset.done $0x0  }
0xae: {  	s9 =	sshrl.u32 @p2 s9, $0x3;
	[sflag:s14] =	ssyncadd.s32 $0xFFFFFF80  }
0xaf: {  	[tilespmem:s18], [sflag:$0x1] =	stream.indirect.gather [hbm4b:s1+s7], $0x80, s25, s7, $0xb8;
	[tilespmem:$0x1C400] =	vst v63  }
0xb0: {  	s20 =	simm.s32 @p2 $0x0;
	s28 =	simm.s32 @p2 $0x1C000;
	s26 =	sadd.s32 @p2 s5, s9  }
0xb1: {  	[tilespmem:s28], [sflag:$0x3] =	stream.linear.gather @p2 [hbm4b:s26+s20], $0x80, $0x38;
	[tilespmem:$0x1C400] =	vst v63  }
0xb2: {  	s20 =	sadd.s32 @!p2 $0x0, s11  }
0xb3: {  	s26 =	simm.s32 @!p2 $0x0;
	s28 =	simm.s32 @!p2 $0x1C000;
	s20 =	sadd.s32 @!p2 $0x40, s20  }
0xb4: {  	[tilespmem:s28], [sflag:$0x3] =	stream.linear.gather @!p2 [hbm4b:s20+s26], $0x80, $0x38;
	[tilespmem:$0x1C400] =	vst v63  }
0xb5: {  	s20 =	sadd.s32 @!p2 $0x0, s10  }
0xb6: {  	s9 =	sadd.s32 @p2 s6, s9;
	s20 =	sadd.s32 @!p2 $0x40, s20  }
0xb7: {  	s20 =	smov.u32 @p2 s9  }
0xb8: {  	[tilespmem:s21], [sflag:$0x3] =	stream.linear.gather [hbm4b:s20+s4], $0x80, $0x38;
	[tilespmem:$0x1C400] =	vst v63  }
0xb9: {  	_ =	swait.ge [sflag:s17], $0x4000  }
0xba: {  	[sflag:s17] =	ssyncset.done $0x0  }
0xbb: {  	[sflag:s17] =	ssyncadd.s32 $0xFFFFC000  }
0xbc: {  	[spmem:s2] =	stream.indirect.scatter.add.f32 [tilespmem:s8], [sflag:$0x7], $0x80, s12, s7, $0xb8;
	[tilespmem:$0x1C400] =	vst v63  }
0xbd: {  	_ =	swait.ge [sflag:s30], $0x4000  }
0xbe: {  	[sflag:s30] =	ssyncset.done $0x0  }
0xbf: {  	[sflag:s30] =	ssyncadd.s32 $0xFFFFC000  }
0xc0: {  	_ =	swait.ge [sflag:s23], $0x80  }
0xc1: {  	[sflag:s23] =	ssyncset.done $0x0  }
0xc2: {  	s28 =	sadd.s32 $0xFFFFFFFF, s3;
	[sflag:s23] =	ssyncadd.s32 $0xFFFFFF80  }
0xc3: {  	p2 =	sgt.u32 s28, $0x9C3;
	_ =	swait.ge [sflag:s23], $0x80  }
0xc4: {  	s9 =	sadd.s32 @p2 $0x100, s0;
	[sflag:s23] =	ssyncset.done $0x0  }
0xc5: {  	s19 =	simm.s32 $0x1C180;
	s9 =	sshrl.u32 @p2 s9, $0x3;
	[sflag:s23] =	ssyncadd.s32 $0xFFFFFF80  }
0xc6: {  	[tilespmem:s8], [sflag:$0x2] =	stream.indirect.gather [hbm4b:s1+s7], $0x80, s19, s7, $0xb8;
	[tilespmem:$0x1C400] =	vst v63  }
0xc7: {  	s20 =	simm.s32 @p2 $0x0;
	s28 =	simm.s32 @p2 $0x1C080;
	s26 =	sadd.s32 @p2 s5, s9  }
0xc8: {  	[tilespmem:s28], [sflag:$0x4] =	stream.linear.gather @p2 [hbm4b:s26+s20], $0x80, $0x38;
	[tilespmem:$0x1C400] =	vst v63  }
0xc9: {  	s20 =	sadd.s32 @!p2 $0x0, s11  }
0xca: {  	s26 =	simm.s32 @!p2 $0x0;
	s28 =	simm.s32 @!p2 $0x1C080;
	s20 =	sadd.s32 @!p2 $0x50, s20  }
0xcb: {  	[tilespmem:s28], [sflag:$0x4] =	stream.linear.gather @!p2 [hbm4b:s20+s26], $0x80, $0x38;
	[tilespmem:$0x1C400] =	vst v63  }
0xcc: {  	s20 =	sadd.s32 @!p2 $0x0, s10  }
0xcd: {  	s9 =	sadd.s32 @p2 s6, s9;
	s20 =	sadd.s32 @!p2 $0x50, s20  }
0xce: {  	s20 =	smov.u32 @p2 s9  }
0xcf: {  	[tilespmem:s12], [sflag:$0x4] =	stream.linear.gather [hbm4b:s20+s4], $0x80, $0x38;
	[tilespmem:$0x1C400] =	vst v63  }
0xd0: {  	_ =	swait.ge [sflag:s13], $0x4000  }
0xd1: {  	[sflag:s13] =	ssyncset.done $0x0  }
0xd2: {  	[sflag:s13] =	ssyncadd.s32 $0xFFFFC000  }
0xd3: {  	[spmem:s2] =	stream.indirect.scatter.add.f32 [tilespmem:s18], [sflag:$0x7], $0x80, s15, s7, $0xb8;
	[tilespmem:$0x1C400] =	vst v63  }
0xd4: {  	_ =	swait.ge [sflag:s30], $0x4000  }
0xd5: {  	[sflag:s30] =	ssyncset.done $0x0  }
0xd6: {  	[sflag:s30] =	ssyncadd.s32 $0xFFFFC000  }
0xd7: {  	_ =	swait.ge [sflag:s24], $0x80  }
0xd8: {  	[sflag:s24] =	ssyncset.done $0x0  }
0xd9: {  	[sflag:s24] =	ssyncadd.s32 $0xFFFFFF80  }
0xda: {  	p2 =	sgt.u32 s3, $0x9C3;
	_ =	swait.ge [sflag:s24], $0x80  }
0xdb: {  	s9 =	sadd.s32 @p2 $0x180, s0;
	[sflag:s24] =	ssyncset.done $0x0  }
0xdc: {  	s20 =	sshrl.u32 @p2 s9, $0x3;
	[sflag:s24] =	ssyncadd.s32 $0xFFFFFF80  }
0xdd: {  	[tilespmem:s18], [sflag:$0x1] =	stream.indirect.gather [hbm4b:s1+s7], $0x80, s31, s7, $0xb8;
	[tilespmem:$0x1C400] =	vst v63  }
0xde: {  	s28 =	simm.s32 @p2 $0x1C100;
	s9 =	simm.s32 @p2 $0x0;
	s26 =	sadd.s32 @p2 s5, s20  }
0xdf: {  	[tilespmem:s28], [sflag:$0x5] =	stream.linear.gather @p2 [hbm4b:s26+s9], $0x80, $0x38;
	[tilespmem:$0x1C400] =	vst v63  }
0xe0: {  	s9 =	sadd.s32 @!p2 $0x0, s11  }
0xe1: {  	s26 =	simm.s32 @!p2 $0x0;
	s28 =	simm.s32 @!p2 $0x1C100;
	s9 =	sadd.s32 @!p2 $0x60, s9  }
0xe2: {  	[tilespmem:s28], [sflag:$0x5] =	stream.linear.gather @!p2 [hbm4b:s9+s26], $0x80, $0x38;
	[tilespmem:$0x1C400] =	vst v63  }
0xe3: {  	s26 =	sadd.s32 @!p2 $0x0, s10  }
0xe4: {  	s20 =	sadd.s32 @p2 s6, s20;
	s9 =	simm.s32 $0x40;
	s29 =	sadd.s32 @!p2 $0x60, s26  }
0xe5: {  	s26 =	sadd.s32 $0x4, s3;
	s29 =	smov.u32 @p2 s20;
	s20 =	sadd.s32 $0x200, s0  }
.LBB2_3:
0xe6: {  	s12 =	simm.s32 $0x1C300  }
0xe7: {  	[tilespmem:s12], [sflag:$0x5] =	stream.linear.gather [hbm4b:s29+s4], $0x80, $0x38;
	[tilespmem:$0x1C400] =	vst v63  }
0xe8: {  	s28 =	smov.u32 s9;
	s9 =	sadd.s32 $0x40, s9;
	_ =	swait.ge [sflag:s17], $0x4000  }
0xe9: {  	p2 =	sne.s32 s9, $0x9C0;
	[sflag:s17] =	ssyncset.done $0x0  }
0xea: {  	s15 =	simm.s32 $0x1C380;
	[sflag:s17] =	ssyncadd.s32 $0xFFFFC000  }
0xeb: {  	[spmem:s2] =	stream.indirect.scatter.add.f32 [tilespmem:s8], [sflag:$0x7], $0x80, s15, s7, $0xb8;
	[tilespmem:$0x1C400] =	vst v63  }
0xec: {  	_ =	swait.ge [sflag:s30], $0x4000  }
0xed: {  	s29 =	sadd.s32 $0xFFFFFFFD, s26;
	[sflag:s30] =	ssyncset.done $0x0  }
0xee: {  	p3 =	sgt.u32 s29, $0x9C3;
	[sflag:s30] =	ssyncadd.s32 $0xFFFFC000  }
0xef: {  	s29 =	sshrl.u32 @p3 s20, $0x3;
	s31 =	simm.s32 @!p3 $0x0;
	_ =	swait.ge [sflag:s16], $0x80  }
0xf0: {  	s19 =	simm.s32 @p3 $0x1C180;
	s3 =	sadd.s32 @p3 s5, s29;
	[sflag:s16] =	ssyncset.done $0x0  }
0xf1: {  	s25 =	sadd.s32 @!p3 s28, s11;
	s0 =	sadd.s32 @!p3 s28, s10;
	[sflag:s16] =	ssyncadd.s32 $0xFFFFFF80  }
0xf2: {  	s29 =	sadd.s32 @p3 s6, s29;
	s25 =	sadd.s32 @!p3 $0x30, s25;
	_ =	swait.ge [sflag:s16], $0x80  }
0xf3: {  	s0 =	sadd.s32 @!p3 $0x30, s0;
	[sflag:s16] =	ssyncset.done $0x0  }
0xf4: {  	s0 =	smov.u32 @p3 s29;
	s29 =	simm.s32 $0x1C080;
	[sflag:s16] =	ssyncadd.s32 $0xFFFFFF80  }
0xf5: {  	[tilespmem:s8], [sflag:$0x2] =	stream.indirect.gather [hbm4b:s1+s7], $0x80, s29, s7, $0xb8;
	[tilespmem:$0x1C400] =	vst v63  }
0xf6: {  	s29 =	simm.s32 @p3 $0x0  }
0xf7: {  	[tilespmem:s19], [sflag:$0x6] =	stream.linear.gather @p3 [hbm4b:s3+s29], $0x80, $0x38;
	[tilespmem:$0x1C400] =	vst v63  }
0xf8: {  	s3 =	simm.s32 @!p3 $0x1C180  }
0xf9: {  	[tilespmem:s3], [sflag:$0x6] =	stream.linear.gather @!p3 [hbm4b:s25+s31], $0x80, $0x38;
	[tilespmem:$0x1C400] =	vst v63  }
0xfa: {  	_ = 	snop  }
0xfb: {  	[tilespmem:s15], [sflag:$0x6] =	stream.linear.gather [hbm4b:s0+s4], $0x80, $0x38;
	[tilespmem:$0x1C400] =	vst v63  }
0xfc: {  	_ =	swait.ge [sflag:s13], $0x4000  }
0xfd: {  	[sflag:s13] =	ssyncset.done $0x0  }
0xfe: {  	[sflag:s13] =	ssyncadd.s32 $0xFFFFC000  }
0xff: {  	[spmem:s2] =	stream.indirect.scatter.add.f32 [tilespmem:s18], [sflag:$0x7], $0x80, s21, s7, $0xb8;
	[tilespmem:$0x1C400] =	vst v63  }
0x100: {  	_ =	swait.ge [sflag:s30], $0x4000  }
0x101: {  	s0 =	sadd.s32 $0xFFFFFFFE, s26;
	[sflag:s30] =	ssyncset.done $0x0  }
0x102: {  	p3 =	sgt.u32 s0, $0x9C3;
	[sflag:s30] =	ssyncadd.s32 $0xFFFFC000  }
0x103: {  	s0 =	sadd.s32 @p3 $0x80, s20;
	_ =	swait.ge [sflag:s14], $0x80  }
0x104: {  	s3 =	simm.s32 @p3 $0x0;
	s19 =	sadd.s32 @!p3 s28, s10;
	[sflag:s14] =	ssyncset.done $0x0  }
0x105: {  	s29 =	sadd.s32 @!p3 s28, s11;
	s0 =	sshrl.u32 @p3 s0, $0x3;
	[sflag:s14] =	ssyncadd.s32 $0xFFFFFF80  }
0x106: {  	s19 =	sadd.s32 @!p3 $0x40, s19;
	s25 =	sadd.s32 @p3 s5, s0;
	_ =	swait.ge [sflag:s14], $0x80  }
0x107: {  	s29 =	sadd.s32 @!p3 $0x40, s29;
	s0 =	sadd.s32 @p3 s6, s0;
	[sflag:s14] =	ssyncset.done $0x0  }
0x108: {  	s19 =	smov.u32 @p3 s0;
	s0 =	simm.s32 $0x1C100;
	[sflag:s14] =	ssyncadd.s32 $0xFFFFFF80  }
0x109: {  	[tilespmem:s18], [sflag:$0x1] =	stream.indirect.gather [hbm4b:s1+s7], $0x80, s0, s7, $0xb8;
	[tilespmem:$0x1C400] =	vst v63  }
0x10a: {  	s0 =	simm.s32 @p3 $0x1C000  }
0x10b: {  	[tilespmem:s0], [sflag:$0x3] =	stream.linear.gather @p3 [hbm4b:s25+s3], $0x80, $0x38;
	[tilespmem:$0x1C400] =	vst v63  }
0x10c: {  	s0 =	simm.s32 @!p3 $0x0;
	s3 =	simm.s32 @!p3 $0x1C000  }
0x10d: {  	[tilespmem:s3], [sflag:$0x3] =	stream.linear.gather @!p3 [hbm4b:s29+s0], $0x80, $0x38;
	[tilespmem:$0x1C400] =	vst v63  }
0x10e: {  	_ = 	snop  }
0x10f: {  	[tilespmem:s21], [sflag:$0x3] =	stream.linear.gather [hbm4b:s19+s4], $0x80, $0x38;
	[tilespmem:$0x1C400] =	vst v63  }
0x110: {  	_ =	swait.ge [sflag:s17], $0x4000  }
0x111: {  	[sflag:s17] =	ssyncset.done $0x0  }
0x112: {  	s8 =	simm.s32 $0x1C280;
	s15 =	simm.s32 $0x18000;
	[sflag:s17] =	ssyncadd.s32 $0xFFFFC000  }
0x113: {  	[spmem:s2] =	stream.indirect.scatter.add.f32 [tilespmem:s15], [sflag:$0x7], $0x80, s8, s7, $0xb8;
	[tilespmem:$0x1C400] =	vst v63  }
0x114: {  	_ =	swait.ge [sflag:s30], $0x4000  }
0x115: {  	[sflag:s30] =	ssyncset.done $0x0  }
0x116: {  	s0 =	sadd.s32 $0xFFFFFFFF, s26;
	[sflag:s30] =	ssyncadd.s32 $0xFFFFC000  }
0x117: {  	p3 =	sgt.u32 s0, $0x9C3;
	_ =	swait.ge [sflag:s23], $0x80  }
0x118: {  	s0 =	sadd.s32 @p3 $0x100, s20;
	[sflag:s23] =	ssyncset.done $0x0  }
0x119: {  	s3 =	simm.s32 @p3 $0x0;
	s19 =	sadd.s32 @!p3 s28, s10;
	[sflag:s23] =	ssyncadd.s32 $0xFFFFFF80  }
0x11a: {  	s29 =	sadd.s32 @!p3 s28, s11;
	s0 =	sshrl.u32 @p3 s0, $0x3;
	_ =	swait.ge [sflag:s23], $0x80  }
0x11b: {  	s19 =	sadd.s32 @!p3 $0x50, s19;
	s25 =	sadd.s32 @p3 s5, s0;
	[sflag:s23] =	ssyncset.done $0x0  }
0x11c: {  	s21 =	simm.s32 $0x1C180;
	s0 =	sadd.s32 @p3 s6, s0;
	[sflag:s23] =	ssyncadd.s32 $0xFFFFFF80  }
0x11d: {  	[tilespmem:s15], [sflag:$0x2] =	stream.indirect.gather [hbm4b:s1+s7], $0x80, s21, s7, $0xb8;
	[tilespmem:$0x1C400] =	vst v63  }
0x11e: {  	s31 =	simm.s32 @p3 $0x1C080;
	s29 =	sadd.s32 @!p3 $0x50, s29;
	s19 =	smov.u32 @p3 s0  }
0x11f: {  	[tilespmem:s31], [sflag:$0x4] =	stream.linear.gather @p3 [hbm4b:s25+s3], $0x80, $0x38;
	[tilespmem:$0x1C400] =	vst v63  }
0x120: {  	s0 =	simm.s32 @!p3 $0x0;
	s3 =	simm.s32 @!p3 $0x1C080  }
0x121: {  	[tilespmem:s3], [sflag:$0x4] =	stream.linear.gather @!p3 [hbm4b:s29+s0], $0x80, $0x38;
	[tilespmem:$0x1C400] =	vst v63  }
0x122: {  	_ = 	snop  }
0x123: {  	[tilespmem:s8], [sflag:$0x4] =	stream.linear.gather [hbm4b:s19+s4], $0x80, $0x38;
	[tilespmem:$0x1C400] =	vst v63  }
0x124: {  	s15 =	simm.s32 $0x1C280;
	s8 =	simm.s32 $0x18000  }
0x125: {  	_ =	swait.ge [sflag:s13], $0x4000  }
0x126: {  	[sflag:s13] =	ssyncset.done $0x0  }
0x127: {  	[sflag:s13] =	ssyncadd.s32 $0xFFFFC000  }
0x128: {  	[spmem:s2] =	stream.indirect.scatter.add.f32 [tilespmem:s18], [sflag:$0x7], $0x80, s12, s7, $0xb8;
	[tilespmem:$0x1C400] =	vst v63  }
0x129: {  	_ =	swait.ge [sflag:s30], $0x4000  }
0x12a: {  	[sflag:s30] =	ssyncset.done $0x0  }
0x12b: {  	[sflag:s30] =	ssyncadd.s32 $0xFFFFC000  }
0x12c: {  	_ =	swait.ge [sflag:s24], $0x80  }
0x12d: {  	[sflag:s24] =	ssyncset.done $0x0  }
0x12e: {  	p3 =	sgt.u32 s26, $0x9C3;
	[sflag:s24] =	ssyncadd.s32 $0xFFFFFF80  }
0x12f: {  	s0 =	sadd.s32 @p3 $0x180, s20;
	_ =	swait.ge [sflag:s24], $0x80  }
0x130: {  	s3 =	simm.s32 @p3 $0x0;
	s31 =	simm.s32 @p3 $0x1C100;
	[sflag:s24] =	ssyncset.done $0x0  }
0x131: {  	s0 =	sshrl.u32 @p3 s0, $0x3;
	s19 =	sadd.s32 @!p3 s28, s10;
	[sflag:s24] =	ssyncadd.s32 $0xFFFFFF80  }
0x132: {  	s25 =	sadd.s32 @p3 s5, s0;
	s29 =	sadd.s32 @!p3 $0x60, s19;
	s12 =	simm.s32 $0x1C000  }
0x133: {  	[tilespmem:s18], [sflag:$0x1] =	stream.indirect.gather [hbm4b:s1+s7], $0x80, s12, s7, $0xb8;
	[tilespmem:$0x1C400] =	vst v63  }
0x134: {  	s21 =	simm.s32 @!p3 $0x1C100;
	s19 =	sadd.s32 @!p3 s28, s11;
	s28 =	simm.s32 @!p3 $0x0  }
0x135: {  	[tilespmem:s31], [sflag:$0x5] =	stream.linear.gather @p3 [hbm4b:s25+s3], $0x80, $0x38;
	[tilespmem:$0x1C400] =	vst v63  }
.Ltmp3:
0x136: {  	_ = 	snop;
	(pc) =	sbr.rel @p2 .LBB2_3-.Ltmp3, $4  }
0x137: {  	s0 =	sadd.s32 @p3 s6, s0;
	s3 =	sadd.s32 @!p3 $0x60, s19  }
0x138: {  	[tilespmem:s21], [sflag:$0x5] =	stream.linear.gather @!p3 [hbm4b:s3+s28], $0x80, $0x38;
	[tilespmem:$0x1C400] =	vst v63  }
0x139: {  	s21 =	simm.s32 $0x1C200  }
0x13a: {  	s26 =	sadd.s32 $0x4, s26;
	s20 =	sadd.s32 $0x200, s20;
	s29 =	smov.u32 @p3 s0  }
0x13b: {  	s12 =	simm.s32 $0x1C300  }
0x13c: {  	[tilespmem:s12], [sflag:$0x5] =	stream.linear.gather [hbm4b:s29+s4], $0x80, $0x38;
	[tilespmem:$0x1C400] =	vst v63  }
0x13d: {  	_ =	swait.ge [sflag:s17], $0x4000  }
0x13e: {  	[sflag:s17] =	ssyncset.done $0x0  }
0x13f: {  	s9 =	simm.s32 $0x1C380;
	[sflag:s17] =	ssyncadd.s32 $0xFFFFC000  }
0x140: {  	[spmem:s2] =	stream.indirect.scatter.add.f32 [tilespmem:s8], [sflag:$0x7], $0x80, s9, s7, $0xb8;
	[tilespmem:$0x1C400] =	vst v63  }
0x141: {  	_ =	swait.ge [sflag:s30], $0x4000  }
0x142: {  	[sflag:s30] =	ssyncset.done $0x0  }
0x143: {  	[sflag:s30] =	ssyncadd.s32 $0xFFFFC000  }
0x144: {  	_ =	swait.ge [sflag:s16], $0x80  }
0x145: {  	[sflag:s16] =	ssyncset.done $0x0  }
0x146: {  	[sflag:s16] =	ssyncadd.s32 $0xFFFFFF80  }
0x147: {  	_ =	swait.ge [sflag:s16], $0x80  }
0x148: {  	[sflag:s16] =	ssyncset.done $0x0  }
0x149: {  	s0 =	simm.s32 $0x1C080;
	[sflag:s16] =	ssyncadd.s32 $0xFFFFFF80  }
0x14a: {  	[tilespmem:s8], [sflag:$0x2] =	stream.indirect.gather [hbm4b:s1+s7], $0x80, s0, s7, $0xb8;
	[tilespmem:$0x1C400] =	vst v63  }
0x14b: {  	s3 =	simm.s32 $0x1C180;
	s25 =	rddreg [dreg:$0xa]  }
0x14c: {  	[tilespmem:s3], [sflag:$0x6] =	stream.linear.gather [hbm4b:s25+s4], $0x80, $0x38;
	[tilespmem:$0x1C400] =	vst v63  }
0x14d: {  	s26 =	rddreg [dreg:$0x9]  }
0x14e: {  	[tilespmem:s9], [sflag:$0x6] =	stream.linear.gather [hbm4b:s26+s4], $0x80, $0x38;
	[tilespmem:$0x1C400] =	vst v63  }
0x14f: {  	_ =	swait.ge [sflag:s13], $0x4000  }
0x150: {  	[sflag:s13] =	ssyncset.done $0x0  }
0x151: {  	[sflag:s13] =	ssyncadd.s32 $0xFFFFC000  }
0x152: {  	[spmem:s2] =	stream.indirect.scatter.add.f32 [tilespmem:s18], [sflag:$0x7], $0x80, s21, s7, $0xb8;
	[tilespmem:$0x1C400] =	vst v63  }
0x153: {  	_ =	swait.ge [sflag:s30], $0x4000  }
0x154: {  	[sflag:s30] =	ssyncset.done $0x0  }
0x155: {  	[sflag:s30] =	ssyncadd.s32 $0xFFFFC000  }
0x156: {  	_ =	swait.ge [sflag:s14], $0x80  }
0x157: {  	[sflag:s14] =	ssyncset.done $0x0  }
0x158: {  	[sflag:s14] =	ssyncadd.s32 $0xFFFFFF80  }
0x159: {  	_ =	swait.ge [sflag:s14], $0x80  }
0x15a: {  	[sflag:s14] =	ssyncset.done $0x0  }
0x15b: {  	s28 =	simm.s32 $0x1C100;
	[sflag:s14] =	ssyncadd.s32 $0xFFFFFF80  }
0x15c: {  	[tilespmem:s18], [sflag:$0x1] =	stream.indirect.gather [hbm4b:s1+s7], $0x80, s28, s7, $0xb8;
	[tilespmem:$0x1C400] =	vst v63  }
0x15d: {  	_ =	swait.ge [sflag:s17], $0x4000  }
0x15e: {  	[sflag:s17] =	ssyncset.done $0x0  }
0x15f: {  	[sflag:s17] =	ssyncadd.s32 $0xFFFFC000  }
0x160: {  	[spmem:s2] =	stream.indirect.scatter.add.f32 [tilespmem:s8], [sflag:$0x7], $0x80, s15, s7, $0xb8;
	[tilespmem:$0x1C400] =	vst v63  }
0x161: {  	_ =	swait.ge [sflag:s30], $0x4000  }
0x162: {  	[sflag:s30] =	ssyncset.done $0x0  }
0x163: {  	[sflag:s30] =	ssyncadd.s32 $0xFFFFC000  }
0x164: {  	_ =	swait.ge [sflag:s23], $0x80  }
0x165: {  	[sflag:s23] =	ssyncset.done $0x0  }
0x166: {  	[sflag:s23] =	ssyncadd.s32 $0xFFFFFF80  }
0x167: {  	_ =	swait.ge [sflag:s23], $0x80  }
0x168: {  	[sflag:s23] =	ssyncset.done $0x0  }
0x169: {  	[sflag:s23] =	ssyncadd.s32 $0xFFFFFF80  }
0x16a: {  	[tilespmem:s8], [sflag:$0x2] =	stream.indirect.gather [hbm4b:s1+s7], $0x80, s3, s7, $0xb8;
	[tilespmem:$0x1C400] =	vst v63  }
0x16b: {  	_ =	swait.ge [sflag:s13], $0x4000  }
0x16c: {  	[sflag:s13] =	ssyncset.done $0x0  }
0x16d: {  	[sflag:s13] =	ssyncadd.s32 $0xFFFFC000  }
0x16e: {  	[spmem:s2] =	stream.indirect.scatter.add.f32 [tilespmem:s18], [sflag:$0x7], $0x80, s12, s7, $0xb8;
	[tilespmem:$0x1C400] =	vst v63  }
0x16f: {  	_ =	swait.ge [sflag:s30], $0x4000  }
0x170: {  	[sflag:s30] =	ssyncset.done $0x0  }
0x171: {  	[sflag:s30] =	ssyncadd.s32 $0xFFFFC000  }
0x172: {  	_ =	swait.ge [sflag:s17], $0x4000  }
0x173: {  	[sflag:s17] =	ssyncset.done $0x0  }
0x174: {  	[sflag:s17] =	ssyncadd.s32 $0xFFFFC000  }
0x175: {  	[spmem:s2] =	stream.indirect.scatter.add.f32 [tilespmem:s8], [sflag:$0x7], $0x80, s9, s7, $0xb8;
	[tilespmem:$0x1C400] =	vst v63  }
0x176: {  	_ =	swait.ge [sflag:s30], $0x4000  }
0x177: {  	[sflag:s30] =	ssyncset.done $0x0  }
0x178: {  	[sflag:s30] =	ssyncadd.s32 $0xFFFFC000  }
0x179: {  	[bflag:$0x0] =	sbarrier.arrive $0xFFFF  }
0x17a: {  	s19 =	rddreg [dreg:$0xe]  }
0x17b: {  	s0 =	rddreg [dreg:$0x11]  }
0x17c: {  	s3 =	rddreg [dreg:$0x18]  }
0x17d: {  	[hbm:s0], [sflag:s19] =	dma.local @p0 [spmem:s3], $0x1900  }
0x17e: {  	s0 =	simm.s32 @p0 $0x7  }
0x17f: {  	_ =	swait.ge @p0 [sflag:s0], $0x1900  }
0x180: {  	[sflag:s0] =	ssyncset.done @p0 $0x0;
	s3 =	rddreg [dreg:$0x17]  }
0x181: {  	[sflag:s0] =	ssyncadd.s32 @p0 $0xFFFFE700;
	s0 =	rddreg [dreg:$0xf]  }
0x182: {  	[hbm:s0], [sflag:s19] =	dma.local @!p0 [spmem:s3], $0x2800  }
.Ltmp4:
0x183: {  	_ = 	snop;
	(pc) =	sbr.rel .LBB2_8-.Ltmp4, $4  }
0x184: {  	s31 =	simm.s32 $0x1C000;
	s20 =	simm.s32 $0x1C080;
	s0 =	simm.s32 @!p0 $0x7  }
0x185: {  	s29 =	simm.s32 $0x1C380;
	s25 =	simm.s32 $0x1C100;
	_ =	swait.ge @!p0 [sflag:s0], $0x2800  }
0x186: {  	s26 =	simm.s32 $0x1C180;
	s15 =	simm.s32 $0x1C300;
	[sflag:s0] =	ssyncset.done @!p0 $0x0  }
0x187: {  	s12 =	simm.s32 $0x1C280;
	s3 =	rddreg [dreg:$0x16];
	[sflag:s0] =	ssyncadd.s32 @!p0 $0xFFFFD800  }
.LBB2_5:
0x188: {  	s0 =	simm.s32 $0x0  }
0x189: {  	[tilespmem:s31], [sflag:$0x3] =	stream.linear.gather [hbm4b:s10+s0], $0x80, $0x38;
	[tilespmem:$0x1C400] =	vst v63  }
0x18a: {  	_ = 	snop  }
0x18b: {  	[tilespmem:s21], [sflag:$0x3] =	stream.linear.gather [hbm4b:s11+s0], $0x80, $0x38;
	[tilespmem:$0x1C400] =	vst v63  }
0x18c: {  	s3 =	rddreg [dreg:$0x6]  }
0x18d: {  	[tilespmem:s20], [sflag:$0x4] =	stream.linear.gather [hbm4b:s3+s0], $0x80, $0x38;
	[tilespmem:$0x1C400] =	vst v63  }
0x18e: {  	s9 =	rddreg [dreg:$0x7]  }
0x18f: {  	[tilespmem:s12], [sflag:$0x4] =	stream.linear.gather [hbm4b:s9+s0], $0x80, $0x38;
	[tilespmem:$0x1C400] =	vst v63  }
0x190: {  	_ =	swait.ge [sflag:s24], $0x80  }
0x191: {  	[sflag:s24] =	ssyncset.done $0x0  }
0x192: {  	[sflag:s24] =	ssyncadd.s32 $0xFFFFFF80  }
0x193: {  	_ =	swait.ge [sflag:s24], $0x80  }
0x194: {  	[sflag:s24] =	ssyncset.done $0x0  }
0x195: {  	[sflag:s24] =	ssyncadd.s32 $0xFFFFFF80  }
0x196: {  	[tilespmem:s18], [sflag:$0x1] =	stream.indirect.gather [hbm4b:s22+s7], $0x80, s31, s7, $0xb8;
	[tilespmem:$0x1C400] =	vst v63  }
0x197: {  	s19 =	rddreg [dreg:$0x8]  }
0x198: {  	[tilespmem:s25], [sflag:$0x5] =	stream.linear.gather [hbm4b:s19+s0], $0x80, $0x38;
	[tilespmem:$0x1C400] =	vst v63  }
0x199: {  	s20 =	rddreg [dreg:$0xb]  }
0x19a: {  	[tilespmem:s15], [sflag:$0x5] =	stream.linear.gather [hbm4b:s20+s0], $0x80, $0x38;
	[tilespmem:$0x1C400] =	vst v63  }
0x19b: {  	_ =	swait.ge [sflag:s16], $0x80  }
0x19c: {  	[sflag:s16] =	ssyncset.done $0x0  }
0x19d: {  	s1 =	rddreg [dreg:$0x14];
	[sflag:s16] =	ssyncadd.s32 $0xFFFFFF80  }
0x19e: {  	s9 =	sadd.s32 $0xFFFFFFFD, s1;
	_ =	swait.ge [sflag:s16], $0x80  }
0x19f: {  	p2 =	sgt.u32 s9, $0x9C3;
	[sflag:s16] =	ssyncset.done $0x0;
	s20 =	rddreg [dreg:$0x13]  }
0x1a0: {  	s21 =	simm.s32 $0x1C080;
	s0 =	sshrl.u32 @p2 s20, $0x3;
	[sflag:s16] =	ssyncadd.s32 $0xFFFFFF80  }
0x1a1: {  	[tilespmem:s8], [sflag:$0x2] =	stream.indirect.gather [hbm4b:s22+s7], $0x80, s21, s7, $0xb8;
	[tilespmem:$0x1C400] =	vst v63  }
0x1a2: {  	s9 =	simm.s32 @p2 $0x1C180;
	s19 =	simm.s32 @p2 $0x0;
	s3 =	sadd.s32 @p2 s5, s0  }
0x1a3: {  	[tilespmem:s9], [sflag:$0x6] =	stream.linear.gather @p2 [hbm4b:s3+s19], $0x80, $0x38;
	[tilespmem:$0x1C400] =	vst v63  }
0x1a4: {  	s3 =	sadd.s32 @!p2 $0x0, s10  }
0x1a5: {  	s9 =	simm.s32 @!p2 $0x0;
	s19 =	simm.s32 @!p2 $0x1C180;
	s3 =	sadd.s32 @!p2 $0x30, s3  }
0x1a6: {  	[tilespmem:s19], [sflag:$0x6] =	stream.linear.gather @!p2 [hbm4b:s3+s9], $0x80, $0x38;
	[tilespmem:$0x1C400] =	vst v63  }
0x1a7: {  	s3 =	sadd.s32 @!p2 $0x0, s11  }
0x1a8: {  	s0 =	sadd.s32 @p2 s6, s0;
	s3 =	sadd.s32 @!p2 $0x30, s3  }
0x1a9: {  	s3 =	smov.u32 @p2 s0  }
0x1aa: {  	[tilespmem:s29], [sflag:$0x6] =	stream.linear.gather [hbm4b:s3+s4], $0x80, $0x38;
	[tilespmem:$0x1C400] =	vst v63  }
0x1ab: {  	_ =	swait.ge [sflag:s13], $0x4000  }
0x1ac: {  	[sflag:s13] =	ssyncset.done $0x0  }
0x1ad: {  	s28 =	simm.s32 $0x1C200;
	[sflag:s13] =	ssyncadd.s32 $0xFFFFC000  }
0x1ae: {  	[spmem:s2] =	stream.indirect.scatter.add.f32 [tilespmem:s18], [sflag:$0x7], $0x80, s28, s7, $0xb8;
	[tilespmem:$0x1C400] =	vst v63  }
0x1af: {  	_ =	swait.ge [sflag:s30], $0x4000  }
0x1b0: {  	[sflag:s30] =	ssyncset.done $0x0  }
0x1b1: {  	[sflag:s30] =	ssyncadd.s32 $0xFFFFC000  }
0x1b2: {  	_ =	swait.ge [sflag:s14], $0x80  }
0x1b3: {  	[sflag:s14] =	ssyncset.done $0x0  }
0x1b4: {  	s19 =	sadd.s32 $0xFFFFFFFE, s1;
	[sflag:s14] =	ssyncadd.s32 $0xFFFFFF80  }
0x1b5: {  	p2 =	sgt.u32 s19, $0x9C3;
	_ =	swait.ge [sflag:s14], $0x80  }
0x1b6: {  	s0 =	sadd.s32 @p2 $0x80, s20;
	[sflag:s14] =	ssyncset.done $0x0  }
0x1b7: {  	s0 =	sshrl.u32 @p2 s0, $0x3;
	[sflag:s14] =	ssyncadd.s32 $0xFFFFFF80  }
0x1b8: {  	[tilespmem:s18], [sflag:$0x1] =	stream.indirect.gather [hbm4b:s22+s7], $0x80, s25, s7, $0xb8;
	[tilespmem:$0x1C400] =	vst v63  }
0x1b9: {  	s3 =	simm.s32 @p2 $0x0;
	s19 =	simm.s32 @p2 $0x1C000;
	s9 =	sadd.s32 @p2 s5, s0  }
0x1ba: {  	[tilespmem:s19], [sflag:$0x3] =	stream.linear.gather @p2 [hbm4b:s9+s3], $0x80, $0x38;
	[tilespmem:$0x1C400] =	vst v63  }
0x1bb: {  	s3 =	sadd.s32 @!p2 $0x0, s10  }
0x1bc: {  	s9 =	simm.s32 @!p2 $0x0;
	s19 =	simm.s32 @!p2 $0x1C000;
	s3 =	sadd.s32 @!p2 $0x40, s3  }
0x1bd: {  	[tilespmem:s19], [sflag:$0x3] =	stream.linear.gather @!p2 [hbm4b:s3+s9], $0x80, $0x38;
	[tilespmem:$0x1C400] =	vst v63  }
0x1be: {  	s3 =	sadd.s32 @!p2 $0x0, s11  }
0x1bf: {  	s0 =	sadd.s32 @p2 s6, s0;
	s3 =	sadd.s32 @!p2 $0x40, s3  }
0x1c0: {  	s3 =	smov.u32 @p2 s0  }
0x1c1: {  	[tilespmem:s28], [sflag:$0x3] =	stream.linear.gather [hbm4b:s3+s4], $0x80, $0x38;
	[tilespmem:$0x1C400] =	vst v63  }
0x1c2: {  	_ =	swait.ge [sflag:s17], $0x4000  }
0x1c3: {  	[sflag:s17] =	ssyncset.done $0x0  }
0x1c4: {  	[sflag:s17] =	ssyncadd.s32 $0xFFFFC000  }
0x1c5: {  	[spmem:s2] =	stream.indirect.scatter.add.f32 [tilespmem:s8], [sflag:$0x7], $0x80, s12, s7, $0xb8;
	[tilespmem:$0x1C400] =	vst v63  }
0x1c6: {  	_ =	swait.ge [sflag:s30], $0x4000  }
0x1c7: {  	[sflag:s30] =	ssyncset.done $0x0  }
0x1c8: {  	[sflag:s30] =	ssyncadd.s32 $0xFFFFC000  }
0x1c9: {  	_ =	swait.ge [sflag:s23], $0x80  }
0x1ca: {  	[sflag:s23] =	ssyncset.done $0x0  }
0x1cb: {  	s28 =	sadd.s32 $0xFFFFFFFF, s1;
	[sflag:s23] =	ssyncadd.s32 $0xFFFFFF80  }
0x1cc: {  	p2 =	sgt.u32 s28, $0x9C3;
	_ =	swait.ge [sflag:s23], $0x80  }
0x1cd: {  	s0 =	sadd.s32 @p2 $0x100, s20;
	[sflag:s23] =	ssyncset.done $0x0  }
0x1ce: {  	s0 =	sshrl.u32 @p2 s0, $0x3;
	[sflag:s23] =	ssyncadd.s32 $0xFFFFFF80  }
0x1cf: {  	[tilespmem:s8], [sflag:$0x2] =	stream.indirect.gather [hbm4b:s22+s7], $0x80, s26, s7, $0xb8;
	[tilespmem:$0x1C400] =	vst v63  }
0x1d0: {  	s3 =	simm.s32 @p2 $0x0;
	s19 =	simm.s32 @p2 $0x1C080;
	s9 =	sadd.s32 @p2 s5, s0  }
0x1d1: {  	[tilespmem:s19], [sflag:$0x4] =	stream.linear.gather @p2 [hbm4b:s9+s3], $0x80, $0x38;
	[tilespmem:$0x1C400] =	vst v63  }
0x1d2: {  	s3 =	sadd.s32 @!p2 $0x0, s10  }
0x1d3: {  	s9 =	simm.s32 @!p2 $0x0;
	s19 =	simm.s32 @!p2 $0x1C080;
	s3 =	sadd.s32 @!p2 $0x50, s3  }
0x1d4: {  	[tilespmem:s19], [sflag:$0x4] =	stream.linear.gather @!p2 [hbm4b:s3+s9], $0x80, $0x38;
	[tilespmem:$0x1C400] =	vst v63  }
0x1d5: {  	s3 =	sadd.s32 @!p2 $0x0, s11  }
0x1d6: {  	s0 =	sadd.s32 @p2 s6, s0;
	s3 =	sadd.s32 @!p2 $0x50, s3  }
0x1d7: {  	s3 =	smov.u32 @p2 s0  }
0x1d8: {  	[tilespmem:s12], [sflag:$0x4] =	stream.linear.gather [hbm4b:s3+s4], $0x80, $0x38;
	[tilespmem:$0x1C400] =	vst v63  }
0x1d9: {  	_ =	swait.ge [sflag:s13], $0x4000  }
0x1da: {  	[sflag:s13] =	ssyncset.done $0x0  }
0x1db: {  	[sflag:s13] =	ssyncadd.s32 $0xFFFFC000  }
0x1dc: {  	[spmem:s2] =	stream.indirect.scatter.add.f32 [tilespmem:s18], [sflag:$0x7], $0x80, s15, s7, $0xb8;
	[tilespmem:$0x1C400] =	vst v63  }
0x1dd: {  	_ =	swait.ge [sflag:s30], $0x4000  }
0x1de: {  	[sflag:s30] =	ssyncset.done $0x0  }
0x1df: {  	[sflag:s30] =	ssyncadd.s32 $0xFFFFC000  }
0x1e0: {  	_ =	swait.ge [sflag:s24], $0x80  }
0x1e1: {  	[sflag:s24] =	ssyncset.done $0x0  }
0x1e2: {  	[sflag:s24] =	ssyncadd.s32 $0xFFFFFF80  }
0x1e3: {  	p2 =	sgt.u32 s1, $0x9C3;
	_ =	swait.ge [sflag:s24], $0x80  }
0x1e4: {  	s0 =	sadd.s32 @p2 $0x180, s20;
	[sflag:s24] =	ssyncset.done $0x0  }
0x1e5: {  	s0 =	sshrl.u32 @p2 s0, $0x3;
	[sflag:s24] =	ssyncadd.s32 $0xFFFFFF80  }
0x1e6: {  	[tilespmem:s18], [sflag:$0x1] =	stream.indirect.gather [hbm4b:s22+s7], $0x80, s31, s7, $0xb8;
	[tilespmem:$0x1C400] =	vst v63  }
0x1e7: {  	s3 =	simm.s32 @p2 $0x0;
	s19 =	simm.s32 @p2 $0x1C100;
	s9 =	sadd.s32 @p2 s5, s0  }
0x1e8: {  	[tilespmem:s19], [sflag:$0x5] =	stream.linear.gather @p2 [hbm4b:s9+s3], $0x80, $0x38;
	[tilespmem:$0x1C400] =	vst v63  }
0x1e9: {  	s3 =	sadd.s32 @!p2 $0x0, s10  }
0x1ea: {  	s9 =	simm.s32 @!p2 $0x0;
	s19 =	simm.s32 @!p2 $0x1C100;
	s3 =	sadd.s32 @!p2 $0x60, s3  }
0x1eb: {  	[tilespmem:s19], [sflag:$0x5] =	stream.linear.gather @!p2 [hbm4b:s3+s9], $0x80, $0x38;
	[tilespmem:$0x1C400] =	vst v63  }
0x1ec: {  	s3 =	sadd.s32 @!p2 $0x0, s11  }
0x1ed: {  	s26 =	sadd.s32 $0x4, s1;
	s0 =	sadd.s32 @p2 s6, s0;
	s29 =	sadd.s32 @!p2 $0x60, s3  }
0x1ee: {  	s20 =	sadd.s32 $0x200, s20;
	s9 =	simm.s32 $0x40;
	s29 =	smov.u32 @p2 s0  }
.LBB2_6:
0x1ef: {  	s12 =	simm.s32 $0x1C300  }
0x1f0: {  	[tilespmem:s12], [sflag:$0x5] =	stream.linear.gather [hbm4b:s29+s4], $0x80, $0x38;
	[tilespmem:$0x1C400] =	vst v63  }
0x1f1: {  	s28 =	smov.u32 s9;
	s9 =	sadd.s32 $0x40, s9;
	_ =	swait.ge [sflag:s17], $0x4000  }
0x1f2: {  	p2 =	sne.s32 s9, $0x9C0;
	[sflag:s17] =	ssyncset.done $0x0  }
0x1f3: {  	s15 =	simm.s32 $0x1C380;
	[sflag:s17] =	ssyncadd.s32 $0xFFFFC000  }
0x1f4: {  	[spmem:s2] =	stream.indirect.scatter.add.f32 [tilespmem:s8], [sflag:$0x7], $0x80, s15, s7, $0xb8;
	[tilespmem:$0x1C400] =	vst v63  }
0x1f5: {  	_ =	swait.ge [sflag:s30], $0x4000  }
0x1f6: {  	s0 =	sadd.s32 $0xFFFFFFFD, s26;
	[sflag:s30] =	ssyncset.done $0x0  }
0x1f7: {  	p3 =	sgt.u32 s0, $0x9C3;
	[sflag:s30] =	ssyncadd.s32 $0xFFFFC000  }
0x1f8: {  	s0 =	sshrl.u32 @p3 s20, $0x3;
	s3 =	simm.s32 @!p3 $0x0;
	_ =	swait.ge [sflag:s16], $0x80  }
0x1f9: {  	s21 =	simm.s32 @p3 $0x1C180;
	s19 =	sadd.s32 @p3 s5, s0;
	[sflag:s16] =	ssyncset.done $0x0  }
0x1fa: {  	s25 =	sadd.s32 @!p3 s28, s10;
	s29 =	sadd.s32 @!p3 s28, s11;
	[sflag:s16] =	ssyncadd.s32 $0xFFFFFF80  }
0x1fb: {  	s0 =	sadd.s32 @p3 s6, s0;
	s25 =	sadd.s32 @!p3 $0x30, s25;
	_ =	swait.ge [sflag:s16], $0x80  }
0x1fc: {  	s29 =	sadd.s32 @!p3 $0x30, s29;
	[sflag:s16] =	ssyncset.done $0x0  }
0x1fd: {  	s29 =	smov.u32 @p3 s0;
	s0 =	simm.s32 $0x1C080;
	[sflag:s16] =	ssyncadd.s32 $0xFFFFFF80  }
0x1fe: {  	[tilespmem:s8], [sflag:$0x2] =	stream.indirect.gather [hbm4b:s22+s7], $0x80, s0, s7, $0xb8;
	[tilespmem:$0x1C400] =	vst v63  }
0x1ff: {  	s0 =	simm.s32 @p3 $0x0  }
0x200: {  	[tilespmem:s21], [sflag:$0x6] =	stream.linear.gather @p3 [hbm4b:s19+s0], $0x80, $0x38;
	[tilespmem:$0x1C400] =	vst v63  }
0x201: {  	s0 =	simm.s32 @!p3 $0x1C180  }
0x202: {  	[tilespmem:s0], [sflag:$0x6] =	stream.linear.gather @!p3 [hbm4b:s25+s3], $0x80, $0x38;
	[tilespmem:$0x1C400] =	vst v63  }
0x203: {  	_ = 	snop  }
0x204: {  	[tilespmem:s15], [sflag:$0x6] =	stream.linear.gather [hbm4b:s29+s4], $0x80, $0x38;
	[tilespmem:$0x1C400] =	vst v63  }
0x205: {  	_ =	swait.ge [sflag:s13], $0x4000  }
0x206: {  	[sflag:s13] =	ssyncset.done $0x0  }
0x207: {  	s29 =	simm.s32 $0x1C200;
	[sflag:s13] =	ssyncadd.s32 $0xFFFFC000  }
0x208: {  	[spmem:s2] =	stream.indirect.scatter.add.f32 [tilespmem:s18], [sflag:$0x7], $0x80, s29, s7, $0xb8;
	[tilespmem:$0x1C400] =	vst v63  }
0x209: {  	_ =	swait.ge [sflag:s30], $0x4000  }
0x20a: {  	s0 =	sadd.s32 $0xFFFFFFFE, s26;
	[sflag:s30] =	ssyncset.done $0x0  }
0x20b: {  	p3 =	sgt.u32 s0, $0x9C3;
	[sflag:s30] =	ssyncadd.s32 $0xFFFFC000  }
0x20c: {  	s0 =	sadd.s32 @p3 $0x80, s20;
	_ =	swait.ge [sflag:s14], $0x80  }
0x20d: {  	s3 =	simm.s32 @p3 $0x0;
	s19 =	sadd.s32 @!p3 s28, s11;
	[sflag:s14] =	ssyncset.done $0x0  }
0x20e: {  	s25 =	sadd.s32 @!p3 s28, s10;
	s0 =	sshrl.u32 @p3 s0, $0x3;
	[sflag:s14] =	ssyncadd.s32 $0xFFFFFF80  }
0x20f: {  	s19 =	sadd.s32 @!p3 $0x40, s19;
	s21 =	sadd.s32 @p3 s5, s0;
	_ =	swait.ge [sflag:s14], $0x80  }
0x210: {  	s25 =	sadd.s32 @!p3 $0x40, s25;
	s0 =	sadd.s32 @p3 s6, s0;
	[sflag:s14] =	ssyncset.done $0x0  }
0x211: {  	s19 =	smov.u32 @p3 s0;
	s0 =	simm.s32 $0x1C100;
	[sflag:s14] =	ssyncadd.s32 $0xFFFFFF80  }
0x212: {  	[tilespmem:s18], [sflag:$0x1] =	stream.indirect.gather [hbm4b:s22+s7], $0x80, s0, s7, $0xb8;
	[tilespmem:$0x1C400] =	vst v63  }
0x213: {  	s0 =	simm.s32 @p3 $0x1C000  }
0x214: {  	[tilespmem:s0], [sflag:$0x3] =	stream.linear.gather @p3 [hbm4b:s21+s3], $0x80, $0x38;
	[tilespmem:$0x1C400] =	vst v63  }
0x215: {  	s0 =	simm.s32 @!p3 $0x0;
	s3 =	simm.s32 @!p3 $0x1C000  }
0x216: {  	[tilespmem:s3], [sflag:$0x3] =	stream.linear.gather @!p3 [hbm4b:s25+s0], $0x80, $0x38;
	[tilespmem:$0x1C400] =	vst v63  }
0x217: {  	s15 =	simm.s32 $0x1C200  }
0x218: {  	[tilespmem:s29], [sflag:$0x3] =	stream.linear.gather [hbm4b:s19+s4], $0x80, $0x38;
	[tilespmem:$0x1C400] =	vst v63  }
0x219: {  	_ =	swait.ge [sflag:s17], $0x4000  }
0x21a: {  	[sflag:s17] =	ssyncset.done $0x0  }
0x21b: {  	s18 =	simm.s32 $0x0;
	s4 =	simm.s32 $0x1C280;
	[sflag:s17] =	ssyncadd.s32 $0xFFFFC000  }
0x21c: {  	[spmem:s2] =	stream.indirect.scatter.add.f32 [tilespmem:s8], [sflag:$0x7], $0x80, s4, s7, $0xb8;
	[tilespmem:$0x1C400] =	vst v63  }
0x21d: {  	_ =	swait.ge [sflag:s30], $0x4000  }
0x21e: {  	[sflag:s30] =	ssyncset.done $0x0  }
0x21f: {  	s0 =	sadd.s32 $0xFFFFFFFF, s26;
	[sflag:s30] =	ssyncadd.s32 $0xFFFFC000  }
0x220: {  	p3 =	sgt.u32 s0, $0x9C3;
	_ =	swait.ge [sflag:s23], $0x80  }
0x221: {  	s0 =	sadd.s32 @p3 $0x100, s20;
	[sflag:s23] =	ssyncset.done $0x0  }
0x222: {  	s3 =	simm.s32 @p3 $0x0;
	s19 =	sadd.s32 @!p3 s28, s11;
	[sflag:s23] =	ssyncadd.s32 $0xFFFFFF80  }
0x223: {  	s25 =	sadd.s32 @!p3 s28, s10;
	s0 =	sshrl.u32 @p3 s0, $0x3;
	_ =	swait.ge [sflag:s23], $0x80  }
0x224: {  	s19 =	sadd.s32 @!p3 $0x50, s19;
	s21 =	sadd.s32 @p3 s5, s0;
	[sflag:s23] =	ssyncset.done $0x0  }
0x225: {  	s29 =	simm.s32 $0x1C180;
	s0 =	sadd.s32 @p3 s6, s0;
	[sflag:s23] =	ssyncadd.s32 $0xFFFFFF80  }
0x226: {  	[tilespmem:s8], [sflag:$0x2] =	stream.indirect.gather [hbm4b:s22+s7], $0x80, s29, s7, $0xb8;
	[tilespmem:$0x1C400] =	vst v63  }
0x227: {  	s25 =	sadd.s32 @!p3 $0x50, s25;
	s19 =	smov.u32 @p3 s0;
	s29 =	simm.s32 @p3 $0x1C080  }
0x228: {  	[tilespmem:s29], [sflag:$0x4] =	stream.linear.gather @p3 [hbm4b:s21+s3], $0x80, $0x38;
	[tilespmem:$0x1C400] =	vst v63  }
0x229: {  	s0 =	simm.s32 @!p3 $0x0;
	s3 =	simm.s32 @!p3 $0x1C080  }
0x22a: {  	[tilespmem:s3], [sflag:$0x4] =	stream.linear.gather @!p3 [hbm4b:s25+s0], $0x80, $0x38;
	[tilespmem:$0x1C400] =	vst v63  }
0x22b: {  	_ = 	snop  }
0x22c: {  	[tilespmem:s4], [sflag:$0x4] =	stream.linear.gather [hbm4b:s19+s18], $0x80, $0x38;
	[tilespmem:$0x1C400] =	vst v63  }
0x22d: {  	s1 =	simm.s32 $0x1C280;
	s18 =	simm.s32 $0x14000;
	s4 =	simm.s32 $0x0  }
0x22e: {  	_ =	swait.ge [sflag:s13], $0x4000  }
0x22f: {  	[sflag:s13] =	ssyncset.done $0x0  }
0x230: {  	[sflag:s13] =	ssyncadd.s32 $0xFFFFC000  }
0x231: {  	[spmem:s2] =	stream.indirect.scatter.add.f32 [tilespmem:s18], [sflag:$0x7], $0x80, s12, s7, $0xb8;
	[tilespmem:$0x1C400] =	vst v63  }
0x232: {  	_ =	swait.ge [sflag:s30], $0x4000  }
0x233: {  	[sflag:s30] =	ssyncset.done $0x0  }
0x234: {  	[sflag:s30] =	ssyncadd.s32 $0xFFFFC000  }
0x235: {  	_ =	swait.ge [sflag:s24], $0x80  }
0x236: {  	[sflag:s24] =	ssyncset.done $0x0  }
0x237: {  	[sflag:s24] =	ssyncadd.s32 $0xFFFFFF80  }
0x238: {  	p3 =	sgt.u32 s26, $0x9C3;
	_ =	swait.ge [sflag:s24], $0x80  }
0x239: {  	s0 =	sadd.s32 @p3 $0x180, s20;
	s3 =	simm.s32 @p3 $0x0;
	[sflag:s24] =	ssyncset.done $0x0  }
0x23a: {  	s0 =	sshrl.u32 @p3 s0, $0x3;
	s19 =	sadd.s32 @!p3 s28, s11;
	[sflag:s24] =	ssyncadd.s32 $0xFFFFFF80  }
0x23b: {  	s25 =	simm.s32 @p3 $0x1C100;
	s21 =	sadd.s32 @p3 s5, s0;
	s29 =	sadd.s32 @!p3 $0x60, s19  }
0x23c: {  	[tilespmem:s18], [sflag:$0x1] =	stream.indirect.gather [hbm4b:s22+s7], $0x80, s31, s7, $0xb8;
	[tilespmem:$0x1C400] =	vst v63  }
0x23d: {  	s19 =	sadd.s32 @!p3 s28, s10;
	s28 =	simm.s32 @!p3 $0x0;
	s31 =	simm.s32 @!p3 $0x1C100  }
0x23e: {  	[tilespmem:s25], [sflag:$0x5] =	stream.linear.gather @p3 [hbm4b:s21+s3], $0x80, $0x38;
	[tilespmem:$0x1C400] =	vst v63  }
.Ltmp5:
0x23f: {  	_ = 	snop;
	(pc) =	sbr.rel @p2 .LBB2_6-.Ltmp5, $4  }
0x240: {  	s0 =	sadd.s32 @p3 s6, s0;
	s3 =	sadd.s32 @!p3 $0x60, s19  }
0x241: {  	[tilespmem:s31], [sflag:$0x5] =	stream.linear.gather @!p3 [hbm4b:s3+s28], $0x80, $0x38;
	[tilespmem:$0x1C400] =	vst v63  }
0x242: {  	s31 =	simm.s32 $0x1C000  }
0x243: {  	s26 =	sadd.s32 $0x4, s26;
	s20 =	sadd.s32 $0x200, s20;
	s29 =	smov.u32 @p3 s0  }
.Ltmp6:
0x244: {  	_ = 	snop;
	(pc) =	sbr.rel .LBB2_7-.Ltmp6, $1  }
0x245: {  	_ =	sdelay $0x3  }
.LBB2_9:
0x246: {  	_ =	sfence.sel $0x180000  }
0x247: {  	[bflag:$0x0] =	sbarrier.arrive $0xFFFF  }
0x248: {  	_ =	strace $0x90000047  }
0x249: {  	s0 =	stileid.u32;
	[bflag:$0x2] =	sbarrier.arrive $0xFFFF  }
0x24a: {  	p0 =	sne.s32 s0, $0x0;
	s0 =	rddreg [dreg:$0x2]  }
0x24b: {  	s0 =	sadd.s32 @!p0 $0x100000, s0  }
0x24c: {  	[sflag:s0] =	ssyncadd.tile.s32 @!p0 $0x1;
	_ =	shalt  }
.Lfunc_end2:
_tile_overlayer_lowered:
.L_overlay_start_2:
0x24d: {  	(tag) =	ssettag $0x2  }
0x24e: {  	s0 =	rddreg [dreg:$0x0];
	s2 =	stileid.u32  }
0x24f: {  	s1 =	rddreg [dreg:$0x1];
	p0 =	sne.s32 s2, $0x0  }
0x250: {  	s3 =	rddreg [dreg:$0x2];
	[bflag:$0x3] =	sbarrier.arrive $0xFFFF;
	s2 =	simm.s32 @!p0 $0x1C07  }
0x251: {  	[timem:s3], [sflag:s2] =	dma.local @!p0 [hbm:s0], s1  }
0x252: {  	s0 =	simm.s32 @!p0 $0x7  }
0x253: {  	_ =	swait.ge @!p0 [sflag:s0], s1  }
0x254: {  	s1 =	ssub.s32 @!p0 $0x0, s1;
	[sflag:s0] =	ssyncset.done @!p0 $0x0  }
0x255: {  	[sflag:s0] =	ssyncadd.s32 @!p0 s1  }
0x256: {  	[bflag:$0x3] =	sbarrier.arrive $0xFFFF  }
0x257: {  	_ =	shalt  }

// kernel: kernel.16.cloned.1.call-start
scs
__scs_entry_jumppad:
0x0: {  	(pc) =	sbr.rel $0x88, $3  }
0x1: {  	(tag) =	ssettag $0x0;
	lr =	simm.s32 $0x1  }
0x2: {  	[smem:$0x3F94] =	sst lr;
	_ =	strace $0xD0000000  }
0x3: {  	_ = 	snop  }
0x4: {  	_ = 	snop  }
0x5: {  	_ = 	snop  }
0x6: {  	_ = 	snop  }
0x7: {  	_ = 	snop  }
__scs_overlays_trampoline_lowered:
0x8: {  	[smem:$0x3FA3] =	sst s0  }
0x9: {  	[smem:$0x3FA4] =	sst s1  }
0xa: {  	[smem:$0x3FA5] =	sst s2  }
0xb: {  	[smem:$0x3FA6] =	sst s3  }
0xc: {  	[smem:$0x3FA7] =	sst s4  }
0xd: {  	[smem:$0x3FA8] =	sst s5  }
0xe: {  	[smem:$0x3FA9] =	sst s6  }
0xf: {  	[smem:$0x3FAA] =	sst s7  }
0x10: {  	[smem:$0x3FAB] =	sst s8  }
0x11: {  	[smem:$0x3FAC] =	sst s9;
	s0 =	simm.s32 @!p0 $0x0  }
0x12: {  	s1 =	sld [smem:$0x3F92];
	s0 =	simm.s32 @p0 $0x1  }
0x13: {  	[smem:$0x3FAD] =	sst s0;
	s0 =	simm.s32 @!p1 $0x0  }
0x14: {  	s2 =	sld [smem:$0x3F91];
	s0 =	simm.s32 @p1 $0x1  }
0x15: {  	[smem:$0x3FAE] =	sst s0;
	s0 =	simm.s32 @!p2 $0x0  }
0x16: {  	s3 =	sld [smem:$0x3FDB];
	s0 =	simm.s32 @p2 $0x1  }
0x17: {  	s4 =	simm.s32 $0x1BF5;
	[smem:$0x3FB0] =	sst s0  }
0x18: {  	s0 =	sld [smem:$0x3F93];
	_ =	swait.ge [sflag:s4], $0x0  }
0x19: {  	s7 =	sld [smem:$0x3F94]  }
0x1a: {  	s8 =	sadd.s32 $0xFFFFE003, lr  }
0x1b: {  	s9 =	sadd.s32 $0xFFFFFEF7, lr;
	s5 =	simm.s32 $0xFFFFFFFF;
	p2 =	slt.u32 s8, $0xFFFFF086  }
0x1c: {  	p1 =	slt.u32 s9, $0xF7A;
	s5 =	simm.s32 @!p2 $0x0  }
0x1d: {  	s5 =	simm.s32 @p1 $0x1;
	p0 =	seq.s32 s7, s2  }
0x1e: {  	s7 =	smul.u32 @!p0 $0xF7A, s2;
	p2 =	seq.s32 @!p0 s5, $0x0  }
0x1f: {  	s9 =	smul.u32 $0xF7A, s1;
	s8 =	simm.s32 @!p0 $0x1BF5;
	p2 =	por !p2, p0  }
0x20: {  	[sflag:s8] =	ssyncset.s32 @!p0 $0xFFFFF086;
	s6 =	sadd.s32 @!p0 s3, s7;
	s7 =	simm.s32 @!p0 $0x108  }
0x21: {  	s3 =	sadd.s32 s3, s9;
	s6 =	sadd.s32 @!p0 $0x88, s6;
	s7 =	simm.s32 @p2 $0x1082  }
0x22: {  	[simem:s7], [sflag:s8] =	dma.local @!p0 [hbm:s6], $0xF7A  }
0x23: {  	s9 =	sor.u32 $0xD0000000, s2;
	s6 =	simm.s32 $0x108;
	_ =	swait.ge @!p0 [sflag:s8], $0x0  }
0x24: {  	s3 =	sadd.s32 $0x88, s3;
	s6 =	simm.s32 @!p1 $0x1082;
	[sflag:s4] =	ssyncset.s32 $0xFFFFF086  }
0x25: {  	[simem:s6], [sflag:s4] =	dma.local [hbm:s3], $0xF7A  }
0x26: {  	[smem:$0x3F94] =	sst s1;
	(tag) =	ssettag s2;
	_ =	strace s9  }
0x27: {  	s1 =	sld [smem:$0x3FA4]  }
0x28: {  	s2 =	sld [smem:$0x3FA5]  }
0x29: {  	s4 =	sld [smem:$0x3FA7]  }
0x2a: {  	p0 =	seq.s32 s5, $0x0;
	s5 =	sld [smem:$0x3FA8]  }
0x2b: {  	s6 =	sld [smem:$0x3FA9]  }
0x2c: {  	s7 =	sld [smem:$0x3FAA]  }
0x2d: {  	s3 =	simm.s32 $0x108;
	s8 =	sld [smem:$0x3FAB]  }
0x2e: {  	s3 =	simm.s32 @!p0 $0x1082;
	s9 =	sld [smem:$0x3FAC]  }
0x2f: {  	lr =	sadd.s32 s0, s3;
	s0 =	sld [smem:$0x3FA3]  }
0x30: {  	s3 =	sld [smem:$0x3FA6]  }
0x31: {  	[smem:$0x3FAF] =	sst s10  }
0x32: {  	s10 =	sld [smem:$0x3FAD];
	_ =	sdelay $0x3  }
0x33: {  	p0 =	seq.s32 s10, $0x1;
	s10 =	sld [smem:$0x3FAF];
	_ =	sdelay $0x3  }
0x34: {  	[smem:$0x3FAF] =	sst s10  }
0x35: {  	s10 =	sld [smem:$0x3FAE];
	_ =	sdelay $0x3  }
0x36: {  	p1 =	seq.s32 s10, $0x1;
	s10 =	sld [smem:$0x3FAF];
	_ =	sdelay $0x3  }
0x37: {  	[smem:$0x3FAF] =	sst s10  }
0x38: {  	s10 =	sld [smem:$0x3FB0]  }
0x39: {  	_ = 	snop;
	(pc) =	sbr.ind lr, $3  }
0x3a: {  	_ = 	snop  }
0x3b: {  	_ = 	snop  }
0x3c: {  	p2 =	seq.s32 s10, $0x1;
	s10 =	sld [smem:$0x3FAF]  }
0x3d: {  	_ =	shalt  }
0x3e: {  	_ =	shalt  }
0x3f: {  	_ =	shalt  }
0x40: {  	_ =	shalt  }
0x41: {  	_ =	shalt  }
0x42: {  	_ =	shalt  }
0x43: {  	_ =	shalt  }
0x44: {  	_ =	shalt  }
0x45: {  	_ =	shalt  }
0x46: {  	_ =	shalt  }
0x47: {  	_ =	shalt  }
0x48: {  	_ =	shalt  }
0x49: {  	_ =	shalt  }
0x4a: {  	_ =	shalt  }
0x4b: {  	_ =	shalt  }
0x4c: {  	_ =	shalt  }
0x4d: {  	_ =	shalt  }
0x4e: {  	_ =	shalt  }
0x4f: {  	_ =	shalt  }
0x50: {  	_ =	shalt  }
0x51: {  	_ =	shalt  }
0x52: {  	_ =	shalt  }
0x53: {  	_ =	shalt  }
0x54: {  	_ =	shalt  }
0x55: {  	_ =	shalt  }
0x56: {  	_ =	shalt  }
0x57: {  	_ =	shalt  }
0x58: {  	_ =	shalt  }
0x59: {  	_ =	shalt  }
0x5a: {  	_ =	shalt  }
0x5b: {  	_ =	shalt  }
0x5c: {  	_ =	shalt  }
0x5d: {  	_ =	shalt  }
0x5e: {  	_ =	shalt  }
0x5f: {  	_ =	shalt  }
0x60: {  	_ =	shalt  }
0x61: {  	_ =	shalt  }
0x62: {  	_ =	shalt  }
0x63: {  	_ =	shalt  }
0x64: {  	_ =	shalt  }
0x65: {  	_ =	shalt  }
0x66: {  	_ =	shalt  }
0x67: {  	_ =	shalt  }
0x68: {  	_ =	shalt  }
0x69: {  	_ =	shalt  }
0x6a: {  	_ =	shalt  }
0x6b: {  	_ =	shalt  }
0x6c: {  	_ =	shalt  }
0x6d: {  	_ =	shalt  }
0x6e: {  	_ =	shalt  }
0x6f: {  	_ =	shalt  }
0x70: {  	_ =	shalt  }
0x71: {  	_ =	shalt  }
0x72: {  	_ =	shalt  }
0x73: {  	_ =	shalt  }
0x74: {  	_ =	shalt  }
0x75: {  	_ =	shalt  }
0x76: {  	_ =	shalt  }
0x77: {  	_ =	shalt  }
0x78: {  	_ =	shalt  }
0x79: {  	_ =	shalt  }
0x7a: {  	_ =	shalt  }
0x7b: {  	_ =	shalt  }
0x7c: {  	_ =	shalt  }
0x7d: {  	_ =	shalt  }
0x7e: {  	_ =	shalt  }
0x7f: {  	_ =	shalt  }
0x80: {  	_ =	shalt  }
0x81: {  	_ =	shalt  }
0x82: {  	_ =	shalt  }
0x83: {  	_ =	shalt  }
0x84: {  	_ =	shalt  }
0x85: {  	_ =	shalt  }
0x86: {  	_ =	shalt  }
0x87: {  	_ =	shalt  }
.Lfunc_end0:
.L_simem_size_0:
called_computation.2_lowered:
.L_overlay_start_0:
0x88: {  	s2 =	sld [smem:$0x3FD9]  }
0x89: {  	s3 =	sld [smem:$0x3FFE];
	_ =	sdelay $0x1  }
0x8a: {  	s1 =	srdreg.scid  }
0x8b: {  	s0 =	sand.u32 $0x1, s1  }
0x8c: {  	s16 =	sshll.u32 s0, $0xA;
	s2 =	sadd.s32 s3, s2  }
0x8d: {  	s2 =	sadd.s32 s2, s16  }
0x8e: {  	[smem:$0x3FBB] =	sst s2  }
0x8f: {  	_ = 	snop  }
0x90: {  	(tm) =	ssettm $0x1  }
0x91: {  	s17 =	sld [smem:$0x3FFB];
	_ =	sdelay $0x3  }
0x92: {  	_ =	strace s17  }
0x93: {  	s2 =	sld [smem:$0x3FFC];
	_ =	sdelay $0x3  }
0x94: {  	_ =	strace s2  }
0x95: {  	s2 =	sld [smem:$0x3FFD];
	_ =	sdelay $0x3  }
0x96: {  	_ =	strace s2  }
0x97: {  	_ =	strace $0x8FFFFFFF  }
0x98: {  	s18 =	sld [smem:$0x3FDB];
	_ =	sdelay $0x1  }
0x99: {  	s19 =	simm.s32 $_scs_section_size  }
0x9a: {  	s4 =	simm.s32 $_size__tile_overlayer_lowered;
	s5 =	simm.s32 $_tile_overlayer_lowered  }
0x9b: {  	s22 =	simm.s32 $0x1BFF;
	s21 =	sshll.u32 s5, $0x1;
	s2 =	sadd.s32 s19, s18  }
0x9c: {  	s6 =	simm.s32 $0x0;
	s20 =	sshll.u32 s4, $0x1;
	s4 =	sadd.s32 s21, s2  }
0x9d: {  	[timem:s6], [sflag:s22] =	dma.local [hbm:s4], s20  }
0x9e: {  	_ =	swait.ge [sflag:s22], s20  }
0x9f: {  	s3 =	ssub.s32 $0x0, s20;
	[sflag:s22] =	ssyncset.done $0x0  }
0xa0: {  	[sflag:s22] =	ssyncadd.s32 s3;
	_ =	sdelay $0x1  }
0xa1: {  	s23 =	simm.s32 $0x1B8B  }
0xa2: {  	_ =	swait.ge [sflag:s23], $0x1  }
0xa3: {  	[sflag:s23] =	ssyncset.done $0x0  }
0xa4: {  	s25 =	simm.s32 $0x1B8E;
	s24 =	sld [smem:$0x3FFE];
	[sflag:s23] =	ssyncadd.s32 $0xFFFFFFFF  }
0xa5: {  	s26 =	simm.s32 $execute0_lowered;
	[smem:$0x3FD2] =	sst s25  }
0xa6: {  	s4 =	sshll.u32 s26, $0x1;
	_ =	strace $0x8000004C;
	[dreg:$0x1] =	wrdreg $0xFFFFFFFF  }
0xa7: {  	s28 =	simm.s32 $_size_execute0_lowered;
	s2 =	sadd.s32 s2, s4;
	[dreg:$0x0] =	wrdreg $0x0  }
0xa8: {  	s4 =	sshll.u32 s28, $0x1;
	[dreg:$0x2] =	wrdreg s2  }
0xa9: {  	[dreg:$0x3] =	wrdreg s4  }
0xaa: {  	[dreg:$0x4] =	wrdreg $0xC0  }
0xab: {  	_ =	task [dreg:s6], $0x5FFFF  }
0xac: {  	[dreg:$0x1] =	wrdreg $0xFFFFFFFF  }
0xad: {  	[dreg:$0x0] =	wrdreg $0x60  }
0xae: {  	[dreg:$0x2] =	wrdreg s24  }
0xaf: {  	[dreg:$0x3] =	wrdreg $0x0  }
0xb0: {  	[dreg:$0x4] =	wrdreg $0x9  }
0xb1: {  	_ =	task.clear_ibuf [dreg:s6], $0x5FFFF;
	_ =	strace $0x9000004C  }
0xb2: {  	s29 =	simm.s32 $0x9;
	_ =	strace $0x8000004E  }
0xb3: {  	_ =	swait.ge [sflag:s29], $0x1  }
0xb4: {  	[sflag:s29] =	ssyncadd.s32 $0xFFFFFFFF  }
0xb5: {  	_ =	strace $0x9000004E  }
0xb6: {  	_ =	sfence  }
0xb7: {  	s30 =	sld [smem:$0x0];
	_ =	sdelay $0x2  }
0xb8: {  	s31 =	sshll.u32 s1, $0xD;
	s1 =	sshrl.u32 s1, $0x2  }
0xb9: {  	s3 =	sand.u32 $0x4000, s31;
	s1 =	sadd.s32 s1, s30  }
0xba: {  	s0 =	sor.u32 s3, s0;
	s1 =	sshll.u32 s1, $0x11  }
0xbb: {  	s0 =	sor.u32 s1, s0  }
0xbc: {  	s0 =	sadd.s32 $0x8F2B, s0  }
0xbd: {  	[sflag:s0] =	ssyncadd.remote.s32 $0x1  }
0xbe: {  	_ =	sfence.sel $0xFFFF  }
0xbf: {  	[dreg:$0x0] =	wrdreg $0xFFFFFFFF;
	(pc) =	sbr.abs _section_cstart, $3  }
0xc0: {  	[dreg:$0x1] =	wrdreg $0xFFFFFFFF  }
0xc1: {  	_ =	task.clear_ibuf [dreg:s6], $0x2FFFF;
	_ =	strace $0x9FFFFFFF  }
0xc2: {  	(tm) =	ssettm $0x7FFFFFFF  }
0xc3: {  	_ =	shalt  }
tec
execute0_lowered:
.L_overlay_start_1:
0x0: {  	(tag) =	ssettag $0x1  }
0x1: {  	s0 =	rddreg [dreg:$0x0]  }
0x2: {  	s2 =	rddreg [dreg:$0x1];
	s4 =	simm.s32 $0x0;
	s17 =	stileid.u32  }
0x3: {  	s8 =	srdreg.scid;
	s30 =	simm.s32 $0x7;
	s31 =	simm.s32 $0x1C000  }
0x4: {  	s29 =	simm.s32 $0x1C380;
	[smem:$0x7FF] =	sst s4;
	s1 =	sadd.s32 $0x66200, s0  }
0x5: {  	s3 =	sadd.s32 $0x3C00, s0;
	s7 =	sadd.s32 $0xDA00, s0;
	s11 =	smul.u32 $0x2800, s17  }
0x6: {  	s5 =	sadd.s32 $0x17800, s0;
	s6 =	sadd.s32 $0x17C00, s0;
	s10 =	smul.u32 $0x50000, s17  }
0x7: {  	s8 =	sand.u32 $0x1, s8;
	s9 =	sadd.s32 $0xB4400, s0;
	s13 =	smul.u32 $0xA00, s17  }
0x8: {  	s14 =	smul.u32 $0x5000, s17;
	p0 =	seq.s32 s17, $0xF;
	s20 =	sshll.u32 s17, $0x6  }
0x9: {  	s23 =	sadd.s32 $0xDDD00, s0;
	_ =	strace $0x8000004D;
	[dreg:$0x4] =	wrdreg s9  }
0xa: {  	s21 =	smul.u32 $0xA0, s17;
	s17 =	simm.s32 $0x2;
	[dreg:$0x10] =	wrdreg s23  }
0xb: {  	s25 =	ssub.s32 $0x2, s8;
	p1 =	sne.s32 s8, $0x0;
	[dreg:$0x19] =	wrdreg s1  }
0xc: {  	s8 =	simm.s32 $0x18000;
	s23 =	simm.s32 $0x6;
	[dreg:$0x3] =	wrdreg s11  }
0xd: {  	s12 =	sadd.s32 s11, s0;
	s26 =	sshrl.u32 s25, $0x1;
	s10 =	sshrl.u32 s10, $0x2  }
0xe: {  	s15 =	sor.u32 $0x10, s13;
	s11 =	sadd.s32 s3, s13;
	s28 =	sshrl.u32 s14, $0x3  }
0xf: {  	s9 =	ssub.s32 s25, s26;
	s10 =	sadd.s32 s10, s2;
	s16 =	sadd.s32 s7, s15  }
0x10: {  	s15 =	sadd.s32 s3, s15;
	s18 =	sadd.s32 $0x9F0, s28;
	[dreg:$0x5] =	wrdreg s10  }
0x11: {  	s22 =	sadd.s32 $0xB6C00, s12;
	s25 =	sadd.s32 $0xFFFB1F80, s14;
	[dreg:$0x6] =	wrdreg s16  }
0x12: {  	s26 =	sor.u32 $0x6, s21;
	s28 =	sadd.s32 $0x12C000, s2;
	[dreg:$0x7] =	wrdreg s15  }
0x13: {  	s21 =	simm.s32 $0x1C200;
	s12 =	simm.s32 $0x1C280;
	[dreg:$0xf] =	wrdreg s22  }
0x14: {  	s14 =	simm.s32 $0x5;
	s10 =	sadd.s32 s7, s13;
	[dreg:$0x13] =	wrdreg s25  }
0x15: {  	s13 =	sor.u32 $0x20, s13;
	s15 =	sadd.s32 s3, s18;
	[dreg:$0x14] =	wrdreg s26  }
0x16: {  	s22 =	sadd.s32 $0x8D300, s0;
	s24 =	smax.u32 s9, $0x1;
	[dreg:$0x15] =	wrdreg s28  }
0x17: {  	s25 =	simm.s32 $0x1C100;
	s26 =	simm.s32 $0x1C180;
	s19 =	sadd.s32 s7, s13  }
0x18: {  	s7 =	sadd.s32 s7, s18;
	s3 =	sadd.s32 s3, s13;
	[dreg:$0x12] =	wrdreg s24  }
0x19: {  	s16 =	smov.u32 s15;
	s24 =	simm.s32 $0x3;
	[dreg:$0x8] =	wrdreg s19  }
0x1a: {  	s18 =	simm.s32 $0x14000;
	[dreg:$0xb] =	wrdreg s3;
	s3 =	sadd.s32 $0x17BB0, s0  }
0x1b: {  	s13 =	smov.u32 s7;
	s19 =	sor.u32 $0x1C07, s20;
	s20 =	simm.s32 $0x1C080  }
0x1c: {  	s13 =	smov.u32 @p0 s3;
	s15 =	smov.u32 @p0 s3;
	[dreg:$0xe] =	wrdreg s19  }
.Ltmp0:
0x1d: {  	s3 =	sadd.s32 $0x17FB0, s0;
	[dreg:$0xc] =	wrdreg s13;
	(pc) =	sbr.rel .LBB2_1-.Ltmp0, $4  }
0x1e: {  	s0 =	sadd.s32 $0xDC400, s0;
	[dreg:$0xa] =	wrdreg s15;
	s16 =	smov.u32 @p0 s3  }
0x1f: {  	s7 =	smov.u32 @p0 s3;
	[dreg:$0x11] =	wrdreg s0;
	s15 =	simm.s32 $0x1C300  }
0x20: {  	s13 =	simm.s32 $0x1;
	s3 =	simm.s32 $0x0;
	[dreg:$0xd] =	wrdreg s16  }
0x21: {  	[dreg:$0x9] =	wrdreg s7;
	s7 =	simm.s32 $0x80;
	s16 =	simm.s32 $0x4  }
.LBB2_7:
0x22: {  	s9 =	simm.s32 $0x1C300  }
0x23: {  	[tilespmem:s9], [sflag:$0x5] =	stream.linear.gather [hbm4b:s29+s4], $0x80, $0x38;
	[tilespmem:$0x1C400] =	vst v63  }
0x24: {  	_ =	swait.ge [sflag:s17], $0x4000  }
0x25: {  	[sflag:s17] =	ssyncset.done $0x0  }
0x26: {  	s3 =	simm.s32 $0x1C380;
	[sflag:s17] =	ssyncadd.s32 $0xFFFFC000  }
0x27: {  	[spmem:s2] =	stream.indirect.scatter.add.f32 [tilespmem:s8], [sflag:$0x7], $0x80, s3, s7, $0xb8;
	[tilespmem:$0x1C400] =	vst v63  }
0x28: {  	_ =	swait.ge [sflag:s30], $0x4000  }
0x29: {  	[sflag:s30] =	ssyncset.done $0x0  }
0x2a: {  	[sflag:s30] =	ssyncadd.s32 $0xFFFFC000  }
0x2b: {  	_ =	swait.ge [sflag:s16], $0x80  }
0x2c: {  	[sflag:s16] =	ssyncset.done $0x0  }
0x2d: {  	[sflag:s16] =	ssyncadd.s32 $0xFFFFFF80  }
0x2e: {  	_ =	swait.ge [sflag:s16], $0x80  }
0x2f: {  	[sflag:s16] =	ssyncset.done $0x0  }
0x30: {  	s0 =	simm.s32 $0x1C080;
	[sflag:s16] =	ssyncadd.s32 $0xFFFFFF80  }
0x31: {  	[tilespmem:s8], [sflag:$0x2] =	stream.indirect.gather [hbm4b:s22+s7], $0x80, s0, s7, $0xb8;
	[tilespmem:$0x1C400] =	vst v63  }
0x32: {  	s12 =	simm.s32 $0x1C180;
	s25 =	rddreg [dreg:$0xc]  }
0x33: {  	[tilespmem:s12], [sflag:$0x6] =	stream.linear.gather [hbm4b:s25+s4], $0x80, $0x38;
	[tilespmem:$0x1C400] =	vst v63  }
0x34: {  	s26 =	rddreg [dreg:$0xd]  }
0x35: {  	[tilespmem:s3], [sflag:$0x6] =	stream.linear.gather [hbm4b:s26+s4], $0x80, $0x38;
	[tilespmem:$0x1C400] =	vst v63  }
0x36: {  	_ =	swait.ge [sflag:s13], $0x4000  }
0x37: {  	[sflag:s13] =	ssyncset.done $0x0  }
0x38: {  	[sflag:s13] =	ssyncadd.s32 $0xFFFFC000  }
0x39: {  	[spmem:s2] =	stream.indirect.scatter.add.f32 [tilespmem:s18], [sflag:$0x7], $0x80, s15, s7, $0xb8;
	[tilespmem:$0x1C400] =	vst v63  }
0x3a: {  	_ =	swait.ge [sflag:s30], $0x4000  }
0x3b: {  	[sflag:s30] =	ssyncset.done $0x0  }
0x3c: {  	[sflag:s30] =	ssyncadd.s32 $0xFFFFC000  }
0x3d: {  	_ =	swait.ge [sflag:s14], $0x80  }
0x3e: {  	[sflag:s14] =	ssyncset.done $0x0  }
0x3f: {  	[sflag:s14] =	ssyncadd.s32 $0xFFFFFF80  }
0x40: {  	_ =	swait.ge [sflag:s14], $0x80  }
0x41: {  	[sflag:s14] =	ssyncset.done $0x0  }
0x42: {  	s28 =	simm.s32 $0x1C100;
	[sflag:s14] =	ssyncadd.s32 $0xFFFFFF80  }
0x43: {  	[tilespmem:s18], [sflag:$0x1] =	stream.indirect.gather [hbm4b:s22+s7], $0x80, s28, s7, $0xb8;
	[tilespmem:$0x1C400] =	vst v63  }
0x44: {  	_ =	swait.ge [sflag:s17], $0x4000  }
0x45: {  	[sflag:s17] =	ssyncset.done $0x0  }
0x46: {  	[sflag:s17] =	ssyncadd.s32 $0xFFFFC000  }
0x47: {  	[spmem:s2] =	stream.indirect.scatter.add.f32 [tilespmem:s8], [sflag:$0x7], $0x80, s1, s7, $0xb8;
	[tilespmem:$0x1C400] =	vst v63  }
0x48: {  	_ =	swait.ge [sflag:s30], $0x4000  }
0x49: {  	[sflag:s30] =	ssyncset.done $0x0  }
0x4a: {  	[sflag:s30] =	ssyncadd.s32 $0xFFFFC000  }
0x4b: {  	_ =	swait.ge [sflag:s23], $0x80  }
0x4c: {  	[sflag:s23] =	ssyncset.done $0x0  }
0x4d: {  	[sflag:s23] =	ssyncadd.s32 $0xFFFFFF80  }
0x4e: {  	_ =	swait.ge [sflag:s23], $0x80  }
0x4f: {  	[sflag:s23] =	ssyncset.done $0x0  }
0x50: {  	[sflag:s23] =	ssyncadd.s32 $0xFFFFFF80  }
0x51: {  	[tilespmem:s8], [sflag:$0x2] =	stream.indirect.gather [hbm4b:s22+s7], $0x80, s12, s7, $0xb8;
	[tilespmem:$0x1C400] =	vst v63  }
0x52: {  	_ =	swait.ge [sflag:s13], $0x4000  }
0x53: {  	[sflag:s13] =	ssyncset.done $0x0  }
0x54: {  	[sflag:s13] =	ssyncadd.s32 $0xFFFFC000  }
0x55: {  	[spmem:s2] =	stream.indirect.scatter.add.f32 [tilespmem:s18], [sflag:$0x7], $0x80, s9, s7, $0xb8;
	[tilespmem:$0x1C400] =	vst v63  }
0x56: {  	_ =	swait.ge [sflag:s30], $0x4000  }
0x57: {  	[sflag:s30] =	ssyncset.done $0x0  }
0x58: {  	[sflag:s30] =	ssyncadd.s32 $0xFFFFC000  }
0x59: {  	_ =	swait.ge [sflag:s17], $0x4000  }
0x5a: {  	[sflag:s17] =	ssyncset.done $0x0  }
0x5b: {  	[sflag:s17] =	ssyncadd.s32 $0xFFFFC000  }
0x5c: {  	[spmem:s2] =	stream.indirect.scatter.add.f32 [tilespmem:s8], [sflag:$0x7], $0x80, s3, s7, $0xb8;
	[tilespmem:$0x1C400] =	vst v63  }
0x5d: {  	_ =	swait.ge [sflag:s30], $0x4000  }
0x5e: {  	[sflag:s30] =	ssyncset.done $0x0  }
0x5f: {  	[sflag:s30] =	ssyncadd.s32 $0xFFFFC000  }
0x60: {  	[bflag:$0x0] =	sbarrier.arrive $0xFFFF  }
0x61: {  	s3 =	rddreg [dreg:$0x10]  }
0x62: {  	s19 =	rddreg [dreg:$0xe]  }
0x63: {  	s9 =	rddreg [dreg:$0x18];
	s0 =	sadd.s32 @p0 $0x25800, s3  }
0x64: {  	[hbm:s0], [sflag:s19] =	dma.local @p0 [spmem:s9], $0x1900  }
0x65: {  	s0 =	simm.s32 @p0 $0x7  }
0x66: {  	_ =	swait.ge @p0 [sflag:s0], $0x1900  }
0x67: {  	[sflag:s0] =	ssyncset.done @p0 $0x0  }
0x68: {  	[sflag:s0] =	ssyncadd.s32 @p0 $0xFFFFE700;
	s0 =	rddreg [dreg:$0x3]  }
0x69: {  	s21 =	simm.s32 $0x1C200;
	s0 =	sadd.s32 @!p0 s0, s3;
	s3 =	rddreg [dreg:$0x17]  }
0x6a: {  	[hbm:s0], [sflag:s19] =	dma.local @!p0 [spmem:s3], $0x2800  }
0x6b: {  	s20 =	simm.s32 $0x1C080;
	s29 =	simm.s32 $0x1C380;
	s0 =	simm.s32 @!p0 $0x7  }
0x6c: {  	s25 =	simm.s32 $0x1C100;
	s26 =	simm.s32 $0x1C180;
	_ =	swait.ge @!p0 [sflag:s0], $0x2800  }
0x6d: {  	s15 =	simm.s32 $0x1C300;
	[sflag:s0] =	ssyncset.done @!p0 $0x0;
	s3 =	rddreg [dreg:$0x16]  }
0x6e: {  	s12 =	simm.s32 $0x1C280;
	s1 =	rddreg [dreg:$0x19];
	[sflag:s0] =	ssyncadd.s32 @!p0 $0xFFFFD800  }
.LBB2_8:
0x6f: {  	s3 =	sadd.s32 $0x1, s3;
	s0 =	rddreg [dreg:$0x12]  }
0x70: {  	p2 =	sne.s32 s3, s0  }
.Ltmp1:
0x71: {  	_ = 	snop;
	(pc) =	sbr.rel @!p2 .LBB2_9-.Ltmp1, $1  }
0x72: {  	_ =	sdelay $0x3  }
.LBB2_1:
0x73: {  	[dreg:$0x16] =	wrdreg s3  }
0x74: {  	s3 =	rddreg [dreg:$0x5]  }
0x75: {  	s0 =	rddreg [dreg:$0x4];
	s9 =	sshrl.u32 s3, $0x3  }
0x76: {  	[spmem:s9], [sflag:s19] =	dma.local [hbm:s0], $0x2800  }
0x77: {  	_ =	swait.ge [sflag:s30], $0x2800  }
0x78: {  	[sflag:s30] =	ssyncset.done $0x0  }
0x79: {  	[sflag:s30] =	ssyncadd.s32 $0xFFFFD800  }
.Ltmp2:
0x7a: {  	[bflag:$0x0] =	sbarrier.arrive $0xFFFF;
	(pc) =	sbr.rel @p1 .LBB2_5-.Ltmp2, $4  }
0x7b: {  	s0 =	rddreg [dreg:$0x15]  }
0x7c: {  	s0 =	sshrl.u32 @p0 s0, $0x3  }
0x7d: {  	[dreg:$0x18] =	wrdreg s0;
	s0 =	sshrl.u32 @!p0 s3, $0x3  }
0x7e: {  	[dreg:$0x17] =	wrdreg s0  }
0x7f: {  	s9 =	simm.s32 $0x0  }
0x80: {  	[tilespmem:s31], [sflag:$0x3] =	stream.linear.gather [hbm4b:s11+s9], $0x80, $0x38;
	[tilespmem:$0x1C400] =	vst v63  }
0x81: {  	_ = 	snop  }
0x82: {  	[tilespmem:s21], [sflag:$0x3] =	stream.linear.gather [hbm4b:s10+s9], $0x80, $0x38;
	[tilespmem:$0x1C400] =	vst v63  }
0x83: {  	s0 =	rddreg [dreg:$0x7]  }
0x84: {  	[tilespmem:s20], [sflag:$0x4] =	stream.linear.gather [hbm4b:s0+s9], $0x80, $0x38;
	[tilespmem:$0x1C400] =	vst v63  }
0x85: {  	s26 =	rddreg [dreg:$0x6]  }
0x86: {  	[tilespmem:s12], [sflag:$0x4] =	stream.linear.gather [hbm4b:s26+s9], $0x80, $0x38;
	[tilespmem:$0x1C400] =	vst v63  }
0x87: {  	_ =	swait.ge [sflag:s24], $0x80  }
0x88: {  	[sflag:s24] =	ssyncset.done $0x0  }
0x89: {  	[sflag:s24] =	ssyncadd.s32 $0xFFFFFF80  }
0x8a: {  	_ =	swait.ge [sflag:s24], $0x80  }
0x8b: {  	[sflag:s24] =	ssyncset.done $0x0  }
0x8c: {  	[sflag:s24] =	ssyncadd.s32 $0xFFFFFF80  }
0x8d: {  	[tilespmem:s18], [sflag:$0x1] =	stream.indirect.gather [hbm4b:s1+s7], $0x80, s31, s7, $0xb8;
	[tilespmem:$0x1C400] =	vst v63  }
0x8e: {  	s28 =	rddreg [dreg:$0xb]  }
0x8f: {  	[tilespmem:s25], [sflag:$0x5] =	stream.linear.gather [hbm4b:s28+s9], $0x80, $0x38;
	[tilespmem:$0x1C400] =	vst v63  }
0x90: {  	s3 =	rddreg [dreg:$0x8]  }
0x91: {  	[tilespmem:s15], [sflag:$0x5] =	stream.linear.gather [hbm4b:s3+s9], $0x80, $0x38;
	[tilespmem:$0x1C400] =	vst v63  }
0x92: {  	_ =	swait.ge [sflag:s16], $0x80  }
0x93: {  	[sflag:s16] =	ssyncset.done $0x0  }
0x94: {  	s3 =	rddreg [dreg:$0x14];
	[sflag:s16] =	ssyncadd.s32 $0xFFFFFF80  }
0x95: {  	s19 =	sadd.s32 $0xFFFFFFFD, s3;
	_ =	swait.ge [sflag:s16], $0x80  }
0x96: {  	p2 =	sgt.u32 s19, $0x9C3;
	[sflag:s16] =	ssyncset.done $0x0;
	s0 =	rddreg [dreg:$0x13]  }
0x97: {  	s9 =	sshrl.u32 @p2 s0, $0x3;
	[sflag:s16] =	ssyncadd.s32 $0xFFFFFF80  }
0x98: {  	[tilespmem:s8], [sflag:$0x2] =	stream.indirect.gather [hbm4b:s1+s7], $0x80, s20, s7, $0xb8;
	[tilespmem:$0x1C400] =	vst v63  }
0x99: {  	s26 =	simm.s32 @p2 $0x1C180;
	s28 =	simm.s32 @p2 $0x0;
	s20 =	sadd.s32 @p2 s5, s9  }
0x9a: {  	[tilespmem:s26], [sflag:$0x6] =	stream.linear.gather @p2 [hbm4b:s20+s28], $0x80, $0x38;
	[tilespmem:$0x1C400] =	vst v63  }
0x9b: {  	s20 =	sadd.s32 @!p2 $0x0, s11  }
0x9c: {  	s26 =	simm.s32 @!p2 $0x0;
	s28 =	simm.s32 @!p2 $0x1C180;
	s20 =	sadd.s32 @!p2 $0x30, s20  }
0x9d: {  	[tilespmem:s28], [sflag:$0x6] =	stream.linear.gather @!p2 [hbm4b:s20+s26], $0x80, $0x38;
	[tilespmem:$0x1C400] =	vst v63  }
0x9e: {  	s20 =	sadd.s32 @!p2 $0x0, s10  }
0x9f: {  	s9 =	sadd.s32 @p2 s6, s9;
	s20 =	sadd.s32 @!p2 $0x30, s20  }
0xa0: {  	s20 =	smov.u32 @p2 s9  }
0xa1: {  	[tilespmem:s29], [sflag:$0x6] =	stream.linear.gather [hbm4b:s20+s4], $0x80, $0x38;
	[tilespmem:$0x1C400] =	vst v63  }
0xa2: {  	_ =	swait.ge [sflag:s13], $0x4000  }
0xa3: {  	[sflag:s13] =	ssyncset.done $0x0  }
0xa4: {  	[sflag:s13] =	ssyncadd.s32 $0xFFFFC000  }
0xa5: {  	[spmem:s2] =	stream.indirect.scatter.add.f32 [tilespmem:s18], [sflag:$0x7], $0x80, s21, s7, $0xb8;
	[tilespmem:$0x1C400] =	vst v63  }
0xa6: {  	_ =	swait.ge [sflag:s30], $0x4000  }
0xa7: {  	[sflag:s30] =	ssyncset.done $0x0  }
0xa8: {  	[sflag:s30] =	ssyncadd.s32 $0xFFFFC000  }
0xa9: {  	_ =	swait.ge [sflag:s14], $0x80  }
0xaa: {  	[sflag:s14] =	ssyncset.done $0x0  }
0xab: {  	s26 =	sadd.s32 $0xFFFFFFFE, s3;
	[sflag:s14] =	ssyncadd.s32 $0xFFFFFF80  }
0xac: {  	p2 =	sgt.u32 s26, $0x9C3;
	_ =	swait.ge [sflag:s14], $0x80  }
0xad: {  	s9 =	sadd.s32 @p2 $0x80, s0;
	[sflag:s14] =	ssyncset.done $0x0  }
0xae: {  	s9 =	sshrl.u32 @p2 s9, $0x3;
	[sflag:s14] =	ssyncadd.s32 $0xFFFFFF80  }
0xaf: {  	[tilespmem:s18], [sflag:$0x1] =	stream.indirect.gather [hbm4b:s1+s7], $0x80, s25, s7, $0xb8;
	[tilespmem:$0x1C400] =	vst v63  }
0xb0: {  	s20 =	simm.s32 @p2 $0x0;
	s28 =	simm.s32 @p2 $0x1C000;
	s26 =	sadd.s32 @p2 s5, s9  }
0xb1: {  	[tilespmem:s28], [sflag:$0x3] =	stream.linear.gather @p2 [hbm4b:s26+s20], $0x80, $0x38;
	[tilespmem:$0x1C400] =	vst v63  }
0xb2: {  	s20 =	sadd.s32 @!p2 $0x0, s11  }
0xb3: {  	s26 =	simm.s32 @!p2 $0x0;
	s28 =	simm.s32 @!p2 $0x1C000;
	s20 =	sadd.s32 @!p2 $0x40, s20  }
0xb4: {  	[tilespmem:s28], [sflag:$0x3] =	stream.linear.gather @!p2 [hbm4b:s20+s26], $0x80, $0x38;
	[tilespmem:$0x1C400] =	vst v63  }
0xb5: {  	s20 =	sadd.s32 @!p2 $0x0, s10  }
0xb6: {  	s9 =	sadd.s32 @p2 s6, s9;
	s20 =	sadd.s32 @!p2 $0x40, s20  }
0xb7: {  	s20 =	smov.u32 @p2 s9  }
0xb8: {  	[tilespmem:s21], [sflag:$0x3] =	stream.linear.gather [hbm4b:s20+s4], $0x80, $0x38;
	[tilespmem:$0x1C400] =	vst v63  }
0xb9: {  	_ =	swait.ge [sflag:s17], $0x4000  }
0xba: {  	[sflag:s17] =	ssyncset.done $0x0  }
0xbb: {  	[sflag:s17] =	ssyncadd.s32 $0xFFFFC000  }
0xbc: {  	[spmem:s2] =	stream.indirect.scatter.add.f32 [tilespmem:s8], [sflag:$0x7], $0x80, s12, s7, $0xb8;
	[tilespmem:$0x1C400] =	vst v63  }
0xbd: {  	_ =	swait.ge [sflag:s30], $0x4000  }
0xbe: {  	[sflag:s30] =	ssyncset.done $0x0  }
0xbf: {  	[sflag:s30] =	ssyncadd.s32 $0xFFFFC000  }
0xc0: {  	_ =	swait.ge [sflag:s23], $0x80  }
0xc1: {  	[sflag:s23] =	ssyncset.done $0x0  }
0xc2: {  	s28 =	sadd.s32 $0xFFFFFFFF, s3;
	[sflag:s23] =	ssyncadd.s32 $0xFFFFFF80  }
0xc3: {  	p2 =	sgt.u32 s28, $0x9C3;
	_ =	swait.ge [sflag:s23], $0x80  }
0xc4: {  	s9 =	sadd.s32 @p2 $0x100, s0;
	[sflag:s23] =	ssyncset.done $0x0  }
0xc5: {  	s19 =	simm.s32 $0x1C180;
	s9 =	sshrl.u32 @p2 s9, $0x3;
	[sflag:s23] =	ssyncadd.s32 $0xFFFFFF80  }
0xc6: {  	[tilespmem:s8], [sflag:$0x2] =	stream.indirect.gather [hbm4b:s1+s7], $0x80, s19, s7, $0xb8;
	[tilespmem:$0x1C400] =	vst v63  }
0xc7: {  	s20 =	simm.s32 @p2 $0x0;
	s28 =	simm.s32 @p2 $0x1C080;
	s26 =	sadd.s32 @p2 s5, s9  }
0xc8: {  	[tilespmem:s28], [sflag:$0x4] =	stream.linear.gather @p2 [hbm4b:s26+s20], $0x80, $0x38;
	[tilespmem:$0x1C400] =	vst v63  }
0xc9: {  	s20 =	sadd.s32 @!p2 $0x0, s11  }
0xca: {  	s26 =	simm.s32 @!p2 $0x0;
	s28 =	simm.s32 @!p2 $0x1C080;
	s20 =	sadd.s32 @!p2 $0x50, s20  }
0xcb: {  	[tilespmem:s28], [sflag:$0x4] =	stream.linear.gather @!p2 [hbm4b:s20+s26], $0x80, $0x38;
	[tilespmem:$0x1C400] =	vst v63  }
0xcc: {  	s20 =	sadd.s32 @!p2 $0x0, s10  }
0xcd: {  	s9 =	sadd.s32 @p2 s6, s9;
	s20 =	sadd.s32 @!p2 $0x50, s20  }
0xce: {  	s20 =	smov.u32 @p2 s9  }
0xcf: {  	[tilespmem:s12], [sflag:$0x4] =	stream.linear.gather [hbm4b:s20+s4], $0x80, $0x38;
	[tilespmem:$0x1C400] =	vst v63  }
0xd0: {  	_ =	swait.ge [sflag:s13], $0x4000  }
0xd1: {  	[sflag:s13] =	ssyncset.done $0x0  }
0xd2: {  	[sflag:s13] =	ssyncadd.s32 $0xFFFFC000  }
0xd3: {  	[spmem:s2] =	stream.indirect.scatter.add.f32 [tilespmem:s18], [sflag:$0x7], $0x80, s15, s7, $0xb8;
	[tilespmem:$0x1C400] =	vst v63  }
0xd4: {  	_ =	swait.ge [sflag:s30], $0x4000  }
0xd5: {  	[sflag:s30] =	ssyncset.done $0x0  }
0xd6: {  	[sflag:s30] =	ssyncadd.s32 $0xFFFFC000  }
0xd7: {  	_ =	swait.ge [sflag:s24], $0x80  }
0xd8: {  	[sflag:s24] =	ssyncset.done $0x0  }
0xd9: {  	[sflag:s24] =	ssyncadd.s32 $0xFFFFFF80  }
0xda: {  	p2 =	sgt.u32 s3, $0x9C3;
	_ =	swait.ge [sflag:s24], $0x80  }
0xdb: {  	s9 =	sadd.s32 @p2 $0x180, s0;
	[sflag:s24] =	ssyncset.done $0x0  }
0xdc: {  	s20 =	sshrl.u32 @p2 s9, $0x3;
	[sflag:s24] =	ssyncadd.s32 $0xFFFFFF80  }
0xdd: {  	[tilespmem:s18], [sflag:$0x1] =	stream.indirect.gather [hbm4b:s1+s7], $0x80, s31, s7, $0xb8;
	[tilespmem:$0x1C400] =	vst v63  }
0xde: {  	s28 =	simm.s32 @p2 $0x1C100;
	s9 =	simm.s32 @p2 $0x0;
	s26 =	sadd.s32 @p2 s5, s20  }
0xdf: {  	[tilespmem:s28], [sflag:$0x5] =	stream.linear.gather @p2 [hbm4b:s26+s9], $0x80, $0x38;
	[tilespmem:$0x1C400] =	vst v63  }
0xe0: {  	s9 =	sadd.s32 @!p2 $0x0, s11  }
0xe1: {  	s26 =	simm.s32 @!p2 $0x0;
	s28 =	simm.s32 @!p2 $0x1C100;
	s9 =	sadd.s32 @!p2 $0x60, s9  }
0xe2: {  	[tilespmem:s28], [sflag:$0x5] =	stream.linear.gather @!p2 [hbm4b:s9+s26], $0x80, $0x38;
	[tilespmem:$0x1C400] =	vst v63  }
0xe3: {  	s26 =	sadd.s32 @!p2 $0x0, s10  }
0xe4: {  	s20 =	sadd.s32 @p2 s6, s20;
	s9 =	simm.s32 $0x40;
	s29 =	sadd.s32 @!p2 $0x60, s26  }
0xe5: {  	s26 =	sadd.s32 $0x4, s3;
	s29 =	smov.u32 @p2 s20;
	s20 =	sadd.s32 $0x200, s0  }
.LBB2_3:
0xe6: {  	s12 =	simm.s32 $0x1C300  }
0xe7: {  	[tilespmem:s12], [sflag:$0x5] =	stream.linear.gather [hbm4b:s29+s4], $0x80, $0x38;
	[tilespmem:$0x1C400] =	vst v63  }
0xe8: {  	s28 =	smov.u32 s9;
	s9 =	sadd.s32 $0x40, s9;
	_ =	swait.ge [sflag:s17], $0x4000  }
0xe9: {  	p2 =	sne.s32 s9, $0x9C0;
	[sflag:s17] =	ssyncset.done $0x0  }
0xea: {  	s15 =	simm.s32 $0x1C380;
	[sflag:s17] =	ssyncadd.s32 $0xFFFFC000  }
0xeb: {  	[spmem:s2] =	stream.indirect.scatter.add.f32 [tilespmem:s8], [sflag:$0x7], $0x80, s15, s7, $0xb8;
	[tilespmem:$0x1C400] =	vst v63  }
0xec: {  	_ =	swait.ge [sflag:s30], $0x4000  }
0xed: {  	s29 =	sadd.s32 $0xFFFFFFFD, s26;
	[sflag:s30] =	ssyncset.done $0x0  }
0xee: {  	p3 =	sgt.u32 s29, $0x9C3;
	[sflag:s30] =	ssyncadd.s32 $0xFFFFC000  }
0xef: {  	s29 =	sshrl.u32 @p3 s20, $0x3;
	s31 =	simm.s32 @!p3 $0x0;
	_ =	swait.ge [sflag:s16], $0x80  }
0xf0: {  	s19 =	simm.s32 @p3 $0x1C180;
	s3 =	sadd.s32 @p3 s5, s29;
	[sflag:s16] =	ssyncset.done $0x0  }
0xf1: {  	s25 =	sadd.s32 @!p3 s28, s11;
	s0 =	sadd.s32 @!p3 s28, s10;
	[sflag:s16] =	ssyncadd.s32 $0xFFFFFF80  }
0xf2: {  	s29 =	sadd.s32 @p3 s6, s29;
	s25 =	sadd.s32 @!p3 $0x30, s25;
	_ =	swait.ge [sflag:s16], $0x80  }
0xf3: {  	s0 =	sadd.s32 @!p3 $0x30, s0;
	[sflag:s16] =	ssyncset.done $0x0  }
0xf4: {  	s0 =	smov.u32 @p3 s29;
	s29 =	simm.s32 $0x1C080;
	[sflag:s16] =	ssyncadd.s32 $0xFFFFFF80  }
0xf5: {  	[tilespmem:s8], [sflag:$0x2] =	stream.indirect.gather [hbm4b:s1+s7], $0x80, s29, s7, $0xb8;
	[tilespmem:$0x1C400] =	vst v63  }
0xf6: {  	s29 =	simm.s32 @p3 $0x0  }
0xf7: {  	[tilespmem:s19], [sflag:$0x6] =	stream.linear.gather @p3 [hbm4b:s3+s29], $0x80, $0x38;
	[tilespmem:$0x1C400] =	vst v63  }
0xf8: {  	s3 =	simm.s32 @!p3 $0x1C180  }
0xf9: {  	[tilespmem:s3], [sflag:$0x6] =	stream.linear.gather @!p3 [hbm4b:s25+s31], $0x80, $0x38;
	[tilespmem:$0x1C400] =	vst v63  }
0xfa: {  	_ = 	snop  }
0xfb: {  	[tilespmem:s15], [sflag:$0x6] =	stream.linear.gather [hbm4b:s0+s4], $0x80, $0x38;
	[tilespmem:$0x1C400] =	vst v63  }
0xfc: {  	_ =	swait.ge [sflag:s13], $0x4000  }
0xfd: {  	[sflag:s13] =	ssyncset.done $0x0  }
0xfe: {  	[sflag:s13] =	ssyncadd.s32 $0xFFFFC000  }
0xff: {  	[spmem:s2] =	stream.indirect.scatter.add.f32 [tilespmem:s18], [sflag:$0x7], $0x80, s21, s7, $0xb8;
	[tilespmem:$0x1C400] =	vst v63  }
0x100: {  	_ =	swait.ge [sflag:s30], $0x4000  }
0x101: {  	s0 =	sadd.s32 $0xFFFFFFFE, s26;
	[sflag:s30] =	ssyncset.done $0x0  }
0x102: {  	p3 =	sgt.u32 s0, $0x9C3;
	[sflag:s30] =	ssyncadd.s32 $0xFFFFC000  }
0x103: {  	s0 =	sadd.s32 @p3 $0x80, s20;
	_ =	swait.ge [sflag:s14], $0x80  }
0x104: {  	s3 =	simm.s32 @p3 $0x0;
	s19 =	sadd.s32 @!p3 s28, s10;
	[sflag:s14] =	ssyncset.done $0x0  }
0x105: {  	s29 =	sadd.s32 @!p3 s28, s11;
	s0 =	sshrl.u32 @p3 s0, $0x3;
	[sflag:s14] =	ssyncadd.s32 $0xFFFFFF80  }
0x106: {  	s19 =	sadd.s32 @!p3 $0x40, s19;
	s25 =	sadd.s32 @p3 s5, s0;
	_ =	swait.ge [sflag:s14], $0x80  }
0x107: {  	s29 =	sadd.s32 @!p3 $0x40, s29;
	s0 =	sadd.s32 @p3 s6, s0;
	[sflag:s14] =	ssyncset.done $0x0  }
0x108: {  	s19 =	smov.u32 @p3 s0;
	s0 =	simm.s32 $0x1C100;
	[sflag:s14] =	ssyncadd.s32 $0xFFFFFF80  }
0x109: {  	[tilespmem:s18], [sflag:$0x1] =	stream.indirect.gather [hbm4b:s1+s7], $0x80, s0, s7, $0xb8;
	[tilespmem:$0x1C400] =	vst v63  }
0x10a: {  	s0 =	simm.s32 @p3 $0x1C000  }
0x10b: {  	[tilespmem:s0], [sflag:$0x3] =	stream.linear.gather @p3 [hbm4b:s25+s3], $0x80, $0x38;
	[tilespmem:$0x1C400] =	vst v63  }
0x10c: {  	s0 =	simm.s32 @!p3 $0x0;
	s3 =	simm.s32 @!p3 $0x1C000  }
0x10d: {  	[tilespmem:s3], [sflag:$0x3] =	stream.linear.gather @!p3 [hbm4b:s29+s0], $0x80, $0x38;
	[tilespmem:$0x1C400] =	vst v63  }
0x10e: {  	_ = 	snop  }
0x10f: {  	[tilespmem:s21], [sflag:$0x3] =	stream.linear.gather [hbm4b:s19+s4], $0x80, $0x38;
	[tilespmem:$0x1C400] =	vst v63  }
0x110: {  	_ =	swait.ge [sflag:s17], $0x4000  }
0x111: {  	[sflag:s17] =	ssyncset.done $0x0  }
0x112: {  	s8 =	simm.s32 $0x1C280;
	s15 =	simm.s32 $0x18000;
	[sflag:s17] =	ssyncadd.s32 $0xFFFFC000  }
0x113: {  	[spmem:s2] =	stream.indirect.scatter.add.f32 [tilespmem:s15], [sflag:$0x7], $0x80, s8, s7, $0xb8;
	[tilespmem:$0x1C400] =	vst v63  }
0x114: {  	_ =	swait.ge [sflag:s30], $0x4000  }
0x115: {  	[sflag:s30] =	ssyncset.done $0x0  }
0x116: {  	s0 =	sadd.s32 $0xFFFFFFFF, s26;
	[sflag:s30] =	ssyncadd.s32 $0xFFFFC000  }
0x117: {  	p3 =	sgt.u32 s0, $0x9C3;
	_ =	swait.ge [sflag:s23], $0x80  }
0x118: {  	s0 =	sadd.s32 @p3 $0x100, s20;
	[sflag:s23] =	ssyncset.done $0x0  }
0x119: {  	s3 =	simm.s32 @p3 $0x0;
	s19 =	sadd.s32 @!p3 s28, s10;
	[sflag:s23] =	ssyncadd.s32 $0xFFFFFF80  }
0x11a: {  	s29 =	sadd.s32 @!p3 s28, s11;
	s0 =	sshrl.u32 @p3 s0, $0x3;
	_ =	swait.ge [sflag:s23], $0x80  }
0x11b: {  	s19 =	sadd.s32 @!p3 $0x50, s19;
	s25 =	sadd.s32 @p3 s5, s0;
	[sflag:s23] =	ssyncset.done $0x0  }
0x11c: {  	s21 =	simm.s32 $0x1C180;
	s0 =	sadd.s32 @p3 s6, s0;
	[sflag:s23] =	ssyncadd.s32 $0xFFFFFF80  }
0x11d: {  	[tilespmem:s15], [sflag:$0x2] =	stream.indirect.gather [hbm4b:s1+s7], $0x80, s21, s7, $0xb8;
	[tilespmem:$0x1C400] =	vst v63  }
0x11e: {  	s31 =	simm.s32 @p3 $0x1C080;
	s29 =	sadd.s32 @!p3 $0x50, s29;
	s19 =	smov.u32 @p3 s0  }
0x11f: {  	[tilespmem:s31], [sflag:$0x4] =	stream.linear.gather @p3 [hbm4b:s25+s3], $0x80, $0x38;
	[tilespmem:$0x1C400] =	vst v63  }
0x120: {  	s0 =	simm.s32 @!p3 $0x0;
	s3 =	simm.s32 @!p3 $0x1C080  }
0x121: {  	[tilespmem:s3], [sflag:$0x4] =	stream.linear.gather @!p3 [hbm4b:s29+s0], $0x80, $0x38;
	[tilespmem:$0x1C400] =	vst v63  }
0x122: {  	_ = 	snop  }
0x123: {  	[tilespmem:s8], [sflag:$0x4] =	stream.linear.gather [hbm4b:s19+s4], $0x80, $0x38;
	[tilespmem:$0x1C400] =	vst v63  }
0x124: {  	s15 =	simm.s32 $0x1C280;
	s8 =	simm.s32 $0x18000  }
0x125: {  	_ =	swait.ge [sflag:s13], $0x4000  }
0x126: {  	[sflag:s13] =	ssyncset.done $0x0  }
0x127: {  	[sflag:s13] =	ssyncadd.s32 $0xFFFFC000  }
0x128: {  	[spmem:s2] =	stream.indirect.scatter.add.f32 [tilespmem:s18], [sflag:$0x7], $0x80, s12, s7, $0xb8;
	[tilespmem:$0x1C400] =	vst v63  }
0x129: {  	_ =	swait.ge [sflag:s30], $0x4000  }
0x12a: {  	[sflag:s30] =	ssyncset.done $0x0  }
0x12b: {  	[sflag:s30] =	ssyncadd.s32 $0xFFFFC000  }
0x12c: {  	_ =	swait.ge [sflag:s24], $0x80  }
0x12d: {  	[sflag:s24] =	ssyncset.done $0x0  }
0x12e: {  	p3 =	sgt.u32 s26, $0x9C3;
	[sflag:s24] =	ssyncadd.s32 $0xFFFFFF80  }
0x12f: {  	s0 =	sadd.s32 @p3 $0x180, s20;
	_ =	swait.ge [sflag:s24], $0x80  }
0x130: {  	s3 =	simm.s32 @p3 $0x0;
	s31 =	simm.s32 @p3 $0x1C100;
	[sflag:s24] =	ssyncset.done $0x0  }
0x131: {  	s0 =	sshrl.u32 @p3 s0, $0x3;
	s19 =	sadd.s32 @!p3 s28, s10;
	[sflag:s24] =	ssyncadd.s32 $0xFFFFFF80  }
0x132: {  	s25 =	sadd.s32 @p3 s5, s0;
	s29 =	sadd.s32 @!p3 $0x60, s19;
	s12 =	simm.s32 $0x1C000  }
0x133: {  	[tilespmem:s18], [sflag:$0x1] =	stream.indirect.gather [hbm4b:s1+s7], $0x80, s12, s7, $0xb8;
	[tilespmem:$0x1C400] =	vst v63  }
0x134: {  	s21 =	simm.s32 @!p3 $0x1C100;
	s19 =	sadd.s32 @!p3 s28, s11;
	s28 =	simm.s32 @!p3 $0x0  }
0x135: {  	[tilespmem:s31], [sflag:$0x5] =	stream.linear.gather @p3 [hbm4b:s25+s3], $0x80, $0x38;
	[tilespmem:$0x1C400] =	vst v63  }
.Ltmp3:
0x136: {  	_ = 	snop;
	(pc) =	sbr.rel @p2 .LBB2_3-.Ltmp3, $4  }
0x137: {  	s0 =	sadd.s32 @p3 s6, s0;
	s3 =	sadd.s32 @!p3 $0x60, s19  }
0x138: {  	[tilespmem:s21], [sflag:$0x5] =	stream.linear.gather @!p3 [hbm4b:s3+s28], $0x80, $0x38;
	[tilespmem:$0x1C400] =	vst v63  }
0x139: {  	s21 =	simm.s32 $0x1C200  }
0x13a: {  	s26 =	sadd.s32 $0x4, s26;
	s20 =	sadd.s32 $0x200, s20;
	s29 =	smov.u32 @p3 s0  }
0x13b: {  	s12 =	simm.s32 $0x1C300  }
0x13c: {  	[tilespmem:s12], [sflag:$0x5] =	stream.linear.gather [hbm4b:s29+s4], $0x80, $0x38;
	[tilespmem:$0x1C400] =	vst v63  }
0x13d: {  	_ =	swait.ge [sflag:s17], $0x4000  }
0x13e: {  	[sflag:s17] =	ssyncset.done $0x0  }
0x13f: {  	s9 =	simm.s32 $0x1C380;
	[sflag:s17] =	ssyncadd.s32 $0xFFFFC000  }
0x140: {  	[spmem:s2] =	stream.indirect.scatter.add.f32 [tilespmem:s8], [sflag:$0x7], $0x80, s9, s7, $0xb8;
	[tilespmem:$0x1C400] =	vst v63  }
0x141: {  	_ =	swait.ge [sflag:s30], $0x4000  }
0x142: {  	[sflag:s30] =	ssyncset.done $0x0  }
0x143: {  	[sflag:s30] =	ssyncadd.s32 $0xFFFFC000  }
0x144: {  	_ =	swait.ge [sflag:s16], $0x80  }
0x145: {  	[sflag:s16] =	ssyncset.done $0x0  }
0x146: {  	[sflag:s16] =	ssyncadd.s32 $0xFFFFFF80  }
0x147: {  	_ =	swait.ge [sflag:s16], $0x80  }
0x148: {  	[sflag:s16] =	ssyncset.done $0x0  }
0x149: {  	s0 =	simm.s32 $0x1C080;
	[sflag:s16] =	ssyncadd.s32 $0xFFFFFF80  }
0x14a: {  	[tilespmem:s8], [sflag:$0x2] =	stream.indirect.gather [hbm4b:s1+s7], $0x80, s0, s7, $0xb8;
	[tilespmem:$0x1C400] =	vst v63  }
0x14b: {  	s3 =	simm.s32 $0x1C180;
	s25 =	rddreg [dreg:$0xa]  }
0x14c: {  	[tilespmem:s3], [sflag:$0x6] =	stream.linear.gather [hbm4b:s25+s4], $0x80, $0x38;
	[tilespmem:$0x1C400] =	vst v63  }
0x14d: {  	s26 =	rddreg [dreg:$0x9]  }
0x14e: {  	[tilespmem:s9], [sflag:$0x6] =	stream.linear.gather [hbm4b:s26+s4], $0x80, $0x38;
	[tilespmem:$0x1C400] =	vst v63  }
0x14f: {  	_ =	swait.ge [sflag:s13], $0x4000  }
0x150: {  	[sflag:s13] =	ssyncset.done $0x0  }
0x151: {  	[sflag:s13] =	ssyncadd.s32 $0xFFFFC000  }
0x152: {  	[spmem:s2] =	stream.indirect.scatter.add.f32 [tilespmem:s18], [sflag:$0x7], $0x80, s21, s7, $0xb8;
	[tilespmem:$0x1C400] =	vst v63  }
0x153: {  	_ =	swait.ge [sflag:s30], $0x4000  }
0x154: {  	[sflag:s30] =	ssyncset.done $0x0  }
0x155: {  	[sflag:s30] =	ssyncadd.s32 $0xFFFFC000  }
0x156: {  	_ =	swait.ge [sflag:s14], $0x80  }
0x157: {  	[sflag:s14] =	ssyncset.done $0x0  }
0x158: {  	[sflag:s14] =	ssyncadd.s32 $0xFFFFFF80  }
0x159: {  	_ =	swait.ge [sflag:s14], $0x80  }
0x15a: {  	[sflag:s14] =	ssyncset.done $0x0  }
0x15b: {  	s28 =	simm.s32 $0x1C100;
	[sflag:s14] =	ssyncadd.s32 $0xFFFFFF80  }
0x15c: {  	[tilespmem:s18], [sflag:$0x1] =	stream.indirect.gather [hbm4b:s1+s7], $0x80, s28, s7, $0xb8;
	[tilespmem:$0x1C400] =	vst v63  }
0x15d: {  	_ =	swait.ge [sflag:s17], $0x4000  }
0x15e: {  	[sflag:s17] =	ssyncset.done $0x0  }
0x15f: {  	[sflag:s17] =	ssyncadd.s32 $0xFFFFC000  }
0x160: {  	[spmem:s2] =	stream.indirect.scatter.add.f32 [tilespmem:s8], [sflag:$0x7], $0x80, s15, s7, $0xb8;
	[tilespmem:$0x1C400] =	vst v63  }
0x161: {  	_ =	swait.ge [sflag:s30], $0x4000  }
0x162: {  	[sflag:s30] =	ssyncset.done $0x0  }
0x163: {  	[sflag:s30] =	ssyncadd.s32 $0xFFFFC000  }
0x164: {  	_ =	swait.ge [sflag:s23], $0x80  }
0x165: {  	[sflag:s23] =	ssyncset.done $0x0  }
0x166: {  	[sflag:s23] =	ssyncadd.s32 $0xFFFFFF80  }
0x167: {  	_ =	swait.ge [sflag:s23], $0x80  }
0x168: {  	[sflag:s23] =	ssyncset.done $0x0  }
0x169: {  	[sflag:s23] =	ssyncadd.s32 $0xFFFFFF80  }
0x16a: {  	[tilespmem:s8], [sflag:$0x2] =	stream.indirect.gather [hbm4b:s1+s7], $0x80, s3, s7, $0xb8;
	[tilespmem:$0x1C400] =	vst v63  }
0x16b: {  	_ =	swait.ge [sflag:s13], $0x4000  }
0x16c: {  	[sflag:s13] =	ssyncset.done $0x0  }
0x16d: {  	[sflag:s13] =	ssyncadd.s32 $0xFFFFC000  }
0x16e: {  	[spmem:s2] =	stream.indirect.scatter.add.f32 [tilespmem:s18], [sflag:$0x7], $0x80, s12, s7, $0xb8;
	[tilespmem:$0x1C400] =	vst v63  }
0x16f: {  	_ =	swait.ge [sflag:s30], $0x4000  }
0x170: {  	[sflag:s30] =	ssyncset.done $0x0  }
0x171: {  	[sflag:s30] =	ssyncadd.s32 $0xFFFFC000  }
0x172: {  	_ =	swait.ge [sflag:s17], $0x4000  }
0x173: {  	[sflag:s17] =	ssyncset.done $0x0  }
0x174: {  	[sflag:s17] =	ssyncadd.s32 $0xFFFFC000  }
0x175: {  	[spmem:s2] =	stream.indirect.scatter.add.f32 [tilespmem:s8], [sflag:$0x7], $0x80, s9, s7, $0xb8;
	[tilespmem:$0x1C400] =	vst v63  }
0x176: {  	_ =	swait.ge [sflag:s30], $0x4000  }
0x177: {  	[sflag:s30] =	ssyncset.done $0x0  }
0x178: {  	[sflag:s30] =	ssyncadd.s32 $0xFFFFC000  }
0x179: {  	[bflag:$0x0] =	sbarrier.arrive $0xFFFF  }
0x17a: {  	s19 =	rddreg [dreg:$0xe]  }
0x17b: {  	s0 =	rddreg [dreg:$0x11]  }
0x17c: {  	s3 =	rddreg [dreg:$0x18]  }
0x17d: {  	[hbm:s0], [sflag:s19] =	dma.local @p0 [spmem:s3], $0x1900  }
0x17e: {  	s0 =	simm.s32 @p0 $0x7  }
0x17f: {  	_ =	swait.ge @p0 [sflag:s0], $0x1900  }
0x180: {  	[sflag:s0] =	ssyncset.done @p0 $0x0;
	s3 =	rddreg [dreg:$0x17]  }
0x181: {  	[sflag:s0] =	ssyncadd.s32 @p0 $0xFFFFE700;
	s0 =	rddreg [dreg:$0xf]  }
0x182: {  	[hbm:s0], [sflag:s19] =	dma.local @!p0 [spmem:s3], $0x2800  }
.Ltmp4:
0x183: {  	_ = 	snop;
	(pc) =	sbr.rel .LBB2_8-.Ltmp4, $4  }
0x184: {  	s31 =	simm.s32 $0x1C000;
	s20 =	simm.s32 $0x1C080;
	s0 =	simm.s32 @!p0 $0x7  }
0x185: {  	s29 =	simm.s32 $0x1C380;
	s25 =	simm.s32 $0x1C100;
	_ =	swait.ge @!p0 [sflag:s0], $0x2800  }
0x186: {  	s26 =	simm.s32 $0x1C180;
	s15 =	simm.s32 $0x1C300;
	[sflag:s0] =	ssyncset.done @!p0 $0x0  }
0x187: {  	s12 =	simm.s32 $0x1C280;
	s3 =	rddreg [dreg:$0x16];
	[sflag:s0] =	ssyncadd.s32 @!p0 $0xFFFFD800  }
.LBB2_5:
0x188: {  	s0 =	simm.s32 $0x0  }
0x189: {  	[tilespmem:s31], [sflag:$0x3] =	stream.linear.gather [hbm4b:s10+s0], $0x80, $0x38;
	[tilespmem:$0x1C400] =	vst v63  }
0x18a: {  	_ = 	snop  }
0x18b: {  	[tilespmem:s21], [sflag:$0x3] =	stream.linear.gather [hbm4b:s11+s0], $0x80, $0x38;
	[tilespmem:$0x1C400] =	vst v63  }
0x18c: {  	s3 =	rddreg [dreg:$0x6]  }
0x18d: {  	[tilespmem:s20], [sflag:$0x4] =	stream.linear.gather [hbm4b:s3+s0], $0x80, $0x38;
	[tilespmem:$0x1C400] =	vst v63  }
0x18e: {  	s9 =	rddreg [dreg:$0x7]  }
0x18f: {  	[tilespmem:s12], [sflag:$0x4] =	stream.linear.gather [hbm4b:s9+s0], $0x80, $0x38;
	[tilespmem:$0x1C400] =	vst v63  }
0x190: {  	_ =	swait.ge [sflag:s24], $0x80  }
0x191: {  	[sflag:s24] =	ssyncset.done $0x0  }
0x192: {  	[sflag:s24] =	ssyncadd.s32 $0xFFFFFF80  }
0x193: {  	_ =	swait.ge [sflag:s24], $0x80  }
0x194: {  	[sflag:s24] =	ssyncset.done $0x0  }
0x195: {  	[sflag:s24] =	ssyncadd.s32 $0xFFFFFF80  }
0x196: {  	[tilespmem:s18], [sflag:$0x1] =	stream.indirect.gather [hbm4b:s22+s7], $0x80, s31, s7, $0xb8;
	[tilespmem:$0x1C400] =	vst v63  }
0x197: {  	s19 =	rddreg [dreg:$0x8]  }
0x198: {  	[tilespmem:s25], [sflag:$0x5] =	stream.linear.gather [hbm4b:s19+s0], $0x80, $0x38;
	[tilespmem:$0x1C400] =	vst v63  }
0x199: {  	s20 =	rddreg [dreg:$0xb]  }
0x19a: {  	[tilespmem:s15], [sflag:$0x5] =	stream.linear.gather [hbm4b:s20+s0], $0x80, $0x38;
	[tilespmem:$0x1C400] =	vst v63  }
0x19b: {  	_ =	swait.ge [sflag:s16], $0x80  }
0x19c: {  	[sflag:s16] =	ssyncset.done $0x0  }
0x19d: {  	s1 =	rddreg [dreg:$0x14];
	[sflag:s16] =	ssyncadd.s32 $0xFFFFFF80  }
0x19e: {  	s9 =	sadd.s32 $0xFFFFFFFD, s1;
	_ =	swait.ge [sflag:s16], $0x80  }
0x19f: {  	p2 =	sgt.u32 s9, $0x9C3;
	[sflag:s16] =	ssyncset.done $0x0;
	s20 =	rddreg [dreg:$0x13]  }
0x1a0: {  	s21 =	simm.s32 $0x1C080;
	s0 =	sshrl.u32 @p2 s20, $0x3;
	[sflag:s16] =	ssyncadd.s32 $0xFFFFFF80  }
0x1a1: {  	[tilespmem:s8], [sflag:$0x2] =	stream.indirect.gather [hbm4b:s22+s7], $0x80, s21, s7, $0xb8;
	[tilespmem:$0x1C400] =	vst v63  }
0x1a2: {  	s9 =	simm.s32 @p2 $0x1C180;
	s19 =	simm.s32 @p2 $0x0;
	s3 =	sadd.s32 @p2 s5, s0  }
0x1a3: {  	[tilespmem:s9], [sflag:$0x6] =	stream.linear.gather @p2 [hbm4b:s3+s19], $0x80, $0x38;
	[tilespmem:$0x1C400] =	vst v63  }
0x1a4: {  	s3 =	sadd.s32 @!p2 $0x0, s10  }
0x1a5: {  	s9 =	simm.s32 @!p2 $0x0;
	s19 =	simm.s32 @!p2 $0x1C180;
	s3 =	sadd.s32 @!p2 $0x30, s3  }
0x1a6: {  	[tilespmem:s19], [sflag:$0x6] =	stream.linear.gather @!p2 [hbm4b:s3+s9], $0x80, $0x38;
	[tilespmem:$0x1C400] =	vst v63  }
0x1a7: {  	s3 =	sadd.s32 @!p2 $0x0, s11  }
0x1a8: {  	s0 =	sadd.s32 @p2 s6, s0;
	s3 =	sadd.s32 @!p2 $0x30, s3  }
0x1a9: {  	s3 =	smov.u32 @p2 s0  }
0x1aa: {  	[tilespmem:s29], [sflag:$0x6] =	stream.linear.gather [hbm4b:s3+s4], $0x80, $0x38;
	[tilespmem:$0x1C400] =	vst v63  }
0x1ab: {  	_ =	swait.ge [sflag:s13], $0x4000  }
0x1ac: {  	[sflag:s13] =	ssyncset.done $0x0  }
0x1ad: {  	s28 =	simm.s32 $0x1C200;
	[sflag:s13] =	ssyncadd.s32 $0xFFFFC000  }
0x1ae: {  	[spmem:s2] =	stream.indirect.scatter.add.f32 [tilespmem:s18], [sflag:$0x7], $0x80, s28, s7, $0xb8;
	[tilespmem:$0x1C400] =	vst v63  }
0x1af: {  	_ =	swait.ge [sflag:s30], $0x4000  }
0x1b0: {  	[sflag:s30] =	ssyncset.done $0x0  }
0x1b1: {  	[sflag:s30] =	ssyncadd.s32 $0xFFFFC000  }
0x1b2: {  	_ =	swait.ge [sflag:s14], $0x80  }
0x1b3: {  	[sflag:s14] =	ssyncset.done $0x0  }
0x1b4: {  	s19 =	sadd.s32 $0xFFFFFFFE, s1;
	[sflag:s14] =	ssyncadd.s32 $0xFFFFFF80  }
0x1b5: {  	p2 =	sgt.u32 s19, $0x9C3;
	_ =	swait.ge [sflag:s14], $0x80  }
0x1b6: {  	s0 =	sadd.s32 @p2 $0x80, s20;
	[sflag:s14] =	ssyncset.done $0x0  }
0x1b7: {  	s0 =	sshrl.u32 @p2 s0, $0x3;
	[sflag:s14] =	ssyncadd.s32 $0xFFFFFF80  }
0x1b8: {  	[tilespmem:s18], [sflag:$0x1] =	stream.indirect.gather [hbm4b:s22+s7], $0x80, s25, s7, $0xb8;
	[tilespmem:$0x1C400] =	vst v63  }
0x1b9: {  	s3 =	simm.s32 @p2 $0x0;
	s19 =	simm.s32 @p2 $0x1C000;
	s9 =	sadd.s32 @p2 s5, s0  }
0x1ba: {  	[tilespmem:s19], [sflag:$0x3] =	stream.linear.gather @p2 [hbm4b:s9+s3], $0x80, $0x38;
	[tilespmem:$0x1C400] =	vst v63  }
0x1bb: {  	s3 =	sadd.s32 @!p2 $0x0, s10  }
0x1bc: {  	s9 =	simm.s32 @!p2 $0x0;
	s19 =	simm.s32 @!p2 $0x1C000;
	s3 =	sadd.s32 @!p2 $0x40, s3  }
0x1bd: {  	[tilespmem:s19], [sflag:$0x3] =	stream.linear.gather @!p2 [hbm4b:s3+s9], $0x80, $0x38;
	[tilespmem:$0x1C400] =	vst v63  }
0x1be: {  	s3 =	sadd.s32 @!p2 $0x0, s11  }
0x1bf: {  	s0 =	sadd.s32 @p2 s6, s0;
	s3 =	sadd.s32 @!p2 $0x40, s3  }
0x1c0: {  	s3 =	smov.u32 @p2 s0  }
0x1c1: {  	[tilespmem:s28], [sflag:$0x3] =	stream.linear.gather [hbm4b:s3+s4], $0x80, $0x38;
	[tilespmem:$0x1C400] =	vst v63  }
0x1c2: {  	_ =	swait.ge [sflag:s17], $0x4000  }
0x1c3: {  	[sflag:s17] =	ssyncset.done $0x0  }
0x1c4: {  	[sflag:s17] =	ssyncadd.s32 $0xFFFFC000  }
0x1c5: {  	[spmem:s2] =	stream.indirect.scatter.add.f32 [tilespmem:s8], [sflag:$0x7], $0x80, s12, s7, $0xb8;
	[tilespmem:$0x1C400] =	vst v63  }
0x1c6: {  	_ =	swait.ge [sflag:s30], $0x4000  }
0x1c7: {  	[sflag:s30] =	ssyncset.done $0x0  }
0x1c8: {  	[sflag:s30] =	ssyncadd.s32 $0xFFFFC000  }
0x1c9: {  	_ =	swait.ge [sflag:s23], $0x80  }
0x1ca: {  	[sflag:s23] =	ssyncset.done $0x0  }
0x1cb: {  	s28 =	sadd.s32 $0xFFFFFFFF, s1;
	[sflag:s23] =	ssyncadd.s32 $0xFFFFFF80  }
0x1cc: {  	p2 =	sgt.u32 s28, $0x9C3;
	_ =	swait.ge [sflag:s23], $0x80  }
0x1cd: {  	s0 =	sadd.s32 @p2 $0x100, s20;
	[sflag:s23] =	ssyncset.done $0x0  }
0x1ce: {  	s0 =	sshrl.u32 @p2 s0, $0x3;
	[sflag:s23] =	ssyncadd.s32 $0xFFFFFF80  }
0x1cf: {  	[tilespmem:s8], [sflag:$0x2] =	stream.indirect.gather [hbm4b:s22+s7], $0x80, s26, s7, $0xb8;
	[tilespmem:$0x1C400] =	vst v63  }
0x1d0: {  	s3 =	simm.s32 @p2 $0x0;
	s19 =	simm.s32 @p2 $0x1C080;
	s9 =	sadd.s32 @p2 s5, s0  }
0x1d1: {  	[tilespmem:s19], [sflag:$0x4] =	stream.linear.gather @p2 [hbm4b:s9+s3], $0x80, $0x38;
	[tilespmem:$0x1C400] =	vst v63  }
0x1d2: {  	s3 =	sadd.s32 @!p2 $0x0, s10  }
0x1d3: {  	s9 =	simm.s32 @!p2 $0x0;
	s19 =	simm.s32 @!p2 $0x1C080;
	s3 =	sadd.s32 @!p2 $0x50, s3  }
0x1d4: {  	[tilespmem:s19], [sflag:$0x4] =	stream.linear.gather @!p2 [hbm4b:s3+s9], $0x80, $0x38;
	[tilespmem:$0x1C400] =	vst v63  }
0x1d5: {  	s3 =	sadd.s32 @!p2 $0x0, s11  }
0x1d6: {  	s0 =	sadd.s32 @p2 s6, s0;
	s3 =	sadd.s32 @!p2 $0x50, s3  }
0x1d7: {  	s3 =	smov.u32 @p2 s0  }
0x1d8: {  	[tilespmem:s12], [sflag:$0x4] =	stream.linear.gather [hbm4b:s3+s4], $0x80, $0x38;
	[tilespmem:$0x1C400] =	vst v63  }
0x1d9: {  	_ =	swait.ge [sflag:s13], $0x4000  }
0x1da: {  	[sflag:s13] =	ssyncset.done $0x0  }
0x1db: {  	[sflag:s13] =	ssyncadd.s32 $0xFFFFC000  }
0x1dc: {  	[spmem:s2] =	stream.indirect.scatter.add.f32 [tilespmem:s18], [sflag:$0x7], $0x80, s15, s7, $0xb8;
	[tilespmem:$0x1C400] =	vst v63  }
0x1dd: {  	_ =	swait.ge [sflag:s30], $0x4000  }
0x1de: {  	[sflag:s30] =	ssyncset.done $0x0  }
0x1df: {  	[sflag:s30] =	ssyncadd.s32 $0xFFFFC000  }
0x1e0: {  	_ =	swait.ge [sflag:s24], $0x80  }
0x1e1: {  	[sflag:s24] =	ssyncset.done $0x0  }
0x1e2: {  	[sflag:s24] =	ssyncadd.s32 $0xFFFFFF80  }
0x1e3: {  	p2 =	sgt.u32 s1, $0x9C3;
	_ =	swait.ge [sflag:s24], $0x80  }
0x1e4: {  	s0 =	sadd.s32 @p2 $0x180, s20;
	[sflag:s24] =	ssyncset.done $0x0  }
0x1e5: {  	s0 =	sshrl.u32 @p2 s0, $0x3;
	[sflag:s24] =	ssyncadd.s32 $0xFFFFFF80  }
0x1e6: {  	[tilespmem:s18], [sflag:$0x1] =	stream.indirect.gather [hbm4b:s22+s7], $0x80, s31, s7, $0xb8;
	[tilespmem:$0x1C400] =	vst v63  }
0x1e7: {  	s3 =	simm.s32 @p2 $0x0;
	s19 =	simm.s32 @p2 $0x1C100;
	s9 =	sadd.s32 @p2 s5, s0  }
0x1e8: {  	[tilespmem:s19], [sflag:$0x5] =	stream.linear.gather @p2 [hbm4b:s9+s3], $0x80, $0x38;
	[tilespmem:$0x1C400] =	vst v63  }
0x1e9: {  	s3 =	sadd.s32 @!p2 $0x0, s10  }
0x1ea: {  	s9 =	simm.s32 @!p2 $0x0;
	s19 =	simm.s32 @!p2 $0x1C100;
	s3 =	sadd.s32 @!p2 $0x60, s3  }
0x1eb: {  	[tilespmem:s19], [sflag:$0x5] =	stream.linear.gather @!p2 [hbm4b:s3+s9], $0x80, $0x38;
	[tilespmem:$0x1C400] =	vst v63  }
0x1ec: {  	s3 =	sadd.s32 @!p2 $0x0, s11  }
0x1ed: {  	s26 =	sadd.s32 $0x4, s1;
	s0 =	sadd.s32 @p2 s6, s0;
	s29 =	sadd.s32 @!p2 $0x60, s3  }
0x1ee: {  	s20 =	sadd.s32 $0x200, s20;
	s9 =	simm.s32 $0x40;
	s29 =	smov.u32 @p2 s0  }
.LBB2_6:
0x1ef: {  	s12 =	simm.s32 $0x1C300  }
0x1f0: {  	[tilespmem:s12], [sflag:$0x5] =	stream.linear.gather [hbm4b:s29+s4], $0x80, $0x38;
	[tilespmem:$0x1C400] =	vst v63  }
0x1f1: {  	s28 =	smov.u32 s9;
	s9 =	sadd.s32 $0x40, s9;
	_ =	swait.ge [sflag:s17], $0x4000  }
0x1f2: {  	p2 =	sne.s32 s9, $0x9C0;
	[sflag:s17] =	ssyncset.done $0x0  }
0x1f3: {  	s15 =	simm.s32 $0x1C380;
	[sflag:s17] =	ssyncadd.s32 $0xFFFFC000  }
0x1f4: {  	[spmem:s2] =	stream.indirect.scatter.add.f32 [tilespmem:s8], [sflag:$0x7], $0x80, s15, s7, $0xb8;
	[tilespmem:$0x1C400] =	vst v63  }
0x1f5: {  	_ =	swait.ge [sflag:s30], $0x4000  }
0x1f6: {  	s0 =	sadd.s32 $0xFFFFFFFD, s26;
	[sflag:s30] =	ssyncset.done $0x0  }
0x1f7: {  	p3 =	sgt.u32 s0, $0x9C3;
	[sflag:s30] =	ssyncadd.s32 $0xFFFFC000  }
0x1f8: {  	s0 =	sshrl.u32 @p3 s20, $0x3;
	s3 =	simm.s32 @!p3 $0x0;
	_ =	swait.ge [sflag:s16], $0x80  }
0x1f9: {  	s21 =	simm.s32 @p3 $0x1C180;
	s19 =	sadd.s32 @p3 s5, s0;
	[sflag:s16] =	ssyncset.done $0x0  }
0x1fa: {  	s25 =	sadd.s32 @!p3 s28, s10;
	s29 =	sadd.s32 @!p3 s28, s11;
	[sflag:s16] =	ssyncadd.s32 $0xFFFFFF80  }
0x1fb: {  	s0 =	sadd.s32 @p3 s6, s0;
	s25 =	sadd.s32 @!p3 $0x30, s25;
	_ =	swait.ge [sflag:s16], $0x80  }
0x1fc: {  	s29 =	sadd.s32 @!p3 $0x30, s29;
	[sflag:s16] =	ssyncset.done $0x0  }
0x1fd: {  	s29 =	smov.u32 @p3 s0;
	s0 =	simm.s32 $0x1C080;
	[sflag:s16] =	ssyncadd.s32 $0xFFFFFF80  }
0x1fe: {  	[tilespmem:s8], [sflag:$0x2] =	stream.indirect.gather [hbm4b:s22+s7], $0x80, s0, s7, $0xb8;
	[tilespmem:$0x1C400] =	vst v63  }
0x1ff: {  	s0 =	simm.s32 @p3 $0x0  }
0x200: {  	[tilespmem:s21], [sflag:$0x6] =	stream.linear.gather @p3 [hbm4b:s19+s0], $0x80, $0x38;
	[tilespmem:$0x1C400] =	vst v63  }
0x201: {  	s0 =	simm.s32 @!p3 $0x1C180  }
0x202: {  	[tilespmem:s0], [sflag:$0x6] =	stream.linear.gather @!p3 [hbm4b:s25+s3], $0x80, $0x38;
	[tilespmem:$0x1C400] =	vst v63  }
0x203: {  	_ = 	snop  }
0x204: {  	[tilespmem:s15], [sflag:$0x6] =	stream.linear.gather [hbm4b:s29+s4], $0x80, $0x38;
	[tilespmem:$0x1C400] =	vst v63  }
0x205: {  	_ =	swait.ge [sflag:s13], $0x4000  }
0x206: {  	[sflag:s13] =	ssyncset.done $0x0  }
0x207: {  	s29 =	simm.s32 $0x1C200;
	[sflag:s13] =	ssyncadd.s32 $0xFFFFC000  }
0x208: {  	[spmem:s2] =	stream.indirect.scatter.add.f32 [tilespmem:s18], [sflag:$0x7], $0x80, s29, s7, $0xb8;
	[tilespmem:$0x1C400] =	vst v63  }
0x209: {  	_ =	swait.ge [sflag:s30], $0x4000  }
0x20a: {  	s0 =	sadd.s32 $0xFFFFFFFE, s26;
	[sflag:s30] =	ssyncset.done $0x0  }
0x20b: {  	p3 =	sgt.u32 s0, $0x9C3;
	[sflag:s30] =	ssyncadd.s32 $0xFFFFC000  }
0x20c: {  	s0 =	sadd.s32 @p3 $0x80, s20;
	_ =	swait.ge [sflag:s14], $0x80  }
0x20d: {  	s3 =	simm.s32 @p3 $0x0;
	s19 =	sadd.s32 @!p3 s28, s11;
	[sflag:s14] =	ssyncset.done $0x0  }
0x20e: {  	s25 =	sadd.s32 @!p3 s28, s10;
	s0 =	sshrl.u32 @p3 s0, $0x3;
	[sflag:s14] =	ssyncadd.s32 $0xFFFFFF80  }
0x20f: {  	s19 =	sadd.s32 @!p3 $0x40, s19;
	s21 =	sadd.s32 @p3 s5, s0;
	_ =	swait.ge [sflag:s14], $0x80  }
0x210: {  	s25 =	sadd.s32 @!p3 $0x40, s25;
	s0 =	sadd.s32 @p3 s6, s0;
	[sflag:s14] =	ssyncset.done $0x0  }
0x211: {  	s19 =	smov.u32 @p3 s0;
	s0 =	simm.s32 $0x1C100;
	[sflag:s14] =	ssyncadd.s32 $0xFFFFFF80  }
0x212: {  	[tilespmem:s18], [sflag:$0x1] =	stream.indirect.gather [hbm4b:s22+s7], $0x80, s0, s7, $0xb8;
	[tilespmem:$0x1C400] =	vst v63  }
0x213: {  	s0 =	simm.s32 @p3 $0x1C000  }
0x214: {  	[tilespmem:s0], [sflag:$0x3] =	stream.linear.gather @p3 [hbm4b:s21+s3], $0x80, $0x38;
	[tilespmem:$0x1C400] =	vst v63  }
0x215: {  	s0 =	simm.s32 @!p3 $0x0;
	s3 =	simm.s32 @!p3 $0x1C000  }
0x216: {  	[tilespmem:s3], [sflag:$0x3] =	stream.linear.gather @!p3 [hbm4b:s25+s0], $0x80, $0x38;
	[tilespmem:$0x1C400] =	vst v63  }
0x217: {  	s15 =	simm.s32 $0x1C200  }
0x218: {  	[tilespmem:s29], [sflag:$0x3] =	stream.linear.gather [hbm4b:s19+s4], $0x80, $0x38;
	[tilespmem:$0x1C400] =	vst v63  }
0x219: {  	_ =	swait.ge [sflag:s17], $0x4000  }
0x21a: {  	[sflag:s17] =	ssyncset.done $0x0  }
0x21b: {  	s18 =	simm.s32 $0x0;
	s4 =	simm.s32 $0x1C280;
	[sflag:s17] =	ssyncadd.s32 $0xFFFFC000  }
0x21c: {  	[spmem:s2] =	stream.indirect.scatter.add.f32 [tilespmem:s8], [sflag:$0x7], $0x80, s4, s7, $0xb8;
	[tilespmem:$0x1C400] =	vst v63  }
0x21d: {  	_ =	swait.ge [sflag:s30], $0x4000  }
0x21e: {  	[sflag:s30] =	ssyncset.done $0x0  }
0x21f: {  	s0 =	sadd.s32 $0xFFFFFFFF, s26;
	[sflag:s30] =	ssyncadd.s32 $0xFFFFC000  }
0x220: {  	p3 =	sgt.u32 s0, $0x9C3;
	_ =	swait.ge [sflag:s23], $0x80  }
0x221: {  	s0 =	sadd.s32 @p3 $0x100, s20;
	[sflag:s23] =	ssyncset.done $0x0  }
0x222: {  	s3 =	simm.s32 @p3 $0x0;
	s19 =	sadd.s32 @!p3 s28, s11;
	[sflag:s23] =	ssyncadd.s32 $0xFFFFFF80  }
0x223: {  	s25 =	sadd.s32 @!p3 s28, s10;
	s0 =	sshrl.u32 @p3 s0, $0x3;
	_ =	swait.ge [sflag:s23], $0x80  }
0x224: {  	s19 =	sadd.s32 @!p3 $0x50, s19;
	s21 =	sadd.s32 @p3 s5, s0;
	[sflag:s23] =	ssyncset.done $0x0  }
0x225: {  	s29 =	simm.s32 $0x1C180;
	s0 =	sadd.s32 @p3 s6, s0;
	[sflag:s23] =	ssyncadd.s32 $0xFFFFFF80  }
0x226: {  	[tilespmem:s8], [sflag:$0x2] =	stream.indirect.gather [hbm4b:s22+s7], $0x80, s29, s7, $0xb8;
	[tilespmem:$0x1C400] =	vst v63  }
0x227: {  	s25 =	sadd.s32 @!p3 $0x50, s25;
	s19 =	smov.u32 @p3 s0;
	s29 =	simm.s32 @p3 $0x1C080  }
0x228: {  	[tilespmem:s29], [sflag:$0x4] =	stream.linear.gather @p3 [hbm4b:s21+s3], $0x80, $0x38;
	[tilespmem:$0x1C400] =	vst v63  }
0x229: {  	s0 =	simm.s32 @!p3 $0x0;
	s3 =	simm.s32 @!p3 $0x1C080  }
0x22a: {  	[tilespmem:s3], [sflag:$0x4] =	stream.linear.gather @!p3 [hbm4b:s25+s0], $0x80, $0x38;
	[tilespmem:$0x1C400] =	vst v63  }
0x22b: {  	_ = 	snop  }
0x22c: {  	[tilespmem:s4], [sflag:$0x4] =	stream.linear.gather [hbm4b:s19+s18], $0x80, $0x38;
	[tilespmem:$0x1C400] =	vst v63  }
0x22d: {  	s1 =	simm.s32 $0x1C280;
	s18 =	simm.s32 $0x14000;
	s4 =	simm.s32 $0x0  }
0x22e: {  	_ =	swait.ge [sflag:s13], $0x4000  }
0x22f: {  	[sflag:s13] =	ssyncset.done $0x0  }
0x230: {  	[sflag:s13] =	ssyncadd.s32 $0xFFFFC000  }
0x231: {  	[spmem:s2] =	stream.indirect.scatter.add.f32 [tilespmem:s18], [sflag:$0x7], $0x80, s12, s7, $0xb8;
	[tilespmem:$0x1C400] =	vst v63  }
0x232: {  	_ =	swait.ge [sflag:s30], $0x4000  }
0x233: {  	[sflag:s30] =	ssyncset.done $0x0  }
0x234: {  	[sflag:s30] =	ssyncadd.s32 $0xFFFFC000  }
0x235: {  	_ =	swait.ge [sflag:s24], $0x80  }
0x236: {  	[sflag:s24] =	ssyncset.done $0x0  }
0x237: {  	[sflag:s24] =	ssyncadd.s32 $0xFFFFFF80  }
0x238: {  	p3 =	sgt.u32 s26, $0x9C3;
	_ =	swait.ge [sflag:s24], $0x80  }
0x239: {  	s0 =	sadd.s32 @p3 $0x180, s20;
	s3 =	simm.s32 @p3 $0x0;
	[sflag:s24] =	ssyncset.done $0x0  }
0x23a: {  	s0 =	sshrl.u32 @p3 s0, $0x3;
	s19 =	sadd.s32 @!p3 s28, s11;
	[sflag:s24] =	ssyncadd.s32 $0xFFFFFF80  }
0x23b: {  	s25 =	simm.s32 @p3 $0x1C100;
	s21 =	sadd.s32 @p3 s5, s0;
	s29 =	sadd.s32 @!p3 $0x60, s19  }
0x23c: {  	[tilespmem:s18], [sflag:$0x1] =	stream.indirect.gather [hbm4b:s22+s7], $0x80, s31, s7, $0xb8;
	[tilespmem:$0x1C400] =	vst v63  }
0x23d: {  	s19 =	sadd.s32 @!p3 s28, s10;
	s28 =	simm.s32 @!p3 $0x0;
	s31 =	simm.s32 @!p3 $0x1C100  }
0x23e: {  	[tilespmem:s25], [sflag:$0x5] =	stream.linear.gather @p3 [hbm4b:s21+s3], $0x80, $0x38;
	[tilespmem:$0x1C400] =	vst v63  }
.Ltmp5:
0x23f: {  	_ = 	snop;
	(pc) =	sbr.rel @p2 .LBB2_6-.Ltmp5, $4  }
0x240: {  	s0 =	sadd.s32 @p3 s6, s0;
	s3 =	sadd.s32 @!p3 $0x60, s19  }
0x241: {  	[tilespmem:s31], [sflag:$0x5] =	stream.linear.gather @!p3 [hbm4b:s3+s28], $0x80, $0x38;
	[tilespmem:$0x1C400] =	vst v63  }
0x242: {  	s31 =	simm.s32 $0x1C000  }
0x243: {  	s26 =	sadd.s32 $0x4, s26;
	s20 =	sadd.s32 $0x200, s20;
	s29 =	smov.u32 @p3 s0  }
.Ltmp6:
0x244: {  	_ = 	snop;
	(pc) =	sbr.rel .LBB2_7-.Ltmp6, $1  }
0x245: {  	_ =	sdelay $0x3  }
.LBB2_9:
0x246: {  	_ =	sfence.sel $0x180000  }
0x247: {  	[bflag:$0x0] =	sbarrier.arrive $0xFFFF  }
0x248: {  	_ =	strace $0x9000004D  }
0x249: {  	s0 =	stileid.u32;
	[bflag:$0x2] =	sbarrier.arrive $0xFFFF  }
0x24a: {  	p0 =	sne.s32 s0, $0x0;
	s0 =	rddreg [dreg:$0x2]  }
0x24b: {  	s0 =	sadd.s32 @!p0 $0x100000, s0  }
0x24c: {  	[sflag:s0] =	ssyncadd.tile.s32 @!p0 $0x1;
	_ =	shalt  }
.Lfunc_end2:
_tile_overlayer_lowered:
.L_overlay_start_2:
0x24d: {  	(tag) =	ssettag $0x2  }
0x24e: {  	s0 =	rddreg [dreg:$0x0];
	s2 =	stileid.u32  }
0x24f: {  	s1 =	rddreg [dreg:$0x1];
	p0 =	sne.s32 s2, $0x0  }
0x250: {  	s3 =	rddreg [dreg:$0x2];
	[bflag:$0x3] =	sbarrier.arrive $0xFFFF;
	s2 =	simm.s32 @!p0 $0x1C07  }
0x251: {  	[timem:s3], [sflag:s2] =	dma.local @!p0 [hbm:s0], s1  }
0x252: {  	s0 =	simm.s32 @!p0 $0x7  }
0x253: {  	_ =	swait.ge @!p0 [sflag:s0], s1  }
0x254: {  	s1 =	ssub.s32 @!p0 $0x0, s1;
	[sflag:s0] =	ssyncset.done @!p0 $0x0  }
0x255: {  	[sflag:s0] =	ssyncadd.s32 @!p0 s1  }
0x256: {  	[bflag:$0x3] =	sbarrier.arrive $0xFFFF  }
0x257: {  	_ =	shalt  }

</sc_bundles>
